<compile_context>
chip_gen: v7x
topology: tpu7x:2x2x1
jax: 0.10.2.dev20260603
libtpu: 0.0.44.dev20260713+nightly
codegen_flags: <defaults>
</compile_context>

<pallas_src>
import functools

import jax
import jax.numpy as jnp
from jax import lax
from jax.experimental import pallas as pl
from jax.experimental.pallas import tpu as pltpu
from jax.experimental.pallas import tpu_sc as plsc

_NC = 2
_NS = 16
_NW = _NC * _NS



def _sc_gather(nodes, senders):
    n, d = nodes.shape
    e = senders.shape[0]
    ew = e // _NW
    gk = 200
    nch = ew // gk
    mesh = plsc.VectorSubcoreMesh(core_axis_name="c", subcore_axis_name="s")

    @functools.partial(
        pl.kernel,
        out_type=jax.ShapeDtypeStruct((e, d), jnp.int32),
        mesh=mesh,
        scratch_types=[
            pltpu.VMEM((gk,), jnp.int32),
            pltpu.VMEM((gk,), jnp.int32),
            pltpu.VMEM((gk, d), jnp.int32),
            pltpu.VMEM((gk, d), jnp.int32),
            pltpu.SemaphoreType.DMA,
            pltpu.SemaphoreType.DMA,
            pltpu.SemaphoreType.DMA,
            pltpu.SemaphoreType.DMA,
            pltpu.SemaphoreType.DMA,
            pltpu.SemaphoreType.DMA,
        ],
    )
    def k(nodes_hbm, senders_hbm, out_hbm, idx0_v, idx1_v, rows0_v, rows1_v,
          si0, si1, sg0, sg1, sw0, sw1):
        wid = lax.axis_index("s") * _NC + lax.axis_index("c")
        idx = (idx0_v, idx1_v)
        rows = (rows0_v, rows1_v)
        si = (si0, si1)
        sg = (sg0, sg1)
        sw = (sw0, sw1)

        def base(j):
            return pl.multiple_of(wid * ew + j * gk, 8)

        def load(j):
            b = j % 2
            return pltpu.async_copy(senders_hbm.at[pl.ds(base(j), gk)],
                                    idx[b], si[b])

        def gath(j):
            b = j % 2
            return pltpu.async_copy(nodes_hbm.at[idx[b]],
                                    rows[b], sg[b])

        def wout(j):
            b = j % 2
            return pltpu.async_copy(rows[b],
                                    out_hbm.at[pl.ds(base(j), gk)], sw[b])

        dl = [None] * nch
        dg = [None] * nch
        dw = [None] * nch
        dl[0] = load(0)
        if nch > 1:
            dl[1] = load(1)
        dl[0].wait()
        dg[0] = gath(0)
        for j in range(nch):
            dg[j].wait()
            if j + 1 < nch:
                dl[j + 1].wait()
                if j >= 1:
                    dw[j - 1].wait()
                dg[j + 1] = gath(j + 1)
            dw[j] = wout(j)
            if j + 2 < nch:
                dl[j + 2] = load(j + 2)
        if nch > 1:
            dw[nch - 2].wait()
        dw[nch - 1].wait()

    return k(nodes, senders)



def _sc_scatter(messages, receivers, n):
    e, h = messages.shape
    ew = e // _NW
    sk = 192
    nch = ew // sk
    rem = ew - nch * sk
    cw = 128
    np_ = h // cw
    rps = 632
    rlast = n - (_NS - 1) * rps

    z128 = jnp.zeros((rps, cw), jnp.float32)
    e1 = jnp.zeros((sk, cw), jnp.float32).at[:, 0].set(1.0)

    mesh = plsc.VectorSubcoreMesh(core_axis_name="c", subcore_axis_name="s")

    @functools.partial(
        pl.kernel,
        out_type=(
            jax.ShapeDtypeStruct((_NC, n, h), jnp.float32),
            jax.ShapeDtypeStruct((_NC, n, cw), jnp.float32),
        ),
        mesh=mesh,
        scratch_types=[
            pltpu.VMEM((sk, cw), jnp.float32),
            pltpu.VMEM((sk, cw), jnp.float32),
            pltpu.VMEM((rem, cw), jnp.float32),
            pltpu.VMEM((sk,), jnp.int32),
            pltpu.VMEM((sk,), jnp.int32),
            pltpu.VMEM((rem,), jnp.int32),
            pltpu.VMEM_SHARED((n, cw), jnp.float32),
            pltpu.SemaphoreType.DMA,
            pltpu.SemaphoreType.DMA,
            pltpu.SemaphoreType.DMA,
            pltpu.SemaphoreType.DMA,
            pltpu.SemaphoreType.DMA,
        ],
    )
    def k(msgs_hbm, recv_hbm, z128_hbm, e1_hbm, agg_out, cnt_out,
          msg0_v, msg1_v, msge_v, idx0_v, idx1_v, idxe_v, agg_s,
          si0, si1, sm0, sm1, se):
        c = lax.axis_index("c")
        s = lax.axis_index("s")
        wid = s * _NC + c
        row0 = pl.multiple_of(s * rps, 8)
        is_last = s == _NS - 1
        wbase = wid * ew
        msgb = (msg0_v, msg1_v)
        idxb = (idx0_v, idx1_v)
        sib = (si0, si1)
        smb = (sm0, sm1)

        def fire(j, b, p):
            e0 = pl.multiple_of(wbase + j * sk, 8)
            pltpu.async_copy(recv_hbm.at[pl.ds(e0, sk)], idxb[b], sib[b])
            if p < np_:
                pltpu.async_copy(
                    msgs_hbm.at[pl.ds(e0, sk), pl.ds(p * cw, cw)],
                    msgb[b], smb[b])

        def waitld(j, b, p):
            e0 = pl.multiple_of(wbase + j * sk, 8)
            pltpu.make_async_copy(recv_hbm.at[pl.ds(e0, sk)],
                                  idxb[b], sib[b]).wait()
            if p < np_:
                pltpu.make_async_copy(
                    msgs_hbm.at[pl.ds(e0, sk), pl.ds(p * cw, cw)],
                    msgb[b], smb[b]).wait()

        for p in range(np_ + 1):
            @pl.when(jnp.logical_not(is_last))
            def _():
                pltpu.sync_copy(z128_hbm, agg_s.at[pl.ds(row0, rps)])

            @pl.when(is_last)
            def _():
                pltpu.sync_copy(z128_hbm.at[pl.ds(0, rlast)],
                                agg_s.at[pl.ds(row0, rlast)])

            plsc.subcore_barrier()

            if p == np_:
                pltpu.sync_copy(e1_hbm, msg0_v)
                pltpu.sync_copy(e1_hbm.at[pl.ds(0, rem)], msge_v)

            fire(0, 0, p)

            def super(i, carry):
                j0 = 2 * i
                fire(j0 + 1, 1, p)
                waitld(j0, 0, p)
                pltpu.sync_copy(msg0_v, agg_s.at[idx0_v], add=True)

                @pl.when(i < nch // 2 - 1)
                def _():
                    fire(j0 + 2, 0, p)

                waitld(j0 + 1, 1, p)
                pltpu.sync_copy(msg1_v if p < np_ else msg0_v,
                                agg_s.at[idx1_v], add=True)
                return carry

            lax.fori_loop(0, nch // 2, super, 0)

            if rem:
                e0r = pl.multiple_of(wbase + nch * sk, 8)
                pltpu.async_copy(recv_hbm.at[pl.ds(e0r, rem)], idxe_v,
                                 se).wait()
                if p < np_:
                    pltpu.async_copy(
                        msgs_hbm.at[pl.ds(e0r, rem), pl.ds(p * cw, cw)],
                        msge_v, se).wait()
                pltpu.sync_copy(msge_v, agg_s.at[idxe_v], add=True)
            plsc.subcore_barrier()

            @pl.when(jnp.logical_not(is_last))
            def _():
                if p < np_:
                    pltpu.sync_copy(
                        agg_s.at[pl.ds(row0, rps)],
                        agg_out.at[c, pl.ds(row0, rps), pl.ds(p * cw, cw)])
                else:
                    pltpu.sync_copy(agg_s.at[pl.ds(row0, rps)],
                                    cnt_out.at[c, pl.ds(row0, rps)])

            @pl.when(is_last)
            def _():
                if p < np_:
                    pltpu.sync_copy(
                        agg_s.at[pl.ds(row0, rlast)],
                        agg_out.at[c, pl.ds(row0, rlast), pl.ds(p * cw, cw)])
                else:
                    pltpu.sync_copy(agg_s.at[pl.ds(row0, rlast)],
                                    cnt_out.at[c, pl.ds(row0, rlast)])

            plsc.subcore_barrier()

    return k(messages, receivers, z128, e1)



def _tc_pack_nodes(nodes):
    n, d = nodes.shape
    dp = d // 2
    bn = 2000

    def body(x_ref, out_ref):
        rnd = jnp.int32(0x8000)
        left = lax.bitcast_convert_type(x_ref[:, :dp], jnp.int32)
        right = lax.bitcast_convert_type(x_ref[:, dp:], jnp.int32)
        lo = lax.shift_right_logical(left + rnd, 16)
        hi = lax.bitwise_and(right + rnd, jnp.int32(-65536))
        out_ref[...] = lax.bitwise_or(lo, hi)

    return pl.pallas_call(
        body,
        grid=(n // bn,),
        in_specs=[pl.BlockSpec((bn, d), lambda i: (i, 0))],
        out_specs=pl.BlockSpec((bn, dp), lambda i: (i, 0)),
        out_shape=jax.ShapeDtypeStruct((n, dp), jnp.int32),
    )(nodes)



def _layer_norm_in_kernel(h, g, b):
    mu = jnp.mean(h, axis=-1, keepdims=True)
    var = jnp.mean((h - mu) * (h - mu), axis=-1, keepdims=True)
    return (h - mu) * lax.rsqrt(var + 1e-6) * g + b


def _tc_edge_mlp(sfp, edges, w1lo, w1hi, w1b, b1, g1, be1, w2, b2):
    e, dp = sfp.shape
    de = edges.shape[1]
    hdim = w2.shape[1]
    be_blk = 2560
    grid = (e // be_blk,)

    def body(sf_ref, ed_ref, w1lo_ref, w1hi_ref, w1b_ref, b1_ref, g1_ref,
             be1_ref, w2_ref, b2_ref, out_ref):
        spk = sf_ref[...]
        lo = lax.bitcast_convert_type(lax.shift_left(spk, 16), jnp.float32)
        hi = lax.bitcast_convert_type(
            lax.bitwise_and(spk, jnp.int32(-65536)), jnp.float32)
        sf = jnp.concatenate([lo, hi], axis=1)
        w1 = jnp.concatenate([w1lo_ref[...], w1hi_ref[...]], axis=0)
        h = jnp.dot(sf, w1, preferred_element_type=jnp.float32)
        h = h + jnp.dot(ed_ref[...], w1b_ref[...],
                        preferred_element_type=jnp.float32)
        h = h + b1_ref[...]
        h = _layer_norm_in_kernel(h, g1_ref[...], be1_ref[...])
        h = jnp.maximum(h, 0.0)
        out_ref[...] = jnp.dot(h, w2_ref[...],
                               preferred_element_type=jnp.float32) + b2_ref[...]

    hsz = w1lo.shape[1]
    return pl.pallas_call(
        body,
        grid=grid,
        in_specs=[
            pl.BlockSpec((be_blk, dp), lambda i: (i, 0)),
            pl.BlockSpec((be_blk, de), lambda i: (i, 0)),
            pl.BlockSpec((dp, hsz), lambda i: (0, 0)),
            pl.BlockSpec((dp, hsz), lambda i: (0, 0)),
            pl.BlockSpec((de, hsz), lambda i: (0, 0)),
            pl.BlockSpec((1, hsz), lambda i: (0, 0)),
            pl.BlockSpec((1, hsz), lambda i: (0, 0)),
            pl.BlockSpec((1, hsz), lambda i: (0, 0)),
            pl.BlockSpec((hsz, hdim), lambda i: (0, 0)),
            pl.BlockSpec((1, hdim), lambda i: (0, 0)),
        ],
        out_specs=pl.BlockSpec((be_blk, hdim), lambda i: (i, 0)),
        out_shape=jax.ShapeDtypeStruct((e, hdim), jnp.float32),
    )(sfp, edges, w1lo, w1hi, w1b, b1, g1, be1, w2, b2)



def _tc_node_mlp(nodes, agg_part, cnt_part, w1t, w1b, b1, g1, be1, w2, b2):
    n, d = nodes.shape
    hdim = agg_part.shape[2]
    cwid = cnt_part.shape[2]
    do = w2.shape[1]
    bn = 1000
    grid = (n // bn,)

    def body(nd_ref, a_ref, c_ref, w1t_ref, w1b_ref,
             b1_ref, g1_ref, be1_ref, w2_ref, b2_ref, out_ref):
        cnt = c_ref[0, :, 0:1] + c_ref[1, :, 0:1]
        cnt = jnp.maximum(cnt, 1.0)
        agg = (a_ref[0] + a_ref[1]) / cnt
        h = jnp.dot(nd_ref[...], w1t_ref[...],
                    preferred_element_type=jnp.float32)
        h = h + jnp.dot(agg, w1b_ref[...],
                        preferred_element_type=jnp.float32)
        h = h + b1_ref[...]
        h = _layer_norm_in_kernel(h, g1_ref[...], be1_ref[...])
        h = jnp.maximum(h, 0.0)
        out = jnp.dot(h, w2_ref[...],
                      preferred_element_type=jnp.float32) + b2_ref[...]
        out_ref[...] = out + nd_ref[...]

    hsz = w1t.shape[1]
    return pl.pallas_call(
        body,
        grid=grid,
        in_specs=[
            pl.BlockSpec((bn, d), lambda i: (i, 0)),
            pl.BlockSpec((2, bn, hdim), lambda i: (0, i, 0)),
            pl.BlockSpec((2, bn, cwid), lambda i: (0, i, 0)),
            pl.BlockSpec((d, hsz), lambda i: (0, 0)),
            pl.BlockSpec((hdim, hsz), lambda i: (0, 0)),
            pl.BlockSpec((1, hsz), lambda i: (0, 0)),
            pl.BlockSpec((1, hsz), lambda i: (0, 0)),
            pl.BlockSpec((1, hsz), lambda i: (0, 0)),
            pl.BlockSpec((hsz, do), lambda i: (0, 0)),
            pl.BlockSpec((1, do), lambda i: (0, 0)),
        ],
        out_specs=pl.BlockSpec((bn, do), lambda i: (i, 0)),
        out_shape=jax.ShapeDtypeStruct((n, do), jnp.float32),
    )(nodes, agg_part, cnt_part, w1t, w1b, b1, g1, be1, w2, b2)



def kernel(nodes, edges, senders, receivers, W1e, b1e, g1e, be1e, W2e, b2e,
           W1n, b1n, g1n, be1n, W2n, b2n):
    n, df = nodes.shape
    e, de = edges.shape
    senders = senders.astype(jnp.int32)
    receivers = receivers.astype(jnp.int32)

    nodes_packed = _tc_pack_nodes(nodes)
    sf_packed = _sc_gather(nodes_packed, senders)
    half = df // 2
    messages = _tc_edge_mlp(
        sf_packed, edges,
        W1e[:half], W1e[half:df], W1e[df:],
        b1e[None, :], g1e[None, :], be1e[None, :],
        W2e, b2e[None, :])
    agg_part, cnt_part = _sc_scatter(messages, receivers, n)
    new_nodes = _tc_node_mlp(
        nodes, agg_part, cnt_part,
        W1n[:df], W1n[df:],
        b1n[None, :], g1n[None, :], be1n[None, :],
        W2n, b2n[None, :])
    return new_nodes

# --- scband reference (transcript-rebuilt; emitter-appended) ---
"""Pipeline reference for scband-message-passing-layer-40149354283099 (READ-ONLY COPY).

The authoritative reference and input builder live on the scoring server;
editing this copy changes nothing except your own understanding.
"""

import jax, jax.numpy as jnp
import numpy as np

N = 10000
E = 160000
DF = 256
DE = 16
H = 512
DO = 256


def layer_norm(x, scale, bias, eps=1e-6):
    mu = jnp.mean(x, axis=-1, keepdims=True)
    var = jnp.var(x, axis=-1, keepdims=True)
    return (x - mu) / jnp.sqrt(var + eps) * scale + bias


def setup_inputs(seed: int = 0) -> dict:
    key = jax.random.key(seed)
    ks = jax.random.split(key, 16)
    nodes = jax.random.normal(ks[0], (N, DF), dtype=jnp.float32)
    edges = jax.random.normal(ks[1], (E, DE), dtype=jnp.float32)
    senders = jax.random.randint(ks[2], (E,), 0, N, dtype=jnp.int64) if jax.config.jax_enable_x64 else jax.random.randint(ks[2], (E,), 0, N).astype(jnp.int32)
    receivers = jax.random.randint(ks[3], (E,), 0, N, dtype=jnp.int64) if jax.config.jax_enable_x64 else jax.random.randint(ks[3], (E,), 0, N).astype(jnp.int32)
    def dense_init(k, fan_in, fan_out):
        lim = jnp.sqrt(6.0 / (fan_in + fan_out))
        return jax.random.uniform(k, (fan_in, fan_out), minval=-lim, maxval=lim, dtype=jnp.float32)
    # Edge MLP: Dense(H) -> LN -> relu -> Dense(H); input dim DF+DE
    W1e = dense_init(ks[4], DF + DE, H)
    b1e = jnp.zeros((H,), jnp.float32)
    g1e = jnp.ones((H,), jnp.float32)
    be1e = jnp.zeros((H,), jnp.float32)
    W2e = dense_init(ks[5], H, H)
    b2e = jnp.zeros((H,), jnp.float32)
    # Node MLP: Dense(H) -> LN -> relu -> Dense(DO); input dim DF+H
    W1n = dense_init(ks[6], DF + H, H)
    b1n = jnp.zeros((H,), jnp.float32)
    g1n = jnp.ones((H,), jnp.float32)
    be1n = jnp.zeros((H,), jnp.float32)
    W2n = dense_init(ks[7], H, DO)
    b2n = jnp.zeros((DO,), jnp.float32)
    return {"nodes": nodes, "edges": edges, "senders": senders, "receivers": receivers,
            "W1e": W1e, "b1e": b1e, "g1e": g1e, "be1e": be1e, "W2e": W2e, "b2e": b2e,
            "W1n": W1n, "b1n": b1n, "g1n": g1n, "be1n": be1n, "W2n": W2n, "b2n": b2n}


def reference(nodes, edges, senders, receivers, W1e, b1e, g1e, be1e, W2e, b2e, W1n, b1n, g1n, be1n, W2n, b2n):
    num_nodes = nodes.shape[0]
    sender_features = nodes[senders]
    edge_input = jnp.concatenate([sender_features, edges], axis=-1)
    h = edge_input @ W1e + b1e
    h = layer_norm(h, g1e, be1e)
    h = jax.nn.relu(h)
    messages = h @ W2e + b2e
    aggregated = jnp.zeros((num_nodes, H), dtype=messages.dtype).at[receivers].add(messages)
    counts = jnp.zeros((num_nodes,), dtype=jnp.float32).at[receivers].add(1.0)
    counts = jnp.maximum(counts, 1.0)
    aggregated = aggregated / counts[:, None]
    node_input = jnp.concatenate([nodes, aggregated], axis=-1)
    h2 = node_input @ W1n + b1n
    h2 = layer_norm(h2, g1n, be1n)
    h2 = jax.nn.relu(h2)
    new_nodes = h2 @ W2n + b2n
    if nodes.shape[-1] == DO:
        new_nodes = new_nodes + nodes
    return new_nodes

if __name__ == "__main__":
    import jax
    _d = setup_inputs()
    print(jax.jit(kernel)(*tuple(_d.values())))

</pallas_src>

<mosaic_0001>
#map = affine_map<(d0, d1) -> (0, 0)>
#map1 = affine_map<(d0, d1) -> (0)>
module attributes {stable_mosaic.version = 14 : i64} {
  func.func @k(%arg0: i32, %arg1: i32, %arg2: memref<10000x128xi32, #tpu.memory_space<hbm>>, %arg3: memref<160000xi32, #tpu.memory_space<hbm>>, %arg4: memref<160000x128xi32, #tpu.memory_space<hbm>>, %arg5: memref<200xi32, #tpu.memory_space<vmem>>, %arg6: memref<200xi32, #tpu.memory_space<vmem>>, %arg7: memref<200x128xi32, #tpu.memory_space<vmem>>, %arg8: memref<200x128xi32, #tpu.memory_space<vmem>>, %arg9: memref<!tpu.dma_semaphore, #tpu.memory_space<semaphore_mem>>, %arg10: memref<!tpu.dma_semaphore, #tpu.memory_space<semaphore_mem>>, %arg11: memref<!tpu.dma_semaphore, #tpu.memory_space<semaphore_mem>>, %arg12: memref<!tpu.dma_semaphore, #tpu.memory_space<semaphore_mem>>, %arg13: memref<!tpu.dma_semaphore, #tpu.memory_space<semaphore_mem>>, %arg14: memref<!tpu.dma_semaphore, #tpu.memory_space<semaphore_mem>>) attributes {dimension_semantics = [#tpu.dimension_semantics<core_parallel>, #tpu.dimension_semantics<subcore_parallel>], iteration_bounds = array<i64: 2, 16>, scalar_prefetch = 0 : i64, scratch_operands = 10 : i64, tpu.core_type = #tpu.core_type<sc_vector_subcore>, window_params = [{transform_indices = #map}, {transform_indices = #map1}, {transform_indices = #map}]} {
    %mul3A = arith.constant 2 : i32
    %mul3A_0 = arith.muli %arg1, %mul3A : i32
    %add3A = arith.addi %mul3A_0, %arg0 : i32
    %mul3A_1 = arith.constant 5000 : i32
    %mul3A_2 = arith.muli %add3A, %mul3A_1 : i32
    %add3A_3 = arith.constant 0 : i32
    %add3A_4 = arith.addi %mul3A_2, %add3A_3 : i32
    %multiple_of3A = tpu.assume_multiple %add3A_4, 8 : i32
    %dma_start3A = tpu.memref_slice %arg3[%multiple_of3A] : memref<160000xi32, #tpu.memory_space<hbm>> -> memref<200xi32, #tpu.memory_space<hbm>>
    %dma_start3A_5 = tpu.memref_slice %arg3[%multiple_of3A] : memref<160000xi32, #tpu.memory_space<hbm>> -> memref<200xi32, #tpu.memory_space<hbm>>
    tpu.enqueue_dma source(%dma_start3A_5 : memref<200xi32, #tpu.memory_space<hbm>>) target(%arg5 : memref<200xi32, #tpu.memory_space<vmem>>) target_semaphore(%arg9 : memref<!tpu.dma_semaphore, #tpu.memory_space<semaphore_mem>>)
    %mul3A_6 = arith.constant 5000 : i32
    %mul3A_7 = arith.muli %add3A, %mul3A_6 : i32
    %add3A_8 = arith.constant 200 : i32
    %add3A_9 = arith.addi %mul3A_7, %add3A_8 : i32
    %multiple_of3A_10 = tpu.assume_multiple %add3A_9, 8 : i32
    %dma_start3A_11 = tpu.memref_slice %arg3[%multiple_of3A_10] : memref<160000xi32, #tpu.memory_space<hbm>> -> memref<200xi32, #tpu.memory_space<hbm>>
    %dma_start3A_12 = tpu.memref_slice %arg3[%multiple_of3A_10] : memref<160000xi32, #tpu.memory_space<hbm>> -> memref<200xi32, #tpu.memory_space<hbm>>
    tpu.enqueue_dma source(%dma_start3A_12 : memref<200xi32, #tpu.memory_space<hbm>>) target(%arg6 : memref<200xi32, #tpu.memory_space<vmem>>) target_semaphore(%arg10 : memref<!tpu.dma_semaphore, #tpu.memory_space<semaphore_mem>>)
    %dma_wait3A = tpu.memref_slice %arg3[%multiple_of3A] : memref<160000xi32, #tpu.memory_space<hbm>> -> memref<200xi32, #tpu.memory_space<hbm>>
    %dma_wait3A_13 = tpu.memref_slice %arg3[%multiple_of3A] : memref<160000xi32, #tpu.memory_space<hbm>> -> memref<200xi32, #tpu.memory_space<hbm>>
    tpu.wait_dma2 semaphore(%arg9 : memref<!tpu.dma_semaphore, #tpu.memory_space<semaphore_mem>>) src(%dma_wait3A_13 : memref<200xi32, #tpu.memory_space<hbm>>) dst(%arg5 : memref<200xi32, #tpu.memory_space<vmem>>)
    %dma_start3A_14 = arith.constant 0 : i32
    %dma_start3A_15 = arith.constant 0 : i32
    %dma_start3A_16 = tpu.memref_slice %arg2[%dma_start3A_14, %dma_start3A_15] : memref<10000x128xi32, #tpu.memory_space<hbm>> -> memref<10000x128xi32, #tpu.memory_space<hbm>>
    tpu.enqueue_indirect_dma source(%dma_start3A_16 : memref<10000x128xi32, #tpu.memory_space<hbm>>) target(%arg7 : memref<200x128xi32, #tpu.memory_space<vmem>>) offsets(%arg5 : memref<200xi32, #tpu.memory_space<vmem>>) semaphore(%arg11 : memref<!tpu.dma_semaphore, #tpu.memory_space<semaphore_mem>>)
    %dma_wait3A_17 = arith.constant 0 : i32
    %dma_wait3A_18 = arith.constant 0 : i32
    %dma_wait3A_19 = tpu.memref_slice %arg2[%dma_wait3A_17, %dma_wait3A_18] : memref<10000x128xi32, #tpu.memory_space<hbm>> -> memref<10000x128xi32, #tpu.memory_space<hbm>>
    tpu.wait_indirect_dma semaphore(%arg11 : memref<!tpu.dma_semaphore, #tpu.memory_space<semaphore_mem>>) src(%dma_wait3A_19 : memref<10000x128xi32, #tpu.memory_space<hbm>>) dst(%arg7 : memref<200x128xi32, #tpu.memory_space<vmem>>)
    %dma_wait3A_20 = tpu.memref_slice %arg3[%multiple_of3A_10] : memref<160000xi32, #tpu.memory_space<hbm>> -> memref<200xi32, #tpu.memory_space<hbm>>
    %dma_wait3A_21 = tpu.memref_slice %arg3[%multiple_of3A_10] : memref<160000xi32, #tpu.memory_space<hbm>> -> memref<200xi32, #tpu.memory_space<hbm>>
    tpu.wait_dma2 semaphore(%arg10 : memref<!tpu.dma_semaphore, #tpu.memory_space<semaphore_mem>>) src(%dma_wait3A_21 : memref<200xi32, #tpu.memory_space<hbm>>) dst(%arg6 : memref<200xi32, #tpu.memory_space<vmem>>)
    %dma_start3A_22 = arith.constant 0 : i32
    %dma_start3A_23 = arith.constant 0 : i32
    %dma_start3A_24 = tpu.memref_slice %arg2[%dma_start3A_22, %dma_start3A_23] : memref<10000x128xi32, #tpu.memory_space<hbm>> -> memref<10000x128xi32, #tpu.memory_space<hbm>>
    tpu.enqueue_indirect_dma source(%dma_start3A_24 : memref<10000x128xi32, #tpu.memory_space<hbm>>) target(%arg8 : memref<200x128xi32, #tpu.memory_space<vmem>>) offsets(%arg6 : memref<200xi32, #tpu.memory_space<vmem>>) semaphore(%arg12 : memref<!tpu.dma_semaphore, #tpu.memory_space<semaphore_mem>>)
    %mul3A_25 = arith.constant 5000 : i32
    %mul3A_26 = arith.muli %add3A, %mul3A_25 : i32
    %add3A_27 = arith.constant 0 : i32
    %add3A_28 = arith.addi %mul3A_26, %add3A_27 : i32
    %multiple_of3A_29 = tpu.assume_multiple %add3A_28, 8 : i32
    %dma_start3A_30 = arith.constant 0 : i32
    %dma_start3A_31 = tpu.memref_slice %arg4[%multiple_of3A_29, %dma_start3A_30] : memref<160000x128xi32, #tpu.memory_space<hbm>> -> memref<200x128xi32, #tpu.memory_space<hbm>>
    %dma_start3A_32 = arith.constant 0 : i32
    %dma_start3A_33 = tpu.memref_slice %arg4[%multiple_of3A_29, %dma_start3A_32] : memref<160000x128xi32, #tpu.memory_space<hbm>> -> memref<200x128xi32, #tpu.memory_space<hbm>>
    tpu.enqueue_dma source(%arg7 : memref<200x128xi32, #tpu.memory_space<vmem>>) target(%dma_start3A_33 : memref<200x128xi32, #tpu.memory_space<hbm>>) target_semaphore(%arg13 : memref<!tpu.dma_semaphore, #tpu.memory_space<semaphore_mem>>)
    %mul3A_34 = arith.constant 5000 : i32
    %mul3A_35 = arith.muli %add3A, %mul3A_34 : i32
    %add3A_36 = arith.constant 400 : i32
    %add3A_37 = arith.addi %mul3A_35, %add3A_36 : i32
    %multiple_of3A_38 = tpu.assume_multiple %add3A_37, 8 : i32
    %dma_start3A_39 = tpu.memref_slice %arg3[%multiple_of3A_38] : memref<160000xi32, #tpu.memory_space<hbm>> -> memref<200xi32, #tpu.memory_space<hbm>>
    %dma_start3A_40 = tpu.memref_slice %arg3[%multiple_of3A_38] : memref<160000xi32, #tpu.memory_space<hbm>> -> memref<200xi32, #tpu.memory_space<hbm>>
    tpu.enqueue_dma source(%dma_start3A_40 : memref<200xi32, #tpu.memory_space<hbm>>) target(%arg5 : memref<200xi32, #tpu.memory_space<vmem>>) target_semaphore(%arg9 : memref<!tpu.dma_semaphore, #tpu.memory_space<semaphore_mem>>)
    %dma_wait3A_41 = arith.constant 0 : i32
    %dma_wait3A_42 = arith.constant 0 : i32
    %dma_wait3A_43 = tpu.memref_slice %arg2[%dma_wait3A_41, %dma_wait3A_42] : memref<10000x128xi32, #tpu.memory_space<hbm>> -> memref<10000x128xi32, #tpu.memory_space<hbm>>
    tpu.wait_indirect_dma semaphore(%arg12 : memref<!tpu.dma_semaphore, #tpu.memory_space<semaphore_mem>>) src(%dma_wait3A_43 : memref<10000x128xi32, #tpu.memory_space<hbm>>) dst(%arg8 : memref<200x128xi32, #tpu.memory_space<vmem>>)
    %dma_wait3A_44 = tpu.memref_slice %arg3[%multiple_of3A_38] : memref<160000xi32, #tpu.memory_space<hbm>> -> memref<200xi32, #tpu.memory_space<hbm>>
    %dma_wait3A_45 = tpu.memref_slice %arg3[%multiple_of3A_38] : memref<160000xi32, #tpu.memory_space<hbm>> -> memref<200xi32, #tpu.memory_space<hbm>>
    tpu.wait_dma2 semaphore(%arg9 : memref<!tpu.dma_semaphore, #tpu.memory_space<semaphore_mem>>) src(%dma_wait3A_45 : memref<200xi32, #tpu.memory_space<hbm>>) dst(%arg5 : memref<200xi32, #tpu.memory_space<vmem>>)
    %dma_wait3A_46 = arith.constant 0 : i32
    %dma_wait3A_47 = tpu.memref_slice %arg4[%multiple_of3A_29, %dma_wait3A_46] : memref<160000x128xi32, #tpu.memory_space<hbm>> -> memref<200x128xi32, #tpu.memory_space<hbm>>
    %dma_wait3A_48 = arith.constant 0 : i32
    %dma_wait3A_49 = tpu.memref_slice %arg4[%multiple_of3A_29, %dma_wait3A_48] : memref<160000x128xi32, #tpu.memory_space<hbm>> -> memref<200x128xi32, #tpu.memory_space<hbm>>
    tpu.wait_dma2 semaphore(%arg13 : memref<!tpu.dma_semaphore, #tpu.memory_space<semaphore_mem>>) src(%arg7 : memref<200x128xi32, #tpu.memory_space<vmem>>) dst(%dma_wait3A_49 : memref<200x128xi32, #tpu.memory_space<hbm>>)
    %dma_start3A_50 = arith.constant 0 : i32
    %dma_start3A_51 = arith.constant 0 : i32
    %dma_start3A_52 = tpu.memref_slice %arg2[%dma_start3A_50, %dma_start3A_51] : memref<10000x128xi32, #tpu.memory_space<hbm>> -> memref<10000x128xi32, #tpu.memory_space<hbm>>
    tpu.enqueue_indirect_dma source(%dma_start3A_52 : memref<10000x128xi32, #tpu.memory_space<hbm>>) target(%arg7 : memref<200x128xi32, #tpu.memory_space<vmem>>) offsets(%arg5 : memref<200xi32, #tpu.memory_space<vmem>>) semaphore(%arg11 : memref<!tpu.dma_semaphore, #tpu.memory_space<semaphore_mem>>)
    %mul3A_53 = arith.constant 5000 : i32
    %mul3A_54 = arith.muli %add3A, %mul3A_53 : i32
    %add3A_55 = arith.constant 200 : i32
    %add3A_56 = arith.addi %mul3A_54, %add3A_55 : i32
    %multiple_of3A_57 = tpu.assume_multiple %add3A_56, 8 : i32
    %dma_start3A_58 = arith.constant 0 : i32
    %dma_start3A_59 = tpu.memref_slice %arg4[%multiple_of3A_57, %dma_start3A_58] : memref<160000x128xi32, #tpu.memory_space<hbm>> -> memref<200x128xi32, #tpu.memory_space<hbm>>
    %dma_start3A_60 = arith.constant 0 : i32
    %dma_start3A_61 = tpu.memref_slice %arg4[%multiple_of3A_57, %dma_start3A_60] : memref<160000x128xi32, #tpu.memory_space<hbm>> -> memref<200x128xi32, #tpu.memory_space<hbm>>
    tpu.enqueue_dma source(%arg8 : memref<200x128xi32, #tpu.memory_space<vmem>>) target(%dma_start3A_61 : memref<200x128xi32, #tpu.memory_space<hbm>>) target_semaphore(%arg14 : memref<!tpu.dma_semaphore, #tpu.memory_space<semaphore_mem>>)
    %mul3A_62 = arith.constant 5000 : i32
    %mul3A_63 = arith.muli %add3A, %mul3A_62 : i32
    %add3A_64 = arith.constant 600 : i32
    %add3A_65 = arith.addi %mul3A_63, %add3A_64 : i32
    %multiple_of3A_66 = tpu.assume_multiple %add3A_65, 8 : i32
    %dma_start3A_67 = tpu.memref_slice %arg3[%multiple_of3A_66] : memref<160000xi32, #tpu.memory_space<hbm>> -> memref<200xi32, #tpu.memory_space<hbm>>
    %dma_start3A_68 = tpu.memref_slice %arg3[%multiple_of3A_66] : memref<160000xi32, #tpu.memory_space<hbm>> -> memref<200xi32, #tpu.memory_space<hbm>>
    tpu.enqueue_dma source(%dma_start3A_68 : memref<200xi32, #tpu.memory_space<hbm>>) target(%arg6 : memref<200xi32, #tpu.memory_space<vmem>>) target_semaphore(%arg10 : memref<!tpu.dma_semaphore, #tpu.memory_space<semaphore_mem>>)
    %dma_wait3A_69 = arith.constant 0 : i32
    %dma_wait3A_70 = arith.constant 0 : i32
    %dma_wait3A_71 = tpu.memref_slice %arg2[%dma_wait3A_69, %dma_wait3A_70] : memref<10000x128xi32, #tpu.memory_space<hbm>> -> memref<10000x128xi32, #tpu.memory_space<hbm>>
    tpu.wait_indirect_dma semaphore(%arg11 : memref<!tpu.dma_semaphore, #tpu.memory_space<semaphore_mem>>) src(%dma_wait3A_71 : memref<10000x128xi32, #tpu.memory_space<hbm>>) dst(%arg7 : memref<200x128xi32, #tpu.memory_space<vmem>>)
    %dma_wait3A_72 = tpu.memref_slice %arg3[%multiple_of3A_66] : memref<160000xi32, #tpu.memory_space<hbm>> -> memref<200xi32, #tpu.memory_space<hbm>>
    %dma_wait3A_73 = tpu.memref_slice %arg3[%multiple_of3A_66] : memref<160000xi32, #tpu.memory_space<hbm>> -> memref<200xi32, #tpu.memory_space<hbm>>
    tpu.wait_dma2 semaphore(%arg10 : memref<!tpu.dma_semaphore, #tpu.memory_space<semaphore_mem>>) src(%dma_wait3A_73 : memref<200xi32, #tpu.memory_space<hbm>>) dst(%arg6 : memref<200xi32, #tpu.memory_space<vmem>>)
    %dma_wait3A_74 = arith.constant 0 : i32
    %dma_wait3A_75 = tpu.memref_slice %arg4[%multiple_of3A_57, %dma_wait3A_74] : memref<160000x128xi32, #tpu.memory_space<hbm>> -> memref<200x128xi32, #tpu.memory_space<hbm>>
    %dma_wait3A_76 = arith.constant 0 : i32
    %dma_wait3A_77 = tpu.memref_slice %arg4[%multiple_of3A_57, %dma_wait3A_76] : memref<160000x128xi32, #tpu.memory_space<hbm>> -> memref<200x128xi32, #tpu.memory_space<hbm>>
    tpu.wait_dma2 semaphore(%arg14 : memref<!tpu.dma_semaphore, #tpu.memory_space<semaphore_mem>>) src(%arg8 : memref<200x128xi32, #tpu.memory_space<vmem>>) dst(%dma_wait3A_77 : memref<200x128xi32, #tpu.memory_space<hbm>>)
    %dma_start3A_78 = arith.constant 0 : i32
    %dma_start3A_79 = arith.constant 0 : i32
    %dma_start3A_80 = tpu.memref_slice %arg2[%dma_start3A_78, %dma_start3A_79] : memref<10000x128xi32, #tpu.memory_space<hbm>> -> memref<10000x128xi32, #tpu.memory_space<hbm>>
    tpu.enqueue_indirect_dma source(%dma_start3A_80 : memref<10000x128xi32, #tpu.memory_space<hbm>>) target(%arg8 : memref<200x128xi32, #tpu.memory_space<vmem>>) offsets(%arg6 : memref<200xi32, #tpu.memory_space<vmem>>) semaphore(%arg12 : memref<!tpu.dma_semaphore, #tpu.memory_space<semaphore_mem>>)
    %mul3A_81 = arith.constant 5000 : i32
    %mul3A_82 = arith.muli %add3A, %mul3A_81 : i32
    %add3A_83 = arith.constant 400 : i32
    %add3A_84 = arith.addi %mul3A_82, %add3A_83 : i32
    %multiple_of3A_85 = tpu.assume_multiple %add3A_84, 8 : i32
    %dma_start3A_86 = arith.constant 0 : i32
    %dma_start3A_87 = tpu.memref_slice %arg4[%multiple_of3A_85, %dma_start3A_86] : memref<160000x128xi32, #tpu.memory_space<hbm>> -> memref<200x128xi32, #tpu.memory_space<hbm>>
    %dma_start3A_88 = arith.constant 0 : i32
    %dma_start3A_89 = tpu.memref_slice %arg4[%multiple_of3A_85, %dma_start3A_88] : memref<160000x128xi32, #tpu.memory_space<hbm>> -> memref<200x128xi32, #tpu.memory_space<hbm>>
    tpu.enqueue_dma source(%arg7 : memref<200x128xi32, #tpu.memory_space<vmem>>) target(%dma_start3A_89 : memref<200x128xi32, #tpu.memory_space<hbm>>) target_semaphore(%arg13 : memref<!tpu.dma_semaphore, #tpu.memory_space<semaphore_mem>>)
    %mul3A_90 = arith.constant 5000 : i32
    %mul3A_91 = arith.muli %add3A, %mul3A_90 : i32
    %add3A_92 = arith.constant 800 : i32
    %add3A_93 = arith.addi %mul3A_91, %add3A_92 : i32
    %multiple_of3A_94 = tpu.assume_multiple %add3A_93, 8 : i32
    %dma_start3A_95 = tpu.memref_slice %arg3[%multiple_of3A_94] : memref<160000xi32, #tpu.memory_space<hbm>> -> memref<200xi32, #tpu.memory_space<hbm>>
    %dma_start3A_96 = tpu.memref_slice %arg3[%multiple_of3A_94] : memref<160000xi32, #tpu.memory_space<hbm>> -> memref<200xi32, #tpu.memory_space<hbm>>
    tpu.enqueue_dma source(%dma_start3A_96 : memref<200xi32, #tpu.memory_space<hbm>>) target(%arg5 : memref<200xi32, #tpu.memory_space<vmem>>) target_semaphore(%arg9 : memref<!tpu.dma_semaphore, #tpu.memory_space<semaphore_mem>>)
    %dma_wait3A_97 = arith.constant 0 : i32
    %dma_wait3A_98 = arith.constant 0 : i32
    %dma_wait3A_99 = tpu.memref_slice %arg2[%dma_wait3A_97, %dma_wait3A_98] : memref<10000x128xi32, #tpu.memory_space<hbm>> -> memref<10000x128xi32, #tpu.memory_space<hbm>>
    tpu.wait_indirect_dma semaphore(%arg12 : memref<!tpu.dma_semaphore, #tpu.memory_space<semaphore_mem>>) src(%dma_wait3A_99 : memref<10000x128xi32, #tpu.memory_space<hbm>>) dst(%arg8 : memref<200x128xi32, #tpu.memory_space<vmem>>)
    %dma_wait3A_100 = tpu.memref_slice %arg3[%multiple_of3A_94] : memref<160000xi32, #tpu.memory_space<hbm>> -> memref<200xi32, #tpu.memory_space<hbm>>
    %dma_wait3A_101 = tpu.memref_slice %arg3[%multiple_of3A_94] : memref<160000xi32, #tpu.memory_space<hbm>> -> memref<200xi32, #tpu.memory_space<hbm>>
    tpu.wait_dma2 semaphore(%arg9 : memref<!tpu.dma_semaphore, #tpu.memory_space<semaphore_mem>>) src(%dma_wait3A_101 : memref<200xi32, #tpu.memory_space<hbm>>) dst(%arg5 : memref<200xi32, #tpu.memory_space<vmem>>)
    %dma_wait3A_102 = arith.constant 0 : i32
    %dma_wait3A_103 = tpu.memref_slice %arg4[%multiple_of3A_85, %dma_wait3A_102] : memref<160000x128xi32, #tpu.memory_space<hbm>> -> memref<200x128xi32, #tpu.memory_space<hbm>>
    %dma_wait3A_104 = arith.constant 0 : i32
    %dma_wait3A_105 = tpu.memref_slice %arg4[%multiple_of3A_85, %dma_wait3A_104] : memref<160000x128xi32, #tpu.memory_space<hbm>> -> memref<200x128xi32, #tpu.memory_space<hbm>>
    tpu.wait_dma2 semaphore(%arg13 : memref<!tpu.dma_semaphore, #tpu.memory_space<semaphore_mem>>) src(%arg7 : memref<200x128xi32, #tpu.memory_space<vmem>>) dst(%dma_wait3A_105 : memref<200x128xi32, #tpu.memory_space<hbm>>)
    %dma_start3A_106 = arith.constant 0 : i32
    %dma_start3A_107 = arith.constant 0 : i32
    %dma_start3A_108 = tpu.memref_slice %arg2[%dma_start3A_106, %dma_start3A_107] : memref<10000x128xi32, #tpu.memory_space<hbm>> -> memref<10000x128xi32, #tpu.memory_space<hbm>>
    tpu.enqueue_indirect_dma source(%dma_start3A_108 : memref<10000x128xi32, #tpu.memory_space<hbm>>) target(%arg7 : memref<200x128xi32, #tpu.memory_space<vmem>>) offsets(%arg5 : memref<200xi32, #tpu.memory_space<vmem>>) semaphore(%arg11 : memref<!tpu.dma_semaphore, #tpu.memory_space<semaphore_mem>>)
    %mul3A_109 = arith.constant 5000 : i32
    %mul3A_110 = arith.muli %add3A, %mul3A_109 : i32
    %add3A_111 = arith.constant 600 : i32
    %add3A_112 = arith.addi %mul3A_110, %add3A_111 : i32
    %multiple_of3A_113 = tpu.assume_multiple %add3A_112, 8 : i32
    %dma_start3A_114 = arith.constant 0 : i32
    %dma_start3A_115 = tpu.memref_slice %arg4[%multiple_of3A_113, %dma_start3A_114] : memref<160000x128xi32, #tpu.memory_space<hbm>> -> memref<200x128xi32, #tpu.memory_space<hbm>>
    %dma_start3A_116 = arith.constant 0 : i32
    %dma_start3A_117 = tpu.memref_slice %arg4[%multiple_of3A_113, %dma_start3A_116] : memref<160000x128xi32, #tpu.memory_space<hbm>> -> memref<200x128xi32, #tpu.memory_space<hbm>>
    tpu.enqueue_dma source(%arg8 : memref<200x128xi32, #tpu.memory_space<vmem>>) target(%dma_start3A_117 : memref<200x128xi32, #tpu.memory_space<hbm>>) target_semaphore(%arg14 : memref<!tpu.dma_semaphore, #tpu.memory_space<semaphore_mem>>)
    %mul3A_118 = arith.constant 5000 : i32
    %mul3A_119 = arith.muli %add3A, %mul3A_118 : i32
    %add3A_120 = arith.constant 1000 : i32
    %add3A_121 = arith.addi %mul3A_119, %add3A_120 : i32
    %multiple_of3A_122 = tpu.assume_multiple %add3A_121, 8 : i32
    %dma_start3A_123 = tpu.memref_slice %arg3[%multiple_of3A_122] : memref<160000xi32, #tpu.memory_space<hbm>> -> memref<200xi32, #tpu.memory_space<hbm>>
    %dma_start3A_124 = tpu.memref_slice %arg3[%multiple_of3A_122] : memref<160000xi32, #tpu.memory_space<hbm>> -> memref<200xi32, #tpu.memory_space<hbm>>
    tpu.enqueue_dma source(%dma_start3A_124 : memref<200xi32, #tpu.memory_space<hbm>>) target(%arg6 : memref<200xi32, #tpu.memory_space<vmem>>) target_semaphore(%arg10 : memref<!tpu.dma_semaphore, #tpu.memory_space<semaphore_mem>>)
    %dma_wait3A_125 = arith.constant 0 : i32
    %dma_wait3A_126 = arith.constant 0 : i32
    %dma_wait3A_127 = tpu.memref_slice %arg2[%dma_wait3A_125, %dma_wait3A_126] : memref<10000x128xi32, #tpu.memory_space<hbm>> -> memref<10000x128xi32, #tpu.memory_space<hbm>>
    tpu.wait_indirect_dma semaphore(%arg11 : memref<!tpu.dma_semaphore, #tpu.memory_space<semaphore_mem>>) src(%dma_wait3A_127 : memref<10000x128xi32, #tpu.memory_space<hbm>>) dst(%arg7 : memref<200x128xi32, #tpu.memory_space<vmem>>)
    %dma_wait3A_128 = tpu.memref_slice %arg3[%multiple_of3A_122] : memref<160000xi32, #tpu.memory_space<hbm>> -> memref<200xi32, #tpu.memory_space<hbm>>
    %dma_wait3A_129 = tpu.memref_slice %arg3[%multiple_of3A_122] : memref<160000xi32, #tpu.memory_space<hbm>> -> memref<200xi32, #tpu.memory_space<hbm>>
    tpu.wait_dma2 semaphore(%arg10 : memref<!tpu.dma_semaphore, #tpu.memory_space<semaphore_mem>>) src(%dma_wait3A_129 : memref<200xi32, #tpu.memory_space<hbm>>) dst(%arg6 : memref<200xi32, #tpu.memory_space<vmem>>)
    %dma_wait3A_130 = arith.constant 0 : i32
    %dma_wait3A_131 = tpu.memref_slice %arg4[%multiple_of3A_113, %dma_wait3A_130] : memref<160000x128xi32, #tpu.memory_space<hbm>> -> memref<200x128xi32, #tpu.memory_space<hbm>>
    %dma_wait3A_132 = arith.constant 0 : i32
    %dma_wait3A_133 = tpu.memref_slice %arg4[%multiple_of3A_113, %dma_wait3A_132] : memref<160000x128xi32, #tpu.memory_space<hbm>> -> memref<200x128xi32, #tpu.memory_space<hbm>>
    tpu.wait_dma2 semaphore(%arg14 : memref<!tpu.dma_semaphore, #tpu.memory_space<semaphore_mem>>) src(%arg8 : memref<200x128xi32, #tpu.memory_space<vmem>>) dst(%dma_wait3A_133 : memref<200x128xi32, #tpu.memory_space<hbm>>)
    %dma_start3A_134 = arith.constant 0 : i32
    %dma_start3A_135 = arith.constant 0 : i32
    %dma_start3A_136 = tpu.memref_slice %arg2[%dma_start3A_134, %dma_start3A_135] : memref<10000x128xi32, #tpu.memory_space<hbm>> -> memref<10000x128xi32, #tpu.memory_space<hbm>>
    tpu.enqueue_indirect_dma source(%dma_start3A_136 : memref<10000x128xi32, #tpu.memory_space<hbm>>) target(%arg8 : memref<200x128xi32, #tpu.memory_space<vmem>>) offsets(%arg6 : memref<200xi32, #tpu.memory_space<vmem>>) semaphore(%arg12 : memref<!tpu.dma_semaphore, #tpu.memory_space<semaphore_mem>>)
    %mul3A_137 = arith.constant 5000 : i32
    %mul3A_138 = arith.muli %add3A, %mul3A_137 : i32
    %add3A_139 = arith.constant 800 : i32
    %add3A_140 = arith.addi %mul3A_138, %add3A_139 : i32
    %multiple_of3A_141 = tpu.assume_multiple %add3A_140, 8 : i32
    %dma_start3A_142 = arith.constant 0 : i32
    %dma_start3A_143 = tpu.memref_slice %arg4[%multiple_of3A_141, %dma_start3A_142] : memref<160000x128xi32, #tpu.memory_space<hbm>> -> memref<200x128xi32, #tpu.memory_space<hbm>>
    %dma_start3A_144 = arith.constant 0 : i32
    %dma_start3A_145 = tpu.memref_slice %arg4[%multiple_of3A_141, %dma_start3A_144] : memref<160000x128xi32, #tpu.memory_space<hbm>> -> memref<200x128xi32, #tpu.memory_space<hbm>>
    tpu.enqueue_dma source(%arg7 : memref<200x128xi32, #tpu.memory_space<vmem>>) target(%dma_start3A_145 : memref<200x128xi32, #tpu.memory_space<hbm>>) target_semaphore(%arg13 : memref<!tpu.dma_semaphore, #tpu.memory_space<semaphore_mem>>)
    %mul3A_146 = arith.constant 5000 : i32
    %mul3A_147 = arith.muli %add3A, %mul3A_146 : i32
    %add3A_148 = arith.constant 1200 : i32
    %add3A_149 = arith.addi %mul3A_147, %add3A_148 : i32
    %multiple_of3A_150 = tpu.assume_multiple %add3A_149, 8 : i32
    %dma_start3A_151 = tpu.memref_slice %arg3[%multiple_of3A_150] : memref<160000xi32, #tpu.memory_space<hbm>> -> memref<200xi32, #tpu.memory_space<hbm>>
    %dma_start3A_152 = tpu.memref_slice %arg3[%multiple_of3A_150] : memref<160000xi32, #tpu.memory_space<hbm>> -> memref<200xi32, #tpu.memory_space<hbm>>
    tpu.enqueue_dma source(%dma_start3A_152 : memref<200xi32, #tpu.memory_space<hbm>>) target(%arg5 : memref<200xi32, #tpu.memory_space<vmem>>) target_semaphore(%arg9 : memref<!tpu.dma_semaphore, #tpu.memory_space<semaphore_mem>>)
    %dma_wait3A_153 = arith.constant 0 : i32
    %dma_wait3A_154 = arith.constant 0 : i32
    %dma_wait3A_155 = tpu.memref_slice %arg2[%dma_wait3A_153, %dma_wait3A_154] : memref<10000x128xi32, #tpu.memory_space<hbm>> -> memref<10000x128xi32, #tpu.memory_space<hbm>>
    tpu.wait_indirect_dma semaphore(%arg12 : memref<!tpu.dma_semaphore, #tpu.memory_space<semaphore_mem>>) src(%dma_wait3A_155 : memref<10000x128xi32, #tpu.memory_space<hbm>>) dst(%arg8 : memref<200x128xi32, #tpu.memory_space<vmem>>)
    %dma_wait3A_156 = tpu.memref_slice %arg3[%multiple_of3A_150] : memref<160000xi32, #tpu.memory_space<hbm>> -> memref<200xi32, #tpu.memory_space<hbm>>
    %dma_wait3A_157 = tpu.memref_slice %arg3[%multiple_of3A_150] : memref<160000xi32, #tpu.memory_space<hbm>> -> memref<200xi32, #tpu.memory_space<hbm>>
    tpu.wait_dma2 semaphore(%arg9 : memref<!tpu.dma_semaphore, #tpu.memory_space<semaphore_mem>>) src(%dma_wait3A_157 : memref<200xi32, #tpu.memory_space<hbm>>) dst(%arg5 : memref<200xi32, #tpu.memory_space<vmem>>)
    %dma_wait3A_158 = arith.constant 0 : i32
    %dma_wait3A_159 = tpu.memref_slice %arg4[%multiple_of3A_141, %dma_wait3A_158] : memref<160000x128xi32, #tpu.memory_space<hbm>> -> memref<200x128xi32, #tpu.memory_space<hbm>>
    %dma_wait3A_160 = arith.constant 0 : i32
    %dma_wait3A_161 = tpu.memref_slice %arg4[%multiple_of3A_141, %dma_wait3A_160] : memref<160000x128xi32, #tpu.memory_space<hbm>> -> memref<200x128xi32, #tpu.memory_space<hbm>>
    tpu.wait_dma2 semaphore(%arg13 : memref<!tpu.dma_semaphore, #tpu.memory_space<semaphore_mem>>) src(%arg7 : memref<200x128xi32, #tpu.memory_space<vmem>>) dst(%dma_wait3A_161 : memref<200x128xi32, #tpu.memory_space<hbm>>)
    %dma_start3A_162 = arith.constant 0 : i32
    %dma_start3A_163 = arith.constant 0 : i32
    %dma_start3A_164 = tpu.memref_slice %arg2[%dma_start3A_162, %dma_start3A_163] : memref<10000x128xi32, #tpu.memory_space<hbm>> -> memref<10000x128xi32, #tpu.memory_space<hbm>>
    tpu.enqueue_indirect_dma source(%dma_start3A_164 : memref<10000x128xi32, #tpu.memory_space<hbm>>) target(%arg7 : memref<200x128xi32, #tpu.memory_space<vmem>>) offsets(%arg5 : memref<200xi32, #tpu.memory_space<vmem>>) semaphore(%arg11 : memref<!tpu.dma_semaphore, #tpu.memory_space<semaphore_mem>>)
    %mul3A_165 = arith.constant 5000 : i32
    %mul3A_166 = arith.muli %add3A, %mul3A_165 : i32
    %add3A_167 = arith.constant 1000 : i32
    %add3A_168 = arith.addi %mul3A_166, %add3A_167 : i32
    %multiple_of3A_169 = tpu.assume_multiple %add3A_168, 8 : i32
    %dma_start3A_170 = arith.constant 0 : i32
    %dma_start3A_171 = tpu.memref_slice %arg4[%multiple_of3A_169, %dma_start3A_170] : memref<160000x128xi32, #tpu.memory_space<hbm>> -> memref<200x128xi32, #tpu.memory_space<hbm>>
    %dma_start3A_172 = arith.constant 0 : i32
    %dma_start3A_173 = tpu.memref_slice %arg4[%multiple_of3A_169, %dma_start3A_172] : memref<160000x128xi32, #tpu.memory_space<hbm>> -> memref<200x128xi32, #tpu.memory_space<hbm>>
    tpu.enqueue_dma source(%arg8 : memref<200x128xi32, #tpu.memory_space<vmem>>) target(%dma_start3A_173 : memref<200x128xi32, #tpu.memory_space<hbm>>) target_semaphore(%arg14 : memref<!tpu.dma_semaphore, #tpu.memory_space<semaphore_mem>>)
    %mul3A_174 = arith.constant 5000 : i32
    %mul3A_175 = arith.muli %add3A, %mul3A_174 : i32
    %add3A_176 = arith.constant 1400 : i32
    %add3A_177 = arith.addi %mul3A_175, %add3A_176 : i32
    %multiple_of3A_178 = tpu.assume_multiple %add3A_177, 8 : i32
    %dma_start3A_179 = tpu.memref_slice %arg3[%multiple_of3A_178] : memref<160000xi32, #tpu.memory_space<hbm>> -> memref<200xi32, #tpu.memory_space<hbm>>
    %dma_start3A_180 = tpu.memref_slice %arg3[%multiple_of3A_178] : memref<160000xi32, #tpu.memory_space<hbm>> -> memref<200xi32, #tpu.memory_space<hbm>>
    tpu.enqueue_dma source(%dma_start3A_180 : memref<200xi32, #tpu.memory_space<hbm>>) target(%arg6 : memref<200xi32, #tpu.memory_space<vmem>>) target_semaphore(%arg10 : memref<!tpu.dma_semaphore, #tpu.memory_space<semaphore_mem>>)
    %dma_wait3A_181 = arith.constant 0 : i32
    %dma_wait3A_182 = arith.constant 0 : i32
    %dma_wait3A_183 = tpu.memref_slice %arg2[%dma_wait3A_181, %dma_wait3A_182] : memref<10000x128xi32, #tpu.memory_space<hbm>> -> memref<10000x128xi32, #tpu.memory_space<hbm>>
    tpu.wait_indirect_dma semaphore(%arg11 : memref<!tpu.dma_semaphore, #tpu.memory_space<semaphore_mem>>) src(%dma_wait3A_183 : memref<10000x128xi32, #tpu.memory_space<hbm>>) dst(%arg7 : memref<200x128xi32, #tpu.memory_space<vmem>>)
    %dma_wait3A_184 = tpu.memref_slice %arg3[%multiple_of3A_178] : memref<160000xi32, #tpu.memory_space<hbm>> -> memref<200xi32, #tpu.memory_space<hbm>>
    %dma_wait3A_185 = tpu.memref_slice %arg3[%multiple_of3A_178] : memref<160000xi32, #tpu.memory_space<hbm>> -> memref<200xi32, #tpu.memory_space<hbm>>
    tpu.wait_dma2 semaphore(%arg10 : memref<!tpu.dma_semaphore, #tpu.memory_space<semaphore_mem>>) src(%dma_wait3A_185 : memref<200xi32, #tpu.memory_space<hbm>>) dst(%arg6 : memref<200xi32, #tpu.memory_space<vmem>>)
    %dma_wait3A_186 = arith.constant 0 : i32
    %dma_wait3A_187 = tpu.memref_slice %arg4[%multiple_of3A_169, %dma_wait3A_186] : memref<160000x128xi32, #tpu.memory_space<hbm>> -> memref<200x128xi32, #tpu.memory_space<hbm>>
    %dma_wait3A_188 = arith.constant 0 : i32
    %dma_wait3A_189 = tpu.memref_slice %arg4[%multiple_of3A_169, %dma_wait3A_188] : memref<160000x128xi32, #tpu.memory_space<hbm>> -> memref<200x128xi32, #tpu.memory_space<hbm>>
    tpu.wait_dma2 semaphore(%arg14 : memref<!tpu.dma_semaphore, #tpu.memory_space<semaphore_mem>>) src(%arg8 : memref<200x128xi32, #tpu.memory_space<vmem>>) dst(%dma_wait3A_189 : memref<200x128xi32, #tpu.memory_space<hbm>>)
    %dma_start3A_190 = arith.constant 0 : i32
    %dma_start3A_191 = arith.constant 0 : i32
    %dma_start3A_192 = tpu.memref_slice %arg2[%dma_start3A_190, %dma_start3A_191] : memref<10000x128xi32, #tpu.memory_space<hbm>> -> memref<10000x128xi32, #tpu.memory_space<hbm>>
    tpu.enqueue_indirect_dma source(%dma_start3A_192 : memref<10000x128xi32, #tpu.memory_space<hbm>>) target(%arg8 : memref<200x128xi32, #tpu.memory_space<vmem>>) offsets(%arg6 : memref<200xi32, #tpu.memory_space<vmem>>) semaphore(%arg12 : memref<!tpu.dma_semaphore, #tpu.memory_space<semaphore_mem>>)
    %mul3A_193 = arith.constant 5000 : i32
    %mul3A_194 = arith.muli %add3A, %mul3A_193 : i32
    %add3A_195 = arith.constant 1200 : i32
    %add3A_196 = arith.addi %mul3A_194, %add3A_195 : i32
    %multiple_of3A_197 = tpu.assume_multiple %add3A_196, 8 : i32
    %dma_start3A_198 = arith.constant 0 : i32
    %dma_start3A_199 = tpu.memref_slice %arg4[%multiple_of3A_197, %dma_start3A_198] : memref<160000x128xi32, #tpu.memory_space<hbm>> -> memref<200x128xi32, #tpu.memory_space<hbm>>
    %dma_start3A_200 = arith.constant 0 : i32
    %dma_start3A_201 = tpu.memref_slice %arg4[%multiple_of3A_197, %dma_start3A_200] : memref<160000x128xi32, #tpu.memory_space<hbm>> -> memref<200x128xi32, #tpu.memory_space<hbm>>
    tpu.enqueue_dma source(%arg7 : memref<200x128xi32, #tpu.memory_space<vmem>>) target(%dma_start3A_201 : memref<200x128xi32, #tpu.memory_space<hbm>>) target_semaphore(%arg13 : memref<!tpu.dma_semaphore, #tpu.memory_space<semaphore_mem>>)
    %mul3A_202 = arith.constant 5000 : i32
    %mul3A_203 = arith.muli %add3A, %mul3A_202 : i32
    %add3A_204 = arith.constant 1600 : i32
    %add3A_205 = arith.addi %mul3A_203, %add3A_204 : i32
    %multiple_of3A_206 = tpu.assume_multiple %add3A_205, 8 : i32
    %dma_start3A_207 = tpu.memref_slice %arg3[%multiple_of3A_206] : memref<160000xi32, #tpu.memory_space<hbm>> -> memref<200xi32, #tpu.memory_space<hbm>>
    %dma_start3A_208 = tpu.memref_slice %arg3[%multiple_of3A_206] : memref<160000xi32, #tpu.memory_space<hbm>> -> memref<200xi32, #tpu.memory_space<hbm>>
    tpu.enqueue_dma source(%dma_start3A_208 : memref<200xi32, #tpu.memory_space<hbm>>) target(%arg5 : memref<200xi32, #tpu.memory_space<vmem>>) target_semaphore(%arg9 : memref<!tpu.dma_semaphore, #tpu.memory_space<semaphore_mem>>)
    %dma_wait3A_209 = arith.constant 0 : i32
    %dma_wait3A_210 = arith.constant 0 : i32
    %dma_wait3A_211 = tpu.memref_slice %arg2[%dma_wait3A_209, %dma_wait3A_210] : memref<10000x128xi32, #tpu.memory_space<hbm>> -> memref<10000x128xi32, #tpu.memory_space<hbm>>
    tpu.wait_indirect_dma semaphore(%arg12 : memref<!tpu.dma_semaphore, #tpu.memory_space<semaphore_mem>>) src(%dma_wait3A_211 : memref<10000x128xi32, #tpu.memory_space<hbm>>) dst(%arg8 : memref<200x128xi32, #tpu.memory_space<vmem>>)
    %dma_wait3A_212 = tpu.memref_slice %arg3[%multiple_of3A_206] : memref<160000xi32, #tpu.memory_space<hbm>> -> memref<200xi32, #tpu.memory_space<hbm>>
    %dma_wait3A_213 = tpu.memref_slice %arg3[%multiple_of3A_206] : memref<160000xi32, #tpu.memory_space<hbm>> -> memref<200xi32, #tpu.memory_space<hbm>>
    tpu.wait_dma2 semaphore(%arg9 : memref<!tpu.dma_semaphore, #tpu.memory_space<semaphore_mem>>) src(%dma_wait3A_213 : memref<200xi32, #tpu.memory_space<hbm>>) dst(%arg5 : memref<200xi32, #tpu.memory_space<vmem>>)
    %dma_wait3A_214 = arith.constant 0 : i32
    %dma_wait3A_215 = tpu.memref_slice %arg4[%multiple_of3A_197, %dma_wait3A_214] : memref<160000x128xi32, #tpu.memory_space<hbm>> -> memref<200x128xi32, #tpu.memory_space<hbm>>
    %dma_wait3A_216 = arith.constant 0 : i32
    %dma_wait3A_217 = tpu.memref_slice %arg4[%multiple_of3A_197, %dma_wait3A_216] : memref<160000x128xi32, #tpu.memory_space<hbm>> -> memref<200x128xi32, #tpu.memory_space<hbm>>
    tpu.wait_dma2 semaphore(%arg13 : memref<!tpu.dma_semaphore, #tpu.memory_space<semaphore_mem>>) src(%arg7 : memref<200x128xi32, #tpu.memory_space<vmem>>) dst(%dma_wait3A_217 : memref<200x128xi32, #tpu.memory_space<hbm>>)
    %dma_start3A_218 = arith.constant 0 : i32
    %dma_start3A_219 = arith.constant 0 : i32
    %dma_start3A_220 = tpu.memref_slice %arg2[%dma_start3A_218, %dma_start3A_219] : memref<10000x128xi32, #tpu.memory_space<hbm>> -> memref<10000x128xi32, #tpu.memory_space<hbm>>
    tpu.enqueue_indirect_dma source(%dma_start3A_220 : memref<10000x128xi32, #tpu.memory_space<hbm>>) target(%arg7 : memref<200x128xi32, #tpu.memory_space<vmem>>) offsets(%arg5 : memref<200xi32, #tpu.memory_space<vmem>>) semaphore(%arg11 : memref<!tpu.dma_semaphore, #tpu.memory_space<semaphore_mem>>)
    %mul3A_221 = arith.constant 5000 : i32
    %mul3A_222 = arith.muli %add3A, %mul3A_221 : i32
    %add3A_223 = arith.constant 1400 : i32
    %add3A_224 = arith.addi %mul3A_222, %add3A_223 : i32
    %multiple_of3A_225 = tpu.assume_multiple %add3A_224, 8 : i32
    %dma_start3A_226 = arith.constant 0 : i32
    %dma_start3A_227 = tpu.memref_slice %arg4[%multiple_of3A_225, %dma_start3A_226] : memref<160000x128xi32, #tpu.memory_space<hbm>> -> memref<200x128xi32, #tpu.memory_space<hbm>>
    %dma_start3A_228 = arith.constant 0 : i32
    %dma_start3A_229 = tpu.memref_slice %arg4[%multiple_of3A_225, %dma_start3A_228] : memref<160000x128xi32, #tpu.memory_space<hbm>> -> memref<200x128xi32, #tpu.memory_space<hbm>>
    tpu.enqueue_dma source(%arg8 : memref<200x128xi32, #tpu.memory_space<vmem>>) target(%dma_start3A_229 : memref<200x128xi32, #tpu.memory_space<hbm>>) target_semaphore(%arg14 : memref<!tpu.dma_semaphore, #tpu.memory_space<semaphore_mem>>)
    %mul3A_230 = arith.constant 5000 : i32
    %mul3A_231 = arith.muli %add3A, %mul3A_230 : i32
    %add3A_232 = arith.constant 1800 : i32
    %add3A_233 = arith.addi %mul3A_231, %add3A_232 : i32
    %multiple_of3A_234 = tpu.assume_multiple %add3A_233, 8 : i32
    %dma_start3A_235 = tpu.memref_slice %arg3[%multiple_of3A_234] : memref<160000xi32, #tpu.memory_space<hbm>> -> memref<200xi32, #tpu.memory_space<hbm>>
    %dma_start3A_236 = tpu.memref_slice %arg3[%multiple_of3A_234] : memref<160000xi32, #tpu.memory_space<hbm>> -> memref<200xi32, #tpu.memory_space<hbm>>
    tpu.enqueue_dma source(%dma_start3A_236 : memref<200xi32, #tpu.memory_space<hbm>>) target(%arg6 : memref<200xi32, #tpu.memory_space<vmem>>) target_semaphore(%arg10 : memref<!tpu.dma_semaphore, #tpu.memory_space<semaphore_mem>>)
    %dma_wait3A_237 = arith.constant 0 : i32
    %dma_wait3A_238 = arith.constant 0 : i32
    %dma_wait3A_239 = tpu.memref_slice %arg2[%dma_wait3A_237, %dma_wait3A_238] : memref<10000x128xi32, #tpu.memory_space<hbm>> -> memref<10000x128xi32, #tpu.memory_space<hbm>>
    tpu.wait_indirect_dma semaphore(%arg11 : memref<!tpu.dma_semaphore, #tpu.memory_space<semaphore_mem>>) src(%dma_wait3A_239 : memref<10000x128xi32, #tpu.memory_space<hbm>>) dst(%arg7 : memref<200x128xi32, #tpu.memory_space<vmem>>)
    %dma_wait3A_240 = tpu.memref_slice %arg3[%multiple_of3A_234] : memref<160000xi32, #tpu.memory_space<hbm>> -> memref<200xi32, #tpu.memory_space<hbm>>
    %dma_wait3A_241 = tpu.memref_slice %arg3[%multiple_of3A_234] : memref<160000xi32, #tpu.memory_space<hbm>> -> memref<200xi32, #tpu.memory_space<hbm>>
    tpu.wait_dma2 semaphore(%arg10 : memref<!tpu.dma_semaphore, #tpu.memory_space<semaphore_mem>>) src(%dma_wait3A_241 : memref<200xi32, #tpu.memory_space<hbm>>) dst(%arg6 : memref<200xi32, #tpu.memory_space<vmem>>)
    %dma_wait3A_242 = arith.constant 0 : i32
    %dma_wait3A_243 = tpu.memref_slice %arg4[%multiple_of3A_225, %dma_wait3A_242] : memref<160000x128xi32, #tpu.memory_space<hbm>> -> memref<200x128xi32, #tpu.memory_space<hbm>>
    %dma_wait3A_244 = arith.constant 0 : i32
    %dma_wait3A_245 = tpu.memref_slice %arg4[%multiple_of3A_225, %dma_wait3A_244] : memref<160000x128xi32, #tpu.memory_space<hbm>> -> memref<200x128xi32, #tpu.memory_space<hbm>>
    tpu.wait_dma2 semaphore(%arg14 : memref<!tpu.dma_semaphore, #tpu.memory_space<semaphore_mem>>) src(%arg8 : memref<200x128xi32, #tpu.memory_space<vmem>>) dst(%dma_wait3A_245 : memref<200x128xi32, #tpu.memory_space<hbm>>)
    %dma_start3A_246 = arith.constant 0 : i32
    %dma_start3A_247 = arith.constant 0 : i32
    %dma_start3A_248 = tpu.memref_slice %arg2[%dma_start3A_246, %dma_start3A_247] : memref<10000x128xi32, #tpu.memory_space<hbm>> -> memref<10000x128xi32, #tpu.memory_space<hbm>>
    tpu.enqueue_indirect_dma source(%dma_start3A_248 : memref<10000x128xi32, #tpu.memory_space<hbm>>) target(%arg8 : memref<200x128xi32, #tpu.memory_space<vmem>>) offsets(%arg6 : memref<200xi32, #tpu.memory_space<vmem>>) semaphore(%arg12 : memref<!tpu.dma_semaphore, #tpu.memory_space<semaphore_mem>>)
    %mul3A_249 = arith.constant 5000 : i32
    %mul3A_250 = arith.muli %add3A, %mul3A_249 : i32
    %add3A_251 = arith.constant 1600 : i32
    %add3A_252 = arith.addi %mul3A_250, %add3A_251 : i32
    %multiple_of3A_253 = tpu.assume_multiple %add3A_252, 8 : i32
    %dma_start3A_254 = arith.constant 0 : i32
    %dma_start3A_255 = tpu.memref_slice %arg4[%multiple_of3A_253, %dma_start3A_254] : memref<160000x128xi32, #tpu.memory_space<hbm>> -> memref<200x128xi32, #tpu.memory_space<hbm>>
    %dma_start3A_256 = arith.constant 0 : i32
    %dma_start3A_257 = tpu.memref_slice %arg4[%multiple_of3A_253, %dma_start3A_256] : memref<160000x128xi32, #tpu.memory_space<hbm>> -> memref<200x128xi32, #tpu.memory_space<hbm>>
    tpu.enqueue_dma source(%arg7 : memref<200x128xi32, #tpu.memory_space<vmem>>) target(%dma_start3A_257 : memref<200x128xi32, #tpu.memory_space<hbm>>) target_semaphore(%arg13 : memref<!tpu.dma_semaphore, #tpu.memory_space<semaphore_mem>>)
    %mul3A_258 = arith.constant 5000 : i32
    %mul3A_259 = arith.muli %add3A, %mul3A_258 : i32
    %add3A_260 = arith.constant 2000 : i32
    %add3A_261 = arith.addi %mul3A_259, %add3A_260 : i32
    %multiple_of3A_262 = tpu.assume_multiple %add3A_261, 8 : i32
    %dma_start3A_263 = tpu.memref_slice %arg3[%multiple_of3A_262] : memref<160000xi32, #tpu.memory_space<hbm>> -> memref<200xi32, #tpu.memory_space<hbm>>
    %dma_start3A_264 = tpu.memref_slice %arg3[%multiple_of3A_262] : memref<160000xi32, #tpu.memory_space<hbm>> -> memref<200xi32, #tpu.memory_space<hbm>>
    tpu.enqueue_dma source(%dma_start3A_264 : memref<200xi32, #tpu.memory_space<hbm>>) target(%arg5 : memref<200xi32, #tpu.memory_space<vmem>>) target_semaphore(%arg9 : memref<!tpu.dma_semaphore, #tpu.memory_space<semaphore_mem>>)
    %dma_wait3A_265 = arith.constant 0 : i32
    %dma_wait3A_266 = arith.constant 0 : i32
    %dma_wait3A_267 = tpu.memref_slice %arg2[%dma_wait3A_265, %dma_wait3A_266] : memref<10000x128xi32, #tpu.memory_space<hbm>> -> memref<10000x128xi32, #tpu.memory_space<hbm>>
    tpu.wait_indirect_dma semaphore(%arg12 : memref<!tpu.dma_semaphore, #tpu.memory_space<semaphore_mem>>) src(%dma_wait3A_267 : memref<10000x128xi32, #tpu.memory_space<hbm>>) dst(%arg8 : memref<200x128xi32, #tpu.memory_space<vmem>>)
    %dma_wait3A_268 = tpu.memref_slice %arg3[%multiple_of3A_262] : memref<160000xi32, #tpu.memory_space<hbm>> -> memref<200xi32, #tpu.memory_space<hbm>>
    %dma_wait3A_269 = tpu.memref_slice %arg3[%multiple_of3A_262] : memref<160000xi32, #tpu.memory_space<hbm>> -> memref<200xi32, #tpu.memory_space<hbm>>
    tpu.wait_dma2 semaphore(%arg9 : memref<!tpu.dma_semaphore, #tpu.memory_space<semaphore_mem>>) src(%dma_wait3A_269 : memref<200xi32, #tpu.memory_space<hbm>>) dst(%arg5 : memref<200xi32, #tpu.memory_space<vmem>>)
    %dma_wait3A_270 = arith.constant 0 : i32
    %dma_wait3A_271 = tpu.memref_slice %arg4[%multiple_of3A_253, %dma_wait3A_270] : memref<160000x128xi32, #tpu.memory_space<hbm>> -> memref<200x128xi32, #tpu.memory_space<hbm>>
    %dma_wait3A_272 = arith.constant 0 : i32
    %dma_wait3A_273 = tpu.memref_slice %arg4[%multiple_of3A_253, %dma_wait3A_272] : memref<160000x128xi32, #tpu.memory_space<hbm>> -> memref<200x128xi32, #tpu.memory_space<hbm>>
    tpu.wait_dma2 semaphore(%arg13 : memref<!tpu.dma_semaphore, #tpu.memory_space<semaphore_mem>>) src(%arg7 : memref<200x128xi32, #tpu.memory_space<vmem>>) dst(%dma_wait3A_273 : memref<200x128xi32, #tpu.memory_space<hbm>>)
    %dma_start3A_274 = arith.constant 0 : i32
    %dma_start3A_275 = arith.constant 0 : i32
    %dma_start3A_276 = tpu.memref_slice %arg2[%dma_start3A_274, %dma_start3A_275] : memref<10000x128xi32, #tpu.memory_space<hbm>> -> memref<10000x128xi32, #tpu.memory_space<hbm>>
    tpu.enqueue_indirect_dma source(%dma_start3A_276 : memref<10000x128xi32, #tpu.memory_space<hbm>>) target(%arg7 : memref<200x128xi32, #tpu.memory_space<vmem>>) offsets(%arg5 : memref<200xi32, #tpu.memory_space<vmem>>) semaphore(%arg11 : memref<!tpu.dma_semaphore, #tpu.memory_space<semaphore_mem>>)
    %mul3A_277 = arith.constant 5000 : i32
    %mul3A_278 = arith.muli %add3A, %mul3A_277 : i32
    %add3A_279 = arith.constant 1800 : i32
    %add3A_280 = arith.addi %mul3A_278, %add3A_279 : i32
    %multiple_of3A_281 = tpu.assume_multiple %add3A_280, 8 : i32
    %dma_start3A_282 = arith.constant 0 : i32
    %dma_start3A_283 = tpu.memref_slice %arg4[%multiple_of3A_281, %dma_start3A_282] : memref<160000x128xi32, #tpu.memory_space<hbm>> -> memref<200x128xi32, #tpu.memory_space<hbm>>
    %dma_start3A_284 = arith.constant 0 : i32
    %dma_start3A_285 = tpu.memref_slice %arg4[%multiple_of3A_281, %dma_start3A_284] : memref<160000x128xi32, #tpu.memory_space<hbm>> -> memref<200x128xi32, #tpu.memory_space<hbm>>
    tpu.enqueue_dma source(%arg8 : memref<200x128xi32, #tpu.memory_space<vmem>>) target(%dma_start3A_285 : memref<200x128xi32, #tpu.memory_space<hbm>>) target_semaphore(%arg14 : memref<!tpu.dma_semaphore, #tpu.memory_space<semaphore_mem>>)
    %mul3A_286 = arith.constant 5000 : i32
    %mul3A_287 = arith.muli %add3A, %mul3A_286 : i32
    %add3A_288 = arith.constant 2200 : i32
    %add3A_289 = arith.addi %mul3A_287, %add3A_288 : i32
    %multiple_of3A_290 = tpu.assume_multiple %add3A_289, 8 : i32
    %dma_start3A_291 = tpu.memref_slice %arg3[%multiple_of3A_290] : memref<160000xi32, #tpu.memory_space<hbm>> -> memref<200xi32, #tpu.memory_space<hbm>>
    %dma_start3A_292 = tpu.memref_slice %arg3[%multiple_of3A_290] : memref<160000xi32, #tpu.memory_space<hbm>> -> memref<200xi32, #tpu.memory_space<hbm>>
    tpu.enqueue_dma source(%dma_start3A_292 : memref<200xi32, #tpu.memory_space<hbm>>) target(%arg6 : memref<200xi32, #tpu.memory_space<vmem>>) target_semaphore(%arg10 : memref<!tpu.dma_semaphore, #tpu.memory_space<semaphore_mem>>)
    %dma_wait3A_293 = arith.constant 0 : i32
    %dma_wait3A_294 = arith.constant 0 : i32
    %dma_wait3A_295 = tpu.memref_slice %arg2[%dma_wait3A_293, %dma_wait3A_294] : memref<10000x128xi32, #tpu.memory_space<hbm>> -> memref<10000x128xi32, #tpu.memory_space<hbm>>
    tpu.wait_indirect_dma semaphore(%arg11 : memref<!tpu.dma_semaphore, #tpu.memory_space<semaphore_mem>>) src(%dma_wait3A_295 : memref<10000x128xi32, #tpu.memory_space<hbm>>) dst(%arg7 : memref<200x128xi32, #tpu.memory_space<vmem>>)
    %dma_wait3A_296 = tpu.memref_slice %arg3[%multiple_of3A_290] : memref<160000xi32, #tpu.memory_space<hbm>> -> memref<200xi32, #tpu.memory_space<hbm>>
    %dma_wait3A_297 = tpu.memref_slice %arg3[%multiple_of3A_290] : memref<160000xi32, #tpu.memory_space<hbm>> -> memref<200xi32, #tpu.memory_space<hbm>>
    tpu.wait_dma2 semaphore(%arg10 : memref<!tpu.dma_semaphore, #tpu.memory_space<semaphore_mem>>) src(%dma_wait3A_297 : memref<200xi32, #tpu.memory_space<hbm>>) dst(%arg6 : memref<200xi32, #tpu.memory_space<vmem>>)
    %dma_wait3A_298 = arith.constant 0 : i32
    %dma_wait3A_299 = tpu.memref_slice %arg4[%multiple_of3A_281, %dma_wait3A_298] : memref<160000x128xi32, #tpu.memory_space<hbm>> -> memref<200x128xi32, #tpu.memory_space<hbm>>
    %dma_wait3A_300 = arith.constant 0 : i32
    %dma_wait3A_301 = tpu.memref_slice %arg4[%multiple_of3A_281, %dma_wait3A_300] : memref<160000x128xi32, #tpu.memory_space<hbm>> -> memref<200x128xi32, #tpu.memory_space<hbm>>
    tpu.wait_dma2 semaphore(%arg14 : memref<!tpu.dma_semaphore, #tpu.memory_space<semaphore_mem>>) src(%arg8 : memref<200x128xi32, #tpu.memory_space<vmem>>) dst(%dma_wait3A_301 : memref<200x128xi32, #tpu.memory_space<hbm>>)
    %dma_start3A_302 = arith.constant 0 : i32
    %dma_start3A_303 = arith.constant 0 : i32
    %dma_start3A_304 = tpu.memref_slice %arg2[%dma_start3A_302, %dma_start3A_303] : memref<10000x128xi32, #tpu.memory_space<hbm>> -> memref<10000x128xi32, #tpu.memory_space<hbm>>
    tpu.enqueue_indirect_dma source(%dma_start3A_304 : memref<10000x128xi32, #tpu.memory_space<hbm>>) target(%arg8 : memref<200x128xi32, #tpu.memory_space<vmem>>) offsets(%arg6 : memref<200xi32, #tpu.memory_space<vmem>>) semaphore(%arg12 : memref<!tpu.dma_semaphore, #tpu.memory_space<semaphore_mem>>)
    %mul3A_305 = arith.constant 5000 : i32
    %mul3A_306 = arith.muli %add3A, %mul3A_305 : i32
    %add3A_307 = arith.constant 2000 : i32
    %add3A_308 = arith.addi %mul3A_306, %add3A_307 : i32
    %multiple_of3A_309 = tpu.assume_multiple %add3A_308, 8 : i32
    %dma_start3A_310 = arith.constant 0 : i32
    %dma_start3A_311 = tpu.memref_slice %arg4[%multiple_of3A_309, %dma_start3A_310] : memref<160000x128xi32, #tpu.memory_space<hbm>> -> memref<200x128xi32, #tpu.memory_space<hbm>>
    %dma_start3A_312 = arith.constant 0 : i32
    %dma_start3A_313 = tpu.memref_slice %arg4[%multiple_of3A_309, %dma_start3A_312] : memref<160000x128xi32, #tpu.memory_space<hbm>> -> memref<200x128xi32, #tpu.memory_space<hbm>>
    tpu.enqueue_dma source(%arg7 : memref<200x128xi32, #tpu.memory_space<vmem>>) target(%dma_start3A_313 : memref<200x128xi32, #tpu.memory_space<hbm>>) target_semaphore(%arg13 : memref<!tpu.dma_semaphore, #tpu.memory_space<semaphore_mem>>)
    %mul3A_314 = arith.constant 5000 : i32
    %mul3A_315 = arith.muli %add3A, %mul3A_314 : i32
    %add3A_316 = arith.constant 2400 : i32
    %add3A_317 = arith.addi %mul3A_315, %add3A_316 : i32
    %multiple_of3A_318 = tpu.assume_multiple %add3A_317, 8 : i32
    %dma_start3A_319 = tpu.memref_slice %arg3[%multiple_of3A_318] : memref<160000xi32, #tpu.memory_space<hbm>> -> memref<200xi32, #tpu.memory_space<hbm>>
    %dma_start3A_320 = tpu.memref_slice %arg3[%multiple_of3A_318] : memref<160000xi32, #tpu.memory_space<hbm>> -> memref<200xi32, #tpu.memory_space<hbm>>
    tpu.enqueue_dma source(%dma_start3A_320 : memref<200xi32, #tpu.memory_space<hbm>>) target(%arg5 : memref<200xi32, #tpu.memory_space<vmem>>) target_semaphore(%arg9 : memref<!tpu.dma_semaphore, #tpu.memory_space<semaphore_mem>>)
    %dma_wait3A_321 = arith.constant 0 : i32
    %dma_wait3A_322 = arith.constant 0 : i32
    %dma_wait3A_323 = tpu.memref_slice %arg2[%dma_wait3A_321, %dma_wait3A_322] : memref<10000x128xi32, #tpu.memory_space<hbm>> -> memref<10000x128xi32, #tpu.memory_space<hbm>>
    tpu.wait_indirect_dma semaphore(%arg12 : memref<!tpu.dma_semaphore, #tpu.memory_space<semaphore_mem>>) src(%dma_wait3A_323 : memref<10000x128xi32, #tpu.memory_space<hbm>>) dst(%arg8 : memref<200x128xi32, #tpu.memory_space<vmem>>)
    %dma_wait3A_324 = tpu.memref_slice %arg3[%multiple_of3A_318] : memref<160000xi32, #tpu.memory_space<hbm>> -> memref<200xi32, #tpu.memory_space<hbm>>
    %dma_wait3A_325 = tpu.memref_slice %arg3[%multiple_of3A_318] : memref<160000xi32, #tpu.memory_space<hbm>> -> memref<200xi32, #tpu.memory_space<hbm>>
    tpu.wait_dma2 semaphore(%arg9 : memref<!tpu.dma_semaphore, #tpu.memory_space<semaphore_mem>>) src(%dma_wait3A_325 : memref<200xi32, #tpu.memory_space<hbm>>) dst(%arg5 : memref<200xi32, #tpu.memory_space<vmem>>)
    %dma_wait3A_326 = arith.constant 0 : i32
    %dma_wait3A_327 = tpu.memref_slice %arg4[%multiple_of3A_309, %dma_wait3A_326] : memref<160000x128xi32, #tpu.memory_space<hbm>> -> memref<200x128xi32, #tpu.memory_space<hbm>>
    %dma_wait3A_328 = arith.constant 0 : i32
    %dma_wait3A_329 = tpu.memref_slice %arg4[%multiple_of3A_309, %dma_wait3A_328] : memref<160000x128xi32, #tpu.memory_space<hbm>> -> memref<200x128xi32, #tpu.memory_space<hbm>>
    tpu.wait_dma2 semaphore(%arg13 : memref<!tpu.dma_semaphore, #tpu.memory_space<semaphore_mem>>) src(%arg7 : memref<200x128xi32, #tpu.memory_space<vmem>>) dst(%dma_wait3A_329 : memref<200x128xi32, #tpu.memory_space<hbm>>)
    %dma_start3A_330 = arith.constant 0 : i32
    %dma_start3A_331 = arith.constant 0 : i32
    %dma_start3A_332 = tpu.memref_slice %arg2[%dma_start3A_330, %dma_start3A_331] : memref<10000x128xi32, #tpu.memory_space<hbm>> -> memref<10000x128xi32, #tpu.memory_space<hbm>>
    tpu.enqueue_indirect_dma source(%dma_start3A_332 : memref<10000x128xi32, #tpu.memory_space<hbm>>) target(%arg7 : memref<200x128xi32, #tpu.memory_space<vmem>>) offsets(%arg5 : memref<200xi32, #tpu.memory_space<vmem>>) semaphore(%arg11 : memref<!tpu.dma_semaphore, #tpu.memory_space<semaphore_mem>>)
    %mul3A_333 = arith.constant 5000 : i32
    %mul3A_334 = arith.muli %add3A, %mul3A_333 : i32
    %add3A_335 = arith.constant 2200 : i32
    %add3A_336 = arith.addi %mul3A_334, %add3A_335 : i32
    %multiple_of3A_337 = tpu.assume_multiple %add3A_336, 8 : i32
    %dma_start3A_338 = arith.constant 0 : i32
    %dma_start3A_339 = tpu.memref_slice %arg4[%multiple_of3A_337, %dma_start3A_338] : memref<160000x128xi32, #tpu.memory_space<hbm>> -> memref<200x128xi32, #tpu.memory_space<hbm>>
    %dma_start3A_340 = arith.constant 0 : i32
    %dma_start3A_341 = tpu.memref_slice %arg4[%multiple_of3A_337, %dma_start3A_340] : memref<160000x128xi32, #tpu.memory_space<hbm>> -> memref<200x128xi32, #tpu.memory_space<hbm>>
    tpu.enqueue_dma source(%arg8 : memref<200x128xi32, #tpu.memory_space<vmem>>) target(%dma_start3A_341 : memref<200x128xi32, #tpu.memory_space<hbm>>) target_semaphore(%arg14 : memref<!tpu.dma_semaphore, #tpu.memory_space<semaphore_mem>>)
    %mul3A_342 = arith.constant 5000 : i32
    %mul3A_343 = arith.muli %add3A, %mul3A_342 : i32
    %add3A_344 = arith.constant 2600 : i32
    %add3A_345 = arith.addi %mul3A_343, %add3A_344 : i32
    %multiple_of3A_346 = tpu.assume_multiple %add3A_345, 8 : i32
    %dma_start3A_347 = tpu.memref_slice %arg3[%multiple_of3A_346] : memref<160000xi32, #tpu.memory_space<hbm>> -> memref<200xi32, #tpu.memory_space<hbm>>
    %dma_start3A_348 = tpu.memref_slice %arg3[%multiple_of3A_346] : memref<160000xi32, #tpu.memory_space<hbm>> -> memref<200xi32, #tpu.memory_space<hbm>>
    tpu.enqueue_dma source(%dma_start3A_348 : memref<200xi32, #tpu.memory_space<hbm>>) target(%arg6 : memref<200xi32, #tpu.memory_space<vmem>>) target_semaphore(%arg10 : memref<!tpu.dma_semaphore, #tpu.memory_space<semaphore_mem>>)
    %dma_wait3A_349 = arith.constant 0 : i32
    %dma_wait3A_350 = arith.constant 0 : i32
    %dma_wait3A_351 = tpu.memref_slice %arg2[%dma_wait3A_349, %dma_wait3A_350] : memref<10000x128xi32, #tpu.memory_space<hbm>> -> memref<10000x128xi32, #tpu.memory_space<hbm>>
    tpu.wait_indirect_dma semaphore(%arg11 : memref<!tpu.dma_semaphore, #tpu.memory_space<semaphore_mem>>) src(%dma_wait3A_351 : memref<10000x128xi32, #tpu.memory_space<hbm>>) dst(%arg7 : memref<200x128xi32, #tpu.memory_space<vmem>>)
    %dma_wait3A_352 = tpu.memref_slice %arg3[%multiple_of3A_346] : memref<160000xi32, #tpu.memory_space<hbm>> -> memref<200xi32, #tpu.memory_space<hbm>>
    %dma_wait3A_353 = tpu.memref_slice %arg3[%multiple_of3A_346] : memref<160000xi32, #tpu.memory_space<hbm>> -> memref<200xi32, #tpu.memory_space<hbm>>
    tpu.wait_dma2 semaphore(%arg10 : memref<!tpu.dma_semaphore, #tpu.memory_space<semaphore_mem>>) src(%dma_wait3A_353 : memref<200xi32, #tpu.memory_space<hbm>>) dst(%arg6 : memref<200xi32, #tpu.memory_space<vmem>>)
    %dma_wait3A_354 = arith.constant 0 : i32
    %dma_wait3A_355 = tpu.memref_slice %arg4[%multiple_of3A_337, %dma_wait3A_354] : memref<160000x128xi32, #tpu.memory_space<hbm>> -> memref<200x128xi32, #tpu.memory_space<hbm>>
    %dma_wait3A_356 = arith.constant 0 : i32
    %dma_wait3A_357 = tpu.memref_slice %arg4[%multiple_of3A_337, %dma_wait3A_356] : memref<160000x128xi32, #tpu.memory_space<hbm>> -> memref<200x128xi32, #tpu.memory_space<hbm>>
    tpu.wait_dma2 semaphore(%arg14 : memref<!tpu.dma_semaphore, #tpu.memory_space<semaphore_mem>>) src(%arg8 : memref<200x128xi32, #tpu.memory_space<vmem>>) dst(%dma_wait3A_357 : memref<200x128xi32, #tpu.memory_space<hbm>>)
    %dma_start3A_358 = arith.constant 0 : i32
    %dma_start3A_359 = arith.constant 0 : i32
    %dma_start3A_360 = tpu.memref_slice %arg2[%dma_start3A_358, %dma_start3A_359] : memref<10000x128xi32, #tpu.memory_space<hbm>> -> memref<10000x128xi32, #tpu.memory_space<hbm>>
    tpu.enqueue_indirect_dma source(%dma_start3A_360 : memref<10000x128xi32, #tpu.memory_space<hbm>>) target(%arg8 : memref<200x128xi32, #tpu.memory_space<vmem>>) offsets(%arg6 : memref<200xi32, #tpu.memory_space<vmem>>) semaphore(%arg12 : memref<!tpu.dma_semaphore, #tpu.memory_space<semaphore_mem>>)
    %mul3A_361 = arith.constant 5000 : i32
    %mul3A_362 = arith.muli %add3A, %mul3A_361 : i32
    %add3A_363 = arith.constant 2400 : i32
    %add3A_364 = arith.addi %mul3A_362, %add3A_363 : i32
    %multiple_of3A_365 = tpu.assume_multiple %add3A_364, 8 : i32
    %dma_start3A_366 = arith.constant 0 : i32
    %dma_start3A_367 = tpu.memref_slice %arg4[%multiple_of3A_365, %dma_start3A_366] : memref<160000x128xi32, #tpu.memory_space<hbm>> -> memref<200x128xi32, #tpu.memory_space<hbm>>
    %dma_start3A_368 = arith.constant 0 : i32
    %dma_start3A_369 = tpu.memref_slice %arg4[%multiple_of3A_365, %dma_start3A_368] : memref<160000x128xi32, #tpu.memory_space<hbm>> -> memref<200x128xi32, #tpu.memory_space<hbm>>
    tpu.enqueue_dma source(%arg7 : memref<200x128xi32, #tpu.memory_space<vmem>>) target(%dma_start3A_369 : memref<200x128xi32, #tpu.memory_space<hbm>>) target_semaphore(%arg13 : memref<!tpu.dma_semaphore, #tpu.memory_space<semaphore_mem>>)
    %mul3A_370 = arith.constant 5000 : i32
    %mul3A_371 = arith.muli %add3A, %mul3A_370 : i32
    %add3A_372 = arith.constant 2800 : i32
    %add3A_373 = arith.addi %mul3A_371, %add3A_372 : i32
    %multiple_of3A_374 = tpu.assume_multiple %add3A_373, 8 : i32
    %dma_start3A_375 = tpu.memref_slice %arg3[%multiple_of3A_374] : memref<160000xi32, #tpu.memory_space<hbm>> -> memref<200xi32, #tpu.memory_space<hbm>>
    %dma_start3A_376 = tpu.memref_slice %arg3[%multiple_of3A_374] : memref<160000xi32, #tpu.memory_space<hbm>> -> memref<200xi32, #tpu.memory_space<hbm>>
    tpu.enqueue_dma source(%dma_start3A_376 : memref<200xi32, #tpu.memory_space<hbm>>) target(%arg5 : memref<200xi32, #tpu.memory_space<vmem>>) target_semaphore(%arg9 : memref<!tpu.dma_semaphore, #tpu.memory_space<semaphore_mem>>)
    %dma_wait3A_377 = arith.constant 0 : i32
    %dma_wait3A_378 = arith.constant 0 : i32
    %dma_wait3A_379 = tpu.memref_slice %arg2[%dma_wait3A_377, %dma_wait3A_378] : memref<10000x128xi32, #tpu.memory_space<hbm>> -> memref<10000x128xi32, #tpu.memory_space<hbm>>
    tpu.wait_indirect_dma semaphore(%arg12 : memref<!tpu.dma_semaphore, #tpu.memory_space<semaphore_mem>>) src(%dma_wait3A_379 : memref<10000x128xi32, #tpu.memory_space<hbm>>) dst(%arg8 : memref<200x128xi32, #tpu.memory_space<vmem>>)
    %dma_wait3A_380 = tpu.memref_slice %arg3[%multiple_of3A_374] : memref<160000xi32, #tpu.memory_space<hbm>> -> memref<200xi32, #tpu.memory_space<hbm>>
    %dma_wait3A_381 = tpu.memref_slice %arg3[%multiple_of3A_374] : memref<160000xi32, #tpu.memory_space<hbm>> -> memref<200xi32, #tpu.memory_space<hbm>>
    tpu.wait_dma2 semaphore(%arg9 : memref<!tpu.dma_semaphore, #tpu.memory_space<semaphore_mem>>) src(%dma_wait3A_381 : memref<200xi32, #tpu.memory_space<hbm>>) dst(%arg5 : memref<200xi32, #tpu.memory_space<vmem>>)
    %dma_wait3A_382 = arith.constant 0 : i32
    %dma_wait3A_383 = tpu.memref_slice %arg4[%multiple_of3A_365, %dma_wait3A_382] : memref<160000x128xi32, #tpu.memory_space<hbm>> -> memref<200x128xi32, #tpu.memory_space<hbm>>
    %dma_wait3A_384 = arith.constant 0 : i32
    %dma_wait3A_385 = tpu.memref_slice %arg4[%multiple_of3A_365, %dma_wait3A_384] : memref<160000x128xi32, #tpu.memory_space<hbm>> -> memref<200x128xi32, #tpu.memory_space<hbm>>
    tpu.wait_dma2 semaphore(%arg13 : memref<!tpu.dma_semaphore, #tpu.memory_space<semaphore_mem>>) src(%arg7 : memref<200x128xi32, #tpu.memory_space<vmem>>) dst(%dma_wait3A_385 : memref<200x128xi32, #tpu.memory_space<hbm>>)
    %dma_start3A_386 = arith.constant 0 : i32
    %dma_start3A_387 = arith.constant 0 : i32
    %dma_start3A_388 = tpu.memref_slice %arg2[%dma_start3A_386, %dma_start3A_387] : memref<10000x128xi32, #tpu.memory_space<hbm>> -> memref<10000x128xi32, #tpu.memory_space<hbm>>
    tpu.enqueue_indirect_dma source(%dma_start3A_388 : memref<10000x128xi32, #tpu.memory_space<hbm>>) target(%arg7 : memref<200x128xi32, #tpu.memory_space<vmem>>) offsets(%arg5 : memref<200xi32, #tpu.memory_space<vmem>>) semaphore(%arg11 : memref<!tpu.dma_semaphore, #tpu.memory_space<semaphore_mem>>)
    %mul3A_389 = arith.constant 5000 : i32
    %mul3A_390 = arith.muli %add3A, %mul3A_389 : i32
    %add3A_391 = arith.constant 2600 : i32
    %add3A_392 = arith.addi %mul3A_390, %add3A_391 : i32
    %multiple_of3A_393 = tpu.assume_multiple %add3A_392, 8 : i32
    %dma_start3A_394 = arith.constant 0 : i32
    %dma_start3A_395 = tpu.memref_slice %arg4[%multiple_of3A_393, %dma_start3A_394] : memref<160000x128xi32, #tpu.memory_space<hbm>> -> memref<200x128xi32, #tpu.memory_space<hbm>>
    %dma_start3A_396 = arith.constant 0 : i32
    %dma_start3A_397 = tpu.memref_slice %arg4[%multiple_of3A_393, %dma_start3A_396] : memref<160000x128xi32, #tpu.memory_space<hbm>> -> memref<200x128xi32, #tpu.memory_space<hbm>>
    tpu.enqueue_dma source(%arg8 : memref<200x128xi32, #tpu.memory_space<vmem>>) target(%dma_start3A_397 : memref<200x128xi32, #tpu.memory_space<hbm>>) target_semaphore(%arg14 : memref<!tpu.dma_semaphore, #tpu.memory_space<semaphore_mem>>)
    %mul3A_398 = arith.constant 5000 : i32
    %mul3A_399 = arith.muli %add3A, %mul3A_398 : i32
    %add3A_400 = arith.constant 3000 : i32
    %add3A_401 = arith.addi %mul3A_399, %add3A_400 : i32
    %multiple_of3A_402 = tpu.assume_multiple %add3A_401, 8 : i32
    %dma_start3A_403 = tpu.memref_slice %arg3[%multiple_of3A_402] : memref<160000xi32, #tpu.memory_space<hbm>> -> memref<200xi32, #tpu.memory_space<hbm>>
    %dma_start3A_404 = tpu.memref_slice %arg3[%multiple_of3A_402] : memref<160000xi32, #tpu.memory_space<hbm>> -> memref<200xi32, #tpu.memory_space<hbm>>
    tpu.enqueue_dma source(%dma_start3A_404 : memref<200xi32, #tpu.memory_space<hbm>>) target(%arg6 : memref<200xi32, #tpu.memory_space<vmem>>) target_semaphore(%arg10 : memref<!tpu.dma_semaphore, #tpu.memory_space<semaphore_mem>>)
    %dma_wait3A_405 = arith.constant 0 : i32
    %dma_wait3A_406 = arith.constant 0 : i32
    %dma_wait3A_407 = tpu.memref_slice %arg2[%dma_wait3A_405, %dma_wait3A_406] : memref<10000x128xi32, #tpu.memory_space<hbm>> -> memref<10000x128xi32, #tpu.memory_space<hbm>>
    tpu.wait_indirect_dma semaphore(%arg11 : memref<!tpu.dma_semaphore, #tpu.memory_space<semaphore_mem>>) src(%dma_wait3A_407 : memref<10000x128xi32, #tpu.memory_space<hbm>>) dst(%arg7 : memref<200x128xi32, #tpu.memory_space<vmem>>)
    %dma_wait3A_408 = tpu.memref_slice %arg3[%multiple_of3A_402] : memref<160000xi32, #tpu.memory_space<hbm>> -> memref<200xi32, #tpu.memory_space<hbm>>
    %dma_wait3A_409 = tpu.memref_slice %arg3[%multiple_of3A_402] : memref<160000xi32, #tpu.memory_space<hbm>> -> memref<200xi32, #tpu.memory_space<hbm>>
    tpu.wait_dma2 semaphore(%arg10 : memref<!tpu.dma_semaphore, #tpu.memory_space<semaphore_mem>>) src(%dma_wait3A_409 : memref<200xi32, #tpu.memory_space<hbm>>) dst(%arg6 : memref<200xi32, #tpu.memory_space<vmem>>)
    %dma_wait3A_410 = arith.constant 0 : i32
    %dma_wait3A_411 = tpu.memref_slice %arg4[%multiple_of3A_393, %dma_wait3A_410] : memref<160000x128xi32, #tpu.memory_space<hbm>> -> memref<200x128xi32, #tpu.memory_space<hbm>>
    %dma_wait3A_412 = arith.constant 0 : i32
    %dma_wait3A_413 = tpu.memref_slice %arg4[%multiple_of3A_393, %dma_wait3A_412] : memref<160000x128xi32, #tpu.memory_space<hbm>> -> memref<200x128xi32, #tpu.memory_space<hbm>>
    tpu.wait_dma2 semaphore(%arg14 : memref<!tpu.dma_semaphore, #tpu.memory_space<semaphore_mem>>) src(%arg8 : memref<200x128xi32, #tpu.memory_space<vmem>>) dst(%dma_wait3A_413 : memref<200x128xi32, #tpu.memory_space<hbm>>)
    %dma_start3A_414 = arith.constant 0 : i32
    %dma_start3A_415 = arith.constant 0 : i32
    %dma_start3A_416 = tpu.memref_slice %arg2[%dma_start3A_414, %dma_start3A_415] : memref<10000x128xi32, #tpu.memory_space<hbm>> -> memref<10000x128xi32, #tpu.memory_space<hbm>>
    tpu.enqueue_indirect_dma source(%dma_start3A_416 : memref<10000x128xi32, #tpu.memory_space<hbm>>) target(%arg8 : memref<200x128xi32, #tpu.memory_space<vmem>>) offsets(%arg6 : memref<200xi32, #tpu.memory_space<vmem>>) semaphore(%arg12 : memref<!tpu.dma_semaphore, #tpu.memory_space<semaphore_mem>>)
    %mul3A_417 = arith.constant 5000 : i32
    %mul3A_418 = arith.muli %add3A, %mul3A_417 : i32
    %add3A_419 = arith.constant 2800 : i32
    %add3A_420 = arith.addi %mul3A_418, %add3A_419 : i32
    %multiple_of3A_421 = tpu.assume_multiple %add3A_420, 8 : i32
    %dma_start3A_422 = arith.constant 0 : i32
    %dma_start3A_423 = tpu.memref_slice %arg4[%multiple_of3A_421, %dma_start3A_422] : memref<160000x128xi32, #tpu.memory_space<hbm>> -> memref<200x128xi32, #tpu.memory_space<hbm>>
    %dma_start3A_424 = arith.constant 0 : i32
    %dma_start3A_425 = tpu.memref_slice %arg4[%multiple_of3A_421, %dma_start3A_424] : memref<160000x128xi32, #tpu.memory_space<hbm>> -> memref<200x128xi32, #tpu.memory_space<hbm>>
    tpu.enqueue_dma source(%arg7 : memref<200x128xi32, #tpu.memory_space<vmem>>) target(%dma_start3A_425 : memref<200x128xi32, #tpu.memory_space<hbm>>) target_semaphore(%arg13 : memref<!tpu.dma_semaphore, #tpu.memory_space<semaphore_mem>>)
    %mul3A_426 = arith.constant 5000 : i32
    %mul3A_427 = arith.muli %add3A, %mul3A_426 : i32
    %add3A_428 = arith.constant 3200 : i32
    %add3A_429 = arith.addi %mul3A_427, %add3A_428 : i32
    %multiple_of3A_430 = tpu.assume_multiple %add3A_429, 8 : i32
    %dma_start3A_431 = tpu.memref_slice %arg3[%multiple_of3A_430] : memref<160000xi32, #tpu.memory_space<hbm>> -> memref<200xi32, #tpu.memory_space<hbm>>
    %dma_start3A_432 = tpu.memref_slice %arg3[%multiple_of3A_430] : memref<160000xi32, #tpu.memory_space<hbm>> -> memref<200xi32, #tpu.memory_space<hbm>>
    tpu.enqueue_dma source(%dma_start3A_432 : memref<200xi32, #tpu.memory_space<hbm>>) target(%arg5 : memref<200xi32, #tpu.memory_space<vmem>>) target_semaphore(%arg9 : memref<!tpu.dma_semaphore, #tpu.memory_space<semaphore_mem>>)
    %dma_wait3A_433 = arith.constant 0 : i32
    %dma_wait3A_434 = arith.constant 0 : i32
    %dma_wait3A_435 = tpu.memref_slice %arg2[%dma_wait3A_433, %dma_wait3A_434] : memref<10000x128xi32, #tpu.memory_space<hbm>> -> memref<10000x128xi32, #tpu.memory_space<hbm>>
    tpu.wait_indirect_dma semaphore(%arg12 : memref<!tpu.dma_semaphore, #tpu.memory_space<semaphore_mem>>) src(%dma_wait3A_435 : memref<10000x128xi32, #tpu.memory_space<hbm>>) dst(%arg8 : memref<200x128xi32, #tpu.memory_space<vmem>>)
    %dma_wait3A_436 = tpu.memref_slice %arg3[%multiple_of3A_430] : memref<160000xi32, #tpu.memory_space<hbm>> -> memref<200xi32, #tpu.memory_space<hbm>>
    %dma_wait3A_437 = tpu.memref_slice %arg3[%multiple_of3A_430] : memref<160000xi32, #tpu.memory_space<hbm>> -> memref<200xi32, #tpu.memory_space<hbm>>
    tpu.wait_dma2 semaphore(%arg9 : memref<!tpu.dma_semaphore, #tpu.memory_space<semaphore_mem>>) src(%dma_wait3A_437 : memref<200xi32, #tpu.memory_space<hbm>>) dst(%arg5 : memref<200xi32, #tpu.memory_space<vmem>>)
    %dma_wait3A_438 = arith.constant 0 : i32
    %dma_wait3A_439 = tpu.memref_slice %arg4[%multiple_of3A_421, %dma_wait3A_438] : memref<160000x128xi32, #tpu.memory_space<hbm>> -> memref<200x128xi32, #tpu.memory_space<hbm>>
    %dma_wait3A_440 = arith.constant 0 : i32
    %dma_wait3A_441 = tpu.memref_slice %arg4[%multiple_of3A_421, %dma_wait3A_440] : memref<160000x128xi32, #tpu.memory_space<hbm>> -> memref<200x128xi32, #tpu.memory_space<hbm>>
    tpu.wait_dma2 semaphore(%arg13 : memref<!tpu.dma_semaphore, #tpu.memory_space<semaphore_mem>>) src(%arg7 : memref<200x128xi32, #tpu.memory_space<vmem>>) dst(%dma_wait3A_441 : memref<200x128xi32, #tpu.memory_space<hbm>>)
    %dma_start3A_442 = arith.constant 0 : i32
    %dma_start3A_443 = arith.constant 0 : i32
    %dma_start3A_444 = tpu.memref_slice %arg2[%dma_start3A_442, %dma_start3A_443] : memref<10000x128xi32, #tpu.memory_space<hbm>> -> memref<10000x128xi32, #tpu.memory_space<hbm>>
    tpu.enqueue_indirect_dma source(%dma_start3A_444 : memref<10000x128xi32, #tpu.memory_space<hbm>>) target(%arg7 : memref<200x128xi32, #tpu.memory_space<vmem>>) offsets(%arg5 : memref<200xi32, #tpu.memory_space<vmem>>) semaphore(%arg11 : memref<!tpu.dma_semaphore, #tpu.memory_space<semaphore_mem>>)
    %mul3A_445 = arith.constant 5000 : i32
    %mul3A_446 = arith.muli %add3A, %mul3A_445 : i32
    %add3A_447 = arith.constant 3000 : i32
    %add3A_448 = arith.addi %mul3A_446, %add3A_447 : i32
    %multiple_of3A_449 = tpu.assume_multiple %add3A_448, 8 : i32
    %dma_start3A_450 = arith.constant 0 : i32
    %dma_start3A_451 = tpu.memref_slice %arg4[%multiple_of3A_449, %dma_start3A_450] : memref<160000x128xi32, #tpu.memory_space<hbm>> -> memref<200x128xi32, #tpu.memory_space<hbm>>
    %dma_start3A_452 = arith.constant 0 : i32
    %dma_start3A_453 = tpu.memref_slice %arg4[%multiple_of3A_449, %dma_start3A_452] : memref<160000x128xi32, #tpu.memory_space<hbm>> -> memref<200x128xi32, #tpu.memory_space<hbm>>
    tpu.enqueue_dma source(%arg8 : memref<200x128xi32, #tpu.memory_space<vmem>>) target(%dma_start3A_453 : memref<200x128xi32, #tpu.memory_space<hbm>>) target_semaphore(%arg14 : memref<!tpu.dma_semaphore, #tpu.memory_space<semaphore_mem>>)
    %mul3A_454 = arith.constant 5000 : i32
    %mul3A_455 = arith.muli %add3A, %mul3A_454 : i32
    %add3A_456 = arith.constant 3400 : i32
    %add3A_457 = arith.addi %mul3A_455, %add3A_456 : i32
    %multiple_of3A_458 = tpu.assume_multiple %add3A_457, 8 : i32
    %dma_start3A_459 = tpu.memref_slice %arg3[%multiple_of3A_458] : memref<160000xi32, #tpu.memory_space<hbm>> -> memref<200xi32, #tpu.memory_space<hbm>>
    %dma_start3A_460 = tpu.memref_slice %arg3[%multiple_of3A_458] : memref<160000xi32, #tpu.memory_space<hbm>> -> memref<200xi32, #tpu.memory_space<hbm>>
    tpu.enqueue_dma source(%dma_start3A_460 : memref<200xi32, #tpu.memory_space<hbm>>) target(%arg6 : memref<200xi32, #tpu.memory_space<vmem>>) target_semaphore(%arg10 : memref<!tpu.dma_semaphore, #tpu.memory_space<semaphore_mem>>)
    %dma_wait3A_461 = arith.constant 0 : i32
    %dma_wait3A_462 = arith.constant 0 : i32
    %dma_wait3A_463 = tpu.memref_slice %arg2[%dma_wait3A_461, %dma_wait3A_462] : memref<10000x128xi32, #tpu.memory_space<hbm>> -> memref<10000x128xi32, #tpu.memory_space<hbm>>
    tpu.wait_indirect_dma semaphore(%arg11 : memref<!tpu.dma_semaphore, #tpu.memory_space<semaphore_mem>>) src(%dma_wait3A_463 : memref<10000x128xi32, #tpu.memory_space<hbm>>) dst(%arg7 : memref<200x128xi32, #tpu.memory_space<vmem>>)
    %dma_wait3A_464 = tpu.memref_slice %arg3[%multiple_of3A_458] : memref<160000xi32, #tpu.memory_space<hbm>> -> memref<200xi32, #tpu.memory_space<hbm>>
    %dma_wait3A_465 = tpu.memref_slice %arg3[%multiple_of3A_458] : memref<160000xi32, #tpu.memory_space<hbm>> -> memref<200xi32, #tpu.memory_space<hbm>>
    tpu.wait_dma2 semaphore(%arg10 : memref<!tpu.dma_semaphore, #tpu.memory_space<semaphore_mem>>) src(%dma_wait3A_465 : memref<200xi32, #tpu.memory_space<hbm>>) dst(%arg6 : memref<200xi32, #tpu.memory_space<vmem>>)
    %dma_wait3A_466 = arith.constant 0 : i32
    %dma_wait3A_467 = tpu.memref_slice %arg4[%multiple_of3A_449, %dma_wait3A_466] : memref<160000x128xi32, #tpu.memory_space<hbm>> -> memref<200x128xi32, #tpu.memory_space<hbm>>
    %dma_wait3A_468 = arith.constant 0 : i32
    %dma_wait3A_469 = tpu.memref_slice %arg4[%multiple_of3A_449, %dma_wait3A_468] : memref<160000x128xi32, #tpu.memory_space<hbm>> -> memref<200x128xi32, #tpu.memory_space<hbm>>
    tpu.wait_dma2 semaphore(%arg14 : memref<!tpu.dma_semaphore, #tpu.memory_space<semaphore_mem>>) src(%arg8 : memref<200x128xi32, #tpu.memory_space<vmem>>) dst(%dma_wait3A_469 : memref<200x128xi32, #tpu.memory_space<hbm>>)
    %dma_start3A_470 = arith.constant 0 : i32
    %dma_start3A_471 = arith.constant 0 : i32
    %dma_start3A_472 = tpu.memref_slice %arg2[%dma_start3A_470, %dma_start3A_471] : memref<10000x128xi32, #tpu.memory_space<hbm>> -> memref<10000x128xi32, #tpu.memory_space<hbm>>
    tpu.enqueue_indirect_dma source(%dma_start3A_472 : memref<10000x128xi32, #tpu.memory_space<hbm>>) target(%arg8 : memref<200x128xi32, #tpu.memory_space<vmem>>) offsets(%arg6 : memref<200xi32, #tpu.memory_space<vmem>>) semaphore(%arg12 : memref<!tpu.dma_semaphore, #tpu.memory_space<semaphore_mem>>)
    %mul3A_473 = arith.constant 5000 : i32
    %mul3A_474 = arith.muli %add3A, %mul3A_473 : i32
    %add3A_475 = arith.constant 3200 : i32
    %add3A_476 = arith.addi %mul3A_474, %add3A_475 : i32
    %multiple_of3A_477 = tpu.assume_multiple %add3A_476, 8 : i32
    %dma_start3A_478 = arith.constant 0 : i32
    %dma_start3A_479 = tpu.memref_slice %arg4[%multiple_of3A_477, %dma_start3A_478] : memref<160000x128xi32, #tpu.memory_space<hbm>> -> memref<200x128xi32, #tpu.memory_space<hbm>>
    %dma_start3A_480 = arith.constant 0 : i32
    %dma_start3A_481 = tpu.memref_slice %arg4[%multiple_of3A_477, %dma_start3A_480] : memref<160000x128xi32, #tpu.memory_space<hbm>> -> memref<200x128xi32, #tpu.memory_space<hbm>>
    tpu.enqueue_dma source(%arg7 : memref<200x128xi32, #tpu.memory_space<vmem>>) target(%dma_start3A_481 : memref<200x128xi32, #tpu.memory_space<hbm>>) target_semaphore(%arg13 : memref<!tpu.dma_semaphore, #tpu.memory_space<semaphore_mem>>)
    %mul3A_482 = arith.constant 5000 : i32
    %mul3A_483 = arith.muli %add3A, %mul3A_482 : i32
    %add3A_484 = arith.constant 3600 : i32
    %add3A_485 = arith.addi %mul3A_483, %add3A_484 : i32
    %multiple_of3A_486 = tpu.assume_multiple %add3A_485, 8 : i32
    %dma_start3A_487 = tpu.memref_slice %arg3[%multiple_of3A_486] : memref<160000xi32, #tpu.memory_space<hbm>> -> memref<200xi32, #tpu.memory_space<hbm>>
    %dma_start3A_488 = tpu.memref_slice %arg3[%multiple_of3A_486] : memref<160000xi32, #tpu.memory_space<hbm>> -> memref<200xi32, #tpu.memory_space<hbm>>
    tpu.enqueue_dma source(%dma_start3A_488 : memref<200xi32, #tpu.memory_space<hbm>>) target(%arg5 : memref<200xi32, #tpu.memory_space<vmem>>) target_semaphore(%arg9 : memref<!tpu.dma_semaphore, #tpu.memory_space<semaphore_mem>>)
    %dma_wait3A_489 = arith.constant 0 : i32
    %dma_wait3A_490 = arith.constant 0 : i32
    %dma_wait3A_491 = tpu.memref_slice %arg2[%dma_wait3A_489, %dma_wait3A_490] : memref<10000x128xi32, #tpu.memory_space<hbm>> -> memref<10000x128xi32, #tpu.memory_space<hbm>>
    tpu.wait_indirect_dma semaphore(%arg12 : memref<!tpu.dma_semaphore, #tpu.memory_space<semaphore_mem>>) src(%dma_wait3A_491 : memref<10000x128xi32, #tpu.memory_space<hbm>>) dst(%arg8 : memref<200x128xi32, #tpu.memory_space<vmem>>)
    %dma_wait3A_492 = tpu.memref_slice %arg3[%multiple_of3A_486] : memref<160000xi32, #tpu.memory_space<hbm>> -> memref<200xi32, #tpu.memory_space<hbm>>
    %dma_wait3A_493 = tpu.memref_slice %arg3[%multiple_of3A_486] : memref<160000xi32, #tpu.memory_space<hbm>> -> memref<200xi32, #tpu.memory_space<hbm>>
    tpu.wait_dma2 semaphore(%arg9 : memref<!tpu.dma_semaphore, #tpu.memory_space<semaphore_mem>>) src(%dma_wait3A_493 : memref<200xi32, #tpu.memory_space<hbm>>) dst(%arg5 : memref<200xi32, #tpu.memory_space<vmem>>)
    %dma_wait3A_494 = arith.constant 0 : i32
    %dma_wait3A_495 = tpu.memref_slice %arg4[%multiple_of3A_477, %dma_wait3A_494] : memref<160000x128xi32, #tpu.memory_space<hbm>> -> memref<200x128xi32, #tpu.memory_space<hbm>>
    %dma_wait3A_496 = arith.constant 0 : i32
    %dma_wait3A_497 = tpu.memref_slice %arg4[%multiple_of3A_477, %dma_wait3A_496] : memref<160000x128xi32, #tpu.memory_space<hbm>> -> memref<200x128xi32, #tpu.memory_space<hbm>>
    tpu.wait_dma2 semaphore(%arg13 : memref<!tpu.dma_semaphore, #tpu.memory_space<semaphore_mem>>) src(%arg7 : memref<200x128xi32, #tpu.memory_space<vmem>>) dst(%dma_wait3A_497 : memref<200x128xi32, #tpu.memory_space<hbm>>)
    %dma_start3A_498 = arith.constant 0 : i32
    %dma_start3A_499 = arith.constant 0 : i32
    %dma_start3A_500 = tpu.memref_slice %arg2[%dma_start3A_498, %dma_start3A_499] : memref<10000x128xi32, #tpu.memory_space<hbm>> -> memref<10000x128xi32, #tpu.memory_space<hbm>>
    tpu.enqueue_indirect_dma source(%dma_start3A_500 : memref<10000x128xi32, #tpu.memory_space<hbm>>) target(%arg7 : memref<200x128xi32, #tpu.memory_space<vmem>>) offsets(%arg5 : memref<200xi32, #tpu.memory_space<vmem>>) semaphore(%arg11 : memref<!tpu.dma_semaphore, #tpu.memory_space<semaphore_mem>>)
    %mul3A_501 = arith.constant 5000 : i32
    %mul3A_502 = arith.muli %add3A, %mul3A_501 : i32
    %add3A_503 = arith.constant 3400 : i32
    %add3A_504 = arith.addi %mul3A_502, %add3A_503 : i32
    %multiple_of3A_505 = tpu.assume_multiple %add3A_504, 8 : i32
    %dma_start3A_506 = arith.constant 0 : i32
    %dma_start3A_507 = tpu.memref_slice %arg4[%multiple_of3A_505, %dma_start3A_506] : memref<160000x128xi32, #tpu.memory_space<hbm>> -> memref<200x128xi32, #tpu.memory_space<hbm>>
    %dma_start3A_508 = arith.constant 0 : i32
    %dma_start3A_509 = tpu.memref_slice %arg4[%multiple_of3A_505, %dma_start3A_508] : memref<160000x128xi32, #tpu.memory_space<hbm>> -> memref<200x128xi32, #tpu.memory_space<hbm>>
    tpu.enqueue_dma source(%arg8 : memref<200x128xi32, #tpu.memory_space<vmem>>) target(%dma_start3A_509 : memref<200x128xi32, #tpu.memory_space<hbm>>) target_semaphore(%arg14 : memref<!tpu.dma_semaphore, #tpu.memory_space<semaphore_mem>>)
    %mul3A_510 = arith.constant 5000 : i32
    %mul3A_511 = arith.muli %add3A, %mul3A_510 : i32
    %add3A_512 = arith.constant 3800 : i32
    %add3A_513 = arith.addi %mul3A_511, %add3A_512 : i32
    %multiple_of3A_514 = tpu.assume_multiple %add3A_513, 8 : i32
    %dma_start3A_515 = tpu.memref_slice %arg3[%multiple_of3A_514] : memref<160000xi32, #tpu.memory_space<hbm>> -> memref<200xi32, #tpu.memory_space<hbm>>
    %dma_start3A_516 = tpu.memref_slice %arg3[%multiple_of3A_514] : memref<160000xi32, #tpu.memory_space<hbm>> -> memref<200xi32, #tpu.memory_space<hbm>>
    tpu.enqueue_dma source(%dma_start3A_516 : memref<200xi32, #tpu.memory_space<hbm>>) target(%arg6 : memref<200xi32, #tpu.memory_space<vmem>>) target_semaphore(%arg10 : memref<!tpu.dma_semaphore, #tpu.memory_space<semaphore_mem>>)
    %dma_wait3A_517 = arith.constant 0 : i32
    %dma_wait3A_518 = arith.constant 0 : i32
    %dma_wait3A_519 = tpu.memref_slice %arg2[%dma_wait3A_517, %dma_wait3A_518] : memref<10000x128xi32, #tpu.memory_space<hbm>> -> memref<10000x128xi32, #tpu.memory_space<hbm>>
    tpu.wait_indirect_dma semaphore(%arg11 : memref<!tpu.dma_semaphore, #tpu.memory_space<semaphore_mem>>) src(%dma_wait3A_519 : memref<10000x128xi32, #tpu.memory_space<hbm>>) dst(%arg7 : memref<200x128xi32, #tpu.memory_space<vmem>>)
    %dma_wait3A_520 = tpu.memref_slice %arg3[%multiple_of3A_514] : memref<160000xi32, #tpu.memory_space<hbm>> -> memref<200xi32, #tpu.memory_space<hbm>>
    %dma_wait3A_521 = tpu.memref_slice %arg3[%multiple_of3A_514] : memref<160000xi32, #tpu.memory_space<hbm>> -> memref<200xi32, #tpu.memory_space<hbm>>
    tpu.wait_dma2 semaphore(%arg10 : memref<!tpu.dma_semaphore, #tpu.memory_space<semaphore_mem>>) src(%dma_wait3A_521 : memref<200xi32, #tpu.memory_space<hbm>>) dst(%arg6 : memref<200xi32, #tpu.memory_space<vmem>>)
    %dma_wait3A_522 = arith.constant 0 : i32
    %dma_wait3A_523 = tpu.memref_slice %arg4[%multiple_of3A_505, %dma_wait3A_522] : memref<160000x128xi32, #tpu.memory_space<hbm>> -> memref<200x128xi32, #tpu.memory_space<hbm>>
    %dma_wait3A_524 = arith.constant 0 : i32
    %dma_wait3A_525 = tpu.memref_slice %arg4[%multiple_of3A_505, %dma_wait3A_524] : memref<160000x128xi32, #tpu.memory_space<hbm>> -> memref<200x128xi32, #tpu.memory_space<hbm>>
    tpu.wait_dma2 semaphore(%arg14 : memref<!tpu.dma_semaphore, #tpu.memory_space<semaphore_mem>>) src(%arg8 : memref<200x128xi32, #tpu.memory_space<vmem>>) dst(%dma_wait3A_525 : memref<200x128xi32, #tpu.memory_space<hbm>>)
    %dma_start3A_526 = arith.constant 0 : i32
    %dma_start3A_527 = arith.constant 0 : i32
    %dma_start3A_528 = tpu.memref_slice %arg2[%dma_start3A_526, %dma_start3A_527] : memref<10000x128xi32, #tpu.memory_space<hbm>> -> memref<10000x128xi32, #tpu.memory_space<hbm>>
    tpu.enqueue_indirect_dma source(%dma_start3A_528 : memref<10000x128xi32, #tpu.memory_space<hbm>>) target(%arg8 : memref<200x128xi32, #tpu.memory_space<vmem>>) offsets(%arg6 : memref<200xi32, #tpu.memory_space<vmem>>) semaphore(%arg12 : memref<!tpu.dma_semaphore, #tpu.memory_space<semaphore_mem>>)
    %mul3A_529 = arith.constant 5000 : i32
    %mul3A_530 = arith.muli %add3A, %mul3A_529 : i32
    %add3A_531 = arith.constant 3600 : i32
    %add3A_532 = arith.addi %mul3A_530, %add3A_531 : i32
    %multiple_of3A_533 = tpu.assume_multiple %add3A_532, 8 : i32
    %dma_start3A_534 = arith.constant 0 : i32
    %dma_start3A_535 = tpu.memref_slice %arg4[%multiple_of3A_533, %dma_start3A_534] : memref<160000x128xi32, #tpu.memory_space<hbm>> -> memref<200x128xi32, #tpu.memory_space<hbm>>
    %dma_start3A_536 = arith.constant 0 : i32
    %dma_start3A_537 = tpu.memref_slice %arg4[%multiple_of3A_533, %dma_start3A_536] : memref<160000x128xi32, #tpu.memory_space<hbm>> -> memref<200x128xi32, #tpu.memory_space<hbm>>
    tpu.enqueue_dma source(%arg7 : memref<200x128xi32, #tpu.memory_space<vmem>>) target(%dma_start3A_537 : memref<200x128xi32, #tpu.memory_space<hbm>>) target_semaphore(%arg13 : memref<!tpu.dma_semaphore, #tpu.memory_space<semaphore_mem>>)
    %mul3A_538 = arith.constant 5000 : i32
    %mul3A_539 = arith.muli %add3A, %mul3A_538 : i32
    %add3A_540 = arith.constant 4000 : i32
    %add3A_541 = arith.addi %mul3A_539, %add3A_540 : i32
    %multiple_of3A_542 = tpu.assume_multiple %add3A_541, 8 : i32
    %dma_start3A_543 = tpu.memref_slice %arg3[%multiple_of3A_542] : memref<160000xi32, #tpu.memory_space<hbm>> -> memref<200xi32, #tpu.memory_space<hbm>>
    %dma_start3A_544 = tpu.memref_slice %arg3[%multiple_of3A_542] : memref<160000xi32, #tpu.memory_space<hbm>> -> memref<200xi32, #tpu.memory_space<hbm>>
    tpu.enqueue_dma source(%dma_start3A_544 : memref<200xi32, #tpu.memory_space<hbm>>) target(%arg5 : memref<200xi32, #tpu.memory_space<vmem>>) target_semaphore(%arg9 : memref<!tpu.dma_semaphore, #tpu.memory_space<semaphore_mem>>)
    %dma_wait3A_545 = arith.constant 0 : i32
    %dma_wait3A_546 = arith.constant 0 : i32
    %dma_wait3A_547 = tpu.memref_slice %arg2[%dma_wait3A_545, %dma_wait3A_546] : memref<10000x128xi32, #tpu.memory_space<hbm>> -> memref<10000x128xi32, #tpu.memory_space<hbm>>
    tpu.wait_indirect_dma semaphore(%arg12 : memref<!tpu.dma_semaphore, #tpu.memory_space<semaphore_mem>>) src(%dma_wait3A_547 : memref<10000x128xi32, #tpu.memory_space<hbm>>) dst(%arg8 : memref<200x128xi32, #tpu.memory_space<vmem>>)
    %dma_wait3A_548 = tpu.memref_slice %arg3[%multiple_of3A_542] : memref<160000xi32, #tpu.memory_space<hbm>> -> memref<200xi32, #tpu.memory_space<hbm>>
    %dma_wait3A_549 = tpu.memref_slice %arg3[%multiple_of3A_542] : memref<160000xi32, #tpu.memory_space<hbm>> -> memref<200xi32, #tpu.memory_space<hbm>>
    tpu.wait_dma2 semaphore(%arg9 : memref<!tpu.dma_semaphore, #tpu.memory_space<semaphore_mem>>) src(%dma_wait3A_549 : memref<200xi32, #tpu.memory_space<hbm>>) dst(%arg5 : memref<200xi32, #tpu.memory_space<vmem>>)
    %dma_wait3A_550 = arith.constant 0 : i32
    %dma_wait3A_551 = tpu.memref_slice %arg4[%multiple_of3A_533, %dma_wait3A_550] : memref<160000x128xi32, #tpu.memory_space<hbm>> -> memref<200x128xi32, #tpu.memory_space<hbm>>
    %dma_wait3A_552 = arith.constant 0 : i32
    %dma_wait3A_553 = tpu.memref_slice %arg4[%multiple_of3A_533, %dma_wait3A_552] : memref<160000x128xi32, #tpu.memory_space<hbm>> -> memref<200x128xi32, #tpu.memory_space<hbm>>
    tpu.wait_dma2 semaphore(%arg13 : memref<!tpu.dma_semaphore, #tpu.memory_space<semaphore_mem>>) src(%arg7 : memref<200x128xi32, #tpu.memory_space<vmem>>) dst(%dma_wait3A_553 : memref<200x128xi32, #tpu.memory_space<hbm>>)
    %dma_start3A_554 = arith.constant 0 : i32
    %dma_start3A_555 = arith.constant 0 : i32
    %dma_start3A_556 = tpu.memref_slice %arg2[%dma_start3A_554, %dma_start3A_555] : memref<10000x128xi32, #tpu.memory_space<hbm>> -> memref<10000x128xi32, #tpu.memory_space<hbm>>
    tpu.enqueue_indirect_dma source(%dma_start3A_556 : memref<10000x128xi32, #tpu.memory_space<hbm>>) target(%arg7 : memref<200x128xi32, #tpu.memory_space<vmem>>) offsets(%arg5 : memref<200xi32, #tpu.memory_space<vmem>>) semaphore(%arg11 : memref<!tpu.dma_semaphore, #tpu.memory_space<semaphore_mem>>)
    %mul3A_557 = arith.constant 5000 : i32
    %mul3A_558 = arith.muli %add3A, %mul3A_557 : i32
    %add3A_559 = arith.constant 3800 : i32
    %add3A_560 = arith.addi %mul3A_558, %add3A_559 : i32
    %multiple_of3A_561 = tpu.assume_multiple %add3A_560, 8 : i32
    %dma_start3A_562 = arith.constant 0 : i32
    %dma_start3A_563 = tpu.memref_slice %arg4[%multiple_of3A_561, %dma_start3A_562] : memref<160000x128xi32, #tpu.memory_space<hbm>> -> memref<200x128xi32, #tpu.memory_space<hbm>>
    %dma_start3A_564 = arith.constant 0 : i32
    %dma_start3A_565 = tpu.memref_slice %arg4[%multiple_of3A_561, %dma_start3A_564] : memref<160000x128xi32, #tpu.memory_space<hbm>> -> memref<200x128xi32, #tpu.memory_space<hbm>>
    tpu.enqueue_dma source(%arg8 : memref<200x128xi32, #tpu.memory_space<vmem>>) target(%dma_start3A_565 : memref<200x128xi32, #tpu.memory_space<hbm>>) target_semaphore(%arg14 : memref<!tpu.dma_semaphore, #tpu.memory_space<semaphore_mem>>)
    %mul3A_566 = arith.constant 5000 : i32
    %mul3A_567 = arith.muli %add3A, %mul3A_566 : i32
    %add3A_568 = arith.constant 4200 : i32
    %add3A_569 = arith.addi %mul3A_567, %add3A_568 : i32
    %multiple_of3A_570 = tpu.assume_multiple %add3A_569, 8 : i32
    %dma_start3A_571 = tpu.memref_slice %arg3[%multiple_of3A_570] : memref<160000xi32, #tpu.memory_space<hbm>> -> memref<200xi32, #tpu.memory_space<hbm>>
    %dma_start3A_572 = tpu.memref_slice %arg3[%multiple_of3A_570] : memref<160000xi32, #tpu.memory_space<hbm>> -> memref<200xi32, #tpu.memory_space<hbm>>
    tpu.enqueue_dma source(%dma_start3A_572 : memref<200xi32, #tpu.memory_space<hbm>>) target(%arg6 : memref<200xi32, #tpu.memory_space<vmem>>) target_semaphore(%arg10 : memref<!tpu.dma_semaphore, #tpu.memory_space<semaphore_mem>>)
    %dma_wait3A_573 = arith.constant 0 : i32
    %dma_wait3A_574 = arith.constant 0 : i32
    %dma_wait3A_575 = tpu.memref_slice %arg2[%dma_wait3A_573, %dma_wait3A_574] : memref<10000x128xi32, #tpu.memory_space<hbm>> -> memref<10000x128xi32, #tpu.memory_space<hbm>>
    tpu.wait_indirect_dma semaphore(%arg11 : memref<!tpu.dma_semaphore, #tpu.memory_space<semaphore_mem>>) src(%dma_wait3A_575 : memref<10000x128xi32, #tpu.memory_space<hbm>>) dst(%arg7 : memref<200x128xi32, #tpu.memory_space<vmem>>)
    %dma_wait3A_576 = tpu.memref_slice %arg3[%multiple_of3A_570] : memref<160000xi32, #tpu.memory_space<hbm>> -> memref<200xi32, #tpu.memory_space<hbm>>
    %dma_wait3A_577 = tpu.memref_slice %arg3[%multiple_of3A_570] : memref<160000xi32, #tpu.memory_space<hbm>> -> memref<200xi32, #tpu.memory_space<hbm>>
    tpu.wait_dma2 semaphore(%arg10 : memref<!tpu.dma_semaphore, #tpu.memory_space<semaphore_mem>>) src(%dma_wait3A_577 : memref<200xi32, #tpu.memory_space<hbm>>) dst(%arg6 : memref<200xi32, #tpu.memory_space<vmem>>)
    %dma_wait3A_578 = arith.constant 0 : i32
    %dma_wait3A_579 = tpu.memref_slice %arg4[%multiple_of3A_561, %dma_wait3A_578] : memref<160000x128xi32, #tpu.memory_space<hbm>> -> memref<200x128xi32, #tpu.memory_space<hbm>>
    %dma_wait3A_580 = arith.constant 0 : i32
    %dma_wait3A_581 = tpu.memref_slice %arg4[%multiple_of3A_561, %dma_wait3A_580] : memref<160000x128xi32, #tpu.memory_space<hbm>> -> memref<200x128xi32, #tpu.memory_space<hbm>>
    tpu.wait_dma2 semaphore(%arg14 : memref<!tpu.dma_semaphore, #tpu.memory_space<semaphore_mem>>) src(%arg8 : memref<200x128xi32, #tpu.memory_space<vmem>>) dst(%dma_wait3A_581 : memref<200x128xi32, #tpu.memory_space<hbm>>)
    %dma_start3A_582 = arith.constant 0 : i32
    %dma_start3A_583 = arith.constant 0 : i32
    %dma_start3A_584 = tpu.memref_slice %arg2[%dma_start3A_582, %dma_start3A_583] : memref<10000x128xi32, #tpu.memory_space<hbm>> -> memref<10000x128xi32, #tpu.memory_space<hbm>>
    tpu.enqueue_indirect_dma source(%dma_start3A_584 : memref<10000x128xi32, #tpu.memory_space<hbm>>) target(%arg8 : memref<200x128xi32, #tpu.memory_space<vmem>>) offsets(%arg6 : memref<200xi32, #tpu.memory_space<vmem>>) semaphore(%arg12 : memref<!tpu.dma_semaphore, #tpu.memory_space<semaphore_mem>>)
    %mul3A_585 = arith.constant 5000 : i32
    %mul3A_586 = arith.muli %add3A, %mul3A_585 : i32
    %add3A_587 = arith.constant 4000 : i32
    %add3A_588 = arith.addi %mul3A_586, %add3A_587 : i32
    %multiple_of3A_589 = tpu.assume_multiple %add3A_588, 8 : i32
    %dma_start3A_590 = arith.constant 0 : i32
    %dma_start3A_591 = tpu.memref_slice %arg4[%multiple_of3A_589, %dma_start3A_590] : memref<160000x128xi32, #tpu.memory_space<hbm>> -> memref<200x128xi32, #tpu.memory_space<hbm>>
    %dma_start3A_592 = arith.constant 0 : i32
    %dma_start3A_593 = tpu.memref_slice %arg4[%multiple_of3A_589, %dma_start3A_592] : memref<160000x128xi32, #tpu.memory_space<hbm>> -> memref<200x128xi32, #tpu.memory_space<hbm>>
    tpu.enqueue_dma source(%arg7 : memref<200x128xi32, #tpu.memory_space<vmem>>) target(%dma_start3A_593 : memref<200x128xi32, #tpu.memory_space<hbm>>) target_semaphore(%arg13 : memref<!tpu.dma_semaphore, #tpu.memory_space<semaphore_mem>>)
    %mul3A_594 = arith.constant 5000 : i32
    %mul3A_595 = arith.muli %add3A, %mul3A_594 : i32
    %add3A_596 = arith.constant 4400 : i32
    %add3A_597 = arith.addi %mul3A_595, %add3A_596 : i32
    %multiple_of3A_598 = tpu.assume_multiple %add3A_597, 8 : i32
    %dma_start3A_599 = tpu.memref_slice %arg3[%multiple_of3A_598] : memref<160000xi32, #tpu.memory_space<hbm>> -> memref<200xi32, #tpu.memory_space<hbm>>
    %dma_start3A_600 = tpu.memref_slice %arg3[%multiple_of3A_598] : memref<160000xi32, #tpu.memory_space<hbm>> -> memref<200xi32, #tpu.memory_space<hbm>>
    tpu.enqueue_dma source(%dma_start3A_600 : memref<200xi32, #tpu.memory_space<hbm>>) target(%arg5 : memref<200xi32, #tpu.memory_space<vmem>>) target_semaphore(%arg9 : memref<!tpu.dma_semaphore, #tpu.memory_space<semaphore_mem>>)
    %dma_wait3A_601 = arith.constant 0 : i32
    %dma_wait3A_602 = arith.constant 0 : i32
    %dma_wait3A_603 = tpu.memref_slice %arg2[%dma_wait3A_601, %dma_wait3A_602] : memref<10000x128xi32, #tpu.memory_space<hbm>> -> memref<10000x128xi32, #tpu.memory_space<hbm>>
    tpu.wait_indirect_dma semaphore(%arg12 : memref<!tpu.dma_semaphore, #tpu.memory_space<semaphore_mem>>) src(%dma_wait3A_603 : memref<10000x128xi32, #tpu.memory_space<hbm>>) dst(%arg8 : memref<200x128xi32, #tpu.memory_space<vmem>>)
    %dma_wait3A_604 = tpu.memref_slice %arg3[%multiple_of3A_598] : memref<160000xi32, #tpu.memory_space<hbm>> -> memref<200xi32, #tpu.memory_space<hbm>>
    %dma_wait3A_605 = tpu.memref_slice %arg3[%multiple_of3A_598] : memref<160000xi32, #tpu.memory_space<hbm>> -> memref<200xi32, #tpu.memory_space<hbm>>
    tpu.wait_dma2 semaphore(%arg9 : memref<!tpu.dma_semaphore, #tpu.memory_space<semaphore_mem>>) src(%dma_wait3A_605 : memref<200xi32, #tpu.memory_space<hbm>>) dst(%arg5 : memref<200xi32, #tpu.memory_space<vmem>>)
    %dma_wait3A_606 = arith.constant 0 : i32
    %dma_wait3A_607 = tpu.memref_slice %arg4[%multiple_of3A_589, %dma_wait3A_606] : memref<160000x128xi32, #tpu.memory_space<hbm>> -> memref<200x128xi32, #tpu.memory_space<hbm>>
    %dma_wait3A_608 = arith.constant 0 : i32
    %dma_wait3A_609 = tpu.memref_slice %arg4[%multiple_of3A_589, %dma_wait3A_608] : memref<160000x128xi32, #tpu.memory_space<hbm>> -> memref<200x128xi32, #tpu.memory_space<hbm>>
    tpu.wait_dma2 semaphore(%arg13 : memref<!tpu.dma_semaphore, #tpu.memory_space<semaphore_mem>>) src(%arg7 : memref<200x128xi32, #tpu.memory_space<vmem>>) dst(%dma_wait3A_609 : memref<200x128xi32, #tpu.memory_space<hbm>>)
    %dma_start3A_610 = arith.constant 0 : i32
    %dma_start3A_611 = arith.constant 0 : i32
    %dma_start3A_612 = tpu.memref_slice %arg2[%dma_start3A_610, %dma_start3A_611] : memref<10000x128xi32, #tpu.memory_space<hbm>> -> memref<10000x128xi32, #tpu.memory_space<hbm>>
    tpu.enqueue_indirect_dma source(%dma_start3A_612 : memref<10000x128xi32, #tpu.memory_space<hbm>>) target(%arg7 : memref<200x128xi32, #tpu.memory_space<vmem>>) offsets(%arg5 : memref<200xi32, #tpu.memory_space<vmem>>) semaphore(%arg11 : memref<!tpu.dma_semaphore, #tpu.memory_space<semaphore_mem>>)
    %mul3A_613 = arith.constant 5000 : i32
    %mul3A_614 = arith.muli %add3A, %mul3A_613 : i32
    %add3A_615 = arith.constant 4200 : i32
    %add3A_616 = arith.addi %mul3A_614, %add3A_615 : i32
    %multiple_of3A_617 = tpu.assume_multiple %add3A_616, 8 : i32
    %dma_start3A_618 = arith.constant 0 : i32
    %dma_start3A_619 = tpu.memref_slice %arg4[%multiple_of3A_617, %dma_start3A_618] : memref<160000x128xi32, #tpu.memory_space<hbm>> -> memref<200x128xi32, #tpu.memory_space<hbm>>
    %dma_start3A_620 = arith.constant 0 : i32
    %dma_start3A_621 = tpu.memref_slice %arg4[%multiple_of3A_617, %dma_start3A_620] : memref<160000x128xi32, #tpu.memory_space<hbm>> -> memref<200x128xi32, #tpu.memory_space<hbm>>
    tpu.enqueue_dma source(%arg8 : memref<200x128xi32, #tpu.memory_space<vmem>>) target(%dma_start3A_621 : memref<200x128xi32, #tpu.memory_space<hbm>>) target_semaphore(%arg14 : memref<!tpu.dma_semaphore, #tpu.memory_space<semaphore_mem>>)
    %mul3A_622 = arith.constant 5000 : i32
    %mul3A_623 = arith.muli %add3A, %mul3A_622 : i32
    %add3A_624 = arith.constant 4600 : i32
    %add3A_625 = arith.addi %mul3A_623, %add3A_624 : i32
    %multiple_of3A_626 = tpu.assume_multiple %add3A_625, 8 : i32
    %dma_start3A_627 = tpu.memref_slice %arg3[%multiple_of3A_626] : memref<160000xi32, #tpu.memory_space<hbm>> -> memref<200xi32, #tpu.memory_space<hbm>>
    %dma_start3A_628 = tpu.memref_slice %arg3[%multiple_of3A_626] : memref<160000xi32, #tpu.memory_space<hbm>> -> memref<200xi32, #tpu.memory_space<hbm>>
    tpu.enqueue_dma source(%dma_start3A_628 : memref<200xi32, #tpu.memory_space<hbm>>) target(%arg6 : memref<200xi32, #tpu.memory_space<vmem>>) target_semaphore(%arg10 : memref<!tpu.dma_semaphore, #tpu.memory_space<semaphore_mem>>)
    %dma_wait3A_629 = arith.constant 0 : i32
    %dma_wait3A_630 = arith.constant 0 : i32
    %dma_wait3A_631 = tpu.memref_slice %arg2[%dma_wait3A_629, %dma_wait3A_630] : memref<10000x128xi32, #tpu.memory_space<hbm>> -> memref<10000x128xi32, #tpu.memory_space<hbm>>
    tpu.wait_indirect_dma semaphore(%arg11 : memref<!tpu.dma_semaphore, #tpu.memory_space<semaphore_mem>>) src(%dma_wait3A_631 : memref<10000x128xi32, #tpu.memory_space<hbm>>) dst(%arg7 : memref<200x128xi32, #tpu.memory_space<vmem>>)
    %dma_wait3A_632 = tpu.memref_slice %arg3[%multiple_of3A_626] : memref<160000xi32, #tpu.memory_space<hbm>> -> memref<200xi32, #tpu.memory_space<hbm>>
    %dma_wait3A_633 = tpu.memref_slice %arg3[%multiple_of3A_626] : memref<160000xi32, #tpu.memory_space<hbm>> -> memref<200xi32, #tpu.memory_space<hbm>>
    tpu.wait_dma2 semaphore(%arg10 : memref<!tpu.dma_semaphore, #tpu.memory_space<semaphore_mem>>) src(%dma_wait3A_633 : memref<200xi32, #tpu.memory_space<hbm>>) dst(%arg6 : memref<200xi32, #tpu.memory_space<vmem>>)
    %dma_wait3A_634 = arith.constant 0 : i32
    %dma_wait3A_635 = tpu.memref_slice %arg4[%multiple_of3A_617, %dma_wait3A_634] : memref<160000x128xi32, #tpu.memory_space<hbm>> -> memref<200x128xi32, #tpu.memory_space<hbm>>
    %dma_wait3A_636 = arith.constant 0 : i32
    %dma_wait3A_637 = tpu.memref_slice %arg4[%multiple_of3A_617, %dma_wait3A_636] : memref<160000x128xi32, #tpu.memory_space<hbm>> -> memref<200x128xi32, #tpu.memory_space<hbm>>
    tpu.wait_dma2 semaphore(%arg14 : memref<!tpu.dma_semaphore, #tpu.memory_space<semaphore_mem>>) src(%arg8 : memref<200x128xi32, #tpu.memory_space<vmem>>) dst(%dma_wait3A_637 : memref<200x128xi32, #tpu.memory_space<hbm>>)
    %dma_start3A_638 = arith.constant 0 : i32
    %dma_start3A_639 = arith.constant 0 : i32
    %dma_start3A_640 = tpu.memref_slice %arg2[%dma_start3A_638, %dma_start3A_639] : memref<10000x128xi32, #tpu.memory_space<hbm>> -> memref<10000x128xi32, #tpu.memory_space<hbm>>
    tpu.enqueue_indirect_dma source(%dma_start3A_640 : memref<10000x128xi32, #tpu.memory_space<hbm>>) target(%arg8 : memref<200x128xi32, #tpu.memory_space<vmem>>) offsets(%arg6 : memref<200xi32, #tpu.memory_space<vmem>>) semaphore(%arg12 : memref<!tpu.dma_semaphore, #tpu.memory_space<semaphore_mem>>)
    %mul3A_641 = arith.constant 5000 : i32
    %mul3A_642 = arith.muli %add3A, %mul3A_641 : i32
    %add3A_643 = arith.constant 4400 : i32
    %add3A_644 = arith.addi %mul3A_642, %add3A_643 : i32
    %multiple_of3A_645 = tpu.assume_multiple %add3A_644, 8 : i32
    %dma_start3A_646 = arith.constant 0 : i32
    %dma_start3A_647 = tpu.memref_slice %arg4[%multiple_of3A_645, %dma_start3A_646] : memref<160000x128xi32, #tpu.memory_space<hbm>> -> memref<200x128xi32, #tpu.memory_space<hbm>>
    %dma_start3A_648 = arith.constant 0 : i32
    %dma_start3A_649 = tpu.memref_slice %arg4[%multiple_of3A_645, %dma_start3A_648] : memref<160000x128xi32, #tpu.memory_space<hbm>> -> memref<200x128xi32, #tpu.memory_space<hbm>>
    tpu.enqueue_dma source(%arg7 : memref<200x128xi32, #tpu.memory_space<vmem>>) target(%dma_start3A_649 : memref<200x128xi32, #tpu.memory_space<hbm>>) target_semaphore(%arg13 : memref<!tpu.dma_semaphore, #tpu.memory_space<semaphore_mem>>)
    %mul3A_650 = arith.constant 5000 : i32
    %mul3A_651 = arith.muli %add3A, %mul3A_650 : i32
    %add3A_652 = arith.constant 4800 : i32
    %add3A_653 = arith.addi %mul3A_651, %add3A_652 : i32
    %multiple_of3A_654 = tpu.assume_multiple %add3A_653, 8 : i32
    %dma_start3A_655 = tpu.memref_slice %arg3[%multiple_of3A_654] : memref<160000xi32, #tpu.memory_space<hbm>> -> memref<200xi32, #tpu.memory_space<hbm>>
    %dma_start3A_656 = tpu.memref_slice %arg3[%multiple_of3A_654] : memref<160000xi32, #tpu.memory_space<hbm>> -> memref<200xi32, #tpu.memory_space<hbm>>
    tpu.enqueue_dma source(%dma_start3A_656 : memref<200xi32, #tpu.memory_space<hbm>>) target(%arg5 : memref<200xi32, #tpu.memory_space<vmem>>) target_semaphore(%arg9 : memref<!tpu.dma_semaphore, #tpu.memory_space<semaphore_mem>>)
    %dma_wait3A_657 = arith.constant 0 : i32
    %dma_wait3A_658 = arith.constant 0 : i32
    %dma_wait3A_659 = tpu.memref_slice %arg2[%dma_wait3A_657, %dma_wait3A_658] : memref<10000x128xi32, #tpu.memory_space<hbm>> -> memref<10000x128xi32, #tpu.memory_space<hbm>>
    tpu.wait_indirect_dma semaphore(%arg12 : memref<!tpu.dma_semaphore, #tpu.memory_space<semaphore_mem>>) src(%dma_wait3A_659 : memref<10000x128xi32, #tpu.memory_space<hbm>>) dst(%arg8 : memref<200x128xi32, #tpu.memory_space<vmem>>)
    %dma_wait3A_660 = tpu.memref_slice %arg3[%multiple_of3A_654] : memref<160000xi32, #tpu.memory_space<hbm>> -> memref<200xi32, #tpu.memory_space<hbm>>
    %dma_wait3A_661 = tpu.memref_slice %arg3[%multiple_of3A_654] : memref<160000xi32, #tpu.memory_space<hbm>> -> memref<200xi32, #tpu.memory_space<hbm>>
    tpu.wait_dma2 semaphore(%arg9 : memref<!tpu.dma_semaphore, #tpu.memory_space<semaphore_mem>>) src(%dma_wait3A_661 : memref<200xi32, #tpu.memory_space<hbm>>) dst(%arg5 : memref<200xi32, #tpu.memory_space<vmem>>)
    %dma_wait3A_662 = arith.constant 0 : i32
    %dma_wait3A_663 = tpu.memref_slice %arg4[%multiple_of3A_645, %dma_wait3A_662] : memref<160000x128xi32, #tpu.memory_space<hbm>> -> memref<200x128xi32, #tpu.memory_space<hbm>>
    %dma_wait3A_664 = arith.constant 0 : i32
    %dma_wait3A_665 = tpu.memref_slice %arg4[%multiple_of3A_645, %dma_wait3A_664] : memref<160000x128xi32, #tpu.memory_space<hbm>> -> memref<200x128xi32, #tpu.memory_space<hbm>>
    tpu.wait_dma2 semaphore(%arg13 : memref<!tpu.dma_semaphore, #tpu.memory_space<semaphore_mem>>) src(%arg7 : memref<200x128xi32, #tpu.memory_space<vmem>>) dst(%dma_wait3A_665 : memref<200x128xi32, #tpu.memory_space<hbm>>)
    %dma_start3A_666 = arith.constant 0 : i32
    %dma_start3A_667 = arith.constant 0 : i32
    %dma_start3A_668 = tpu.memref_slice %arg2[%dma_start3A_666, %dma_start3A_667] : memref<10000x128xi32, #tpu.memory_space<hbm>> -> memref<10000x128xi32, #tpu.memory_space<hbm>>
    tpu.enqueue_indirect_dma source(%dma_start3A_668 : memref<10000x128xi32, #tpu.memory_space<hbm>>) target(%arg7 : memref<200x128xi32, #tpu.memory_space<vmem>>) offsets(%arg5 : memref<200xi32, #tpu.memory_space<vmem>>) semaphore(%arg11 : memref<!tpu.dma_semaphore, #tpu.memory_space<semaphore_mem>>)
    %mul3A_669 = arith.constant 5000 : i32
    %mul3A_670 = arith.muli %add3A, %mul3A_669 : i32
    %add3A_671 = arith.constant 4600 : i32
    %add3A_672 = arith.addi %mul3A_670, %add3A_671 : i32
    %multiple_of3A_673 = tpu.assume_multiple %add3A_672, 8 : i32
    %dma_start3A_674 = arith.constant 0 : i32
    %dma_start3A_675 = tpu.memref_slice %arg4[%multiple_of3A_673, %dma_start3A_674] : memref<160000x128xi32, #tpu.memory_space<hbm>> -> memref<200x128xi32, #tpu.memory_space<hbm>>
    %dma_start3A_676 = arith.constant 0 : i32
    %dma_start3A_677 = tpu.memref_slice %arg4[%multiple_of3A_673, %dma_start3A_676] : memref<160000x128xi32, #tpu.memory_space<hbm>> -> memref<200x128xi32, #tpu.memory_space<hbm>>
    tpu.enqueue_dma source(%arg8 : memref<200x128xi32, #tpu.memory_space<vmem>>) target(%dma_start3A_677 : memref<200x128xi32, #tpu.memory_space<hbm>>) target_semaphore(%arg14 : memref<!tpu.dma_semaphore, #tpu.memory_space<semaphore_mem>>)
    %dma_wait3A_678 = arith.constant 0 : i32
    %dma_wait3A_679 = arith.constant 0 : i32
    %dma_wait3A_680 = tpu.memref_slice %arg2[%dma_wait3A_678, %dma_wait3A_679] : memref<10000x128xi32, #tpu.memory_space<hbm>> -> memref<10000x128xi32, #tpu.memory_space<hbm>>
    tpu.wait_indirect_dma semaphore(%arg11 : memref<!tpu.dma_semaphore, #tpu.memory_space<semaphore_mem>>) src(%dma_wait3A_680 : memref<10000x128xi32, #tpu.memory_space<hbm>>) dst(%arg7 : memref<200x128xi32, #tpu.memory_space<vmem>>)
    %mul3A_681 = arith.constant 5000 : i32
    %mul3A_682 = arith.muli %add3A, %mul3A_681 : i32
    %add3A_683 = arith.constant 4800 : i32
    %add3A_684 = arith.addi %mul3A_682, %add3A_683 : i32
    %multiple_of3A_685 = tpu.assume_multiple %add3A_684, 8 : i32
    %dma_start3A_686 = arith.constant 0 : i32
    %dma_start3A_687 = tpu.memref_slice %arg4[%multiple_of3A_685, %dma_start3A_686] : memref<160000x128xi32, #tpu.memory_space<hbm>> -> memref<200x128xi32, #tpu.memory_space<hbm>>
    %dma_start3A_688 = arith.constant 0 : i32
    %dma_start3A_689 = tpu.memref_slice %arg4[%multiple_of3A_685, %dma_start3A_688] : memref<160000x128xi32, #tpu.memory_space<hbm>> -> memref<200x128xi32, #tpu.memory_space<hbm>>
    tpu.enqueue_dma source(%arg7 : memref<200x128xi32, #tpu.memory_space<vmem>>) target(%dma_start3A_689 : memref<200x128xi32, #tpu.memory_space<hbm>>) target_semaphore(%arg13 : memref<!tpu.dma_semaphore, #tpu.memory_space<semaphore_mem>>)
    %dma_wait3A_690 = arith.constant 0 : i32
    %dma_wait3A_691 = tpu.memref_slice %arg4[%multiple_of3A_673, %dma_wait3A_690] : memref<160000x128xi32, #tpu.memory_space<hbm>> -> memref<200x128xi32, #tpu.memory_space<hbm>>
    %dma_wait3A_692 = arith.constant 0 : i32
    %dma_wait3A_693 = tpu.memref_slice %arg4[%multiple_of3A_673, %dma_wait3A_692] : memref<160000x128xi32, #tpu.memory_space<hbm>> -> memref<200x128xi32, #tpu.memory_space<hbm>>
    tpu.wait_dma2 semaphore(%arg14 : memref<!tpu.dma_semaphore, #tpu.memory_space<semaphore_mem>>) src(%arg8 : memref<200x128xi32, #tpu.memory_space<vmem>>) dst(%dma_wait3A_693 : memref<200x128xi32, #tpu.memory_space<hbm>>)
    %dma_wait3A_694 = arith.constant 0 : i32
    %dma_wait3A_695 = tpu.memref_slice %arg4[%multiple_of3A_685, %dma_wait3A_694] : memref<160000x128xi32, #tpu.memory_space<hbm>> -> memref<200x128xi32, #tpu.memory_space<hbm>>
    %dma_wait3A_696 = arith.constant 0 : i32
    %dma_wait3A_697 = tpu.memref_slice %arg4[%multiple_of3A_685, %dma_wait3A_696] : memref<160000x128xi32, #tpu.memory_space<hbm>> -> memref<200x128xi32, #tpu.memory_space<hbm>>
    tpu.wait_dma2 semaphore(%arg13 : memref<!tpu.dma_semaphore, #tpu.memory_space<semaphore_mem>>) src(%arg7 : memref<200x128xi32, #tpu.memory_space<vmem>>) dst(%dma_wait3A_697 : memref<200x128xi32, #tpu.memory_space<hbm>>)
    return
  }
}

#map = affine_map<(d0, d1) -> (0, 0)>
#map1 = affine_map<(d0, d1) -> (0)>
#map2 = affine_map<(d0, d1) -> (0, 0, 0)>
module attributes {stable_mosaic.version = 14 : i64} {
  func.func @k(%arg0: i32, %arg1: i32, %arg2: memref<160000x512xf32, #tpu.memory_space<hbm>>, %arg3: memref<160000xi32, #tpu.memory_space<hbm>>, %arg4: memref<632x128xf32, #tpu.memory_space<hbm>>, %arg5: memref<192x128xf32, #tpu.memory_space<hbm>>, %arg6: memref<2x10000x512xf32, #tpu.memory_space<hbm>>, %arg7: memref<2x10000x128xf32, #tpu.memory_space<hbm>>, %arg8: memref<192x128xf32, #tpu.memory_space<vmem>>, %arg9: memref<192x128xf32, #tpu.memory_space<vmem>>, %arg10: memref<8x128xf32, #tpu.memory_space<vmem>>, %arg11: memref<192xi32, #tpu.memory_space<vmem>>, %arg12: memref<192xi32, #tpu.memory_space<vmem>>, %arg13: memref<8xi32, #tpu.memory_space<vmem>>, %arg14: memref<10000x128xf32, #tpu.memory_space<vmem_shared>>, %arg15: memref<!tpu.dma_semaphore, #tpu.memory_space<semaphore_mem>>, %arg16: memref<!tpu.dma_semaphore, #tpu.memory_space<semaphore_mem>>, %arg17: memref<!tpu.dma_semaphore, #tpu.memory_space<semaphore_mem>>, %arg18: memref<!tpu.dma_semaphore, #tpu.memory_space<semaphore_mem>>, %arg19: memref<!tpu.dma_semaphore, #tpu.memory_space<semaphore_mem>>) attributes {dimension_semantics = [#tpu.dimension_semantics<core_parallel>, #tpu.dimension_semantics<subcore_parallel>], iteration_bounds = array<i64: 2, 16>, scalar_prefetch = 0 : i64, scratch_operands = 12 : i64, tpu.core_type = #tpu.core_type<sc_vector_subcore>, window_params = [{transform_indices = #map}, {transform_indices = #map1}, {transform_indices = #map}, {transform_indices = #map}, {transform_indices = #map2}, {transform_indices = #map2}]} {
    %mul3A = arith.constant 2 : i32
    %mul3A_0 = arith.muli %arg1, %mul3A : i32
    %add3A = arith.addi %mul3A_0, %arg0 : i32
    %mul3A_1 = arith.constant 632 : i32
    %mul3A_2 = arith.muli %arg1, %mul3A_1 : i32
    %multiple_of3A = tpu.assume_multiple %mul3A_2, 8 : i32
    %eq3A = arith.constant 15 : i32
    %eq3A_3 = arith.cmpi eq, %arg1, %eq3A : i32
    %mul3A_4 = arith.constant 5000 : i32
    %mul3A_5 = arith.muli %add3A, %mul3A_4 : i32
    %not3A = arith.constant true
    %not3A_6 = arith.xori %eq3A_3, %not3A : i1
    %convert_element_type3A = arith.extui %not3A_6 : i1 to i32
    %cond3A = arith.constant 0 : i32
    %cond3A_7 = arith.cmpi ne, %convert_element_type3A, %cond3A : i32
    scf.if %cond3A_7 {
      "tpu.region"() ({
        %run_scoped3A = tpu.sem_alloc : memref<!tpu.dma_semaphore, #tpu.memory_space<semaphore_mem>>
        %dma_start3A_232 = arith.constant 0 : i32
        %dma_start3A_233 = tpu.memref_slice %arg14[%multiple_of3A, %dma_start3A_232] : memref<10000x128xf32, #tpu.memory_space<vmem_shared>> -> memref<632x128xf32, #tpu.memory_space<vmem_shared>>
        tpu.enqueue_dma source(%arg4 : memref<632x128xf32, #tpu.memory_space<hbm>>) target(%dma_start3A_233 : memref<632x128xf32, #tpu.memory_space<vmem_shared>>) target_semaphore(%run_scoped3A : memref<!tpu.dma_semaphore, #tpu.memory_space<semaphore_mem>>)
        %dma_wait3A_234 = arith.constant 0 : i32
        %dma_wait3A_235 = tpu.memref_slice %arg14[%multiple_of3A, %dma_wait3A_234] : memref<10000x128xf32, #tpu.memory_space<vmem_shared>> -> memref<632x128xf32, #tpu.memory_space<vmem_shared>>
        tpu.wait_dma2 semaphore(%run_scoped3A : memref<!tpu.dma_semaphore, #tpu.memory_space<semaphore_mem>>) src(%arg4 : memref<632x128xf32, #tpu.memory_space<hbm>>) dst(%dma_wait3A_235 : memref<632x128xf32, #tpu.memory_space<vmem_shared>>)
        tpu.yield
      }) : () -> ()
    } else {
    }
    %convert_element_type3A_8 = arith.extui %eq3A_3 : i1 to i32
    %cond3A_9 = arith.constant 0 : i32
    %cond3A_10 = arith.cmpi ne, %convert_element_type3A_8, %cond3A_9 : i32
    scf.if %cond3A_10 {
      "tpu.region"() ({
        %run_scoped3A = tpu.sem_alloc : memref<!tpu.dma_semaphore, #tpu.memory_space<semaphore_mem>>
        %dma_start3A_232 = arith.constant 0 : i32
        %dma_start3A_233 = tpu.memref_slice %arg14[%multiple_of3A, %dma_start3A_232] : memref<10000x128xf32, #tpu.memory_space<vmem_shared>> -> memref<520x128xf32, #tpu.memory_space<vmem_shared>>
        %dma_start3A_234 = arith.constant 0 : i32
        %dma_start3A_235 = arith.constant 0 : i32
        %dma_start3A_236 = tpu.memref_slice %arg4[%dma_start3A_234, %dma_start3A_235] : memref<632x128xf32, #tpu.memory_space<hbm>> -> memref<520x128xf32, #tpu.memory_space<hbm>>
        tpu.enqueue_dma source(%dma_start3A_236 : memref<520x128xf32, #tpu.memory_space<hbm>>) target(%dma_start3A_233 : memref<520x128xf32, #tpu.memory_space<vmem_shared>>) target_semaphore(%run_scoped3A : memref<!tpu.dma_semaphore, #tpu.memory_space<semaphore_mem>>)
        %dma_wait3A_237 = arith.constant 0 : i32
        %dma_wait3A_238 = tpu.memref_slice %arg14[%multiple_of3A, %dma_wait3A_237] : memref<10000x128xf32, #tpu.memory_space<vmem_shared>> -> memref<520x128xf32, #tpu.memory_space<vmem_shared>>
        %dma_wait3A_239 = arith.constant 0 : i32
        %dma_wait3A_240 = arith.constant 0 : i32
        %dma_wait3A_241 = tpu.memref_slice %arg4[%dma_wait3A_239, %dma_wait3A_240] : memref<632x128xf32, #tpu.memory_space<hbm>> -> memref<520x128xf32, #tpu.memory_space<hbm>>
        tpu.wait_dma2 semaphore(%run_scoped3A : memref<!tpu.dma_semaphore, #tpu.memory_space<semaphore_mem>>) src(%dma_wait3A_241 : memref<520x128xf32, #tpu.memory_space<hbm>>) dst(%dma_wait3A_238 : memref<520x128xf32, #tpu.memory_space<vmem_shared>>)
        tpu.yield
      }) : () -> ()
    } else {
    }
    %barrier3A = arith.constant 0 : index
    tpu.barrier barrier_id(%barrier3A)
    %add3A_11 = arith.constant 0 : i32
    %add3A_12 = arith.addi %mul3A_5, %add3A_11 : i32
    %multiple_of3A_13 = tpu.assume_multiple %add3A_12, 8 : i32
    %dma_start3A = tpu.memref_slice %arg3[%multiple_of3A_13] : memref<160000xi32, #tpu.memory_space<hbm>> -> memref<192xi32, #tpu.memory_space<hbm>>
    %dma_start3A_14 = tpu.memref_slice %arg3[%multiple_of3A_13] : memref<160000xi32, #tpu.memory_space<hbm>> -> memref<192xi32, #tpu.memory_space<hbm>>
    tpu.enqueue_dma source(%dma_start3A_14 : memref<192xi32, #tpu.memory_space<hbm>>) target(%arg11 : memref<192xi32, #tpu.memory_space<vmem>>) target_semaphore(%arg15 : memref<!tpu.dma_semaphore, #tpu.memory_space<semaphore_mem>>)
    %dma_start3A_15 = arith.constant 0 : i32
    %dma_start3A_16 = tpu.memref_slice %arg2[%multiple_of3A_13, %dma_start3A_15] : memref<160000x512xf32, #tpu.memory_space<hbm>> -> memref<192x128xf32, #tpu.memory_space<hbm>>
    %dma_start3A_17 = arith.constant 0 : i32
    %dma_start3A_18 = tpu.memref_slice %arg2[%multiple_of3A_13, %dma_start3A_17] : memref<160000x512xf32, #tpu.memory_space<hbm>> -> memref<192x128xf32, #tpu.memory_space<hbm>>
    tpu.enqueue_dma source(%dma_start3A_18 : memref<192x128xf32, #tpu.memory_space<hbm>>) target(%arg8 : memref<192x128xf32, #tpu.memory_space<vmem>>) target_semaphore(%arg17 : memref<!tpu.dma_semaphore, #tpu.memory_space<semaphore_mem>>)
    %scan3A = arith.constant 0 : i32
    %scan3A_19 = arith.constant 0 : i32
    %scan3A_20 = arith.constant 13 : i32
    %scan3A_21 = arith.addi %scan3A_19, %scan3A_20 : i32
    %scan3A_22 = arith.constant 1 : i32
    scf.for %scan3A_232 = %scan3A_19 to %scan3A_21 step %scan3A_22  : i32 {
      %mul3A_233 = arith.constant 2 : i32
      %mul3A_234 = arith.muli %mul3A_233, %scan3A_232 : i32
      %add3A_235 = arith.constant 1 : i32
      %add3A_236 = arith.addi %mul3A_234, %add3A_235 : i32
      %mul3A_237 = arith.constant 192 : i32
      %mul3A_238 = arith.muli %add3A_236, %mul3A_237 : i32
      %add3A_239 = arith.addi %mul3A_5, %mul3A_238 : i32
      %multiple_of3A_240 = tpu.assume_multiple %add3A_239, 8 : i32
      %dma_start3A_241 = tpu.memref_slice %arg3[%multiple_of3A_240] : memref<160000xi32, #tpu.memory_space<hbm>> -> memref<192xi32, #tpu.memory_space<hbm>>
      %dma_start3A_242 = tpu.memref_slice %arg3[%multiple_of3A_240] : memref<160000xi32, #tpu.memory_space<hbm>> -> memref<192xi32, #tpu.memory_space<hbm>>
      tpu.enqueue_dma source(%dma_start3A_242 : memref<192xi32, #tpu.memory_space<hbm>>) target(%arg12 : memref<192xi32, #tpu.memory_space<vmem>>) target_semaphore(%arg16 : memref<!tpu.dma_semaphore, #tpu.memory_space<semaphore_mem>>)
      %dma_start3A_243 = arith.constant 0 : i32
      %dma_start3A_244 = tpu.memref_slice %arg2[%multiple_of3A_240, %dma_start3A_243] : memref<160000x512xf32, #tpu.memory_space<hbm>> -> memref<192x128xf32, #tpu.memory_space<hbm>>
      %dma_start3A_245 = arith.constant 0 : i32
      %dma_start3A_246 = tpu.memref_slice %arg2[%multiple_of3A_240, %dma_start3A_245] : memref<160000x512xf32, #tpu.memory_space<hbm>> -> memref<192x128xf32, #tpu.memory_space<hbm>>
      tpu.enqueue_dma source(%dma_start3A_246 : memref<192x128xf32, #tpu.memory_space<hbm>>) target(%arg9 : memref<192x128xf32, #tpu.memory_space<vmem>>) target_semaphore(%arg18 : memref<!tpu.dma_semaphore, #tpu.memory_space<semaphore_mem>>)
      %mul3A_247 = arith.constant 192 : i32
      %mul3A_248 = arith.muli %mul3A_234, %mul3A_247 : i32
      %add3A_249 = arith.addi %mul3A_5, %mul3A_248 : i32
      %multiple_of3A_250 = tpu.assume_multiple %add3A_249, 8 : i32
      %dma_wait3A_251 = tpu.memref_slice %arg3[%multiple_of3A_250] : memref<160000xi32, #tpu.memory_space<hbm>> -> memref<192xi32, #tpu.memory_space<hbm>>
      %dma_wait3A_252 = tpu.memref_slice %arg3[%multiple_of3A_250] : memref<160000xi32, #tpu.memory_space<hbm>> -> memref<192xi32, #tpu.memory_space<hbm>>
      tpu.wait_dma2 semaphore(%arg15 : memref<!tpu.dma_semaphore, #tpu.memory_space<semaphore_mem>>) src(%dma_wait3A_252 : memref<192xi32, #tpu.memory_space<hbm>>) dst(%arg11 : memref<192xi32, #tpu.memory_space<vmem>>)
      %dma_wait3A_253 = arith.constant 0 : i32
      %dma_wait3A_254 = tpu.memref_slice %arg2[%multiple_of3A_250, %dma_wait3A_253] : memref<160000x512xf32, #tpu.memory_space<hbm>> -> memref<192x128xf32, #tpu.memory_space<hbm>>
      %dma_wait3A_255 = arith.constant 0 : i32
      %dma_wait3A_256 = tpu.memref_slice %arg2[%multiple_of3A_250, %dma_wait3A_255] : memref<160000x512xf32, #tpu.memory_space<hbm>> -> memref<192x128xf32, #tpu.memory_space<hbm>>
      tpu.wait_dma2 semaphore(%arg17 : memref<!tpu.dma_semaphore, #tpu.memory_space<semaphore_mem>>) src(%dma_wait3A_256 : memref<192x128xf32, #tpu.memory_space<hbm>>) dst(%arg8 : memref<192x128xf32, #tpu.memory_space<vmem>>)
      "tpu.region"() ({
        %run_scoped3A = tpu.sem_alloc : memref<!tpu.dma_semaphore, #tpu.memory_space<semaphore_mem>>
        %dma_start3A_273 = arith.constant 0 : i32
        %dma_start3A_274 = arith.constant 0 : i32
        %dma_start3A_275 = tpu.memref_slice %arg14[%dma_start3A_273, %dma_start3A_274] : memref<10000x128xf32, #tpu.memory_space<vmem_shared>> -> memref<10000x128xf32, #tpu.memory_space<vmem_shared>>
        tpu.enqueue_indirect_dma source(%arg8 : memref<192x128xf32, #tpu.memory_space<vmem>>) target(%dma_start3A_275 : memref<10000x128xf32, #tpu.memory_space<vmem_shared>>) offsets(%arg11 : memref<192xi32, #tpu.memory_space<vmem>>) semaphore(%run_scoped3A : memref<!tpu.dma_semaphore, #tpu.memory_space<semaphore_mem>>) {add = true}
        %dma_wait3A_276 = arith.constant 0 : i32
        %dma_wait3A_277 = arith.constant 0 : i32
        %dma_wait3A_278 = tpu.memref_slice %arg14[%dma_wait3A_276, %dma_wait3A_277] : memref<10000x128xf32, #tpu.memory_space<vmem_shared>> -> memref<10000x128xf32, #tpu.memory_space<vmem_shared>>
        tpu.wait_indirect_dma semaphore(%run_scoped3A : memref<!tpu.dma_semaphore, #tpu.memory_space<semaphore_mem>>) src(%arg8 : memref<192x128xf32, #tpu.memory_space<vmem>>) dst(%dma_wait3A_278 : memref<10000x128xf32, #tpu.memory_space<vmem_shared>>)
        tpu.yield
      }) : () -> ()
      %lt3A = arith.constant 12 : i32
      %lt3A_257 = arith.cmpi slt, %scan3A_232, %lt3A : i32
      %convert_element_type3A_258 = arith.extui %lt3A_257 : i1 to i32
      %cond3A_259 = arith.constant 0 : i32
      %cond3A_260 = arith.cmpi ne, %convert_element_type3A_258, %cond3A_259 : i32
      scf.if %cond3A_260 {
        %add3A_273 = arith.constant 2 : i32
        %add3A_274 = arith.addi %mul3A_234, %add3A_273 : i32
        %mul3A_275 = arith.constant 192 : i32
        %mul3A_276 = arith.muli %add3A_274, %mul3A_275 : i32
        %add3A_277 = arith.addi %mul3A_5, %mul3A_276 : i32
        %multiple_of3A_278 = tpu.assume_multiple %add3A_277, 8 : i32
        %dma_start3A_279 = tpu.memref_slice %arg3[%multiple_of3A_278] : memref<160000xi32, #tpu.memory_space<hbm>> -> memref<192xi32, #tpu.memory_space<hbm>>
        %dma_start3A_280 = tpu.memref_slice %arg3[%multiple_of3A_278] : memref<160000xi32, #tpu.memory_space<hbm>> -> memref<192xi32, #tpu.memory_space<hbm>>
        tpu.enqueue_dma source(%dma_start3A_280 : memref<192xi32, #tpu.memory_space<hbm>>) target(%arg11 : memref<192xi32, #tpu.memory_space<vmem>>) target_semaphore(%arg15 : memref<!tpu.dma_semaphore, #tpu.memory_space<semaphore_mem>>)
        %dma_start3A_281 = arith.constant 0 : i32
        %dma_start3A_282 = tpu.memref_slice %arg2[%multiple_of3A_278, %dma_start3A_281] : memref<160000x512xf32, #tpu.memory_space<hbm>> -> memref<192x128xf32, #tpu.memory_space<hbm>>
        %dma_start3A_283 = arith.constant 0 : i32
        %dma_start3A_284 = tpu.memref_slice %arg2[%multiple_of3A_278, %dma_start3A_283] : memref<160000x512xf32, #tpu.memory_space<hbm>> -> memref<192x128xf32, #tpu.memory_space<hbm>>
        tpu.enqueue_dma source(%dma_start3A_284 : memref<192x128xf32, #tpu.memory_space<hbm>>) target(%arg8 : memref<192x128xf32, #tpu.memory_space<vmem>>) target_semaphore(%arg17 : memref<!tpu.dma_semaphore, #tpu.memory_space<semaphore_mem>>)
      } else {
      }
      %add3A_261 = arith.constant 1 : i32
      %add3A_262 = arith.addi %mul3A_234, %add3A_261 : i32
      %mul3A_263 = arith.constant 192 : i32
      %mul3A_264 = arith.muli %add3A_262, %mul3A_263 : i32
      %add3A_265 = arith.addi %mul3A_5, %mul3A_264 : i32
      %multiple_of3A_266 = tpu.assume_multiple %add3A_265, 8 : i32
      %dma_wait3A_267 = tpu.memref_slice %arg3[%multiple_of3A_266] : memref<160000xi32, #tpu.memory_space<hbm>> -> memref<192xi32, #tpu.memory_space<hbm>>
      %dma_wait3A_268 = tpu.memref_slice %arg3[%multiple_of3A_266] : memref<160000xi32, #tpu.memory_space<hbm>> -> memref<192xi32, #tpu.memory_space<hbm>>
      tpu.wait_dma2 semaphore(%arg16 : memref<!tpu.dma_semaphore, #tpu.memory_space<semaphore_mem>>) src(%dma_wait3A_268 : memref<192xi32, #tpu.memory_space<hbm>>) dst(%arg12 : memref<192xi32, #tpu.memory_space<vmem>>)
      %dma_wait3A_269 = arith.constant 0 : i32
      %dma_wait3A_270 = tpu.memref_slice %arg2[%multiple_of3A_266, %dma_wait3A_269] : memref<160000x512xf32, #tpu.memory_space<hbm>> -> memref<192x128xf32, #tpu.memory_space<hbm>>
      %dma_wait3A_271 = arith.constant 0 : i32
      %dma_wait3A_272 = tpu.memref_slice %arg2[%multiple_of3A_266, %dma_wait3A_271] : memref<160000x512xf32, #tpu.memory_space<hbm>> -> memref<192x128xf32, #tpu.memory_space<hbm>>
      tpu.wait_dma2 semaphore(%arg18 : memref<!tpu.dma_semaphore, #tpu.memory_space<semaphore_mem>>) src(%dma_wait3A_272 : memref<192x128xf32, #tpu.memory_space<hbm>>) dst(%arg9 : memref<192x128xf32, #tpu.memory_space<vmem>>)
      "tpu.region"() ({
        %run_scoped3A = tpu.sem_alloc : memref<!tpu.dma_semaphore, #tpu.memory_space<semaphore_mem>>
        %dma_start3A_273 = arith.constant 0 : i32
        %dma_start3A_274 = arith.constant 0 : i32
        %dma_start3A_275 = tpu.memref_slice %arg14[%dma_start3A_273, %dma_start3A_274] : memref<10000x128xf32, #tpu.memory_space<vmem_shared>> -> memref<10000x128xf32, #tpu.memory_space<vmem_shared>>
        tpu.enqueue_indirect_dma source(%arg9 : memref<192x128xf32, #tpu.memory_space<vmem>>) target(%dma_start3A_275 : memref<10000x128xf32, #tpu.memory_space<vmem_shared>>) offsets(%arg12 : memref<192xi32, #tpu.memory_space<vmem>>) semaphore(%run_scoped3A : memref<!tpu.dma_semaphore, #tpu.memory_space<semaphore_mem>>) {add = true}
        %dma_wait3A_276 = arith.constant 0 : i32
        %dma_wait3A_277 = arith.constant 0 : i32
        %dma_wait3A_278 = tpu.memref_slice %arg14[%dma_wait3A_276, %dma_wait3A_277] : memref<10000x128xf32, #tpu.memory_space<vmem_shared>> -> memref<10000x128xf32, #tpu.memory_space<vmem_shared>>
        tpu.wait_indirect_dma semaphore(%run_scoped3A : memref<!tpu.dma_semaphore, #tpu.memory_space<semaphore_mem>>) src(%arg9 : memref<192x128xf32, #tpu.memory_space<vmem>>) dst(%dma_wait3A_278 : memref<10000x128xf32, #tpu.memory_space<vmem_shared>>)
        tpu.yield
      }) : () -> ()
    }
    %scan3A_23 = arith.constant 13 : i32
    %add3A_24 = arith.constant 4992 : i32
    %add3A_25 = arith.addi %mul3A_5, %add3A_24 : i32
    %multiple_of3A_26 = tpu.assume_multiple %add3A_25, 8 : i32
    %dma_start3A_27 = tpu.memref_slice %arg3[%multiple_of3A_26] : memref<160000xi32, #tpu.memory_space<hbm>> -> memref<8xi32, #tpu.memory_space<hbm>>
    %dma_start3A_28 = tpu.memref_slice %arg3[%multiple_of3A_26] : memref<160000xi32, #tpu.memory_space<hbm>> -> memref<8xi32, #tpu.memory_space<hbm>>
    tpu.enqueue_dma source(%dma_start3A_28 : memref<8xi32, #tpu.memory_space<hbm>>) target(%arg13 : memref<8xi32, #tpu.memory_space<vmem>>) target_semaphore(%arg19 : memref<!tpu.dma_semaphore, #tpu.memory_space<semaphore_mem>>)
    %dma_wait3A = tpu.memref_slice %arg3[%multiple_of3A_26] : memref<160000xi32, #tpu.memory_space<hbm>> -> memref<8xi32, #tpu.memory_space<hbm>>
    %dma_wait3A_29 = tpu.memref_slice %arg3[%multiple_of3A_26] : memref<160000xi32, #tpu.memory_space<hbm>> -> memref<8xi32, #tpu.memory_space<hbm>>
    tpu.wait_dma2 semaphore(%arg19 : memref<!tpu.dma_semaphore, #tpu.memory_space<semaphore_mem>>) src(%dma_wait3A_29 : memref<8xi32, #tpu.memory_space<hbm>>) dst(%arg13 : memref<8xi32, #tpu.memory_space<vmem>>)
    %dma_start3A_30 = arith.constant 0 : i32
    %dma_start3A_31 = tpu.memref_slice %arg2[%multiple_of3A_26, %dma_start3A_30] : memref<160000x512xf32, #tpu.memory_space<hbm>> -> memref<8x128xf32, #tpu.memory_space<hbm>>
    %dma_start3A_32 = arith.constant 0 : i32
    %dma_start3A_33 = tpu.memref_slice %arg2[%multiple_of3A_26, %dma_start3A_32] : memref<160000x512xf32, #tpu.memory_space<hbm>> -> memref<8x128xf32, #tpu.memory_space<hbm>>
    tpu.enqueue_dma source(%dma_start3A_33 : memref<8x128xf32, #tpu.memory_space<hbm>>) target(%arg10 : memref<8x128xf32, #tpu.memory_space<vmem>>) target_semaphore(%arg19 : memref<!tpu.dma_semaphore, #tpu.memory_space<semaphore_mem>>)
    %dma_wait3A_34 = arith.constant 0 : i32
    %dma_wait3A_35 = tpu.memref_slice %arg2[%multiple_of3A_26, %dma_wait3A_34] : memref<160000x512xf32, #tpu.memory_space<hbm>> -> memref<8x128xf32, #tpu.memory_space<hbm>>
    %dma_wait3A_36 = arith.constant 0 : i32
    %dma_wait3A_37 = tpu.memref_slice %arg2[%multiple_of3A_26, %dma_wait3A_36] : memref<160000x512xf32, #tpu.memory_space<hbm>> -> memref<8x128xf32, #tpu.memory_space<hbm>>
    tpu.wait_dma2 semaphore(%arg19 : memref<!tpu.dma_semaphore, #tpu.memory_space<semaphore_mem>>) src(%dma_wait3A_37 : memref<8x128xf32, #tpu.memory_space<hbm>>) dst(%arg10 : memref<8x128xf32, #tpu.memory_space<vmem>>)
    "tpu.region"() ({
      %run_scoped3A = tpu.sem_alloc : memref<!tpu.dma_semaphore, #tpu.memory_space<semaphore_mem>>
      %dma_start3A_232 = arith.constant 0 : i32
      %dma_start3A_233 = arith.constant 0 : i32
      %dma_start3A_234 = tpu.memref_slice %arg14[%dma_start3A_232, %dma_start3A_233] : memref<10000x128xf32, #tpu.memory_space<vmem_shared>> -> memref<10000x128xf32, #tpu.memory_space<vmem_shared>>
      tpu.enqueue_indirect_dma source(%arg10 : memref<8x128xf32, #tpu.memory_space<vmem>>) target(%dma_start3A_234 : memref<10000x128xf32, #tpu.memory_space<vmem_shared>>) offsets(%arg13 : memref<8xi32, #tpu.memory_space<vmem>>) semaphore(%run_scoped3A : memref<!tpu.dma_semaphore, #tpu.memory_space<semaphore_mem>>) {add = true}
      %dma_wait3A_235 = arith.constant 0 : i32
      %dma_wait3A_236 = arith.constant 0 : i32
      %dma_wait3A_237 = tpu.memref_slice %arg14[%dma_wait3A_235, %dma_wait3A_236] : memref<10000x128xf32, #tpu.memory_space<vmem_shared>> -> memref<10000x128xf32, #tpu.memory_space<vmem_shared>>
      tpu.wait_indirect_dma semaphore(%run_scoped3A : memref<!tpu.dma_semaphore, #tpu.memory_space<semaphore_mem>>) src(%arg10 : memref<8x128xf32, #tpu.memory_space<vmem>>) dst(%dma_wait3A_237 : memref<10000x128xf32, #tpu.memory_space<vmem_shared>>)
      tpu.yield
    }) : () -> ()
    %barrier3A_38 = arith.constant 0 : index
    tpu.barrier barrier_id(%barrier3A_38)
    %not3A_39 = arith.constant true
    %not3A_40 = arith.xori %eq3A_3, %not3A_39 : i1
    %convert_element_type3A_41 = arith.extui %not3A_40 : i1 to i32
    %cond3A_42 = arith.constant 0 : i32
    %cond3A_43 = arith.cmpi ne, %convert_element_type3A_41, %cond3A_42 : i32
    scf.if %cond3A_43 {
      "tpu.region"() ({
        %run_scoped3A = tpu.sem_alloc : memref<!tpu.dma_semaphore, #tpu.memory_space<semaphore_mem>>
        %dma_start3A_232 = arith.constant 0 : i32
        %dma_start3A_233 = tpu.memref_slice %arg6[%arg0, %multiple_of3A, %dma_start3A_232] : memref<2x10000x512xf32, #tpu.memory_space<hbm>> -> memref<1x632x128xf32, #tpu.memory_space<hbm>>
        %dma_start3A_234 = tpu.memref_squeeze %dma_start3A_233 : memref<1x632x128xf32, #tpu.memory_space<hbm>> -> memref<632x128xf32, #tpu.memory_space<hbm>>
        %dma_start3A_235 = arith.constant 0 : i32
        %dma_start3A_236 = tpu.memref_slice %arg14[%multiple_of3A, %dma_start3A_235] : memref<10000x128xf32, #tpu.memory_space<vmem_shared>> -> memref<632x128xf32, #tpu.memory_space<vmem_shared>>
        tpu.enqueue_dma source(%dma_start3A_236 : memref<632x128xf32, #tpu.memory_space<vmem_shared>>) target(%dma_start3A_234 : memref<632x128xf32, #tpu.memory_space<hbm>>) target_semaphore(%run_scoped3A : memref<!tpu.dma_semaphore, #tpu.memory_space<semaphore_mem>>)
        %dma_wait3A_237 = arith.constant 0 : i32
        %dma_wait3A_238 = tpu.memref_slice %arg6[%arg0, %multiple_of3A, %dma_wait3A_237] : memref<2x10000x512xf32, #tpu.memory_space<hbm>> -> memref<1x632x128xf32, #tpu.memory_space<hbm>>
        %dma_wait3A_239 = tpu.memref_squeeze %dma_wait3A_238 : memref<1x632x128xf32, #tpu.memory_space<hbm>> -> memref<632x128xf32, #tpu.memory_space<hbm>>
        %dma_wait3A_240 = arith.constant 0 : i32
        %dma_wait3A_241 = tpu.memref_slice %arg14[%multiple_of3A, %dma_wait3A_240] : memref<10000x128xf32, #tpu.memory_space<vmem_shared>> -> memref<632x128xf32, #tpu.memory_space<vmem_shared>>
        tpu.wait_dma2 semaphore(%run_scoped3A : memref<!tpu.dma_semaphore, #tpu.memory_space<semaphore_mem>>) src(%dma_wait3A_241 : memref<632x128xf32, #tpu.memory_space<vmem_shared>>) dst(%dma_wait3A_239 : memref<632x128xf32, #tpu.memory_space<hbm>>)
        tpu.yield
      }) : () -> ()
    } else {
    }
    %convert_element_type3A_44 = arith.extui %eq3A_3 : i1 to i32
    %cond3A_45 = arith.constant 0 : i32
    %cond3A_46 = arith.cmpi ne, %convert_element_type3A_44, %cond3A_45 : i32
    scf.if %cond3A_46 {
      "tpu.region"() ({
        %run_scoped3A = tpu.sem_alloc : memref<!tpu.dma_semaphore, #tpu.memory_space<semaphore_mem>>
        %dma_start3A_232 = arith.constant 0 : i32
        %dma_start3A_233 = tpu.memref_slice %arg6[%arg0, %multiple_of3A, %dma_start3A_232] : memref<2x10000x512xf32, #tpu.memory_space<hbm>> -> memref<1x520x128xf32, #tpu.memory_space<hbm>>
        %dma_start3A_234 = tpu.memref_squeeze %dma_start3A_233 : memref<1x520x128xf32, #tpu.memory_space<hbm>> -> memref<520x128xf32, #tpu.memory_space<hbm>>
        %dma_start3A_235 = arith.constant 0 : i32
        %dma_start3A_236 = tpu.memref_slice %arg14[%multiple_of3A, %dma_start3A_235] : memref<10000x128xf32, #tpu.memory_space<vmem_shared>> -> memref<520x128xf32, #tpu.memory_space<vmem_shared>>
        tpu.enqueue_dma source(%dma_start3A_236 : memref<520x128xf32, #tpu.memory_space<vmem_shared>>) target(%dma_start3A_234 : memref<520x128xf32, #tpu.memory_space<hbm>>) target_semaphore(%run_scoped3A : memref<!tpu.dma_semaphore, #tpu.memory_space<semaphore_mem>>)
        %dma_wait3A_237 = arith.constant 0 : i32
        %dma_wait3A_238 = tpu.memref_slice %arg6[%arg0, %multiple_of3A, %dma_wait3A_237] : memref<2x10000x512xf32, #tpu.memory_space<hbm>> -> memref<1x520x128xf32, #tpu.memory_space<hbm>>
        %dma_wait3A_239 = tpu.memref_squeeze %dma_wait3A_238 : memref<1x520x128xf32, #tpu.memory_space<hbm>> -> memref<520x128xf32, #tpu.memory_space<hbm>>
        %dma_wait3A_240 = arith.constant 0 : i32
        %dma_wait3A_241 = tpu.memref_slice %arg14[%multiple_of3A, %dma_wait3A_240] : memref<10000x128xf32, #tpu.memory_space<vmem_shared>> -> memref<520x128xf32, #tpu.memory_space<vmem_shared>>
        tpu.wait_dma2 semaphore(%run_scoped3A : memref<!tpu.dma_semaphore, #tpu.memory_space<semaphore_mem>>) src(%dma_wait3A_241 : memref<520x128xf32, #tpu.memory_space<vmem_shared>>) dst(%dma_wait3A_239 : memref<520x128xf32, #tpu.memory_space<hbm>>)
        tpu.yield
      }) : () -> ()
    } else {
    }
    %barrier3A_47 = arith.constant 0 : index
    tpu.barrier barrier_id(%barrier3A_47)
    %not3A_48 = arith.constant true
    %not3A_49 = arith.xori %eq3A_3, %not3A_48 : i1
    %convert_element_type3A_50 = arith.extui %not3A_49 : i1 to i32
    %cond3A_51 = arith.constant 0 : i32
    %cond3A_52 = arith.cmpi ne, %convert_element_type3A_50, %cond3A_51 : i32
    scf.if %cond3A_52 {
      "tpu.region"() ({
        %run_scoped3A = tpu.sem_alloc : memref<!tpu.dma_semaphore, #tpu.memory_space<semaphore_mem>>
        %dma_start3A_232 = arith.constant 0 : i32
        %dma_start3A_233 = tpu.memref_slice %arg14[%multiple_of3A, %dma_start3A_232] : memref<10000x128xf32, #tpu.memory_space<vmem_shared>> -> memref<632x128xf32, #tpu.memory_space<vmem_shared>>
        tpu.enqueue_dma source(%arg4 : memref<632x128xf32, #tpu.memory_space<hbm>>) target(%dma_start3A_233 : memref<632x128xf32, #tpu.memory_space<vmem_shared>>) target_semaphore(%run_scoped3A : memref<!tpu.dma_semaphore, #tpu.memory_space<semaphore_mem>>)
        %dma_wait3A_234 = arith.constant 0 : i32
        %dma_wait3A_235 = tpu.memref_slice %arg14[%multiple_of3A, %dma_wait3A_234] : memref<10000x128xf32, #tpu.memory_space<vmem_shared>> -> memref<632x128xf32, #tpu.memory_space<vmem_shared>>
        tpu.wait_dma2 semaphore(%run_scoped3A : memref<!tpu.dma_semaphore, #tpu.memory_space<semaphore_mem>>) src(%arg4 : memref<632x128xf32, #tpu.memory_space<hbm>>) dst(%dma_wait3A_235 : memref<632x128xf32, #tpu.memory_space<vmem_shared>>)
        tpu.yield
      }) : () -> ()
    } else {
    }
    %convert_element_type3A_53 = arith.extui %eq3A_3 : i1 to i32
    %cond3A_54 = arith.constant 0 : i32
    %cond3A_55 = arith.cmpi ne, %convert_element_type3A_53, %cond3A_54 : i32
    scf.if %cond3A_55 {
      "tpu.region"() ({
        %run_scoped3A = tpu.sem_alloc : memref<!tpu.dma_semaphore, #tpu.memory_space<semaphore_mem>>
        %dma_start3A_232 = arith.constant 0 : i32
        %dma_start3A_233 = tpu.memref_slice %arg14[%multiple_of3A, %dma_start3A_232] : memref<10000x128xf32, #tpu.memory_space<vmem_shared>> -> memref<520x128xf32, #tpu.memory_space<vmem_shared>>
        %dma_start3A_234 = arith.constant 0 : i32
        %dma_start3A_235 = arith.constant 0 : i32
        %dma_start3A_236 = tpu.memref_slice %arg4[%dma_start3A_234, %dma_start3A_235] : memref<632x128xf32, #tpu.memory_space<hbm>> -> memref<520x128xf32, #tpu.memory_space<hbm>>
        tpu.enqueue_dma source(%dma_start3A_236 : memref<520x128xf32, #tpu.memory_space<hbm>>) target(%dma_start3A_233 : memref<520x128xf32, #tpu.memory_space<vmem_shared>>) target_semaphore(%run_scoped3A : memref<!tpu.dma_semaphore, #tpu.memory_space<semaphore_mem>>)
        %dma_wait3A_237 = arith.constant 0 : i32
        %dma_wait3A_238 = tpu.memref_slice %arg14[%multiple_of3A, %dma_wait3A_237] : memref<10000x128xf32, #tpu.memory_space<vmem_shared>> -> memref<520x128xf32, #tpu.memory_space<vmem_shared>>
        %dma_wait3A_239 = arith.constant 0 : i32
        %dma_wait3A_240 = arith.constant 0 : i32
        %dma_wait3A_241 = tpu.memref_slice %arg4[%dma_wait3A_239, %dma_wait3A_240] : memref<632x128xf32, #tpu.memory_space<hbm>> -> memref<520x128xf32, #tpu.memory_space<hbm>>
        tpu.wait_dma2 semaphore(%run_scoped3A : memref<!tpu.dma_semaphore, #tpu.memory_space<semaphore_mem>>) src(%dma_wait3A_241 : memref<520x128xf32, #tpu.memory_space<hbm>>) dst(%dma_wait3A_238 : memref<520x128xf32, #tpu.memory_space<vmem_shared>>)
        tpu.yield
      }) : () -> ()
    } else {
    }
    %barrier3A_56 = arith.constant 0 : index
    tpu.barrier barrier_id(%barrier3A_56)
    %add3A_57 = arith.constant 0 : i32
    %add3A_58 = arith.addi %mul3A_5, %add3A_57 : i32
    %multiple_of3A_59 = tpu.assume_multiple %add3A_58, 8 : i32
    %dma_start3A_60 = tpu.memref_slice %arg3[%multiple_of3A_59] : memref<160000xi32, #tpu.memory_space<hbm>> -> memref<192xi32, #tpu.memory_space<hbm>>
    %dma_start3A_61 = tpu.memref_slice %arg3[%multiple_of3A_59] : memref<160000xi32, #tpu.memory_space<hbm>> -> memref<192xi32, #tpu.memory_space<hbm>>
    tpu.enqueue_dma source(%dma_start3A_61 : memref<192xi32, #tpu.memory_space<hbm>>) target(%arg11 : memref<192xi32, #tpu.memory_space<vmem>>) target_semaphore(%arg15 : memref<!tpu.dma_semaphore, #tpu.memory_space<semaphore_mem>>)
    %dma_start3A_62 = arith.constant 128 : i32
    %dma_start3A_63 = tpu.memref_slice %arg2[%multiple_of3A_59, %dma_start3A_62] : memref<160000x512xf32, #tpu.memory_space<hbm>> -> memref<192x128xf32, #tpu.memory_space<hbm>>
    %dma_start3A_64 = arith.constant 128 : i32
    %dma_start3A_65 = tpu.memref_slice %arg2[%multiple_of3A_59, %dma_start3A_64] : memref<160000x512xf32, #tpu.memory_space<hbm>> -> memref<192x128xf32, #tpu.memory_space<hbm>>
    tpu.enqueue_dma source(%dma_start3A_65 : memref<192x128xf32, #tpu.memory_space<hbm>>) target(%arg8 : memref<192x128xf32, #tpu.memory_space<vmem>>) target_semaphore(%arg17 : memref<!tpu.dma_semaphore, #tpu.memory_space<semaphore_mem>>)
    %scan3A_66 = arith.constant 0 : i32
    %scan3A_67 = arith.constant 0 : i32
    %scan3A_68 = arith.constant 13 : i32
    %scan3A_69 = arith.addi %scan3A_67, %scan3A_68 : i32
    %scan3A_70 = arith.constant 1 : i32
    scf.for %scan3A_232 = %scan3A_67 to %scan3A_69 step %scan3A_70  : i32 {
      %mul3A_233 = arith.constant 2 : i32
      %mul3A_234 = arith.muli %mul3A_233, %scan3A_232 : i32
      %add3A_235 = arith.constant 1 : i32
      %add3A_236 = arith.addi %mul3A_234, %add3A_235 : i32
      %mul3A_237 = arith.constant 192 : i32
      %mul3A_238 = arith.muli %add3A_236, %mul3A_237 : i32
      %add3A_239 = arith.addi %mul3A_5, %mul3A_238 : i32
      %multiple_of3A_240 = tpu.assume_multiple %add3A_239, 8 : i32
      %dma_start3A_241 = tpu.memref_slice %arg3[%multiple_of3A_240] : memref<160000xi32, #tpu.memory_space<hbm>> -> memref<192xi32, #tpu.memory_space<hbm>>
      %dma_start3A_242 = tpu.memref_slice %arg3[%multiple_of3A_240] : memref<160000xi32, #tpu.memory_space<hbm>> -> memref<192xi32, #tpu.memory_space<hbm>>
      tpu.enqueue_dma source(%dma_start3A_242 : memref<192xi32, #tpu.memory_space<hbm>>) target(%arg12 : memref<192xi32, #tpu.memory_space<vmem>>) target_semaphore(%arg16 : memref<!tpu.dma_semaphore, #tpu.memory_space<semaphore_mem>>)
      %dma_start3A_243 = arith.constant 128 : i32
      %dma_start3A_244 = tpu.memref_slice %arg2[%multiple_of3A_240, %dma_start3A_243] : memref<160000x512xf32, #tpu.memory_space<hbm>> -> memref<192x128xf32, #tpu.memory_space<hbm>>
      %dma_start3A_245 = arith.constant 128 : i32
      %dma_start3A_246 = tpu.memref_slice %arg2[%multiple_of3A_240, %dma_start3A_245] : memref<160000x512xf32, #tpu.memory_space<hbm>> -> memref<192x128xf32, #tpu.memory_space<hbm>>
      tpu.enqueue_dma source(%dma_start3A_246 : memref<192x128xf32, #tpu.memory_space<hbm>>) target(%arg9 : memref<192x128xf32, #tpu.memory_space<vmem>>) target_semaphore(%arg18 : memref<!tpu.dma_semaphore, #tpu.memory_space<semaphore_mem>>)
      %mul3A_247 = arith.constant 192 : i32
      %mul3A_248 = arith.muli %mul3A_234, %mul3A_247 : i32
      %add3A_249 = arith.addi %mul3A_5, %mul3A_248 : i32
      %multiple_of3A_250 = tpu.assume_multiple %add3A_249, 8 : i32
      %dma_wait3A_251 = tpu.memref_slice %arg3[%multiple_of3A_250] : memref<160000xi32, #tpu.memory_space<hbm>> -> memref<192xi32, #tpu.memory_space<hbm>>
      %dma_wait3A_252 = tpu.memref_slice %arg3[%multiple_of3A_250] : memref<160000xi32, #tpu.memory_space<hbm>> -> memref<192xi32, #tpu.memory_space<hbm>>
      tpu.wait_dma2 semaphore(%arg15 : memref<!tpu.dma_semaphore, #tpu.memory_space<semaphore_mem>>) src(%dma_wait3A_252 : memref<192xi32, #tpu.memory_space<hbm>>) dst(%arg11 : memref<192xi32, #tpu.memory_space<vmem>>)
      %dma_wait3A_253 = arith.constant 128 : i32
      %dma_wait3A_254 = tpu.memref_slice %arg2[%multiple_of3A_250, %dma_wait3A_253] : memref<160000x512xf32, #tpu.memory_space<hbm>> -> memref<192x128xf32, #tpu.memory_space<hbm>>
      %dma_wait3A_255 = arith.constant 128 : i32
      %dma_wait3A_256 = tpu.memref_slice %arg2[%multiple_of3A_250, %dma_wait3A_255] : memref<160000x512xf32, #tpu.memory_space<hbm>> -> memref<192x128xf32, #tpu.memory_space<hbm>>
      tpu.wait_dma2 semaphore(%arg17 : memref<!tpu.dma_semaphore, #tpu.memory_space<semaphore_mem>>) src(%dma_wait3A_256 : memref<192x128xf32, #tpu.memory_space<hbm>>) dst(%arg8 : memref<192x128xf32, #tpu.memory_space<vmem>>)
      "tpu.region"() ({
        %run_scoped3A = tpu.sem_alloc : memref<!tpu.dma_semaphore, #tpu.memory_space<semaphore_mem>>
        %dma_start3A_273 = arith.constant 0 : i32
        %dma_start3A_274 = arith.constant 0 : i32
        %dma_start3A_275 = tpu.memref_slice %arg14[%dma_start3A_273, %dma_start3A_274] : memref<10000x128xf32, #tpu.memory_space<vmem_shared>> -> memref<10000x128xf32, #tpu.memory_space<vmem_shared>>
        tpu.enqueue_indirect_dma source(%arg8 : memref<192x128xf32, #tpu.memory_space<vmem>>) target(%dma_start3A_275 : memref<10000x128xf32, #tpu.memory_space<vmem_shared>>) offsets(%arg11 : memref<192xi32, #tpu.memory_space<vmem>>) semaphore(%run_scoped3A : memref<!tpu.dma_semaphore, #tpu.memory_space<semaphore_mem>>) {add = true}
        %dma_wait3A_276 = arith.constant 0 : i32
        %dma_wait3A_277 = arith.constant 0 : i32
        %dma_wait3A_278 = tpu.memref_slice %arg14[%dma_wait3A_276, %dma_wait3A_277] : memref<10000x128xf32, #tpu.memory_space<vmem_shared>> -> memref<10000x128xf32, #tpu.memory_space<vmem_shared>>
        tpu.wait_indirect_dma semaphore(%run_scoped3A : memref<!tpu.dma_semaphore, #tpu.memory_space<semaphore_mem>>) src(%arg8 : memref<192x128xf32, #tpu.memory_space<vmem>>) dst(%dma_wait3A_278 : memref<10000x128xf32, #tpu.memory_space<vmem_shared>>)
        tpu.yield
      }) : () -> ()
      %lt3A = arith.constant 12 : i32
      %lt3A_257 = arith.cmpi slt, %scan3A_232, %lt3A : i32
      %convert_element_type3A_258 = arith.extui %lt3A_257 : i1 to i32
      %cond3A_259 = arith.constant 0 : i32
      %cond3A_260 = arith.cmpi ne, %convert_element_type3A_258, %cond3A_259 : i32
      scf.if %cond3A_260 {
        %add3A_273 = arith.constant 2 : i32
        %add3A_274 = arith.addi %mul3A_234, %add3A_273 : i32
        %mul3A_275 = arith.constant 192 : i32
        %mul3A_276 = arith.muli %add3A_274, %mul3A_275 : i32
        %add3A_277 = arith.addi %mul3A_5, %mul3A_276 : i32
        %multiple_of3A_278 = tpu.assume_multiple %add3A_277, 8 : i32
        %dma_start3A_279 = tpu.memref_slice %arg3[%multiple_of3A_278] : memref<160000xi32, #tpu.memory_space<hbm>> -> memref<192xi32, #tpu.memory_space<hbm>>
        %dma_start3A_280 = tpu.memref_slice %arg3[%multiple_of3A_278] : memref<160000xi32, #tpu.memory_space<hbm>> -> memref<192xi32, #tpu.memory_space<hbm>>
        tpu.enqueue_dma source(%dma_start3A_280 : memref<192xi32, #tpu.memory_space<hbm>>) target(%arg11 : memref<192xi32, #tpu.memory_space<vmem>>) target_semaphore(%arg15 : memref<!tpu.dma_semaphore, #tpu.memory_space<semaphore_mem>>)
        %dma_start3A_281 = arith.constant 128 : i32
        %dma_start3A_282 = tpu.memref_slice %arg2[%multiple_of3A_278, %dma_start3A_281] : memref<160000x512xf32, #tpu.memory_space<hbm>> -> memref<192x128xf32, #tpu.memory_space<hbm>>
        %dma_start3A_283 = arith.constant 128 : i32
        %dma_start3A_284 = tpu.memref_slice %arg2[%multiple_of3A_278, %dma_start3A_283] : memref<160000x512xf32, #tpu.memory_space<hbm>> -> memref<192x128xf32, #tpu.memory_space<hbm>>
        tpu.enqueue_dma source(%dma_start3A_284 : memref<192x128xf32, #tpu.memory_space<hbm>>) target(%arg8 : memref<192x128xf32, #tpu.memory_space<vmem>>) target_semaphore(%arg17 : memref<!tpu.dma_semaphore, #tpu.memory_space<semaphore_mem>>)
      } else {
      }
      %add3A_261 = arith.constant 1 : i32
      %add3A_262 = arith.addi %mul3A_234, %add3A_261 : i32
      %mul3A_263 = arith.constant 192 : i32
      %mul3A_264 = arith.muli %add3A_262, %mul3A_263 : i32
      %add3A_265 = arith.addi %mul3A_5, %mul3A_264 : i32
      %multiple_of3A_266 = tpu.assume_multiple %add3A_265, 8 : i32
      %dma_wait3A_267 = tpu.memref_slice %arg3[%multiple_of3A_266] : memref<160000xi32, #tpu.memory_space<hbm>> -> memref<192xi32, #tpu.memory_space<hbm>>
      %dma_wait3A_268 = tpu.memref_slice %arg3[%multiple_of3A_266] : memref<160000xi32, #tpu.memory_space<hbm>> -> memref<192xi32, #tpu.memory_space<hbm>>
      tpu.wait_dma2 semaphore(%arg16 : memref<!tpu.dma_semaphore, #tpu.memory_space<semaphore_mem>>) src(%dma_wait3A_268 : memref<192xi32, #tpu.memory_space<hbm>>) dst(%arg12 : memref<192xi32, #tpu.memory_space<vmem>>)
      %dma_wait3A_269 = arith.constant 128 : i32
      %dma_wait3A_270 = tpu.memref_slice %arg2[%multiple_of3A_266, %dma_wait3A_269] : memref<160000x512xf32, #tpu.memory_space<hbm>> -> memref<192x128xf32, #tpu.memory_space<hbm>>
      %dma_wait3A_271 = arith.constant 128 : i32
      %dma_wait3A_272 = tpu.memref_slice %arg2[%multiple_of3A_266, %dma_wait3A_271] : memref<160000x512xf32, #tpu.memory_space<hbm>> -> memref<192x128xf32, #tpu.memory_space<hbm>>
      tpu.wait_dma2 semaphore(%arg18 : memref<!tpu.dma_semaphore, #tpu.memory_space<semaphore_mem>>) src(%dma_wait3A_272 : memref<192x128xf32, #tpu.memory_space<hbm>>) dst(%arg9 : memref<192x128xf32, #tpu.memory_space<vmem>>)
      "tpu.region"() ({
        %run_scoped3A = tpu.sem_alloc : memref<!tpu.dma_semaphore, #tpu.memory_space<semaphore_mem>>
        %dma_start3A_273 = arith.constant 0 : i32
        %dma_start3A_274 = arith.constant 0 : i32
        %dma_start3A_275 = tpu.memref_slice %arg14[%dma_start3A_273, %dma_start3A_274] : memref<10000x128xf32, #tpu.memory_space<vmem_shared>> -> memref<10000x128xf32, #tpu.memory_space<vmem_shared>>
        tpu.enqueue_indirect_dma source(%arg9 : memref<192x128xf32, #tpu.memory_space<vmem>>) target(%dma_start3A_275 : memref<10000x128xf32, #tpu.memory_space<vmem_shared>>) offsets(%arg12 : memref<192xi32, #tpu.memory_space<vmem>>) semaphore(%run_scoped3A : memref<!tpu.dma_semaphore, #tpu.memory_space<semaphore_mem>>) {add = true}
        %dma_wait3A_276 = arith.constant 0 : i32
        %dma_wait3A_277 = arith.constant 0 : i32
        %dma_wait3A_278 = tpu.memref_slice %arg14[%dma_wait3A_276, %dma_wait3A_277] : memref<10000x128xf32, #tpu.memory_space<vmem_shared>> -> memref<10000x128xf32, #tpu.memory_space<vmem_shared>>
        tpu.wait_indirect_dma semaphore(%run_scoped3A : memref<!tpu.dma_semaphore, #tpu.memory_space<semaphore_mem>>) src(%arg9 : memref<192x128xf32, #tpu.memory_space<vmem>>) dst(%dma_wait3A_278 : memref<10000x128xf32, #tpu.memory_space<vmem_shared>>)
        tpu.yield
      }) : () -> ()
    }
    %scan3A_71 = arith.constant 13 : i32
    %add3A_72 = arith.constant 4992 : i32
    %add3A_73 = arith.addi %mul3A_5, %add3A_72 : i32
    %multiple_of3A_74 = tpu.assume_multiple %add3A_73, 8 : i32
    %dma_start3A_75 = tpu.memref_slice %arg3[%multiple_of3A_74] : memref<160000xi32, #tpu.memory_space<hbm>> -> memref<8xi32, #tpu.memory_space<hbm>>
    %dma_start3A_76 = tpu.memref_slice %arg3[%multiple_of3A_74] : memref<160000xi32, #tpu.memory_space<hbm>> -> memref<8xi32, #tpu.memory_space<hbm>>
    tpu.enqueue_dma source(%dma_start3A_76 : memref<8xi32, #tpu.memory_space<hbm>>) target(%arg13 : memref<8xi32, #tpu.memory_space<vmem>>) target_semaphore(%arg19 : memref<!tpu.dma_semaphore, #tpu.memory_space<semaphore_mem>>)
    %dma_wait3A_77 = tpu.memref_slice %arg3[%multiple_of3A_74] : memref<160000xi32, #tpu.memory_space<hbm>> -> memref<8xi32, #tpu.memory_space<hbm>>
    %dma_wait3A_78 = tpu.memref_slice %arg3[%multiple_of3A_74] : memref<160000xi32, #tpu.memory_space<hbm>> -> memref<8xi32, #tpu.memory_space<hbm>>
    tpu.wait_dma2 semaphore(%arg19 : memref<!tpu.dma_semaphore, #tpu.memory_space<semaphore_mem>>) src(%dma_wait3A_78 : memref<8xi32, #tpu.memory_space<hbm>>) dst(%arg13 : memref<8xi32, #tpu.memory_space<vmem>>)
    %dma_start3A_79 = arith.constant 128 : i32
    %dma_start3A_80 = tpu.memref_slice %arg2[%multiple_of3A_74, %dma_start3A_79] : memref<160000x512xf32, #tpu.memory_space<hbm>> -> memref<8x128xf32, #tpu.memory_space<hbm>>
    %dma_start3A_81 = arith.constant 128 : i32
    %dma_start3A_82 = tpu.memref_slice %arg2[%multiple_of3A_74, %dma_start3A_81] : memref<160000x512xf32, #tpu.memory_space<hbm>> -> memref<8x128xf32, #tpu.memory_space<hbm>>
    tpu.enqueue_dma source(%dma_start3A_82 : memref<8x128xf32, #tpu.memory_space<hbm>>) target(%arg10 : memref<8x128xf32, #tpu.memory_space<vmem>>) target_semaphore(%arg19 : memref<!tpu.dma_semaphore, #tpu.memory_space<semaphore_mem>>)
    %dma_wait3A_83 = arith.constant 128 : i32
    %dma_wait3A_84 = tpu.memref_slice %arg2[%multiple_of3A_74, %dma_wait3A_83] : memref<160000x512xf32, #tpu.memory_space<hbm>> -> memref<8x128xf32, #tpu.memory_space<hbm>>
    %dma_wait3A_85 = arith.constant 128 : i32
    %dma_wait3A_86 = tpu.memref_slice %arg2[%multiple_of3A_74, %dma_wait3A_85] : memref<160000x512xf32, #tpu.memory_space<hbm>> -> memref<8x128xf32, #tpu.memory_space<hbm>>
    tpu.wait_dma2 semaphore(%arg19 : memref<!tpu.dma_semaphore, #tpu.memory_space<semaphore_mem>>) src(%dma_wait3A_86 : memref<8x128xf32, #tpu.memory_space<hbm>>) dst(%arg10 : memref<8x128xf32, #tpu.memory_space<vmem>>)
    "tpu.region"() ({
      %run_scoped3A = tpu.sem_alloc : memref<!tpu.dma_semaphore, #tpu.memory_space<semaphore_mem>>
      %dma_start3A_232 = arith.constant 0 : i32
      %dma_start3A_233 = arith.constant 0 : i32
      %dma_start3A_234 = tpu.memref_slice %arg14[%dma_start3A_232, %dma_start3A_233] : memref<10000x128xf32, #tpu.memory_space<vmem_shared>> -> memref<10000x128xf32, #tpu.memory_space<vmem_shared>>
      tpu.enqueue_indirect_dma source(%arg10 : memref<8x128xf32, #tpu.memory_space<vmem>>) target(%dma_start3A_234 : memref<10000x128xf32, #tpu.memory_space<vmem_shared>>) offsets(%arg13 : memref<8xi32, #tpu.memory_space<vmem>>) semaphore(%run_scoped3A : memref<!tpu.dma_semaphore, #tpu.memory_space<semaphore_mem>>) {add = true}
      %dma_wait3A_235 = arith.constant 0 : i32
      %dma_wait3A_236 = arith.constant 0 : i32
      %dma_wait3A_237 = tpu.memref_slice %arg14[%dma_wait3A_235, %dma_wait3A_236] : memref<10000x128xf32, #tpu.memory_space<vmem_shared>> -> memref<10000x128xf32, #tpu.memory_space<vmem_shared>>
      tpu.wait_indirect_dma semaphore(%run_scoped3A : memref<!tpu.dma_semaphore, #tpu.memory_space<semaphore_mem>>) src(%arg10 : memref<8x128xf32, #tpu.memory_space<vmem>>) dst(%dma_wait3A_237 : memref<10000x128xf32, #tpu.memory_space<vmem_shared>>)
      tpu.yield
    }) : () -> ()
    %barrier3A_87 = arith.constant 0 : index
    tpu.barrier barrier_id(%barrier3A_87)
    %not3A_88 = arith.constant true
    %not3A_89 = arith.xori %eq3A_3, %not3A_88 : i1
    %convert_element_type3A_90 = arith.extui %not3A_89 : i1 to i32
    %cond3A_91 = arith.constant 0 : i32
    %cond3A_92 = arith.cmpi ne, %convert_element_type3A_90, %cond3A_91 : i32
    scf.if %cond3A_92 {
      "tpu.region"() ({
        %run_scoped3A = tpu.sem_alloc : memref<!tpu.dma_semaphore, #tpu.memory_space<semaphore_mem>>
        %dma_start3A_232 = arith.constant 128 : i32
        %dma_start3A_233 = tpu.memref_slice %arg6[%arg0, %multiple_of3A, %dma_start3A_232] : memref<2x10000x512xf32, #tpu.memory_space<hbm>> -> memref<1x632x128xf32, #tpu.memory_space<hbm>>
        %dma_start3A_234 = tpu.memref_squeeze %dma_start3A_233 : memref<1x632x128xf32, #tpu.memory_space<hbm>> -> memref<632x128xf32, #tpu.memory_space<hbm>>
        %dma_start3A_235 = arith.constant 0 : i32
        %dma_start3A_236 = tpu.memref_slice %arg14[%multiple_of3A, %dma_start3A_235] : memref<10000x128xf32, #tpu.memory_space<vmem_shared>> -> memref<632x128xf32, #tpu.memory_space<vmem_shared>>
        tpu.enqueue_dma source(%dma_start3A_236 : memref<632x128xf32, #tpu.memory_space<vmem_shared>>) target(%dma_start3A_234 : memref<632x128xf32, #tpu.memory_space<hbm>>) target_semaphore(%run_scoped3A : memref<!tpu.dma_semaphore, #tpu.memory_space<semaphore_mem>>)
        %dma_wait3A_237 = arith.constant 128 : i32
        %dma_wait3A_238 = tpu.memref_slice %arg6[%arg0, %multiple_of3A, %dma_wait3A_237] : memref<2x10000x512xf32, #tpu.memory_space<hbm>> -> memref<1x632x128xf32, #tpu.memory_space<hbm>>
        %dma_wait3A_239 = tpu.memref_squeeze %dma_wait3A_238 : memref<1x632x128xf32, #tpu.memory_space<hbm>> -> memref<632x128xf32, #tpu.memory_space<hbm>>
        %dma_wait3A_240 = arith.constant 0 : i32
        %dma_wait3A_241 = tpu.memref_slice %arg14[%multiple_of3A, %dma_wait3A_240] : memref<10000x128xf32, #tpu.memory_space<vmem_shared>> -> memref<632x128xf32, #tpu.memory_space<vmem_shared>>
        tpu.wait_dma2 semaphore(%run_scoped3A : memref<!tpu.dma_semaphore, #tpu.memory_space<semaphore_mem>>) src(%dma_wait3A_241 : memref<632x128xf32, #tpu.memory_space<vmem_shared>>) dst(%dma_wait3A_239 : memref<632x128xf32, #tpu.memory_space<hbm>>)
        tpu.yield
      }) : () -> ()
    } else {
    }
    %convert_element_type3A_93 = arith.extui %eq3A_3 : i1 to i32
    %cond3A_94 = arith.constant 0 : i32
    %cond3A_95 = arith.cmpi ne, %convert_element_type3A_93, %cond3A_94 : i32
    scf.if %cond3A_95 {
      "tpu.region"() ({
        %run_scoped3A = tpu.sem_alloc : memref<!tpu.dma_semaphore, #tpu.memory_space<semaphore_mem>>
        %dma_start3A_232 = arith.constant 128 : i32
        %dma_start3A_233 = tpu.memref_slice %arg6[%arg0, %multiple_of3A, %dma_start3A_232] : memref<2x10000x512xf32, #tpu.memory_space<hbm>> -> memref<1x520x128xf32, #tpu.memory_space<hbm>>
        %dma_start3A_234 = tpu.memref_squeeze %dma_start3A_233 : memref<1x520x128xf32, #tpu.memory_space<hbm>> -> memref<520x128xf32, #tpu.memory_space<hbm>>
        %dma_start3A_235 = arith.constant 0 : i32
        %dma_start3A_236 = tpu.memref_slice %arg14[%multiple_of3A, %dma_start3A_235] : memref<10000x128xf32, #tpu.memory_space<vmem_shared>> -> memref<520x128xf32, #tpu.memory_space<vmem_shared>>
        tpu.enqueue_dma source(%dma_start3A_236 : memref<520x128xf32, #tpu.memory_space<vmem_shared>>) target(%dma_start3A_234 : memref<520x128xf32, #tpu.memory_space<hbm>>) target_semaphore(%run_scoped3A : memref<!tpu.dma_semaphore, #tpu.memory_space<semaphore_mem>>)
        %dma_wait3A_237 = arith.constant 128 : i32
        %dma_wait3A_238 = tpu.memref_slice %arg6[%arg0, %multiple_of3A, %dma_wait3A_237] : memref<2x10000x512xf32, #tpu.memory_space<hbm>> -> memref<1x520x128xf32, #tpu.memory_space<hbm>>
        %dma_wait3A_239 = tpu.memref_squeeze %dma_wait3A_238 : memref<1x520x128xf32, #tpu.memory_space<hbm>> -> memref<520x128xf32, #tpu.memory_space<hbm>>
        %dma_wait3A_240 = arith.constant 0 : i32
        %dma_wait3A_241 = tpu.memref_slice %arg14[%multiple_of3A, %dma_wait3A_240] : memref<10000x128xf32, #tpu.memory_space<vmem_shared>> -> memref<520x128xf32, #tpu.memory_space<vmem_shared>>
        tpu.wait_dma2 semaphore(%run_scoped3A : memref<!tpu.dma_semaphore, #tpu.memory_space<semaphore_mem>>) src(%dma_wait3A_241 : memref<520x128xf32, #tpu.memory_space<vmem_shared>>) dst(%dma_wait3A_239 : memref<520x128xf32, #tpu.memory_space<hbm>>)
        tpu.yield
      }) : () -> ()
    } else {
    }
    %barrier3A_96 = arith.constant 0 : index
    tpu.barrier barrier_id(%barrier3A_96)
    %not3A_97 = arith.constant true
    %not3A_98 = arith.xori %eq3A_3, %not3A_97 : i1
    %convert_element_type3A_99 = arith.extui %not3A_98 : i1 to i32
    %cond3A_100 = arith.constant 0 : i32
    %cond3A_101 = arith.cmpi ne, %convert_element_type3A_99, %cond3A_100 : i32
    scf.if %cond3A_101 {
      "tpu.region"() ({
        %run_scoped3A = tpu.sem_alloc : memref<!tpu.dma_semaphore, #tpu.memory_space<semaphore_mem>>
        %dma_start3A_232 = arith.constant 0 : i32
        %dma_start3A_233 = tpu.memref_slice %arg14[%multiple_of3A, %dma_start3A_232] : memref<10000x128xf32, #tpu.memory_space<vmem_shared>> -> memref<632x128xf32, #tpu.memory_space<vmem_shared>>
        tpu.enqueue_dma source(%arg4 : memref<632x128xf32, #tpu.memory_space<hbm>>) target(%dma_start3A_233 : memref<632x128xf32, #tpu.memory_space<vmem_shared>>) target_semaphore(%run_scoped3A : memref<!tpu.dma_semaphore, #tpu.memory_space<semaphore_mem>>)
        %dma_wait3A_234 = arith.constant 0 : i32
        %dma_wait3A_235 = tpu.memref_slice %arg14[%multiple_of3A, %dma_wait3A_234] : memref<10000x128xf32, #tpu.memory_space<vmem_shared>> -> memref<632x128xf32, #tpu.memory_space<vmem_shared>>
        tpu.wait_dma2 semaphore(%run_scoped3A : memref<!tpu.dma_semaphore, #tpu.memory_space<semaphore_mem>>) src(%arg4 : memref<632x128xf32, #tpu.memory_space<hbm>>) dst(%dma_wait3A_235 : memref<632x128xf32, #tpu.memory_space<vmem_shared>>)
        tpu.yield
      }) : () -> ()
    } else {
    }
    %convert_element_type3A_102 = arith.extui %eq3A_3 : i1 to i32
    %cond3A_103 = arith.constant 0 : i32
    %cond3A_104 = arith.cmpi ne, %convert_element_type3A_102, %cond3A_103 : i32
    scf.if %cond3A_104 {
      "tpu.region"() ({
        %run_scoped3A = tpu.sem_alloc : memref<!tpu.dma_semaphore, #tpu.memory_space<semaphore_mem>>
        %dma_start3A_232 = arith.constant 0 : i32
        %dma_start3A_233 = tpu.memref_slice %arg14[%multiple_of3A, %dma_start3A_232] : memref<10000x128xf32, #tpu.memory_space<vmem_shared>> -> memref<520x128xf32, #tpu.memory_space<vmem_shared>>
        %dma_start3A_234 = arith.constant 0 : i32
        %dma_start3A_235 = arith.constant 0 : i32
        %dma_start3A_236 = tpu.memref_slice %arg4[%dma_start3A_234, %dma_start3A_235] : memref<632x128xf32, #tpu.memory_space<hbm>> -> memref<520x128xf32, #tpu.memory_space<hbm>>
        tpu.enqueue_dma source(%dma_start3A_236 : memref<520x128xf32, #tpu.memory_space<hbm>>) target(%dma_start3A_233 : memref<520x128xf32, #tpu.memory_space<vmem_shared>>) target_semaphore(%run_scoped3A : memref<!tpu.dma_semaphore, #tpu.memory_space<semaphore_mem>>)
        %dma_wait3A_237 = arith.constant 0 : i32
        %dma_wait3A_238 = tpu.memref_slice %arg14[%multiple_of3A, %dma_wait3A_237] : memref<10000x128xf32, #tpu.memory_space<vmem_shared>> -> memref<520x128xf32, #tpu.memory_space<vmem_shared>>
        %dma_wait3A_239 = arith.constant 0 : i32
        %dma_wait3A_240 = arith.constant 0 : i32
        %dma_wait3A_241 = tpu.memref_slice %arg4[%dma_wait3A_239, %dma_wait3A_240] : memref<632x128xf32, #tpu.memory_space<hbm>> -> memref<520x128xf32, #tpu.memory_space<hbm>>
        tpu.wait_dma2 semaphore(%run_scoped3A : memref<!tpu.dma_semaphore, #tpu.memory_space<semaphore_mem>>) src(%dma_wait3A_241 : memref<520x128xf32, #tpu.memory_space<hbm>>) dst(%dma_wait3A_238 : memref<520x128xf32, #tpu.memory_space<vmem_shared>>)
        tpu.yield
      }) : () -> ()
    } else {
    }
    %barrier3A_105 = arith.constant 0 : index
    tpu.barrier barrier_id(%barrier3A_105)
    %add3A_106 = arith.constant 0 : i32
    %add3A_107 = arith.addi %mul3A_5, %add3A_106 : i32
    %multiple_of3A_108 = tpu.assume_multiple %add3A_107, 8 : i32
    %dma_start3A_109 = tpu.memref_slice %arg3[%multiple_of3A_108] : memref<160000xi32, #tpu.memory_space<hbm>> -> memref<192xi32, #tpu.memory_space<hbm>>
    %dma_start3A_110 = tpu.memref_slice %arg3[%multiple_of3A_108] : memref<160000xi32, #tpu.memory_space<hbm>> -> memref<192xi32, #tpu.memory_space<hbm>>
    tpu.enqueue_dma source(%dma_start3A_110 : memref<192xi32, #tpu.memory_space<hbm>>) target(%arg11 : memref<192xi32, #tpu.memory_space<vmem>>) target_semaphore(%arg15 : memref<!tpu.dma_semaphore, #tpu.memory_space<semaphore_mem>>)
    %dma_start3A_111 = arith.constant 256 : i32
    %dma_start3A_112 = tpu.memref_slice %arg2[%multiple_of3A_108, %dma_start3A_111] : memref<160000x512xf32, #tpu.memory_space<hbm>> -> memref<192x128xf32, #tpu.memory_space<hbm>>
    %dma_start3A_113 = arith.constant 256 : i32
    %dma_start3A_114 = tpu.memref_slice %arg2[%multiple_of3A_108, %dma_start3A_113] : memref<160000x512xf32, #tpu.memory_space<hbm>> -> memref<192x128xf32, #tpu.memory_space<hbm>>
    tpu.enqueue_dma source(%dma_start3A_114 : memref<192x128xf32, #tpu.memory_space<hbm>>) target(%arg8 : memref<192x128xf32, #tpu.memory_space<vmem>>) target_semaphore(%arg17 : memref<!tpu.dma_semaphore, #tpu.memory_space<semaphore_mem>>)
    %scan3A_115 = arith.constant 0 : i32
    %scan3A_116 = arith.constant 0 : i32
    %scan3A_117 = arith.constant 13 : i32
    %scan3A_118 = arith.addi %scan3A_116, %scan3A_117 : i32
    %scan3A_119 = arith.constant 1 : i32
    scf.for %scan3A_232 = %scan3A_116 to %scan3A_118 step %scan3A_119  : i32 {
      %mul3A_233 = arith.constant 2 : i32
      %mul3A_234 = arith.muli %mul3A_233, %scan3A_232 : i32
      %add3A_235 = arith.constant 1 : i32
      %add3A_236 = arith.addi %mul3A_234, %add3A_235 : i32
      %mul3A_237 = arith.constant 192 : i32
      %mul3A_238 = arith.muli %add3A_236, %mul3A_237 : i32
      %add3A_239 = arith.addi %mul3A_5, %mul3A_238 : i32
      %multiple_of3A_240 = tpu.assume_multiple %add3A_239, 8 : i32
      %dma_start3A_241 = tpu.memref_slice %arg3[%multiple_of3A_240] : memref<160000xi32, #tpu.memory_space<hbm>> -> memref<192xi32, #tpu.memory_space<hbm>>
      %dma_start3A_242 = tpu.memref_slice %arg3[%multiple_of3A_240] : memref<160000xi32, #tpu.memory_space<hbm>> -> memref<192xi32, #tpu.memory_space<hbm>>
      tpu.enqueue_dma source(%dma_start3A_242 : memref<192xi32, #tpu.memory_space<hbm>>) target(%arg12 : memref<192xi32, #tpu.memory_space<vmem>>) target_semaphore(%arg16 : memref<!tpu.dma_semaphore, #tpu.memory_space<semaphore_mem>>)
      %dma_start3A_243 = arith.constant 256 : i32
      %dma_start3A_244 = tpu.memref_slice %arg2[%multiple_of3A_240, %dma_start3A_243] : memref<160000x512xf32, #tpu.memory_space<hbm>> -> memref<192x128xf32, #tpu.memory_space<hbm>>
      %dma_start3A_245 = arith.constant 256 : i32
      %dma_start3A_246 = tpu.memref_slice %arg2[%multiple_of3A_240, %dma_start3A_245] : memref<160000x512xf32, #tpu.memory_space<hbm>> -> memref<192x128xf32, #tpu.memory_space<hbm>>
      tpu.enqueue_dma source(%dma_start3A_246 : memref<192x128xf32, #tpu.memory_space<hbm>>) target(%arg9 : memref<192x128xf32, #tpu.memory_space<vmem>>) target_semaphore(%arg18 : memref<!tpu.dma_semaphore, #tpu.memory_space<semaphore_mem>>)
      %mul3A_247 = arith.constant 192 : i32
      %mul3A_248 = arith.muli %mul3A_234, %mul3A_247 : i32
      %add3A_249 = arith.addi %mul3A_5, %mul3A_248 : i32
      %multiple_of3A_250 = tpu.assume_multiple %add3A_249, 8 : i32
      %dma_wait3A_251 = tpu.memref_slice %arg3[%multiple_of3A_250] : memref<160000xi32, #tpu.memory_space<hbm>> -> memref<192xi32, #tpu.memory_space<hbm>>
      %dma_wait3A_252 = tpu.memref_slice %arg3[%multiple_of3A_250] : memref<160000xi32, #tpu.memory_space<hbm>> -> memref<192xi32, #tpu.memory_space<hbm>>
      tpu.wait_dma2 semaphore(%arg15 : memref<!tpu.dma_semaphore, #tpu.memory_space<semaphore_mem>>) src(%dma_wait3A_252 : memref<192xi32, #tpu.memory_space<hbm>>) dst(%arg11 : memref<192xi32, #tpu.memory_space<vmem>>)
      %dma_wait3A_253 = arith.constant 256 : i32
      %dma_wait3A_254 = tpu.memref_slice %arg2[%multiple_of3A_250, %dma_wait3A_253] : memref<160000x512xf32, #tpu.memory_space<hbm>> -> memref<192x128xf32, #tpu.memory_space<hbm>>
      %dma_wait3A_255 = arith.constant 256 : i32
      %dma_wait3A_256 = tpu.memref_slice %arg2[%multiple_of3A_250, %dma_wait3A_255] : memref<160000x512xf32, #tpu.memory_space<hbm>> -> memref<192x128xf32, #tpu.memory_space<hbm>>
      tpu.wait_dma2 semaphore(%arg17 : memref<!tpu.dma_semaphore, #tpu.memory_space<semaphore_mem>>) src(%dma_wait3A_256 : memref<192x128xf32, #tpu.memory_space<hbm>>) dst(%arg8 : memref<192x128xf32, #tpu.memory_space<vmem>>)
      "tpu.region"() ({
        %run_scoped3A = tpu.sem_alloc : memref<!tpu.dma_semaphore, #tpu.memory_space<semaphore_mem>>
        %dma_start3A_273 = arith.constant 0 : i32
        %dma_start3A_274 = arith.constant 0 : i32
        %dma_start3A_275 = tpu.memref_slice %arg14[%dma_start3A_273, %dma_start3A_274] : memref<10000x128xf32, #tpu.memory_space<vmem_shared>> -> memref<10000x128xf32, #tpu.memory_space<vmem_shared>>
        tpu.enqueue_indirect_dma source(%arg8 : memref<192x128xf32, #tpu.memory_space<vmem>>) target(%dma_start3A_275 : memref<10000x128xf32, #tpu.memory_space<vmem_shared>>) offsets(%arg11 : memref<192xi32, #tpu.memory_space<vmem>>) semaphore(%run_scoped3A : memref<!tpu.dma_semaphore, #tpu.memory_space<semaphore_mem>>) {add = true}
        %dma_wait3A_276 = arith.constant 0 : i32
        %dma_wait3A_277 = arith.constant 0 : i32
        %dma_wait3A_278 = tpu.memref_slice %arg14[%dma_wait3A_276, %dma_wait3A_277] : memref<10000x128xf32, #tpu.memory_space<vmem_shared>> -> memref<10000x128xf32, #tpu.memory_space<vmem_shared>>
        tpu.wait_indirect_dma semaphore(%run_scoped3A : memref<!tpu.dma_semaphore, #tpu.memory_space<semaphore_mem>>) src(%arg8 : memref<192x128xf32, #tpu.memory_space<vmem>>) dst(%dma_wait3A_278 : memref<10000x128xf32, #tpu.memory_space<vmem_shared>>)
        tpu.yield
      }) : () -> ()
      %lt3A = arith.constant 12 : i32
      %lt3A_257 = arith.cmpi slt, %scan3A_232, %lt3A : i32
      %convert_element_type3A_258 = arith.extui %lt3A_257 : i1 to i32
      %cond3A_259 = arith.constant 0 : i32
      %cond3A_260 = arith.cmpi ne, %convert_element_type3A_258, %cond3A_259 : i32
      scf.if %cond3A_260 {
        %add3A_273 = arith.constant 2 : i32
        %add3A_274 = arith.addi %mul3A_234, %add3A_273 : i32
        %mul3A_275 = arith.constant 192 : i32
        %mul3A_276 = arith.muli %add3A_274, %mul3A_275 : i32
        %add3A_277 = arith.addi %mul3A_5, %mul3A_276 : i32
        %multiple_of3A_278 = tpu.assume_multiple %add3A_277, 8 : i32
        %dma_start3A_279 = tpu.memref_slice %arg3[%multiple_of3A_278] : memref<160000xi32, #tpu.memory_space<hbm>> -> memref<192xi32, #tpu.memory_space<hbm>>
        %dma_start3A_280 = tpu.memref_slice %arg3[%multiple_of3A_278] : memref<160000xi32, #tpu.memory_space<hbm>> -> memref<192xi32, #tpu.memory_space<hbm>>
        tpu.enqueue_dma source(%dma_start3A_280 : memref<192xi32, #tpu.memory_space<hbm>>) target(%arg11 : memref<192xi32, #tpu.memory_space<vmem>>) target_semaphore(%arg15 : memref<!tpu.dma_semaphore, #tpu.memory_space<semaphore_mem>>)
        %dma_start3A_281 = arith.constant 256 : i32
        %dma_start3A_282 = tpu.memref_slice %arg2[%multiple_of3A_278, %dma_start3A_281] : memref<160000x512xf32, #tpu.memory_space<hbm>> -> memref<192x128xf32, #tpu.memory_space<hbm>>
        %dma_start3A_283 = arith.constant 256 : i32
        %dma_start3A_284 = tpu.memref_slice %arg2[%multiple_of3A_278, %dma_start3A_283] : memref<160000x512xf32, #tpu.memory_space<hbm>> -> memref<192x128xf32, #tpu.memory_space<hbm>>
        tpu.enqueue_dma source(%dma_start3A_284 : memref<192x128xf32, #tpu.memory_space<hbm>>) target(%arg8 : memref<192x128xf32, #tpu.memory_space<vmem>>) target_semaphore(%arg17 : memref<!tpu.dma_semaphore, #tpu.memory_space<semaphore_mem>>)
      } else {
      }
      %add3A_261 = arith.constant 1 : i32
      %add3A_262 = arith.addi %mul3A_234, %add3A_261 : i32
      %mul3A_263 = arith.constant 192 : i32
      %mul3A_264 = arith.muli %add3A_262, %mul3A_263 : i32
      %add3A_265 = arith.addi %mul3A_5, %mul3A_264 : i32
      %multiple_of3A_266 = tpu.assume_multiple %add3A_265, 8 : i32
      %dma_wait3A_267 = tpu.memref_slice %arg3[%multiple_of3A_266] : memref<160000xi32, #tpu.memory_space<hbm>> -> memref<192xi32, #tpu.memory_space<hbm>>
      %dma_wait3A_268 = tpu.memref_slice %arg3[%multiple_of3A_266] : memref<160000xi32, #tpu.memory_space<hbm>> -> memref<192xi32, #tpu.memory_space<hbm>>
      tpu.wait_dma2 semaphore(%arg16 : memref<!tpu.dma_semaphore, #tpu.memory_space<semaphore_mem>>) src(%dma_wait3A_268 : memref<192xi32, #tpu.memory_space<hbm>>) dst(%arg12 : memref<192xi32, #tpu.memory_space<vmem>>)
      %dma_wait3A_269 = arith.constant 256 : i32
      %dma_wait3A_270 = tpu.memref_slice %arg2[%multiple_of3A_266, %dma_wait3A_269] : memref<160000x512xf32, #tpu.memory_space<hbm>> -> memref<192x128xf32, #tpu.memory_space<hbm>>
      %dma_wait3A_271 = arith.constant 256 : i32
      %dma_wait3A_272 = tpu.memref_slice %arg2[%multiple_of3A_266, %dma_wait3A_271] : memref<160000x512xf32, #tpu.memory_space<hbm>> -> memref<192x128xf32, #tpu.memory_space<hbm>>
      tpu.wait_dma2 semaphore(%arg18 : memref<!tpu.dma_semaphore, #tpu.memory_space<semaphore_mem>>) src(%dma_wait3A_272 : memref<192x128xf32, #tpu.memory_space<hbm>>) dst(%arg9 : memref<192x128xf32, #tpu.memory_space<vmem>>)
      "tpu.region"() ({
        %run_scoped3A = tpu.sem_alloc : memref<!tpu.dma_semaphore, #tpu.memory_space<semaphore_mem>>
        %dma_start3A_273 = arith.constant 0 : i32
        %dma_start3A_274 = arith.constant 0 : i32
        %dma_start3A_275 = tpu.memref_slice %arg14[%dma_start3A_273, %dma_start3A_274] : memref<10000x128xf32, #tpu.memory_space<vmem_shared>> -> memref<10000x128xf32, #tpu.memory_space<vmem_shared>>
        tpu.enqueue_indirect_dma source(%arg9 : memref<192x128xf32, #tpu.memory_space<vmem>>) target(%dma_start3A_275 : memref<10000x128xf32, #tpu.memory_space<vmem_shared>>) offsets(%arg12 : memref<192xi32, #tpu.memory_space<vmem>>) semaphore(%run_scoped3A : memref<!tpu.dma_semaphore, #tpu.memory_space<semaphore_mem>>) {add = true}
        %dma_wait3A_276 = arith.constant 0 : i32
        %dma_wait3A_277 = arith.constant 0 : i32
        %dma_wait3A_278 = tpu.memref_slice %arg14[%dma_wait3A_276, %dma_wait3A_277] : memref<10000x128xf32, #tpu.memory_space<vmem_shared>> -> memref<10000x128xf32, #tpu.memory_space<vmem_shared>>
        tpu.wait_indirect_dma semaphore(%run_scoped3A : memref<!tpu.dma_semaphore, #tpu.memory_space<semaphore_mem>>) src(%arg9 : memref<192x128xf32, #tpu.memory_space<vmem>>) dst(%dma_wait3A_278 : memref<10000x128xf32, #tpu.memory_space<vmem_shared>>)
        tpu.yield
      }) : () -> ()
    }
    %scan3A_120 = arith.constant 13 : i32
    %add3A_121 = arith.constant 4992 : i32
    %add3A_122 = arith.addi %mul3A_5, %add3A_121 : i32
    %multiple_of3A_123 = tpu.assume_multiple %add3A_122, 8 : i32
    %dma_start3A_124 = tpu.memref_slice %arg3[%multiple_of3A_123] : memref<160000xi32, #tpu.memory_space<hbm>> -> memref<8xi32, #tpu.memory_space<hbm>>
    %dma_start3A_125 = tpu.memref_slice %arg3[%multiple_of3A_123] : memref<160000xi32, #tpu.memory_space<hbm>> -> memref<8xi32, #tpu.memory_space<hbm>>
    tpu.enqueue_dma source(%dma_start3A_125 : memref<8xi32, #tpu.memory_space<hbm>>) target(%arg13 : memref<8xi32, #tpu.memory_space<vmem>>) target_semaphore(%arg19 : memref<!tpu.dma_semaphore, #tpu.memory_space<semaphore_mem>>)
    %dma_wait3A_126 = tpu.memref_slice %arg3[%multiple_of3A_123] : memref<160000xi32, #tpu.memory_space<hbm>> -> memref<8xi32, #tpu.memory_space<hbm>>
    %dma_wait3A_127 = tpu.memref_slice %arg3[%multiple_of3A_123] : memref<160000xi32, #tpu.memory_space<hbm>> -> memref<8xi32, #tpu.memory_space<hbm>>
    tpu.wait_dma2 semaphore(%arg19 : memref<!tpu.dma_semaphore, #tpu.memory_space<semaphore_mem>>) src(%dma_wait3A_127 : memref<8xi32, #tpu.memory_space<hbm>>) dst(%arg13 : memref<8xi32, #tpu.memory_space<vmem>>)
    %dma_start3A_128 = arith.constant 256 : i32
    %dma_start3A_129 = tpu.memref_slice %arg2[%multiple_of3A_123, %dma_start3A_128] : memref<160000x512xf32, #tpu.memory_space<hbm>> -> memref<8x128xf32, #tpu.memory_space<hbm>>
    %dma_start3A_130 = arith.constant 256 : i32
    %dma_start3A_131 = tpu.memref_slice %arg2[%multiple_of3A_123, %dma_start3A_130] : memref<160000x512xf32, #tpu.memory_space<hbm>> -> memref<8x128xf32, #tpu.memory_space<hbm>>
    tpu.enqueue_dma source(%dma_start3A_131 : memref<8x128xf32, #tpu.memory_space<hbm>>) target(%arg10 : memref<8x128xf32, #tpu.memory_space<vmem>>) target_semaphore(%arg19 : memref<!tpu.dma_semaphore, #tpu.memory_space<semaphore_mem>>)
    %dma_wait3A_132 = arith.constant 256 : i32
    %dma_wait3A_133 = tpu.memref_slice %arg2[%multiple_of3A_123, %dma_wait3A_132] : memref<160000x512xf32, #tpu.memory_space<hbm>> -> memref<8x128xf32, #tpu.memory_space<hbm>>
    %dma_wait3A_134 = arith.constant 256 : i32
    %dma_wait3A_135 = tpu.memref_slice %arg2[%multiple_of3A_123, %dma_wait3A_134] : memref<160000x512xf32, #tpu.memory_space<hbm>> -> memref<8x128xf32, #tpu.memory_space<hbm>>
    tpu.wait_dma2 semaphore(%arg19 : memref<!tpu.dma_semaphore, #tpu.memory_space<semaphore_mem>>) src(%dma_wait3A_135 : memref<8x128xf32, #tpu.memory_space<hbm>>) dst(%arg10 : memref<8x128xf32, #tpu.memory_space<vmem>>)
    "tpu.region"() ({
      %run_scoped3A = tpu.sem_alloc : memref<!tpu.dma_semaphore, #tpu.memory_space<semaphore_mem>>
      %dma_start3A_232 = arith.constant 0 : i32
      %dma_start3A_233 = arith.constant 0 : i32
      %dma_start3A_234 = tpu.memref_slice %arg14[%dma_start3A_232, %dma_start3A_233] : memref<10000x128xf32, #tpu.memory_space<vmem_shared>> -> memref<10000x128xf32, #tpu.memory_space<vmem_shared>>
      tpu.enqueue_indirect_dma source(%arg10 : memref<8x128xf32, #tpu.memory_space<vmem>>) target(%dma_start3A_234 : memref<10000x128xf32, #tpu.memory_space<vmem_shared>>) offsets(%arg13 : memref<8xi32, #tpu.memory_space<vmem>>) semaphore(%run_scoped3A : memref<!tpu.dma_semaphore, #tpu.memory_space<semaphore_mem>>) {add = true}
      %dma_wait3A_235 = arith.constant 0 : i32
      %dma_wait3A_236 = arith.constant 0 : i32
      %dma_wait3A_237 = tpu.memref_slice %arg14[%dma_wait3A_235, %dma_wait3A_236] : memref<10000x128xf32, #tpu.memory_space<vmem_shared>> -> memref<10000x128xf32, #tpu.memory_space<vmem_shared>>
      tpu.wait_indirect_dma semaphore(%run_scoped3A : memref<!tpu.dma_semaphore, #tpu.memory_space<semaphore_mem>>) src(%arg10 : memref<8x128xf32, #tpu.memory_space<vmem>>) dst(%dma_wait3A_237 : memref<10000x128xf32, #tpu.memory_space<vmem_shared>>)
      tpu.yield
    }) : () -> ()
    %barrier3A_136 = arith.constant 0 : index
    tpu.barrier barrier_id(%barrier3A_136)
    %not3A_137 = arith.constant true
    %not3A_138 = arith.xori %eq3A_3, %not3A_137 : i1
    %convert_element_type3A_139 = arith.extui %not3A_138 : i1 to i32
    %cond3A_140 = arith.constant 0 : i32
    %cond3A_141 = arith.cmpi ne, %convert_element_type3A_139, %cond3A_140 : i32
    scf.if %cond3A_141 {
      "tpu.region"() ({
        %run_scoped3A = tpu.sem_alloc : memref<!tpu.dma_semaphore, #tpu.memory_space<semaphore_mem>>
        %dma_start3A_232 = arith.constant 256 : i32
        %dma_start3A_233 = tpu.memref_slice %arg6[%arg0, %multiple_of3A, %dma_start3A_232] : memref<2x10000x512xf32, #tpu.memory_space<hbm>> -> memref<1x632x128xf32, #tpu.memory_space<hbm>>
        %dma_start3A_234 = tpu.memref_squeeze %dma_start3A_233 : memref<1x632x128xf32, #tpu.memory_space<hbm>> -> memref<632x128xf32, #tpu.memory_space<hbm>>
        %dma_start3A_235 = arith.constant 0 : i32
        %dma_start3A_236 = tpu.memref_slice %arg14[%multiple_of3A, %dma_start3A_235] : memref<10000x128xf32, #tpu.memory_space<vmem_shared>> -> memref<632x128xf32, #tpu.memory_space<vmem_shared>>
        tpu.enqueue_dma source(%dma_start3A_236 : memref<632x128xf32, #tpu.memory_space<vmem_shared>>) target(%dma_start3A_234 : memref<632x128xf32, #tpu.memory_space<hbm>>) target_semaphore(%run_scoped3A : memref<!tpu.dma_semaphore, #tpu.memory_space<semaphore_mem>>)
        %dma_wait3A_237 = arith.constant 256 : i32
        %dma_wait3A_238 = tpu.memref_slice %arg6[%arg0, %multiple_of3A, %dma_wait3A_237] : memref<2x10000x512xf32, #tpu.memory_space<hbm>> -> memref<1x632x128xf32, #tpu.memory_space<hbm>>
        %dma_wait3A_239 = tpu.memref_squeeze %dma_wait3A_238 : memref<1x632x128xf32, #tpu.memory_space<hbm>> -> memref<632x128xf32, #tpu.memory_space<hbm>>
        %dma_wait3A_240 = arith.constant 0 : i32
        %dma_wait3A_241 = tpu.memref_slice %arg14[%multiple_of3A, %dma_wait3A_240] : memref<10000x128xf32, #tpu.memory_space<vmem_shared>> -> memref<632x128xf32, #tpu.memory_space<vmem_shared>>
        tpu.wait_dma2 semaphore(%run_scoped3A : memref<!tpu.dma_semaphore, #tpu.memory_space<semaphore_mem>>) src(%dma_wait3A_241 : memref<632x128xf32, #tpu.memory_space<vmem_shared>>) dst(%dma_wait3A_239 : memref<632x128xf32, #tpu.memory_space<hbm>>)
        tpu.yield
      }) : () -> ()
    } else {
    }
    %convert_element_type3A_142 = arith.extui %eq3A_3 : i1 to i32
    %cond3A_143 = arith.constant 0 : i32
    %cond3A_144 = arith.cmpi ne, %convert_element_type3A_142, %cond3A_143 : i32
    scf.if %cond3A_144 {
      "tpu.region"() ({
        %run_scoped3A = tpu.sem_alloc : memref<!tpu.dma_semaphore, #tpu.memory_space<semaphore_mem>>
        %dma_start3A_232 = arith.constant 256 : i32
        %dma_start3A_233 = tpu.memref_slice %arg6[%arg0, %multiple_of3A, %dma_start3A_232] : memref<2x10000x512xf32, #tpu.memory_space<hbm>> -> memref<1x520x128xf32, #tpu.memory_space<hbm>>
        %dma_start3A_234 = tpu.memref_squeeze %dma_start3A_233 : memref<1x520x128xf32, #tpu.memory_space<hbm>> -> memref<520x128xf32, #tpu.memory_space<hbm>>
        %dma_start3A_235 = arith.constant 0 : i32
        %dma_start3A_236 = tpu.memref_slice %arg14[%multiple_of3A, %dma_start3A_235] : memref<10000x128xf32, #tpu.memory_space<vmem_shared>> -> memref<520x128xf32, #tpu.memory_space<vmem_shared>>
        tpu.enqueue_dma source(%dma_start3A_236 : memref<520x128xf32, #tpu.memory_space<vmem_shared>>) target(%dma_start3A_234 : memref<520x128xf32, #tpu.memory_space<hbm>>) target_semaphore(%run_scoped3A : memref<!tpu.dma_semaphore, #tpu.memory_space<semaphore_mem>>)
        %dma_wait3A_237 = arith.constant 256 : i32
        %dma_wait3A_238 = tpu.memref_slice %arg6[%arg0, %multiple_of3A, %dma_wait3A_237] : memref<2x10000x512xf32, #tpu.memory_space<hbm>> -> memref<1x520x128xf32, #tpu.memory_space<hbm>>
        %dma_wait3A_239 = tpu.memref_squeeze %dma_wait3A_238 : memref<1x520x128xf32, #tpu.memory_space<hbm>> -> memref<520x128xf32, #tpu.memory_space<hbm>>
        %dma_wait3A_240 = arith.constant 0 : i32
        %dma_wait3A_241 = tpu.memref_slice %arg14[%multiple_of3A, %dma_wait3A_240] : memref<10000x128xf32, #tpu.memory_space<vmem_shared>> -> memref<520x128xf32, #tpu.memory_space<vmem_shared>>
        tpu.wait_dma2 semaphore(%run_scoped3A : memref<!tpu.dma_semaphore, #tpu.memory_space<semaphore_mem>>) src(%dma_wait3A_241 : memref<520x128xf32, #tpu.memory_space<vmem_shared>>) dst(%dma_wait3A_239 : memref<520x128xf32, #tpu.memory_space<hbm>>)
        tpu.yield
      }) : () -> ()
    } else {
    }
    %barrier3A_145 = arith.constant 0 : index
    tpu.barrier barrier_id(%barrier3A_145)
    %not3A_146 = arith.constant true
    %not3A_147 = arith.xori %eq3A_3, %not3A_146 : i1
    %convert_element_type3A_148 = arith.extui %not3A_147 : i1 to i32
    %cond3A_149 = arith.constant 0 : i32
    %cond3A_150 = arith.cmpi ne, %convert_element_type3A_148, %cond3A_149 : i32
    scf.if %cond3A_150 {
      "tpu.region"() ({
        %run_scoped3A = tpu.sem_alloc : memref<!tpu.dma_semaphore, #tpu.memory_space<semaphore_mem>>
        %dma_start3A_232 = arith.constant 0 : i32
        %dma_start3A_233 = tpu.memref_slice %arg14[%multiple_of3A, %dma_start3A_232] : memref<10000x128xf32, #tpu.memory_space<vmem_shared>> -> memref<632x128xf32, #tpu.memory_space<vmem_shared>>
        tpu.enqueue_dma source(%arg4 : memref<632x128xf32, #tpu.memory_space<hbm>>) target(%dma_start3A_233 : memref<632x128xf32, #tpu.memory_space<vmem_shared>>) target_semaphore(%run_scoped3A : memref<!tpu.dma_semaphore, #tpu.memory_space<semaphore_mem>>)
        %dma_wait3A_234 = arith.constant 0 : i32
        %dma_wait3A_235 = tpu.memref_slice %arg14[%multiple_of3A, %dma_wait3A_234] : memref<10000x128xf32, #tpu.memory_space<vmem_shared>> -> memref<632x128xf32, #tpu.memory_space<vmem_shared>>
        tpu.wait_dma2 semaphore(%run_scoped3A : memref<!tpu.dma_semaphore, #tpu.memory_space<semaphore_mem>>) src(%arg4 : memref<632x128xf32, #tpu.memory_space<hbm>>) dst(%dma_wait3A_235 : memref<632x128xf32, #tpu.memory_space<vmem_shared>>)
        tpu.yield
      }) : () -> ()
    } else {
    }
    %convert_element_type3A_151 = arith.extui %eq3A_3 : i1 to i32
    %cond3A_152 = arith.constant 0 : i32
    %cond3A_153 = arith.cmpi ne, %convert_element_type3A_151, %cond3A_152 : i32
    scf.if %cond3A_153 {
      "tpu.region"() ({
        %run_scoped3A = tpu.sem_alloc : memref<!tpu.dma_semaphore, #tpu.memory_space<semaphore_mem>>
        %dma_start3A_232 = arith.constant 0 : i32
        %dma_start3A_233 = tpu.memref_slice %arg14[%multiple_of3A, %dma_start3A_232] : memref<10000x128xf32, #tpu.memory_space<vmem_shared>> -> memref<520x128xf32, #tpu.memory_space<vmem_shared>>
        %dma_start3A_234 = arith.constant 0 : i32
        %dma_start3A_235 = arith.constant 0 : i32
        %dma_start3A_236 = tpu.memref_slice %arg4[%dma_start3A_234, %dma_start3A_235] : memref<632x128xf32, #tpu.memory_space<hbm>> -> memref<520x128xf32, #tpu.memory_space<hbm>>
        tpu.enqueue_dma source(%dma_start3A_236 : memref<520x128xf32, #tpu.memory_space<hbm>>) target(%dma_start3A_233 : memref<520x128xf32, #tpu.memory_space<vmem_shared>>) target_semaphore(%run_scoped3A : memref<!tpu.dma_semaphore, #tpu.memory_space<semaphore_mem>>)
        %dma_wait3A_237 = arith.constant 0 : i32
        %dma_wait3A_238 = tpu.memref_slice %arg14[%multiple_of3A, %dma_wait3A_237] : memref<10000x128xf32, #tpu.memory_space<vmem_shared>> -> memref<520x128xf32, #tpu.memory_space<vmem_shared>>
        %dma_wait3A_239 = arith.constant 0 : i32
        %dma_wait3A_240 = arith.constant 0 : i32
        %dma_wait3A_241 = tpu.memref_slice %arg4[%dma_wait3A_239, %dma_wait3A_240] : memref<632x128xf32, #tpu.memory_space<hbm>> -> memref<520x128xf32, #tpu.memory_space<hbm>>
        tpu.wait_dma2 semaphore(%run_scoped3A : memref<!tpu.dma_semaphore, #tpu.memory_space<semaphore_mem>>) src(%dma_wait3A_241 : memref<520x128xf32, #tpu.memory_space<hbm>>) dst(%dma_wait3A_238 : memref<520x128xf32, #tpu.memory_space<vmem_shared>>)
        tpu.yield
      }) : () -> ()
    } else {
    }
    %barrier3A_154 = arith.constant 0 : index
    tpu.barrier barrier_id(%barrier3A_154)
    %add3A_155 = arith.constant 0 : i32
    %add3A_156 = arith.addi %mul3A_5, %add3A_155 : i32
    %multiple_of3A_157 = tpu.assume_multiple %add3A_156, 8 : i32
    %dma_start3A_158 = tpu.memref_slice %arg3[%multiple_of3A_157] : memref<160000xi32, #tpu.memory_space<hbm>> -> memref<192xi32, #tpu.memory_space<hbm>>
    %dma_start3A_159 = tpu.memref_slice %arg3[%multiple_of3A_157] : memref<160000xi32, #tpu.memory_space<hbm>> -> memref<192xi32, #tpu.memory_space<hbm>>
    tpu.enqueue_dma source(%dma_start3A_159 : memref<192xi32, #tpu.memory_space<hbm>>) target(%arg11 : memref<192xi32, #tpu.memory_space<vmem>>) target_semaphore(%arg15 : memref<!tpu.dma_semaphore, #tpu.memory_space<semaphore_mem>>)
    %dma_start3A_160 = arith.constant 384 : i32
    %dma_start3A_161 = tpu.memref_slice %arg2[%multiple_of3A_157, %dma_start3A_160] : memref<160000x512xf32, #tpu.memory_space<hbm>> -> memref<192x128xf32, #tpu.memory_space<hbm>>
    %dma_start3A_162 = arith.constant 384 : i32
    %dma_start3A_163 = tpu.memref_slice %arg2[%multiple_of3A_157, %dma_start3A_162] : memref<160000x512xf32, #tpu.memory_space<hbm>> -> memref<192x128xf32, #tpu.memory_space<hbm>>
    tpu.enqueue_dma source(%dma_start3A_163 : memref<192x128xf32, #tpu.memory_space<hbm>>) target(%arg8 : memref<192x128xf32, #tpu.memory_space<vmem>>) target_semaphore(%arg17 : memref<!tpu.dma_semaphore, #tpu.memory_space<semaphore_mem>>)
    %scan3A_164 = arith.constant 0 : i32
    %scan3A_165 = arith.constant 0 : i32
    %scan3A_166 = arith.constant 13 : i32
    %scan3A_167 = arith.addi %scan3A_165, %scan3A_166 : i32
    %scan3A_168 = arith.constant 1 : i32
    scf.for %scan3A_232 = %scan3A_165 to %scan3A_167 step %scan3A_168  : i32 {
      %mul3A_233 = arith.constant 2 : i32
      %mul3A_234 = arith.muli %mul3A_233, %scan3A_232 : i32
      %add3A_235 = arith.constant 1 : i32
      %add3A_236 = arith.addi %mul3A_234, %add3A_235 : i32
      %mul3A_237 = arith.constant 192 : i32
      %mul3A_238 = arith.muli %add3A_236, %mul3A_237 : i32
      %add3A_239 = arith.addi %mul3A_5, %mul3A_238 : i32
      %multiple_of3A_240 = tpu.assume_multiple %add3A_239, 8 : i32
      %dma_start3A_241 = tpu.memref_slice %arg3[%multiple_of3A_240] : memref<160000xi32, #tpu.memory_space<hbm>> -> memref<192xi32, #tpu.memory_space<hbm>>
      %dma_start3A_242 = tpu.memref_slice %arg3[%multiple_of3A_240] : memref<160000xi32, #tpu.memory_space<hbm>> -> memref<192xi32, #tpu.memory_space<hbm>>
      tpu.enqueue_dma source(%dma_start3A_242 : memref<192xi32, #tpu.memory_space<hbm>>) target(%arg12 : memref<192xi32, #tpu.memory_space<vmem>>) target_semaphore(%arg16 : memref<!tpu.dma_semaphore, #tpu.memory_space<semaphore_mem>>)
      %dma_start3A_243 = arith.constant 384 : i32
      %dma_start3A_244 = tpu.memref_slice %arg2[%multiple_of3A_240, %dma_start3A_243] : memref<160000x512xf32, #tpu.memory_space<hbm>> -> memref<192x128xf32, #tpu.memory_space<hbm>>
      %dma_start3A_245 = arith.constant 384 : i32
      %dma_start3A_246 = tpu.memref_slice %arg2[%multiple_of3A_240, %dma_start3A_245] : memref<160000x512xf32, #tpu.memory_space<hbm>> -> memref<192x128xf32, #tpu.memory_space<hbm>>
      tpu.enqueue_dma source(%dma_start3A_246 : memref<192x128xf32, #tpu.memory_space<hbm>>) target(%arg9 : memref<192x128xf32, #tpu.memory_space<vmem>>) target_semaphore(%arg18 : memref<!tpu.dma_semaphore, #tpu.memory_space<semaphore_mem>>)
      %mul3A_247 = arith.constant 192 : i32
      %mul3A_248 = arith.muli %mul3A_234, %mul3A_247 : i32
      %add3A_249 = arith.addi %mul3A_5, %mul3A_248 : i32
      %multiple_of3A_250 = tpu.assume_multiple %add3A_249, 8 : i32
      %dma_wait3A_251 = tpu.memref_slice %arg3[%multiple_of3A_250] : memref<160000xi32, #tpu.memory_space<hbm>> -> memref<192xi32, #tpu.memory_space<hbm>>
      %dma_wait3A_252 = tpu.memref_slice %arg3[%multiple_of3A_250] : memref<160000xi32, #tpu.memory_space<hbm>> -> memref<192xi32, #tpu.memory_space<hbm>>
      tpu.wait_dma2 semaphore(%arg15 : memref<!tpu.dma_semaphore, #tpu.memory_space<semaphore_mem>>) src(%dma_wait3A_252 : memref<192xi32, #tpu.memory_space<hbm>>) dst(%arg11 : memref<192xi32, #tpu.memory_space<vmem>>)
      %dma_wait3A_253 = arith.constant 384 : i32
      %dma_wait3A_254 = tpu.memref_slice %arg2[%multiple_of3A_250, %dma_wait3A_253] : memref<160000x512xf32, #tpu.memory_space<hbm>> -> memref<192x128xf32, #tpu.memory_space<hbm>>
      %dma_wait3A_255 = arith.constant 384 : i32
      %dma_wait3A_256 = tpu.memref_slice %arg2[%multiple_of3A_250, %dma_wait3A_255] : memref<160000x512xf32, #tpu.memory_space<hbm>> -> memref<192x128xf32, #tpu.memory_space<hbm>>
      tpu.wait_dma2 semaphore(%arg17 : memref<!tpu.dma_semaphore, #tpu.memory_space<semaphore_mem>>) src(%dma_wait3A_256 : memref<192x128xf32, #tpu.memory_space<hbm>>) dst(%arg8 : memref<192x128xf32, #tpu.memory_space<vmem>>)
      "tpu.region"() ({
        %run_scoped3A = tpu.sem_alloc : memref<!tpu.dma_semaphore, #tpu.memory_space<semaphore_mem>>
        %dma_start3A_273 = arith.constant 0 : i32
        %dma_start3A_274 = arith.constant 0 : i32
        %dma_start3A_275 = tpu.memref_slice %arg14[%dma_start3A_273, %dma_start3A_274] : memref<10000x128xf32, #tpu.memory_space<vmem_shared>> -> memref<10000x128xf32, #tpu.memory_space<vmem_shared>>
        tpu.enqueue_indirect_dma source(%arg8 : memref<192x128xf32, #tpu.memory_space<vmem>>) target(%dma_start3A_275 : memref<10000x128xf32, #tpu.memory_space<vmem_shared>>) offsets(%arg11 : memref<192xi32, #tpu.memory_space<vmem>>) semaphore(%run_scoped3A : memref<!tpu.dma_semaphore, #tpu.memory_space<semaphore_mem>>) {add = true}
        %dma_wait3A_276 = arith.constant 0 : i32
        %dma_wait3A_277 = arith.constant 0 : i32
        %dma_wait3A_278 = tpu.memref_slice %arg14[%dma_wait3A_276, %dma_wait3A_277] : memref<10000x128xf32, #tpu.memory_space<vmem_shared>> -> memref<10000x128xf32, #tpu.memory_space<vmem_shared>>
        tpu.wait_indirect_dma semaphore(%run_scoped3A : memref<!tpu.dma_semaphore, #tpu.memory_space<semaphore_mem>>) src(%arg8 : memref<192x128xf32, #tpu.memory_space<vmem>>) dst(%dma_wait3A_278 : memref<10000x128xf32, #tpu.memory_space<vmem_shared>>)
        tpu.yield
      }) : () -> ()
      %lt3A = arith.constant 12 : i32
      %lt3A_257 = arith.cmpi slt, %scan3A_232, %lt3A : i32
      %convert_element_type3A_258 = arith.extui %lt3A_257 : i1 to i32
      %cond3A_259 = arith.constant 0 : i32
      %cond3A_260 = arith.cmpi ne, %convert_element_type3A_258, %cond3A_259 : i32
      scf.if %cond3A_260 {
        %add3A_273 = arith.constant 2 : i32
        %add3A_274 = arith.addi %mul3A_234, %add3A_273 : i32
        %mul3A_275 = arith.constant 192 : i32
        %mul3A_276 = arith.muli %add3A_274, %mul3A_275 : i32
        %add3A_277 = arith.addi %mul3A_5, %mul3A_276 : i32
        %multiple_of3A_278 = tpu.assume_multiple %add3A_277, 8 : i32
        %dma_start3A_279 = tpu.memref_slice %arg3[%multiple_of3A_278] : memref<160000xi32, #tpu.memory_space<hbm>> -> memref<192xi32, #tpu.memory_space<hbm>>
        %dma_start3A_280 = tpu.memref_slice %arg3[%multiple_of3A_278] : memref<160000xi32, #tpu.memory_space<hbm>> -> memref<192xi32, #tpu.memory_space<hbm>>
        tpu.enqueue_dma source(%dma_start3A_280 : memref<192xi32, #tpu.memory_space<hbm>>) target(%arg11 : memref<192xi32, #tpu.memory_space<vmem>>) target_semaphore(%arg15 : memref<!tpu.dma_semaphore, #tpu.memory_space<semaphore_mem>>)
        %dma_start3A_281 = arith.constant 384 : i32
        %dma_start3A_282 = tpu.memref_slice %arg2[%multiple_of3A_278, %dma_start3A_281] : memref<160000x512xf32, #tpu.memory_space<hbm>> -> memref<192x128xf32, #tpu.memory_space<hbm>>
        %dma_start3A_283 = arith.constant 384 : i32
        %dma_start3A_284 = tpu.memref_slice %arg2[%multiple_of3A_278, %dma_start3A_283] : memref<160000x512xf32, #tpu.memory_space<hbm>> -> memref<192x128xf32, #tpu.memory_space<hbm>>
        tpu.enqueue_dma source(%dma_start3A_284 : memref<192x128xf32, #tpu.memory_space<hbm>>) target(%arg8 : memref<192x128xf32, #tpu.memory_space<vmem>>) target_semaphore(%arg17 : memref<!tpu.dma_semaphore, #tpu.memory_space<semaphore_mem>>)
      } else {
      }
      %add3A_261 = arith.constant 1 : i32
      %add3A_262 = arith.addi %mul3A_234, %add3A_261 : i32
      %mul3A_263 = arith.constant 192 : i32
      %mul3A_264 = arith.muli %add3A_262, %mul3A_263 : i32
      %add3A_265 = arith.addi %mul3A_5, %mul3A_264 : i32
      %multiple_of3A_266 = tpu.assume_multiple %add3A_265, 8 : i32
      %dma_wait3A_267 = tpu.memref_slice %arg3[%multiple_of3A_266] : memref<160000xi32, #tpu.memory_space<hbm>> -> memref<192xi32, #tpu.memory_space<hbm>>
      %dma_wait3A_268 = tpu.memref_slice %arg3[%multiple_of3A_266] : memref<160000xi32, #tpu.memory_space<hbm>> -> memref<192xi32, #tpu.memory_space<hbm>>
      tpu.wait_dma2 semaphore(%arg16 : memref<!tpu.dma_semaphore, #tpu.memory_space<semaphore_mem>>) src(%dma_wait3A_268 : memref<192xi32, #tpu.memory_space<hbm>>) dst(%arg12 : memref<192xi32, #tpu.memory_space<vmem>>)
      %dma_wait3A_269 = arith.constant 384 : i32
      %dma_wait3A_270 = tpu.memref_slice %arg2[%multiple_of3A_266, %dma_wait3A_269] : memref<160000x512xf32, #tpu.memory_space<hbm>> -> memref<192x128xf32, #tpu.memory_space<hbm>>
      %dma_wait3A_271 = arith.constant 384 : i32
      %dma_wait3A_272 = tpu.memref_slice %arg2[%multiple_of3A_266, %dma_wait3A_271] : memref<160000x512xf32, #tpu.memory_space<hbm>> -> memref<192x128xf32, #tpu.memory_space<hbm>>
      tpu.wait_dma2 semaphore(%arg18 : memref<!tpu.dma_semaphore, #tpu.memory_space<semaphore_mem>>) src(%dma_wait3A_272 : memref<192x128xf32, #tpu.memory_space<hbm>>) dst(%arg9 : memref<192x128xf32, #tpu.memory_space<vmem>>)
      "tpu.region"() ({
        %run_scoped3A = tpu.sem_alloc : memref<!tpu.dma_semaphore, #tpu.memory_space<semaphore_mem>>
        %dma_start3A_273 = arith.constant 0 : i32
        %dma_start3A_274 = arith.constant 0 : i32
        %dma_start3A_275 = tpu.memref_slice %arg14[%dma_start3A_273, %dma_start3A_274] : memref<10000x128xf32, #tpu.memory_space<vmem_shared>> -> memref<10000x128xf32, #tpu.memory_space<vmem_shared>>
        tpu.enqueue_indirect_dma source(%arg9 : memref<192x128xf32, #tpu.memory_space<vmem>>) target(%dma_start3A_275 : memref<10000x128xf32, #tpu.memory_space<vmem_shared>>) offsets(%arg12 : memref<192xi32, #tpu.memory_space<vmem>>) semaphore(%run_scoped3A : memref<!tpu.dma_semaphore, #tpu.memory_space<semaphore_mem>>) {add = true}
        %dma_wait3A_276 = arith.constant 0 : i32
        %dma_wait3A_277 = arith.constant 0 : i32
        %dma_wait3A_278 = tpu.memref_slice %arg14[%dma_wait3A_276, %dma_wait3A_277] : memref<10000x128xf32, #tpu.memory_space<vmem_shared>> -> memref<10000x128xf32, #tpu.memory_space<vmem_shared>>
        tpu.wait_indirect_dma semaphore(%run_scoped3A : memref<!tpu.dma_semaphore, #tpu.memory_space<semaphore_mem>>) src(%arg9 : memref<192x128xf32, #tpu.memory_space<vmem>>) dst(%dma_wait3A_278 : memref<10000x128xf32, #tpu.memory_space<vmem_shared>>)
        tpu.yield
      }) : () -> ()
    }
    %scan3A_169 = arith.constant 13 : i32
    %add3A_170 = arith.constant 4992 : i32
    %add3A_171 = arith.addi %mul3A_5, %add3A_170 : i32
    %multiple_of3A_172 = tpu.assume_multiple %add3A_171, 8 : i32
    %dma_start3A_173 = tpu.memref_slice %arg3[%multiple_of3A_172] : memref<160000xi32, #tpu.memory_space<hbm>> -> memref<8xi32, #tpu.memory_space<hbm>>
    %dma_start3A_174 = tpu.memref_slice %arg3[%multiple_of3A_172] : memref<160000xi32, #tpu.memory_space<hbm>> -> memref<8xi32, #tpu.memory_space<hbm>>
    tpu.enqueue_dma source(%dma_start3A_174 : memref<8xi32, #tpu.memory_space<hbm>>) target(%arg13 : memref<8xi32, #tpu.memory_space<vmem>>) target_semaphore(%arg19 : memref<!tpu.dma_semaphore, #tpu.memory_space<semaphore_mem>>)
    %dma_wait3A_175 = tpu.memref_slice %arg3[%multiple_of3A_172] : memref<160000xi32, #tpu.memory_space<hbm>> -> memref<8xi32, #tpu.memory_space<hbm>>
    %dma_wait3A_176 = tpu.memref_slice %arg3[%multiple_of3A_172] : memref<160000xi32, #tpu.memory_space<hbm>> -> memref<8xi32, #tpu.memory_space<hbm>>
    tpu.wait_dma2 semaphore(%arg19 : memref<!tpu.dma_semaphore, #tpu.memory_space<semaphore_mem>>) src(%dma_wait3A_176 : memref<8xi32, #tpu.memory_space<hbm>>) dst(%arg13 : memref<8xi32, #tpu.memory_space<vmem>>)
    %dma_start3A_177 = arith.constant 384 : i32
    %dma_start3A_178 = tpu.memref_slice %arg2[%multiple_of3A_172, %dma_start3A_177] : memref<160000x512xf32, #tpu.memory_space<hbm>> -> memref<8x128xf32, #tpu.memory_space<hbm>>
    %dma_start3A_179 = arith.constant 384 : i32
    %dma_start3A_180 = tpu.memref_slice %arg2[%multiple_of3A_172, %dma_start3A_179] : memref<160000x512xf32, #tpu.memory_space<hbm>> -> memref<8x128xf32, #tpu.memory_space<hbm>>
    tpu.enqueue_dma source(%dma_start3A_180 : memref<8x128xf32, #tpu.memory_space<hbm>>) target(%arg10 : memref<8x128xf32, #tpu.memory_space<vmem>>) target_semaphore(%arg19 : memref<!tpu.dma_semaphore, #tpu.memory_space<semaphore_mem>>)
    %dma_wait3A_181 = arith.constant 384 : i32
    %dma_wait3A_182 = tpu.memref_slice %arg2[%multiple_of3A_172, %dma_wait3A_181] : memref<160000x512xf32, #tpu.memory_space<hbm>> -> memref<8x128xf32, #tpu.memory_space<hbm>>
    %dma_wait3A_183 = arith.constant 384 : i32
    %dma_wait3A_184 = tpu.memref_slice %arg2[%multiple_of3A_172, %dma_wait3A_183] : memref<160000x512xf32, #tpu.memory_space<hbm>> -> memref<8x128xf32, #tpu.memory_space<hbm>>
    tpu.wait_dma2 semaphore(%arg19 : memref<!tpu.dma_semaphore, #tpu.memory_space<semaphore_mem>>) src(%dma_wait3A_184 : memref<8x128xf32, #tpu.memory_space<hbm>>) dst(%arg10 : memref<8x128xf32, #tpu.memory_space<vmem>>)
    "tpu.region"() ({
      %run_scoped3A = tpu.sem_alloc : memref<!tpu.dma_semaphore, #tpu.memory_space<semaphore_mem>>
      %dma_start3A_232 = arith.constant 0 : i32
      %dma_start3A_233 = arith.constant 0 : i32
      %dma_start3A_234 = tpu.memref_slice %arg14[%dma_start3A_232, %dma_start3A_233] : memref<10000x128xf32, #tpu.memory_space<vmem_shared>> -> memref<10000x128xf32, #tpu.memory_space<vmem_shared>>
      tpu.enqueue_indirect_dma source(%arg10 : memref<8x128xf32, #tpu.memory_space<vmem>>) target(%dma_start3A_234 : memref<10000x128xf32, #tpu.memory_space<vmem_shared>>) offsets(%arg13 : memref<8xi32, #tpu.memory_space<vmem>>) semaphore(%run_scoped3A : memref<!tpu.dma_semaphore, #tpu.memory_space<semaphore_mem>>) {add = true}
      %dma_wait3A_235 = arith.constant 0 : i32
      %dma_wait3A_236 = arith.constant 0 : i32
      %dma_wait3A_237 = tpu.memref_slice %arg14[%dma_wait3A_235, %dma_wait3A_236] : memref<10000x128xf32, #tpu.memory_space<vmem_shared>> -> memref<10000x128xf32, #tpu.memory_space<vmem_shared>>
      tpu.wait_indirect_dma semaphore(%run_scoped3A : memref<!tpu.dma_semaphore, #tpu.memory_space<semaphore_mem>>) src(%arg10 : memref<8x128xf32, #tpu.memory_space<vmem>>) dst(%dma_wait3A_237 : memref<10000x128xf32, #tpu.memory_space<vmem_shared>>)
      tpu.yield
    }) : () -> ()
    %barrier3A_185 = arith.constant 0 : index
    tpu.barrier barrier_id(%barrier3A_185)
    %not3A_186 = arith.constant true
    %not3A_187 = arith.xori %eq3A_3, %not3A_186 : i1
    %convert_element_type3A_188 = arith.extui %not3A_187 : i1 to i32
    %cond3A_189 = arith.constant 0 : i32
    %cond3A_190 = arith.cmpi ne, %convert_element_type3A_188, %cond3A_189 : i32
    scf.if %cond3A_190 {
      "tpu.region"() ({
        %run_scoped3A = tpu.sem_alloc : memref<!tpu.dma_semaphore, #tpu.memory_space<semaphore_mem>>
        %dma_start3A_232 = arith.constant 384 : i32
        %dma_start3A_233 = tpu.memref_slice %arg6[%arg0, %multiple_of3A, %dma_start3A_232] : memref<2x10000x512xf32, #tpu.memory_space<hbm>> -> memref<1x632x128xf32, #tpu.memory_space<hbm>>
        %dma_start3A_234 = tpu.memref_squeeze %dma_start3A_233 : memref<1x632x128xf32, #tpu.memory_space<hbm>> -> memref<632x128xf32, #tpu.memory_space<hbm>>
        %dma_start3A_235 = arith.constant 0 : i32
        %dma_start3A_236 = tpu.memref_slice %arg14[%multiple_of3A, %dma_start3A_235] : memref<10000x128xf32, #tpu.memory_space<vmem_shared>> -> memref<632x128xf32, #tpu.memory_space<vmem_shared>>
        tpu.enqueue_dma source(%dma_start3A_236 : memref<632x128xf32, #tpu.memory_space<vmem_shared>>) target(%dma_start3A_234 : memref<632x128xf32, #tpu.memory_space<hbm>>) target_semaphore(%run_scoped3A : memref<!tpu.dma_semaphore, #tpu.memory_space<semaphore_mem>>)
        %dma_wait3A_237 = arith.constant 384 : i32
        %dma_wait3A_238 = tpu.memref_slice %arg6[%arg0, %multiple_of3A, %dma_wait3A_237] : memref<2x10000x512xf32, #tpu.memory_space<hbm>> -> memref<1x632x128xf32, #tpu.memory_space<hbm>>
        %dma_wait3A_239 = tpu.memref_squeeze %dma_wait3A_238 : memref<1x632x128xf32, #tpu.memory_space<hbm>> -> memref<632x128xf32, #tpu.memory_space<hbm>>
        %dma_wait3A_240 = arith.constant 0 : i32
        %dma_wait3A_241 = tpu.memref_slice %arg14[%multiple_of3A, %dma_wait3A_240] : memref<10000x128xf32, #tpu.memory_space<vmem_shared>> -> memref<632x128xf32, #tpu.memory_space<vmem_shared>>
        tpu.wait_dma2 semaphore(%run_scoped3A : memref<!tpu.dma_semaphore, #tpu.memory_space<semaphore_mem>>) src(%dma_wait3A_241 : memref<632x128xf32, #tpu.memory_space<vmem_shared>>) dst(%dma_wait3A_239 : memref<632x128xf32, #tpu.memory_space<hbm>>)
        tpu.yield
      }) : () -> ()
    } else {
    }
    %convert_element_type3A_191 = arith.extui %eq3A_3 : i1 to i32
    %cond3A_192 = arith.constant 0 : i32
    %cond3A_193 = arith.cmpi ne, %convert_element_type3A_191, %cond3A_192 : i32
    scf.if %cond3A_193 {
      "tpu.region"() ({
        %run_scoped3A = tpu.sem_alloc : memref<!tpu.dma_semaphore, #tpu.memory_space<semaphore_mem>>
        %dma_start3A_232 = arith.constant 384 : i32
        %dma_start3A_233 = tpu.memref_slice %arg6[%arg0, %multiple_of3A, %dma_start3A_232] : memref<2x10000x512xf32, #tpu.memory_space<hbm>> -> memref<1x520x128xf32, #tpu.memory_space<hbm>>
        %dma_start3A_234 = tpu.memref_squeeze %dma_start3A_233 : memref<1x520x128xf32, #tpu.memory_space<hbm>> -> memref<520x128xf32, #tpu.memory_space<hbm>>
        %dma_start3A_235 = arith.constant 0 : i32
        %dma_start3A_236 = tpu.memref_slice %arg14[%multiple_of3A, %dma_start3A_235] : memref<10000x128xf32, #tpu.memory_space<vmem_shared>> -> memref<520x128xf32, #tpu.memory_space<vmem_shared>>
        tpu.enqueue_dma source(%dma_start3A_236 : memref<520x128xf32, #tpu.memory_space<vmem_shared>>) target(%dma_start3A_234 : memref<520x128xf32, #tpu.memory_space<hbm>>) target_semaphore(%run_scoped3A : memref<!tpu.dma_semaphore, #tpu.memory_space<semaphore_mem>>)
        %dma_wait3A_237 = arith.constant 384 : i32
        %dma_wait3A_238 = tpu.memref_slice %arg6[%arg0, %multiple_of3A, %dma_wait3A_237] : memref<2x10000x512xf32, #tpu.memory_space<hbm>> -> memref<1x520x128xf32, #tpu.memory_space<hbm>>
        %dma_wait3A_239 = tpu.memref_squeeze %dma_wait3A_238 : memref<1x520x128xf32, #tpu.memory_space<hbm>> -> memref<520x128xf32, #tpu.memory_space<hbm>>
        %dma_wait3A_240 = arith.constant 0 : i32
        %dma_wait3A_241 = tpu.memref_slice %arg14[%multiple_of3A, %dma_wait3A_240] : memref<10000x128xf32, #tpu.memory_space<vmem_shared>> -> memref<520x128xf32, #tpu.memory_space<vmem_shared>>
        tpu.wait_dma2 semaphore(%run_scoped3A : memref<!tpu.dma_semaphore, #tpu.memory_space<semaphore_mem>>) src(%dma_wait3A_241 : memref<520x128xf32, #tpu.memory_space<vmem_shared>>) dst(%dma_wait3A_239 : memref<520x128xf32, #tpu.memory_space<hbm>>)
        tpu.yield
      }) : () -> ()
    } else {
    }
    %barrier3A_194 = arith.constant 0 : index
    tpu.barrier barrier_id(%barrier3A_194)
    %not3A_195 = arith.constant true
    %not3A_196 = arith.xori %eq3A_3, %not3A_195 : i1
    %convert_element_type3A_197 = arith.extui %not3A_196 : i1 to i32
    %cond3A_198 = arith.constant 0 : i32
    %cond3A_199 = arith.cmpi ne, %convert_element_type3A_197, %cond3A_198 : i32
    scf.if %cond3A_199 {
      "tpu.region"() ({
        %run_scoped3A = tpu.sem_alloc : memref<!tpu.dma_semaphore, #tpu.memory_space<semaphore_mem>>
        %dma_start3A_232 = arith.constant 0 : i32
        %dma_start3A_233 = tpu.memref_slice %arg14[%multiple_of3A, %dma_start3A_232] : memref<10000x128xf32, #tpu.memory_space<vmem_shared>> -> memref<632x128xf32, #tpu.memory_space<vmem_shared>>
        tpu.enqueue_dma source(%arg4 : memref<632x128xf32, #tpu.memory_space<hbm>>) target(%dma_start3A_233 : memref<632x128xf32, #tpu.memory_space<vmem_shared>>) target_semaphore(%run_scoped3A : memref<!tpu.dma_semaphore, #tpu.memory_space<semaphore_mem>>)
        %dma_wait3A_234 = arith.constant 0 : i32
        %dma_wait3A_235 = tpu.memref_slice %arg14[%multiple_of3A, %dma_wait3A_234] : memref<10000x128xf32, #tpu.memory_space<vmem_shared>> -> memref<632x128xf32, #tpu.memory_space<vmem_shared>>
        tpu.wait_dma2 semaphore(%run_scoped3A : memref<!tpu.dma_semaphore, #tpu.memory_space<semaphore_mem>>) src(%arg4 : memref<632x128xf32, #tpu.memory_space<hbm>>) dst(%dma_wait3A_235 : memref<632x128xf32, #tpu.memory_space<vmem_shared>>)
        tpu.yield
      }) : () -> ()
    } else {
    }
    %convert_element_type3A_200 = arith.extui %eq3A_3 : i1 to i32
    %cond3A_201 = arith.constant 0 : i32
    %cond3A_202 = arith.cmpi ne, %convert_element_type3A_200, %cond3A_201 : i32
    scf.if %cond3A_202 {
      "tpu.region"() ({
        %run_scoped3A = tpu.sem_alloc : memref<!tpu.dma_semaphore, #tpu.memory_space<semaphore_mem>>
        %dma_start3A_232 = arith.constant 0 : i32
        %dma_start3A_233 = tpu.memref_slice %arg14[%multiple_of3A, %dma_start3A_232] : memref<10000x128xf32, #tpu.memory_space<vmem_shared>> -> memref<520x128xf32, #tpu.memory_space<vmem_shared>>
        %dma_start3A_234 = arith.constant 0 : i32
        %dma_start3A_235 = arith.constant 0 : i32
        %dma_start3A_236 = tpu.memref_slice %arg4[%dma_start3A_234, %dma_start3A_235] : memref<632x128xf32, #tpu.memory_space<hbm>> -> memref<520x128xf32, #tpu.memory_space<hbm>>
        tpu.enqueue_dma source(%dma_start3A_236 : memref<520x128xf32, #tpu.memory_space<hbm>>) target(%dma_start3A_233 : memref<520x128xf32, #tpu.memory_space<vmem_shared>>) target_semaphore(%run_scoped3A : memref<!tpu.dma_semaphore, #tpu.memory_space<semaphore_mem>>)
        %dma_wait3A_237 = arith.constant 0 : i32
        %dma_wait3A_238 = tpu.memref_slice %arg14[%multiple_of3A, %dma_wait3A_237] : memref<10000x128xf32, #tpu.memory_space<vmem_shared>> -> memref<520x128xf32, #tpu.memory_space<vmem_shared>>
        %dma_wait3A_239 = arith.constant 0 : i32
        %dma_wait3A_240 = arith.constant 0 : i32
        %dma_wait3A_241 = tpu.memref_slice %arg4[%dma_wait3A_239, %dma_wait3A_240] : memref<632x128xf32, #tpu.memory_space<hbm>> -> memref<520x128xf32, #tpu.memory_space<hbm>>
        tpu.wait_dma2 semaphore(%run_scoped3A : memref<!tpu.dma_semaphore, #tpu.memory_space<semaphore_mem>>) src(%dma_wait3A_241 : memref<520x128xf32, #tpu.memory_space<hbm>>) dst(%dma_wait3A_238 : memref<520x128xf32, #tpu.memory_space<vmem_shared>>)
        tpu.yield
      }) : () -> ()
    } else {
    }
    %barrier3A_203 = arith.constant 0 : index
    tpu.barrier barrier_id(%barrier3A_203)
    "tpu.region"() ({
      %run_scoped3A = tpu.sem_alloc : memref<!tpu.dma_semaphore, #tpu.memory_space<semaphore_mem>>
      tpu.enqueue_dma source(%arg5 : memref<192x128xf32, #tpu.memory_space<hbm>>) target(%arg8 : memref<192x128xf32, #tpu.memory_space<vmem>>) target_semaphore(%run_scoped3A : memref<!tpu.dma_semaphore, #tpu.memory_space<semaphore_mem>>)
      tpu.wait_dma2 semaphore(%run_scoped3A : memref<!tpu.dma_semaphore, #tpu.memory_space<semaphore_mem>>) src(%arg5 : memref<192x128xf32, #tpu.memory_space<hbm>>) dst(%arg8 : memref<192x128xf32, #tpu.memory_space<vmem>>)
      tpu.yield
    }) : () -> ()
    "tpu.region"() ({
      %run_scoped3A = tpu.sem_alloc : memref<!tpu.dma_semaphore, #tpu.memory_space<semaphore_mem>>
      %dma_start3A_232 = arith.constant 0 : i32
      %dma_start3A_233 = arith.constant 0 : i32
      %dma_start3A_234 = tpu.memref_slice %arg5[%dma_start3A_232, %dma_start3A_233] : memref<192x128xf32, #tpu.memory_space<hbm>> -> memref<8x128xf32, #tpu.memory_space<hbm>>
      %dma_start3A_235 = arith.constant 0 : i32
      %dma_start3A_236 = arith.constant 0 : i32
      %dma_start3A_237 = tpu.memref_slice %arg5[%dma_start3A_235, %dma_start3A_236] : memref<192x128xf32, #tpu.memory_space<hbm>> -> memref<8x128xf32, #tpu.memory_space<hbm>>
      tpu.enqueue_dma source(%dma_start3A_237 : memref<8x128xf32, #tpu.memory_space<hbm>>) target(%arg10 : memref<8x128xf32, #tpu.memory_space<vmem>>) target_semaphore(%run_scoped3A : memref<!tpu.dma_semaphore, #tpu.memory_space<semaphore_mem>>)
      %dma_wait3A_238 = arith.constant 0 : i32
      %dma_wait3A_239 = arith.constant 0 : i32
      %dma_wait3A_240 = tpu.memref_slice %arg5[%dma_wait3A_238, %dma_wait3A_239] : memref<192x128xf32, #tpu.memory_space<hbm>> -> memref<8x128xf32, #tpu.memory_space<hbm>>
      %dma_wait3A_241 = arith.constant 0 : i32
      %dma_wait3A_242 = arith.constant 0 : i32
      %dma_wait3A_243 = tpu.memref_slice %arg5[%dma_wait3A_241, %dma_wait3A_242] : memref<192x128xf32, #tpu.memory_space<hbm>> -> memref<8x128xf32, #tpu.memory_space<hbm>>
      tpu.wait_dma2 semaphore(%run_scoped3A : memref<!tpu.dma_semaphore, #tpu.memory_space<semaphore_mem>>) src(%dma_wait3A_243 : memref<8x128xf32, #tpu.memory_space<hbm>>) dst(%arg10 : memref<8x128xf32, #tpu.memory_space<vmem>>)
      tpu.yield
    }) : () -> ()
    %add3A_204 = arith.constant 0 : i32
    %add3A_205 = arith.addi %mul3A_5, %add3A_204 : i32
    %multiple_of3A_206 = tpu.assume_multiple %add3A_205, 8 : i32
    %dma_start3A_207 = tpu.memref_slice %arg3[%multiple_of3A_206] : memref<160000xi32, #tpu.memory_space<hbm>> -> memref<192xi32, #tpu.memory_space<hbm>>
    %dma_start3A_208 = tpu.memref_slice %arg3[%multiple_of3A_206] : memref<160000xi32, #tpu.memory_space<hbm>> -> memref<192xi32, #tpu.memory_space<hbm>>
    tpu.enqueue_dma source(%dma_start3A_208 : memref<192xi32, #tpu.memory_space<hbm>>) target(%arg11 : memref<192xi32, #tpu.memory_space<vmem>>) target_semaphore(%arg15 : memref<!tpu.dma_semaphore, #tpu.memory_space<semaphore_mem>>)
    %scan3A_209 = arith.constant 0 : i32
    %scan3A_210 = arith.constant 0 : i32
    %scan3A_211 = arith.constant 13 : i32
    %scan3A_212 = arith.addi %scan3A_210, %scan3A_211 : i32
    %scan3A_213 = arith.constant 1 : i32
    scf.for %scan3A_232 = %scan3A_210 to %scan3A_212 step %scan3A_213  : i32 {
      %mul3A_233 = arith.constant 2 : i32
      %mul3A_234 = arith.muli %mul3A_233, %scan3A_232 : i32
      %add3A_235 = arith.constant 1 : i32
      %add3A_236 = arith.addi %mul3A_234, %add3A_235 : i32
      %mul3A_237 = arith.constant 192 : i32
      %mul3A_238 = arith.muli %add3A_236, %mul3A_237 : i32
      %add3A_239 = arith.addi %mul3A_5, %mul3A_238 : i32
      %multiple_of3A_240 = tpu.assume_multiple %add3A_239, 8 : i32
      %dma_start3A_241 = tpu.memref_slice %arg3[%multiple_of3A_240] : memref<160000xi32, #tpu.memory_space<hbm>> -> memref<192xi32, #tpu.memory_space<hbm>>
      %dma_start3A_242 = tpu.memref_slice %arg3[%multiple_of3A_240] : memref<160000xi32, #tpu.memory_space<hbm>> -> memref<192xi32, #tpu.memory_space<hbm>>
      tpu.enqueue_dma source(%dma_start3A_242 : memref<192xi32, #tpu.memory_space<hbm>>) target(%arg12 : memref<192xi32, #tpu.memory_space<vmem>>) target_semaphore(%arg16 : memref<!tpu.dma_semaphore, #tpu.memory_space<semaphore_mem>>)
      %mul3A_243 = arith.constant 192 : i32
      %mul3A_244 = arith.muli %mul3A_234, %mul3A_243 : i32
      %add3A_245 = arith.addi %mul3A_5, %mul3A_244 : i32
      %multiple_of3A_246 = tpu.assume_multiple %add3A_245, 8 : i32
      %dma_wait3A_247 = tpu.memref_slice %arg3[%multiple_of3A_246] : memref<160000xi32, #tpu.memory_space<hbm>> -> memref<192xi32, #tpu.memory_space<hbm>>
      %dma_wait3A_248 = tpu.memref_slice %arg3[%multiple_of3A_246] : memref<160000xi32, #tpu.memory_space<hbm>> -> memref<192xi32, #tpu.memory_space<hbm>>
      tpu.wait_dma2 semaphore(%arg15 : memref<!tpu.dma_semaphore, #tpu.memory_space<semaphore_mem>>) src(%dma_wait3A_248 : memref<192xi32, #tpu.memory_space<hbm>>) dst(%arg11 : memref<192xi32, #tpu.memory_space<vmem>>)
      "tpu.region"() ({
        %run_scoped3A = tpu.sem_alloc : memref<!tpu.dma_semaphore, #tpu.memory_space<semaphore_mem>>
        %dma_start3A_261 = arith.constant 0 : i32
        %dma_start3A_262 = arith.constant 0 : i32
        %dma_start3A_263 = tpu.memref_slice %arg14[%dma_start3A_261, %dma_start3A_262] : memref<10000x128xf32, #tpu.memory_space<vmem_shared>> -> memref<10000x128xf32, #tpu.memory_space<vmem_shared>>
        tpu.enqueue_indirect_dma source(%arg8 : memref<192x128xf32, #tpu.memory_space<vmem>>) target(%dma_start3A_263 : memref<10000x128xf32, #tpu.memory_space<vmem_shared>>) offsets(%arg11 : memref<192xi32, #tpu.memory_space<vmem>>) semaphore(%run_scoped3A : memref<!tpu.dma_semaphore, #tpu.memory_space<semaphore_mem>>) {add = true}
        %dma_wait3A_264 = arith.constant 0 : i32
        %dma_wait3A_265 = arith.constant 0 : i32
        %dma_wait3A_266 = tpu.memref_slice %arg14[%dma_wait3A_264, %dma_wait3A_265] : memref<10000x128xf32, #tpu.memory_space<vmem_shared>> -> memref<10000x128xf32, #tpu.memory_space<vmem_shared>>
        tpu.wait_indirect_dma semaphore(%run_scoped3A : memref<!tpu.dma_semaphore, #tpu.memory_space<semaphore_mem>>) src(%arg8 : memref<192x128xf32, #tpu.memory_space<vmem>>) dst(%dma_wait3A_266 : memref<10000x128xf32, #tpu.memory_space<vmem_shared>>)
        tpu.yield
      }) : () -> ()
      %lt3A = arith.constant 12 : i32
      %lt3A_249 = arith.cmpi slt, %scan3A_232, %lt3A : i32
      %convert_element_type3A_250 = arith.extui %lt3A_249 : i1 to i32
      %cond3A_251 = arith.constant 0 : i32
      %cond3A_252 = arith.cmpi ne, %convert_element_type3A_250, %cond3A_251 : i32
      scf.if %cond3A_252 {
        %add3A_261 = arith.constant 2 : i32
        %add3A_262 = arith.addi %mul3A_234, %add3A_261 : i32
        %mul3A_263 = arith.constant 192 : i32
        %mul3A_264 = arith.muli %add3A_262, %mul3A_263 : i32
        %add3A_265 = arith.addi %mul3A_5, %mul3A_264 : i32
        %multiple_of3A_266 = tpu.assume_multiple %add3A_265, 8 : i32
        %dma_start3A_267 = tpu.memref_slice %arg3[%multiple_of3A_266] : memref<160000xi32, #tpu.memory_space<hbm>> -> memref<192xi32, #tpu.memory_space<hbm>>
        %dma_start3A_268 = tpu.memref_slice %arg3[%multiple_of3A_266] : memref<160000xi32, #tpu.memory_space<hbm>> -> memref<192xi32, #tpu.memory_space<hbm>>
        tpu.enqueue_dma source(%dma_start3A_268 : memref<192xi32, #tpu.memory_space<hbm>>) target(%arg11 : memref<192xi32, #tpu.memory_space<vmem>>) target_semaphore(%arg15 : memref<!tpu.dma_semaphore, #tpu.memory_space<semaphore_mem>>)
      } else {
      }
      %add3A_253 = arith.constant 1 : i32
      %add3A_254 = arith.addi %mul3A_234, %add3A_253 : i32
      %mul3A_255 = arith.constant 192 : i32
      %mul3A_256 = arith.muli %add3A_254, %mul3A_255 : i32
      %add3A_257 = arith.addi %mul3A_5, %mul3A_256 : i32
      %multiple_of3A_258 = tpu.assume_multiple %add3A_257, 8 : i32
      %dma_wait3A_259 = tpu.memref_slice %arg3[%multiple_of3A_258] : memref<160000xi32, #tpu.memory_space<hbm>> -> memref<192xi32, #tpu.memory_space<hbm>>
      %dma_wait3A_260 = tpu.memref_slice %arg3[%multiple_of3A_258] : memref<160000xi32, #tpu.memory_space<hbm>> -> memref<192xi32, #tpu.memory_space<hbm>>
      tpu.wait_dma2 semaphore(%arg16 : memref<!tpu.dma_semaphore, #tpu.memory_space<semaphore_mem>>) src(%dma_wait3A_260 : memref<192xi32, #tpu.memory_space<hbm>>) dst(%arg12 : memref<192xi32, #tpu.memory_space<vmem>>)
      "tpu.region"() ({
        %run_scoped3A = tpu.sem_alloc : memref<!tpu.dma_semaphore, #tpu.memory_space<semaphore_mem>>
        %dma_start3A_261 = arith.constant 0 : i32
        %dma_start3A_262 = arith.constant 0 : i32
        %dma_start3A_263 = tpu.memref_slice %arg14[%dma_start3A_261, %dma_start3A_262] : memref<10000x128xf32, #tpu.memory_space<vmem_shared>> -> memref<10000x128xf32, #tpu.memory_space<vmem_shared>>
        tpu.enqueue_indirect_dma source(%arg8 : memref<192x128xf32, #tpu.memory_space<vmem>>) target(%dma_start3A_263 : memref<10000x128xf32, #tpu.memory_space<vmem_shared>>) offsets(%arg12 : memref<192xi32, #tpu.memory_space<vmem>>) semaphore(%run_scoped3A : memref<!tpu.dma_semaphore, #tpu.memory_space<semaphore_mem>>) {add = true}
        %dma_wait3A_264 = arith.constant 0 : i32
        %dma_wait3A_265 = arith.constant 0 : i32
        %dma_wait3A_266 = tpu.memref_slice %arg14[%dma_wait3A_264, %dma_wait3A_265] : memref<10000x128xf32, #tpu.memory_space<vmem_shared>> -> memref<10000x128xf32, #tpu.memory_space<vmem_shared>>
        tpu.wait_indirect_dma semaphore(%run_scoped3A : memref<!tpu.dma_semaphore, #tpu.memory_space<semaphore_mem>>) src(%arg8 : memref<192x128xf32, #tpu.memory_space<vmem>>) dst(%dma_wait3A_266 : memref<10000x128xf32, #tpu.memory_space<vmem_shared>>)
        tpu.yield
      }) : () -> ()
    }
    %scan3A_214 = arith.constant 13 : i32
    %add3A_215 = arith.constant 4992 : i32
    %add3A_216 = arith.addi %mul3A_5, %add3A_215 : i32
    %multiple_of3A_217 = tpu.assume_multiple %add3A_216, 8 : i32
    %dma_start3A_218 = tpu.memref_slice %arg3[%multiple_of3A_217] : memref<160000xi32, #tpu.memory_space<hbm>> -> memref<8xi32, #tpu.memory_space<hbm>>
    %dma_start3A_219 = tpu.memref_slice %arg3[%multiple_of3A_217] : memref<160000xi32, #tpu.memory_space<hbm>> -> memref<8xi32, #tpu.memory_space<hbm>>
    tpu.enqueue_dma source(%dma_start3A_219 : memref<8xi32, #tpu.memory_space<hbm>>) target(%arg13 : memref<8xi32, #tpu.memory_space<vmem>>) target_semaphore(%arg19 : memref<!tpu.dma_semaphore, #tpu.memory_space<semaphore_mem>>)
    %dma_wait3A_220 = tpu.memref_slice %arg3[%multiple_of3A_217] : memref<160000xi32, #tpu.memory_space<hbm>> -> memref<8xi32, #tpu.memory_space<hbm>>
    %dma_wait3A_221 = tpu.memref_slice %arg3[%multiple_of3A_217] : memref<160000xi32, #tpu.memory_space<hbm>> -> memref<8xi32, #tpu.memory_space<hbm>>
    tpu.wait_dma2 semaphore(%arg19 : memref<!tpu.dma_semaphore, #tpu.memory_space<semaphore_mem>>) src(%dma_wait3A_221 : memref<8xi32, #tpu.memory_space<hbm>>) dst(%arg13 : memref<8xi32, #tpu.memory_space<vmem>>)
    "tpu.region"() ({
      %run_scoped3A = tpu.sem_alloc : memref<!tpu.dma_semaphore, #tpu.memory_space<semaphore_mem>>
      %dma_start3A_232 = arith.constant 0 : i32
      %dma_start3A_233 = arith.constant 0 : i32
      %dma_start3A_234 = tpu.memref_slice %arg14[%dma_start3A_232, %dma_start3A_233] : memref<10000x128xf32, #tpu.memory_space<vmem_shared>> -> memref<10000x128xf32, #tpu.memory_space<vmem_shared>>
      tpu.enqueue_indirect_dma source(%arg10 : memref<8x128xf32, #tpu.memory_space<vmem>>) target(%dma_start3A_234 : memref<10000x128xf32, #tpu.memory_space<vmem_shared>>) offsets(%arg13 : memref<8xi32, #tpu.memory_space<vmem>>) semaphore(%run_scoped3A : memref<!tpu.dma_semaphore, #tpu.memory_space<semaphore_mem>>) {add = true}
      %dma_wait3A_235 = arith.constant 0 : i32
      %dma_wait3A_236 = arith.constant 0 : i32
      %dma_wait3A_237 = tpu.memref_slice %arg14[%dma_wait3A_235, %dma_wait3A_236] : memref<10000x128xf32, #tpu.memory_space<vmem_shared>> -> memref<10000x128xf32, #tpu.memory_space<vmem_shared>>
      tpu.wait_indirect_dma semaphore(%run_scoped3A : memref<!tpu.dma_semaphore, #tpu.memory_space<semaphore_mem>>) src(%arg10 : memref<8x128xf32, #tpu.memory_space<vmem>>) dst(%dma_wait3A_237 : memref<10000x128xf32, #tpu.memory_space<vmem_shared>>)
      tpu.yield
    }) : () -> ()
    %barrier3A_222 = arith.constant 0 : index
    tpu.barrier barrier_id(%barrier3A_222)
    %not3A_223 = arith.constant true
    %not3A_224 = arith.xori %eq3A_3, %not3A_223 : i1
    %convert_element_type3A_225 = arith.extui %not3A_224 : i1 to i32
    %cond3A_226 = arith.constant 0 : i32
    %cond3A_227 = arith.cmpi ne, %convert_element_type3A_225, %cond3A_226 : i32
    scf.if %cond3A_227 {
      "tpu.region"() ({
        %run_scoped3A = tpu.sem_alloc : memref<!tpu.dma_semaphore, #tpu.memory_space<semaphore_mem>>
        %dma_start3A_232 = arith.constant 0 : i32
        %dma_start3A_233 = tpu.memref_slice %arg7[%arg0, %multiple_of3A, %dma_start3A_232] : memref<2x10000x128xf32, #tpu.memory_space<hbm>> -> memref<1x632x128xf32, #tpu.memory_space<hbm>>
        %dma_start3A_234 = tpu.memref_squeeze %dma_start3A_233 : memref<1x632x128xf32, #tpu.memory_space<hbm>> -> memref<632x128xf32, #tpu.memory_space<hbm>>
        %dma_start3A_235 = arith.constant 0 : i32
        %dma_start3A_236 = tpu.memref_slice %arg14[%multiple_of3A, %dma_start3A_235] : memref<10000x128xf32, #tpu.memory_space<vmem_shared>> -> memref<632x128xf32, #tpu.memory_space<vmem_shared>>
        tpu.enqueue_dma source(%dma_start3A_236 : memref<632x128xf32, #tpu.memory_space<vmem_shared>>) target(%dma_start3A_234 : memref<632x128xf32, #tpu.memory_space<hbm>>) target_semaphore(%run_scoped3A : memref<!tpu.dma_semaphore, #tpu.memory_space<semaphore_mem>>)
        %dma_wait3A_237 = arith.constant 0 : i32
        %dma_wait3A_238 = tpu.memref_slice %arg7[%arg0, %multiple_of3A, %dma_wait3A_237] : memref<2x10000x128xf32, #tpu.memory_space<hbm>> -> memref<1x632x128xf32, #tpu.memory_space<hbm>>
        %dma_wait3A_239 = tpu.memref_squeeze %dma_wait3A_238 : memref<1x632x128xf32, #tpu.memory_space<hbm>> -> memref<632x128xf32, #tpu.memory_space<hbm>>
        %dma_wait3A_240 = arith.constant 0 : i32
        %dma_wait3A_241 = tpu.memref_slice %arg14[%multiple_of3A, %dma_wait3A_240] : memref<10000x128xf32, #tpu.memory_space<vmem_shared>> -> memref<632x128xf32, #tpu.memory_space<vmem_shared>>
        tpu.wait_dma2 semaphore(%run_scoped3A : memref<!tpu.dma_semaphore, #tpu.memory_space<semaphore_mem>>) src(%dma_wait3A_241 : memref<632x128xf32, #tpu.memory_space<vmem_shared>>) dst(%dma_wait3A_239 : memref<632x128xf32, #tpu.memory_space<hbm>>)
        tpu.yield
      }) : () -> ()
    } else {
    }
    %convert_element_type3A_228 = arith.extui %eq3A_3 : i1 to i32
    %cond3A_229 = arith.constant 0 : i32
    %cond3A_230 = arith.cmpi ne, %convert_element_type3A_228, %cond3A_229 : i32
    scf.if %cond3A_230 {
      "tpu.region"() ({
        %run_scoped3A = tpu.sem_alloc : memref<!tpu.dma_semaphore, #tpu.memory_space<semaphore_mem>>
        %dma_start3A_232 = arith.constant 0 : i32
        %dma_start3A_233 = tpu.memref_slice %arg7[%arg0, %multiple_of3A, %dma_start3A_232] : memref<2x10000x128xf32, #tpu.memory_space<hbm>> -> memref<1x520x128xf32, #tpu.memory_space<hbm>>
        %dma_start3A_234 = tpu.memref_squeeze %dma_start3A_233 : memref<1x520x128xf32, #tpu.memory_space<hbm>> -> memref<520x128xf32, #tpu.memory_space<hbm>>
        %dma_start3A_235 = arith.constant 0 : i32
        %dma_start3A_236 = tpu.memref_slice %arg14[%multiple_of3A, %dma_start3A_235] : memref<10000x128xf32, #tpu.memory_space<vmem_shared>> -> memref<520x128xf32, #tpu.memory_space<vmem_shared>>
        tpu.enqueue_dma source(%dma_start3A_236 : memref<520x128xf32, #tpu.memory_space<vmem_shared>>) target(%dma_start3A_234 : memref<520x128xf32, #tpu.memory_space<hbm>>) target_semaphore(%run_scoped3A : memref<!tpu.dma_semaphore, #tpu.memory_space<semaphore_mem>>)
        %dma_wait3A_237 = arith.constant 0 : i32
        %dma_wait3A_238 = tpu.memref_slice %arg7[%arg0, %multiple_of3A, %dma_wait3A_237] : memref<2x10000x128xf32, #tpu.memory_space<hbm>> -> memref<1x520x128xf32, #tpu.memory_space<hbm>>
        %dma_wait3A_239 = tpu.memref_squeeze %dma_wait3A_238 : memref<1x520x128xf32, #tpu.memory_space<hbm>> -> memref<520x128xf32, #tpu.memory_space<hbm>>
        %dma_wait3A_240 = arith.constant 0 : i32
        %dma_wait3A_241 = tpu.memref_slice %arg14[%multiple_of3A, %dma_wait3A_240] : memref<10000x128xf32, #tpu.memory_space<vmem_shared>> -> memref<520x128xf32, #tpu.memory_space<vmem_shared>>
        tpu.wait_dma2 semaphore(%run_scoped3A : memref<!tpu.dma_semaphore, #tpu.memory_space<semaphore_mem>>) src(%dma_wait3A_241 : memref<520x128xf32, #tpu.memory_space<vmem_shared>>) dst(%dma_wait3A_239 : memref<520x128xf32, #tpu.memory_space<hbm>>)
        tpu.yield
      }) : () -> ()
    } else {
    }
    %barrier3A_231 = arith.constant 0 : index
    tpu.barrier barrier_id(%barrier3A_231)
    return
  }
}

module attributes {stable_mosaic.version = 14 : i64} {
  func.func @body(%arg0: i32, %arg1: memref<2000x256xf32, #tpu.memory_space<vmem>>, %arg2: memref<2000x128xi32, #tpu.memory_space<vmem>>) attributes {dimension_semantics = [#tpu.dimension_semantics<arbitrary>], iteration_bounds = array<i64: 5>, scalar_prefetch = 0 : i64, scratch_operands = 0 : i64, tpu.core_type = #tpu.core_type<tc>, window_params = [{transform_indices = @transform_0, window_bounds = array<i64: 2000, 256>}, {transform_indices = @transform_1, window_bounds = array<i64: 2000, 128>}]} {
    %get3A = arith.constant 0 : index
    %get3A_0 = arith.constant 0 : index
    %get3A_1 = vector.load %arg1[%get3A, %get3A_0] : memref<2000x256xf32, #tpu.memory_space<vmem>>, vector<2000x128xf32>
    %bitcast_convert_type3A = tpu.bitcast %get3A_1 : vector<2000x128xf32> -> vector<2000x128xi32>
    %get3A_2 = arith.constant 0 : index
    %get3A_3 = arith.constant 128 : index
    %get3A_4 = vector.load %arg1[%get3A_2, %get3A_3] : memref<2000x256xf32, #tpu.memory_space<vmem>>, vector<2000x128xf32>
    %bitcast_convert_type3A_5 = tpu.bitcast %get3A_4 : vector<2000x128xf32> -> vector<2000x128xi32>
    %add3A = arith.constant 32768 : i32
    %add3A_6 = vector.broadcast %add3A : i32 to vector<2000x128xi32>
    %add3A_7 = arith.addi %bitcast_convert_type3A, %add3A_6 : vector<2000x128xi32>
    %shift_right_logical3A = arith.constant 16 : i32
    %shift_right_logical3A_8 = vector.broadcast %shift_right_logical3A : i32 to vector<2000x128xi32>
    %shift_right_logical3A_9 = arith.shrui %add3A_7, %shift_right_logical3A_8 : vector<2000x128xi32>
    %add3A_10 = arith.constant 32768 : i32
    %add3A_11 = vector.broadcast %add3A_10 : i32 to vector<2000x128xi32>
    %add3A_12 = arith.addi %bitcast_convert_type3A_5, %add3A_11 : vector<2000x128xi32>
    %and3A = arith.constant -65536 : i32
    %and3A_13 = vector.broadcast %and3A : i32 to vector<2000x128xi32>
    %and3A_14 = arith.andi %add3A_12, %and3A_13 : vector<2000x128xi32>
    %or3A = arith.ori %shift_right_logical3A_9, %and3A_14 : vector<2000x128xi32>
    %swap3A = arith.constant 0 : index
    %swap3A_15 = arith.constant 0 : index
    %swap3A_16 = vector.load %arg2[%swap3A, %swap3A_15] : memref<2000x128xi32, #tpu.memory_space<vmem>>, vector<2000x128xi32>
    tpu.vector_store %arg2[%swap3A, %swap3A_15], %or3A {strides = array<i32>} : memref<2000x128xi32, #tpu.memory_space<vmem>>, vector<2000x128xi32>,
    return
  }
  func.func @transform_0(%arg0: i32) -> (i32, i32) {
    %c0_i32 = arith.constant 0 : i32
    %c0_i32_0 = arith.constant 0 : i32
    return %arg0, %c0_i32 : i32, i32
  }
  func.func @transform_1(%arg0: i32) -> (i32, i32) {
    %c0_i32 = arith.constant 0 : i32
    %c0_i32_0 = arith.constant 0 : i32
    return %arg0, %c0_i32 : i32, i32
  }
}

module attributes {stable_mosaic.version = 14 : i64} {
  func.func @body(%arg0: i32, %arg1: memref<2560x128xi32, #tpu.memory_space<vmem>>, %arg2: memref<2560x16xf32, #tpu.memory_space<vmem>>, %arg3: memref<128x512xf32, #tpu.memory_space<vmem>>, %arg4: memref<128x512xf32, #tpu.memory_space<vmem>>, %arg5: memref<16x512xf32, #tpu.memory_space<vmem>>, %arg6: memref<1x512xf32, #tpu.memory_space<vmem>>, %arg7: memref<1x512xf32, #tpu.memory_space<vmem>>, %arg8: memref<1x512xf32, #tpu.memory_space<vmem>>, %arg9: memref<512x512xf32, #tpu.memory_space<vmem>>, %arg10: memref<1x512xf32, #tpu.memory_space<vmem>>, %arg11: memref<2560x512xf32, #tpu.memory_space<vmem>>) attributes {dimension_semantics = [#tpu.dimension_semantics<arbitrary>], iteration_bounds = array<i64: 62>, scalar_prefetch = 0 : i64, scratch_operands = 0 : i64, tpu.core_type = #tpu.core_type<tc>, window_params = [{transform_indices = @transform_0, window_bounds = array<i64: 2560, 128>}, {transform_indices = @transform_1, window_bounds = array<i64: 2560, 16>}, {pipeline_mode = #tpu.pipeline_mode<synchronous>, transform_indices = @transform_2, window_bounds = array<i64: 128, 512>}, {pipeline_mode = #tpu.pipeline_mode<synchronous>, transform_indices = @transform_3, window_bounds = array<i64: 128, 512>}, {pipeline_mode = #tpu.pipeline_mode<synchronous>, transform_indices = @transform_4, window_bounds = array<i64: 16, 512>}, {pipeline_mode = #tpu.pipeline_mode<synchronous>, transform_indices = @transform_5, window_bounds = array<i64: 1, 512>}, {pipeline_mode = #tpu.pipeline_mode<synchronous>, transform_indices = @transform_6, window_bounds = array<i64: 1, 512>}, {pipeline_mode = #tpu.pipeline_mode<synchronous>, transform_indices = @transform_7, window_bounds = array<i64: 1, 512>}, {pipeline_mode = #tpu.pipeline_mode<synchronous>, transform_indices = @transform_8, window_bounds = array<i64: 512, 512>}, {pipeline_mode = #tpu.pipeline_mode<synchronous>, transform_indices = @transform_9, window_bounds = array<i64: 1, 512>}, {transform_indices = @transform_10, window_bounds = array<i64: 2560, 512>}]} {
    %get3A = arith.constant 0 : index
    %get3A_0 = arith.constant 0 : index
    %get3A_1 = vector.load %arg1[%get3A, %get3A_0] : memref<2560x128xi32, #tpu.memory_space<vmem>>, vector<2560x128xi32>
    %shift_left3A = arith.constant 16 : i32
    %shift_left3A_2 = vector.broadcast %shift_left3A : i32 to vector<2560x128xi32>
    %shift_left3A_3 = arith.shli %get3A_1, %shift_left3A_2 : vector<2560x128xi32>
    %bitcast_convert_type3A = tpu.bitcast %shift_left3A_3 : vector<2560x128xi32> -> vector<2560x128xf32>
    %and3A = arith.constant -65536 : i32
    %and3A_4 = vector.broadcast %and3A : i32 to vector<2560x128xi32>
    %and3A_5 = arith.andi %get3A_1, %and3A_4 : vector<2560x128xi32>
    %bitcast_convert_type3A_6 = tpu.bitcast %and3A_5 : vector<2560x128xi32> -> vector<2560x128xf32>
    %concatenate3A = tpu.concatenate %bitcast_convert_type3A, %bitcast_convert_type3A_6 in 1 : vector<2560x128xf32>, vector<2560x128xf32> -> vector<2560x256xf32>
    %get3A_7 = arith.constant 0 : index
    %get3A_8 = arith.constant 0 : index
    %get3A_9 = vector.load %arg3[%get3A_7, %get3A_8] : memref<128x512xf32, #tpu.memory_space<vmem>>, vector<128x512xf32>
    %get3A_10 = arith.constant 0 : index
    %get3A_11 = arith.constant 0 : index
    %get3A_12 = vector.load %arg4[%get3A_10, %get3A_11] : memref<128x512xf32, #tpu.memory_space<vmem>>, vector<128x512xf32>
    %concatenate3A_13 = tpu.concatenate %get3A_9, %get3A_12 in 0 : vector<128x512xf32>, vector<128x512xf32> -> vector<256x512xf32>
    %dot_general3A = arith.constant dense<0.000000e+00> : vector<2560x512xf32>
    %dot_general3A_14 = tpu.matmul %concatenate3A, %concatenate3A_13, %dot_general3A {dimension_numbers = #tpu.dot_dimension_numbers<[1], [0], [0], [1], [0, 0, 1, 1], [], []>, transpose_lhs_hint = false} : vector<2560x256xf32>, vector<256x512xf32>, vector<2560x512xf32> -> vector<2560x512xf32>
    %get3A_15 = arith.constant 0 : index
    %get3A_16 = arith.constant 0 : index
    %get3A_17 = vector.load %arg2[%get3A_15, %get3A_16] : memref<2560x16xf32, #tpu.memory_space<vmem>>, vector<2560x16xf32>
    %get3A_18 = arith.constant 0 : index
    %get3A_19 = arith.constant 0 : index
    %get3A_20 = vector.load %arg5[%get3A_18, %get3A_19] : memref<16x512xf32, #tpu.memory_space<vmem>>, vector<16x512xf32>
    %dot_general3A_21 = arith.constant dense<0.000000e+00> : vector<2560x512xf32>
    %dot_general3A_22 = tpu.matmul %get3A_17, %get3A_20, %dot_general3A_21 {dimension_numbers = #tpu.dot_dimension_numbers<[1], [0], [0], [1], [0, 0, 1, 1], [], []>, transpose_lhs_hint = false} : vector<2560x16xf32>, vector<16x512xf32>, vector<2560x512xf32> -> vector<2560x512xf32>
    %add3A = arith.addf %dot_general3A_14, %dot_general3A_22 : vector<2560x512xf32>
    %get3A_23 = arith.constant 0 : index
    %get3A_24 = arith.constant 0 : index
    %get3A_25 = vector.load %arg6[%get3A_23, %get3A_24] : memref<1x512xf32, #tpu.memory_space<vmem>>, vector<1x512xf32>
    %add3A_26 = vector.broadcast %get3A_25 : vector<1x512xf32> to vector<2560x512xf32>
    %add3A_27 = arith.addf %add3A, %add3A_26 : vector<2560x512xf32>
    %get3A_28 = arith.constant 0 : index
    %get3A_29 = arith.constant 0 : index
    %get3A_30 = vector.load %arg7[%get3A_28, %get3A_29] : memref<1x512xf32, #tpu.memory_space<vmem>>, vector<1x512xf32>
    %get3A_31 = arith.constant 0 : index
    %get3A_32 = arith.constant 0 : index
    %get3A_33 = vector.load %arg8[%get3A_31, %get3A_32] : memref<1x512xf32, #tpu.memory_space<vmem>>, vector<1x512xf32>
    %reduce_sum3A = arith.constant dense<0.000000e+00> : vector<2560xf32>
    %reduce_sum3A_34 = vector.multi_reduction <add>, %add3A_27, %reduce_sum3A [1] : vector<2560x512xf32> to vector<2560xf32>
    %broadcast_in_dim3A = vector.shape_cast %reduce_sum3A_34 : vector<2560xf32> to vector<2560x1xf32>
    %div3A = arith.constant 5.120000e+02 : f32
    %div3A_35 = vector.broadcast %div3A : f32 to vector<2560x1xf32>
    %div3A_36 = arith.divf %broadcast_in_dim3A, %div3A_35 : vector<2560x1xf32>
    %sub3A = vector.broadcast %div3A_36 : vector<2560x1xf32> to vector<2560x512xf32>
    %sub3A_37 = arith.subf %add3A_27, %sub3A : vector<2560x512xf32>
    %sub3A_38 = vector.broadcast %div3A_36 : vector<2560x1xf32> to vector<2560x512xf32>
    %sub3A_39 = arith.subf %add3A_27, %sub3A_38 : vector<2560x512xf32>
    %mul3A = arith.mulf %sub3A_37, %sub3A_39 : vector<2560x512xf32>
    %reduce_sum3A_40 = arith.constant dense<0.000000e+00> : vector<2560xf32>
    %reduce_sum3A_41 = vector.multi_reduction <add>, %mul3A, %reduce_sum3A_40 [1] : vector<2560x512xf32> to vector<2560xf32>
    %broadcast_in_dim3A_42 = vector.shape_cast %reduce_sum3A_41 : vector<2560xf32> to vector<2560x1xf32>
    %div3A_43 = arith.constant 5.120000e+02 : f32
    %div3A_44 = vector.broadcast %div3A_43 : f32 to vector<2560x1xf32>
    %div3A_45 = arith.divf %broadcast_in_dim3A_42, %div3A_44 : vector<2560x1xf32>
    %sub3A_46 = vector.broadcast %div3A_36 : vector<2560x1xf32> to vector<2560x512xf32>
    %sub3A_47 = arith.subf %add3A_27, %sub3A_46 : vector<2560x512xf32>
    %add3A_48 = arith.constant 9.99999997E-7 : f32
    %add3A_49 = vector.broadcast %add3A_48 : f32 to vector<2560x1xf32>
    %add3A_50 = arith.addf %div3A_45, %add3A_49 : vector<2560x1xf32>
    %rsqrt3A = math.rsqrt %add3A_50 : vector<2560x1xf32>
    %mul3A_51 = vector.broadcast %rsqrt3A : vector<2560x1xf32> to vector<2560x512xf32>
    %mul3A_52 = arith.mulf %sub3A_47, %mul3A_51 : vector<2560x512xf32>
    %mul3A_53 = vector.broadcast %get3A_30 : vector<1x512xf32> to vector<2560x512xf32>
    %mul3A_54 = arith.mulf %mul3A_52, %mul3A_53 : vector<2560x512xf32>
    %add3A_55 = vector.broadcast %get3A_33 : vector<1x512xf32> to vector<2560x512xf32>
    %add3A_56 = arith.addf %mul3A_54, %add3A_55 : vector<2560x512xf32>
    %max3A = arith.constant 0.000000e+00 : f32
    %max3A_57 = vector.broadcast %max3A : f32 to vector<2560x512xf32>
    %max3A_58 = arith.maximumf %add3A_56, %max3A_57 : vector<2560x512xf32>
    %get3A_59 = arith.constant 0 : index
    %get3A_60 = arith.constant 0 : index
    %get3A_61 = vector.load %arg9[%get3A_59, %get3A_60] : memref<512x512xf32, #tpu.memory_space<vmem>>, vector<512x512xf32>
    %dot_general3A_62 = arith.constant dense<0.000000e+00> : vector<2560x512xf32>
    %dot_general3A_63 = tpu.matmul %max3A_58, %get3A_61, %dot_general3A_62 {dimension_numbers = #tpu.dot_dimension_numbers<[1], [0], [0], [1], [0, 0, 1, 1], [], []>, transpose_lhs_hint = false} : vector<2560x512xf32>, vector<512x512xf32>, vector<2560x512xf32> -> vector<2560x512xf32>
    %get3A_64 = arith.constant 0 : index
    %get3A_65 = arith.constant 0 : index
    %get3A_66 = vector.load %arg10[%get3A_64, %get3A_65] : memref<1x512xf32, #tpu.memory_space<vmem>>, vector<1x512xf32>
    %add3A_67 = vector.broadcast %get3A_66 : vector<1x512xf32> to vector<2560x512xf32>
    %add3A_68 = arith.addf %dot_general3A_63, %add3A_67 : vector<2560x512xf32>
    %swap3A = arith.constant 0 : index
    %swap3A_69 = arith.constant 0 : index
    %swap3A_70 = vector.load %arg11[%swap3A, %swap3A_69] : memref<2560x512xf32, #tpu.memory_space<vmem>>, vector<2560x512xf32>
    tpu.vector_store %arg11[%swap3A, %swap3A_69], %add3A_68 {strides = array<i32>} : memref<2560x512xf32, #tpu.memory_space<vmem>>, vector<2560x512xf32>,
    return
  }
  func.func @transform_0(%arg0: i32) -> (i32, i32) {
    %c0_i32 = arith.constant 0 : i32
    %c0_i32_0 = arith.constant 0 : i32
    return %arg0, %c0_i32 : i32, i32
  }
  func.func @transform_1(%arg0: i32) -> (i32, i32) {
    %c0_i32 = arith.constant 0 : i32
    %c0_i32_0 = arith.constant 0 : i32
    return %arg0, %c0_i32 : i32, i32
  }
  func.func @transform_2(%arg0: i32) -> (i32, i32) {
    %c0_i32 = arith.constant 0 : i32
    %c0_i32_0 = arith.constant 0 : i32
    %c0_i32_1 = arith.constant 0 : i32
    return %c0_i32, %c0_i32_0 : i32, i32
  }
  func.func @transform_3(%arg0: i32) -> (i32, i32) {
    %c0_i32 = arith.constant 0 : i32
    %c0_i32_0 = arith.constant 0 : i32
    %c0_i32_1 = arith.constant 0 : i32
    return %c0_i32, %c0_i32_0 : i32, i32
  }
  func.func @transform_4(%arg0: i32) -> (i32, i32) {
    %c0_i32 = arith.constant 0 : i32
    %c0_i32_0 = arith.constant 0 : i32
    %c0_i32_1 = arith.constant 0 : i32
    return %c0_i32, %c0_i32_0 : i32, i32
  }
  func.func @transform_5(%arg0: i32) -> (i32, i32) {
    %c0_i32 = arith.constant 0 : i32
    %c0_i32_0 = arith.constant 0 : i32
    %c0_i32_1 = arith.constant 0 : i32
    return %c0_i32, %c0_i32_0 : i32, i32
  }
  func.func @transform_6(%arg0: i32) -> (i32, i32) {
    %c0_i32 = arith.constant 0 : i32
    %c0_i32_0 = arith.constant 0 : i32
    %c0_i32_1 = arith.constant 0 : i32
    return %c0_i32, %c0_i32_0 : i32, i32
  }
  func.func @transform_7(%arg0: i32) -> (i32, i32) {
    %c0_i32 = arith.constant 0 : i32
    %c0_i32_0 = arith.constant 0 : i32
    %c0_i32_1 = arith.constant 0 : i32
    return %c0_i32, %c0_i32_0 : i32, i32
  }
  func.func @transform_8(%arg0: i32) -> (i32, i32) {
    %c0_i32 = arith.constant 0 : i32
    %c0_i32_0 = arith.constant 0 : i32
    %c0_i32_1 = arith.constant 0 : i32
    return %c0_i32, %c0_i32_0 : i32, i32
  }
  func.func @transform_9(%arg0: i32) -> (i32, i32) {
    %c0_i32 = arith.constant 0 : i32
    %c0_i32_0 = arith.constant 0 : i32
    %c0_i32_1 = arith.constant 0 : i32
    return %c0_i32, %c0_i32_0 : i32, i32
  }
  func.func @transform_10(%arg0: i32) -> (i32, i32) {
    %c0_i32 = arith.constant 0 : i32
    %c0_i32_0 = arith.constant 0 : i32
    return %arg0, %c0_i32 : i32, i32
  }
}

module attributes {stable_mosaic.version = 14 : i64} {
  func.func @body(%arg0: i32, %arg1: memref<1000x256xf32, #tpu.memory_space<vmem>>, %arg2: memref<2x1000x512xf32, #tpu.memory_space<vmem>>, %arg3: memref<2x1000x128xf32, #tpu.memory_space<vmem>>, %arg4: memref<256x512xf32, #tpu.memory_space<vmem>>, %arg5: memref<512x512xf32, #tpu.memory_space<vmem>>, %arg6: memref<1x512xf32, #tpu.memory_space<vmem>>, %arg7: memref<1x512xf32, #tpu.memory_space<vmem>>, %arg8: memref<1x512xf32, #tpu.memory_space<vmem>>, %arg9: memref<512x256xf32, #tpu.memory_space<vmem>>, %arg10: memref<1x256xf32, #tpu.memory_space<vmem>>, %arg11: memref<1000x256xf32, #tpu.memory_space<vmem>>) attributes {dimension_semantics = [#tpu.dimension_semantics<arbitrary>], iteration_bounds = array<i64: 10>, scalar_prefetch = 0 : i64, scratch_operands = 0 : i64, tpu.core_type = #tpu.core_type<tc>, window_params = [{transform_indices = @transform_0, window_bounds = array<i64: 1000, 256>}, {transform_indices = @transform_1, window_bounds = array<i64: 2, 1000, 512>}, {transform_indices = @transform_2, window_bounds = array<i64: 2, 1000, 128>}, {pipeline_mode = #tpu.pipeline_mode<synchronous>, transform_indices = @transform_3, window_bounds = array<i64: 256, 512>}, {pipeline_mode = #tpu.pipeline_mode<synchronous>, transform_indices = @transform_4, window_bounds = array<i64: 512, 512>}, {pipeline_mode = #tpu.pipeline_mode<synchronous>, transform_indices = @transform_5, window_bounds = array<i64: 1, 512>}, {pipeline_mode = #tpu.pipeline_mode<synchronous>, transform_indices = @transform_6, window_bounds = array<i64: 1, 512>}, {pipeline_mode = #tpu.pipeline_mode<synchronous>, transform_indices = @transform_7, window_bounds = array<i64: 1, 512>}, {pipeline_mode = #tpu.pipeline_mode<synchronous>, transform_indices = @transform_8, window_bounds = array<i64: 512, 256>}, {pipeline_mode = #tpu.pipeline_mode<synchronous>, transform_indices = @transform_9, window_bounds = array<i64: 1, 256>}, {transform_indices = @transform_10, window_bounds = array<i64: 1000, 256>}]} {
    %get3A = arith.constant 0 : index
    %get3A_0 = arith.constant 0 : index
    %get3A_1 = arith.constant 0 : index
    %get3A_2 = vector.load %arg3[%get3A, %get3A_0, %get3A_1] : memref<2x1000x128xf32, #tpu.memory_space<vmem>>, vector<1x1000x1xf32>
    %get3A_3 = vector.shape_cast %get3A_2 : vector<1x1000x1xf32> to vector<1000x1xf32>
    %get3A_4 = arith.constant 1 : index
    %get3A_5 = arith.constant 0 : index
    %get3A_6 = arith.constant 0 : index
    %get3A_7 = vector.load %arg3[%get3A_4, %get3A_5, %get3A_6] : memref<2x1000x128xf32, #tpu.memory_space<vmem>>, vector<1x1000x1xf32>
    %get3A_8 = vector.shape_cast %get3A_7 : vector<1x1000x1xf32> to vector<1000x1xf32>
    %add3A = arith.addf %get3A_3, %get3A_8 : vector<1000x1xf32>
    %max3A = arith.constant 1.000000e+00 : f32
    %max3A_9 = vector.broadcast %max3A : f32 to vector<1000x1xf32>
    %max3A_10 = arith.maximumf %add3A, %max3A_9 : vector<1000x1xf32>
    %get3A_11 = arith.constant 0 : index
    %get3A_12 = arith.constant 0 : index
    %get3A_13 = arith.constant 0 : index
    %get3A_14 = vector.load %arg2[%get3A_11, %get3A_12, %get3A_13] : memref<2x1000x512xf32, #tpu.memory_space<vmem>>, vector<1x1000x512xf32>
    %get3A_15 = vector.shape_cast %get3A_14 : vector<1x1000x512xf32> to vector<1000x512xf32>
    %get3A_16 = arith.constant 1 : index
    %get3A_17 = arith.constant 0 : index
    %get3A_18 = arith.constant 0 : index
    %get3A_19 = vector.load %arg2[%get3A_16, %get3A_17, %get3A_18] : memref<2x1000x512xf32, #tpu.memory_space<vmem>>, vector<1x1000x512xf32>
    %get3A_20 = vector.shape_cast %get3A_19 : vector<1x1000x512xf32> to vector<1000x512xf32>
    %add3A_21 = arith.addf %get3A_15, %get3A_20 : vector<1000x512xf32>
    %div3A = vector.broadcast %max3A_10 : vector<1000x1xf32> to vector<1000x512xf32>
    %div3A_22 = arith.divf %add3A_21, %div3A : vector<1000x512xf32>
    %get3A_23 = arith.constant 0 : index
    %get3A_24 = arith.constant 0 : index
    %get3A_25 = vector.load %arg1[%get3A_23, %get3A_24] : memref<1000x256xf32, #tpu.memory_space<vmem>>, vector<1000x256xf32>
    %get3A_26 = arith.constant 0 : index
    %get3A_27 = arith.constant 0 : index
    %get3A_28 = vector.load %arg4[%get3A_26, %get3A_27] : memref<256x512xf32, #tpu.memory_space<vmem>>, vector<256x512xf32>
    %dot_general3A = arith.constant dense<0.000000e+00> : vector<1000x512xf32>
    %dot_general3A_29 = tpu.matmul %get3A_25, %get3A_28, %dot_general3A {dimension_numbers = #tpu.dot_dimension_numbers<[1], [0], [0], [1], [0, 0, 1, 1], [], []>, transpose_lhs_hint = false} : vector<1000x256xf32>, vector<256x512xf32>, vector<1000x512xf32> -> vector<1000x512xf32>
    %get3A_30 = arith.constant 0 : index
    %get3A_31 = arith.constant 0 : index
    %get3A_32 = vector.load %arg5[%get3A_30, %get3A_31] : memref<512x512xf32, #tpu.memory_space<vmem>>, vector<512x512xf32>
    %dot_general3A_33 = arith.constant dense<0.000000e+00> : vector<1000x512xf32>
    %dot_general3A_34 = tpu.matmul %div3A_22, %get3A_32, %dot_general3A_33 {dimension_numbers = #tpu.dot_dimension_numbers<[1], [0], [0], [1], [0, 0, 1, 1], [], []>, transpose_lhs_hint = false} : vector<1000x512xf32>, vector<512x512xf32>, vector<1000x512xf32> -> vector<1000x512xf32>
    %add3A_35 = arith.addf %dot_general3A_29, %dot_general3A_34 : vector<1000x512xf32>
    %get3A_36 = arith.constant 0 : index
    %get3A_37 = arith.constant 0 : index
    %get3A_38 = vector.load %arg6[%get3A_36, %get3A_37] : memref<1x512xf32, #tpu.memory_space<vmem>>, vector<1x512xf32>
    %add3A_39 = vector.broadcast %get3A_38 : vector<1x512xf32> to vector<1000x512xf32>
    %add3A_40 = arith.addf %add3A_35, %add3A_39 : vector<1000x512xf32>
    %get3A_41 = arith.constant 0 : index
    %get3A_42 = arith.constant 0 : index
    %get3A_43 = vector.load %arg7[%get3A_41, %get3A_42] : memref<1x512xf32, #tpu.memory_space<vmem>>, vector<1x512xf32>
    %get3A_44 = arith.constant 0 : index
    %get3A_45 = arith.constant 0 : index
    %get3A_46 = vector.load %arg8[%get3A_44, %get3A_45] : memref<1x512xf32, #tpu.memory_space<vmem>>, vector<1x512xf32>
    %reduce_sum3A = arith.constant dense<0.000000e+00> : vector<1000xf32>
    %reduce_sum3A_47 = vector.multi_reduction <add>, %add3A_40, %reduce_sum3A [1] : vector<1000x512xf32> to vector<1000xf32>
    %broadcast_in_dim3A = vector.shape_cast %reduce_sum3A_47 : vector<1000xf32> to vector<1000x1xf32>
    %div3A_48 = arith.constant 5.120000e+02 : f32
    %div3A_49 = vector.broadcast %div3A_48 : f32 to vector<1000x1xf32>
    %div3A_50 = arith.divf %broadcast_in_dim3A, %div3A_49 : vector<1000x1xf32>
    %sub3A = vector.broadcast %div3A_50 : vector<1000x1xf32> to vector<1000x512xf32>
    %sub3A_51 = arith.subf %add3A_40, %sub3A : vector<1000x512xf32>
    %sub3A_52 = vector.broadcast %div3A_50 : vector<1000x1xf32> to vector<1000x512xf32>
    %sub3A_53 = arith.subf %add3A_40, %sub3A_52 : vector<1000x512xf32>
    %mul3A = arith.mulf %sub3A_51, %sub3A_53 : vector<1000x512xf32>
    %reduce_sum3A_54 = arith.constant dense<0.000000e+00> : vector<1000xf32>
    %reduce_sum3A_55 = vector.multi_reduction <add>, %mul3A, %reduce_sum3A_54 [1] : vector<1000x512xf32> to vector<1000xf32>
    %broadcast_in_dim3A_56 = vector.shape_cast %reduce_sum3A_55 : vector<1000xf32> to vector<1000x1xf32>
    %div3A_57 = arith.constant 5.120000e+02 : f32
    %div3A_58 = vector.broadcast %div3A_57 : f32 to vector<1000x1xf32>
    %div3A_59 = arith.divf %broadcast_in_dim3A_56, %div3A_58 : vector<1000x1xf32>
    %sub3A_60 = vector.broadcast %div3A_50 : vector<1000x1xf32> to vector<1000x512xf32>
    %sub3A_61 = arith.subf %add3A_40, %sub3A_60 : vector<1000x512xf32>
    %add3A_62 = arith.constant 9.99999997E-7 : f32
    %add3A_63 = vector.broadcast %add3A_62 : f32 to vector<1000x1xf32>
    %add3A_64 = arith.addf %div3A_59, %add3A_63 : vector<1000x1xf32>
    %rsqrt3A = math.rsqrt %add3A_64 : vector<1000x1xf32>
    %mul3A_65 = vector.broadcast %rsqrt3A : vector<1000x1xf32> to vector<1000x512xf32>
    %mul3A_66 = arith.mulf %sub3A_61, %mul3A_65 : vector<1000x512xf32>
    %mul3A_67 = vector.broadcast %get3A_43 : vector<1x512xf32> to vector<1000x512xf32>
    %mul3A_68 = arith.mulf %mul3A_66, %mul3A_67 : vector<1000x512xf32>
    %add3A_69 = vector.broadcast %get3A_46 : vector<1x512xf32> to vector<1000x512xf32>
    %add3A_70 = arith.addf %mul3A_68, %add3A_69 : vector<1000x512xf32>
    %max3A_71 = arith.constant 0.000000e+00 : f32
    %max3A_72 = vector.broadcast %max3A_71 : f32 to vector<1000x512xf32>
    %max3A_73 = arith.maximumf %add3A_70, %max3A_72 : vector<1000x512xf32>
    %get3A_74 = arith.constant 0 : index
    %get3A_75 = arith.constant 0 : index
    %get3A_76 = vector.load %arg9[%get3A_74, %get3A_75] : memref<512x256xf32, #tpu.memory_space<vmem>>, vector<512x256xf32>
    %dot_general3A_77 = arith.constant dense<0.000000e+00> : vector<1000x256xf32>
    %dot_general3A_78 = tpu.matmul %max3A_73, %get3A_76, %dot_general3A_77 {dimension_numbers = #tpu.dot_dimension_numbers<[1], [0], [0], [1], [0, 0, 1, 1], [], []>, transpose_lhs_hint = false} : vector<1000x512xf32>, vector<512x256xf32>, vector<1000x256xf32> -> vector<1000x256xf32>
    %get3A_79 = arith.constant 0 : index
    %get3A_80 = arith.constant 0 : index
    %get3A_81 = vector.load %arg10[%get3A_79, %get3A_80] : memref<1x256xf32, #tpu.memory_space<vmem>>, vector<1x256xf32>
    %add3A_82 = vector.broadcast %get3A_81 : vector<1x256xf32> to vector<1000x256xf32>
    %add3A_83 = arith.addf %dot_general3A_78, %add3A_82 : vector<1000x256xf32>
    %get3A_84 = arith.constant 0 : index
    %get3A_85 = arith.constant 0 : index
    %get3A_86 = vector.load %arg1[%get3A_84, %get3A_85] : memref<1000x256xf32, #tpu.memory_space<vmem>>, vector<1000x256xf32>
    %add3A_87 = arith.addf %add3A_83, %get3A_86 : vector<1000x256xf32>
    %swap3A = arith.constant 0 : index
    %swap3A_88 = arith.constant 0 : index
    %swap3A_89 = vector.load %arg11[%swap3A, %swap3A_88] : memref<1000x256xf32, #tpu.memory_space<vmem>>, vector<1000x256xf32>
    tpu.vector_store %arg11[%swap3A, %swap3A_88], %add3A_87 {strides = array<i32>} : memref<1000x256xf32, #tpu.memory_space<vmem>>, vector<1000x256xf32>,
    return
  }
  func.func @transform_0(%arg0: i32) -> (i32, i32) {
    %c0_i32 = arith.constant 0 : i32
    %c0_i32_0 = arith.constant 0 : i32
    return %arg0, %c0_i32 : i32, i32
  }
  func.func @transform_1(%arg0: i32) -> (i32, i32, i32) {
    %c0_i32 = arith.constant 0 : i32
    %c0_i32_0 = arith.constant 0 : i32
    %c0_i32_1 = arith.constant 0 : i32
    return %c0_i32, %arg0, %c0_i32_0 : i32, i32, i32
  }
  func.func @transform_2(%arg0: i32) -> (i32, i32, i32) {
    %c0_i32 = arith.constant 0 : i32
    %c0_i32_0 = arith.constant 0 : i32
    %c0_i32_1 = arith.constant 0 : i32
    return %c0_i32, %arg0, %c0_i32_0 : i32, i32, i32
  }
  func.func @transform_3(%arg0: i32) -> (i32, i32) {
    %c0_i32 = arith.constant 0 : i32
    %c0_i32_0 = arith.constant 0 : i32
    %c0_i32_1 = arith.constant 0 : i32
    return %c0_i32, %c0_i32_0 : i32, i32
  }
  func.func @transform_4(%arg0: i32) -> (i32, i32) {
    %c0_i32 = arith.constant 0 : i32
    %c0_i32_0 = arith.constant 0 : i32
    %c0_i32_1 = arith.constant 0 : i32
    return %c0_i32, %c0_i32_0 : i32, i32
  }
  func.func @transform_5(%arg0: i32) -> (i32, i32) {
    %c0_i32 = arith.constant 0 : i32
    %c0_i32_0 = arith.constant 0 : i32
    %c0_i32_1 = arith.constant 0 : i32
    return %c0_i32, %c0_i32_0 : i32, i32
  }
  func.func @transform_6(%arg0: i32) -> (i32, i32) {
    %c0_i32 = arith.constant 0 : i32
    %c0_i32_0 = arith.constant 0 : i32
    %c0_i32_1 = arith.constant 0 : i32
    return %c0_i32, %c0_i32_0 : i32, i32
  }
  func.func @transform_7(%arg0: i32) -> (i32, i32) {
    %c0_i32 = arith.constant 0 : i32
    %c0_i32_0 = arith.constant 0 : i32
    %c0_i32_1 = arith.constant 0 : i32
    return %c0_i32, %c0_i32_0 : i32, i32
  }
  func.func @transform_8(%arg0: i32) -> (i32, i32) {
    %c0_i32 = arith.constant 0 : i32
    %c0_i32_0 = arith.constant 0 : i32
    %c0_i32_1 = arith.constant 0 : i32
    return %c0_i32, %c0_i32_0 : i32, i32
  }
  func.func @transform_9(%arg0: i32) -> (i32, i32) {
    %c0_i32 = arith.constant 0 : i32
    %c0_i32_0 = arith.constant 0 : i32
    %c0_i32_1 = arith.constant 0 : i32
    return %c0_i32, %c0_i32_0 : i32, i32
  }
  func.func @transform_10(%arg0: i32) -> (i32, i32) {
    %c0_i32 = arith.constant 0 : i32
    %c0_i32_0 = arith.constant 0 : i32
    return %arg0, %c0_i32 : i32, i32
  }
}

</mosaic_0001>

<sc_bundles>
// kernel: kernel.10.cloned.1.call-start
scs
__scs_entry_jumppad:
0x0: {  	(pc) =	sbr.rel $0x88, $3  }
0x1: {  	(tag) =	ssettag $0x0;
	lr =	simm.s32 $0x1  }
0x2: {  	[smem:$0x3F91] =	sst lr;
	_ =	strace $0xD0000000  }
0x3: {  	_ = 	snop  }
0x4: {  	_ = 	snop  }
0x5: {  	_ = 	snop  }
0x6: {  	_ = 	snop  }
0x7: {  	_ = 	snop  }
__scs_overlays_trampoline_lowered:
0x8: {  	[smem:$0x3FA0] =	sst s0  }
0x9: {  	[smem:$0x3FA1] =	sst s1  }
0xa: {  	[smem:$0x3FA2] =	sst s2  }
0xb: {  	[smem:$0x3FA3] =	sst s3  }
0xc: {  	[smem:$0x3FA4] =	sst s4  }
0xd: {  	[smem:$0x3FA5] =	sst s5  }
0xe: {  	[smem:$0x3FA6] =	sst s6  }
0xf: {  	[smem:$0x3FA7] =	sst s7  }
0x10: {  	[smem:$0x3FA8] =	sst s8  }
0x11: {  	[smem:$0x3FA9] =	sst s9;
	s0 =	simm.s32 @!p0 $0x0  }
0x12: {  	s1 =	sld [smem:$0x3F8F];
	s0 =	simm.s32 @p0 $0x1  }
0x13: {  	[smem:$0x3FAA] =	sst s0;
	s0 =	simm.s32 @!p1 $0x0  }
0x14: {  	s2 =	sld [smem:$0x3F8E];
	s0 =	simm.s32 @p1 $0x1  }
0x15: {  	[smem:$0x3FAB] =	sst s0;
	s0 =	simm.s32 @!p2 $0x0  }
0x16: {  	s3 =	sld [smem:$0x3FDB];
	s0 =	simm.s32 @p2 $0x1  }
0x17: {  	s4 =	simm.s32 $0x1BF5;
	[smem:$0x3FAD] =	sst s0  }
0x18: {  	s0 =	sld [smem:$0x3F90];
	_ =	swait.ge [sflag:s4], $0x0  }
0x19: {  	s7 =	sld [smem:$0x3F91]  }
0x1a: {  	s8 =	sadd.s32 $0xFFFFE003, lr  }
0x1b: {  	s9 =	sadd.s32 $0xFFFFFEF7, lr;
	s5 =	simm.s32 $0xFFFFFFFF;
	p2 =	slt.u32 s8, $0xFFFFF086  }
0x1c: {  	p1 =	slt.u32 s9, $0xF7A;
	s5 =	simm.s32 @!p2 $0x0  }
0x1d: {  	s5 =	simm.s32 @p1 $0x1;
	p0 =	seq.s32 s7, s2  }
0x1e: {  	s7 =	smul.u32 @!p0 $0xF7A, s2;
	p2 =	seq.s32 @!p0 s5, $0x0  }
0x1f: {  	s9 =	smul.u32 $0xF7A, s1;
	s8 =	simm.s32 @!p0 $0x1BF5;
	p2 =	por !p2, p0  }
0x20: {  	[sflag:s8] =	ssyncset.s32 @!p0 $0xFFFFF086;
	s6 =	sadd.s32 @!p0 s3, s7;
	s7 =	simm.s32 @!p0 $0x108  }
0x21: {  	s3 =	sadd.s32 s3, s9;
	s6 =	sadd.s32 @!p0 $0x88, s6;
	s7 =	simm.s32 @p2 $0x1082  }
0x22: {  	[simem:s7], [sflag:s8] =	dma.local @!p0 [hbm:s6], $0xF7A  }
0x23: {  	s9 =	sor.u32 $0xD0000000, s2;
	s6 =	simm.s32 $0x108;
	_ =	swait.ge @!p0 [sflag:s8], $0x0  }
0x24: {  	s3 =	sadd.s32 $0x88, s3;
	s6 =	simm.s32 @!p1 $0x1082;
	[sflag:s4] =	ssyncset.s32 $0xFFFFF086  }
0x25: {  	[simem:s6], [sflag:s4] =	dma.local [hbm:s3], $0xF7A  }
0x26: {  	[smem:$0x3F91] =	sst s1;
	(tag) =	ssettag s2;
	_ =	strace s9  }
0x27: {  	s1 =	sld [smem:$0x3FA1]  }
0x28: {  	s2 =	sld [smem:$0x3FA2]  }
0x29: {  	s4 =	sld [smem:$0x3FA4]  }
0x2a: {  	p0 =	seq.s32 s5, $0x0;
	s5 =	sld [smem:$0x3FA5]  }
0x2b: {  	s6 =	sld [smem:$0x3FA6]  }
0x2c: {  	s7 =	sld [smem:$0x3FA7]  }
0x2d: {  	s3 =	simm.s32 $0x108;
	s8 =	sld [smem:$0x3FA8]  }
0x2e: {  	s3 =	simm.s32 @!p0 $0x1082;
	s9 =	sld [smem:$0x3FA9]  }
0x2f: {  	lr =	sadd.s32 s0, s3;
	s0 =	sld [smem:$0x3FA0]  }
0x30: {  	s3 =	sld [smem:$0x3FA3]  }
0x31: {  	[smem:$0x3FAC] =	sst s10  }
0x32: {  	s10 =	sld [smem:$0x3FAA];
	_ =	sdelay $0x3  }
0x33: {  	p0 =	seq.s32 s10, $0x1;
	s10 =	sld [smem:$0x3FAC];
	_ =	sdelay $0x3  }
0x34: {  	[smem:$0x3FAC] =	sst s10  }
0x35: {  	s10 =	sld [smem:$0x3FAB];
	_ =	sdelay $0x3  }
0x36: {  	p1 =	seq.s32 s10, $0x1;
	s10 =	sld [smem:$0x3FAC];
	_ =	sdelay $0x3  }
0x37: {  	[smem:$0x3FAC] =	sst s10  }
0x38: {  	s10 =	sld [smem:$0x3FAD]  }
0x39: {  	_ = 	snop;
	(pc) =	sbr.ind lr, $3  }
0x3a: {  	_ = 	snop  }
0x3b: {  	_ = 	snop  }
0x3c: {  	p2 =	seq.s32 s10, $0x1;
	s10 =	sld [smem:$0x3FAC]  }
0x3d: {  	_ =	shalt  }
0x3e: {  	_ =	shalt  }
0x3f: {  	_ =	shalt  }
0x40: {  	_ =	shalt  }
0x41: {  	_ =	shalt  }
0x42: {  	_ =	shalt  }
0x43: {  	_ =	shalt  }
0x44: {  	_ =	shalt  }
0x45: {  	_ =	shalt  }
0x46: {  	_ =	shalt  }
0x47: {  	_ =	shalt  }
0x48: {  	_ =	shalt  }
0x49: {  	_ =	shalt  }
0x4a: {  	_ =	shalt  }
0x4b: {  	_ =	shalt  }
0x4c: {  	_ =	shalt  }
0x4d: {  	_ =	shalt  }
0x4e: {  	_ =	shalt  }
0x4f: {  	_ =	shalt  }
0x50: {  	_ =	shalt  }
0x51: {  	_ =	shalt  }
0x52: {  	_ =	shalt  }
0x53: {  	_ =	shalt  }
0x54: {  	_ =	shalt  }
0x55: {  	_ =	shalt  }
0x56: {  	_ =	shalt  }
0x57: {  	_ =	shalt  }
0x58: {  	_ =	shalt  }
0x59: {  	_ =	shalt  }
0x5a: {  	_ =	shalt  }
0x5b: {  	_ =	shalt  }
0x5c: {  	_ =	shalt  }
0x5d: {  	_ =	shalt  }
0x5e: {  	_ =	shalt  }
0x5f: {  	_ =	shalt  }
0x60: {  	_ =	shalt  }
0x61: {  	_ =	shalt  }
0x62: {  	_ =	shalt  }
0x63: {  	_ =	shalt  }
0x64: {  	_ =	shalt  }
0x65: {  	_ =	shalt  }
0x66: {  	_ =	shalt  }
0x67: {  	_ =	shalt  }
0x68: {  	_ =	shalt  }
0x69: {  	_ =	shalt  }
0x6a: {  	_ =	shalt  }
0x6b: {  	_ =	shalt  }
0x6c: {  	_ =	shalt  }
0x6d: {  	_ =	shalt  }
0x6e: {  	_ =	shalt  }
0x6f: {  	_ =	shalt  }
0x70: {  	_ =	shalt  }
0x71: {  	_ =	shalt  }
0x72: {  	_ =	shalt  }
0x73: {  	_ =	shalt  }
0x74: {  	_ =	shalt  }
0x75: {  	_ =	shalt  }
0x76: {  	_ =	shalt  }
0x77: {  	_ =	shalt  }
0x78: {  	_ =	shalt  }
0x79: {  	_ =	shalt  }
0x7a: {  	_ =	shalt  }
0x7b: {  	_ =	shalt  }
0x7c: {  	_ =	shalt  }
0x7d: {  	_ =	shalt  }
0x7e: {  	_ =	shalt  }
0x7f: {  	_ =	shalt  }
0x80: {  	_ =	shalt  }
0x81: {  	_ =	shalt  }
0x82: {  	_ =	shalt  }
0x83: {  	_ =	shalt  }
0x84: {  	_ =	shalt  }
0x85: {  	_ =	shalt  }
0x86: {  	_ =	shalt  }
0x87: {  	_ =	shalt  }
.Lfunc_end0:
.L_simem_size_0:
called_computation.1_lowered:
.L_overlay_start_0:
0x88: {  	s2 =	sld [smem:$0x3FD9]  }
0x89: {  	s3 =	sld [smem:$0x3FFE];
	_ =	sdelay $0x1  }
0x8a: {  	s1 =	srdreg.scid  }
0x8b: {  	s0 =	sand.u32 $0x1, s1  }
0x8c: {  	s17 =	sshll.u32 s0, $0xA;
	s2 =	sadd.s32 s3, s2  }
0x8d: {  	s2 =	sadd.s32 s2, s17  }
0x8e: {  	[smem:$0x3FB8] =	sst s2  }
0x8f: {  	_ = 	snop  }
0x90: {  	s2 =	sld [smem:$0x3FC6]  }
0x91: {  	s18 =	sld [smem:$0x3FD0];
	(tm) =	ssettm $0x1  }
0x92: {  	s4 =	sld [smem:$0x3FFB];
	_ =	sdelay $0x3  }
0x93: {  	_ =	strace s4  }
0x94: {  	s4 =	sld [smem:$0x3FFC];
	_ =	sdelay $0x3  }
0x95: {  	_ =	strace s4  }
0x96: {  	s4 =	sld [smem:$0x3FFD];
	_ =	sdelay $0x3  }
0x97: {  	_ =	strace s4  }
0x98: {  	_ =	strace $0x8FFFFFFF  }
0x99: {  	s19 =	sld [smem:$0x3FDB];
	_ =	sdelay $0x1  }
0x9a: {  	s5 =	simm.s32 $_scs_section_size  }
0x9b: {  	s6 =	simm.s32 $_size__tile_overlayer_lowered;
	s7 =	simm.s32 $_tile_overlayer_lowered  }
0x9c: {  	s22 =	simm.s32 $0x1BFF;
	s21 =	sshll.u32 s7, $0x1;
	s4 =	sadd.s32 s5, s19  }
0x9d: {  	s8 =	simm.s32 $0x0;
	s20 =	sshll.u32 s6, $0x1;
	s6 =	sadd.s32 s21, s4  }
0x9e: {  	[timem:s8], [sflag:s22] =	dma.local [hbm:s6], s20  }
0x9f: {  	_ =	swait.ge [sflag:s22], s20  }
0xa0: {  	s5 =	ssub.s32 $0x0, s20;
	[sflag:s22] =	ssyncset.done $0x0  }
0xa1: {  	[sflag:s22] =	ssyncadd.s32 s5;
	_ =	sdelay $0x1  }
0xa2: {  	s23 =	simm.s32 $0x1B8B  }
0xa3: {  	_ =	swait.ge [sflag:s23], $0x1  }
0xa4: {  	[sflag:s23] =	ssyncset.done $0x0  }
0xa5: {  	s25 =	simm.s32 $0x1B8E;
	s24 =	sld [smem:$0x3FFE];
	[sflag:s23] =	ssyncadd.s32 $0xFFFFFFFF  }
0xa6: {  	s26 =	simm.s32 $execute0_lowered;
	[smem:$0x3FD2] =	sst s25  }
0xa7: {  	s6 =	sshll.u32 s26, $0x1;
	_ =	strace $0x80000049;
	[dreg:$0x1] =	wrdreg $0xFFFFFFFF  }
0xa8: {  	s28 =	simm.s32 $_size_execute0_lowered;
	s4 =	sadd.s32 s4, s6;
	[dreg:$0x0] =	wrdreg $0x0  }
0xa9: {  	s6 =	sshll.u32 s28, $0x1;
	[dreg:$0x2] =	wrdreg s4  }
0xaa: {  	[dreg:$0x3] =	wrdreg s6  }
0xab: {  	[dreg:$0x4] =	wrdreg $0xC0  }
0xac: {  	_ =	task [dreg:s8], $0x5FFFF  }
0xad: {  	[dreg:$0x1] =	wrdreg $0xFFFFFFFF  }
0xae: {  	[dreg:$0x0] =	wrdreg $0x60  }
0xaf: {  	[dreg:$0x2] =	wrdreg s24  }
0xb0: {  	[dreg:$0x3] =	wrdreg s2  }
0xb1: {  	[dreg:$0x4] =	wrdreg s18  }
0xb2: {  	[dreg:$0x5] =	wrdreg $0xC6800  }
0xb3: {  	[dreg:$0x6] =	wrdreg $0x9  }
0xb4: {  	_ =	task.clear_ibuf [dreg:s8], $0x7FFFF;
	_ =	strace $0x90000049  }
0xb5: {  	s29 =	simm.s32 $0x9;
	_ =	strace $0x8000004B  }
0xb6: {  	_ =	swait.ge [sflag:s29], $0x1  }
0xb7: {  	[sflag:s29] =	ssyncadd.s32 $0xFFFFFFFF  }
0xb8: {  	_ =	strace $0x9000004B  }
0xb9: {  	_ =	sfence  }
0xba: {  	s30 =	sld [smem:$0x0];
	_ =	sdelay $0x2  }
0xbb: {  	s31 =	sshll.u32 s1, $0xD;
	s1 =	sshrl.u32 s1, $0x2  }
0xbc: {  	s3 =	sand.u32 $0x4000, s31;
	s1 =	sadd.s32 s1, s30  }
0xbd: {  	s0 =	sor.u32 s3, s0;
	s1 =	sshll.u32 s1, $0x11  }
0xbe: {  	s0 =	sor.u32 s1, s0  }
0xbf: {  	s0 =	sadd.s32 $0x8F2B, s0  }
0xc0: {  	[sflag:s0] =	ssyncadd.remote.s32 $0x1  }
0xc1: {  	_ =	sfence.sel $0xFFFF  }
0xc2: {  	[dreg:$0x0] =	wrdreg $0xFFFFFFFF;
	(pc) =	sbr.abs _section_cstart, $3  }
0xc3: {  	[dreg:$0x1] =	wrdreg $0xFFFFFFFF  }
0xc4: {  	_ =	task.clear_ibuf [dreg:s8], $0x2FFFF;
	_ =	strace $0x9FFFFFFF  }
0xc5: {  	(tm) =	ssettm $0x7FFFFFFF  }
tec
execute0_lowered:
.L_overlay_start_1:
0x0: {  	(tag) =	ssettag $0x1  }
0x1: {  	s0 =	srdreg.scid;
	s2 =	rddreg [dreg:$0x0]  }
0x2: {  	s20 =	stileid.u32;
	s4 =	rddreg [dreg:$0x2]  }
0x3: {  	s28 =	simm.s32 $0x2;
	s29 =	simm.s32 $0x4;
	s7 =	smul.u32 $0x4F000, s20  }
0x4: {  	s30 =	simm.s32 $0xC600;
	s0 =	sand.u32 $0x1, s0;
	s19 =	smul.u32 $0x13C00, s20  }
0x5: {  	s1 =	sshll.u32 s20, $0x1;
	s6 =	sadd.s32 $0x4E5600, s2;
	s10 =	smul.u32 $0x4E2000, s0  }
0x6: {  	s8 =	sadd.s32 $0x6A00, s2;
	s3 =	sor.u32 s0, s1;
	s18 =	smul.u32 $0x138800, s0  }
0x7: {  	s23 =	sadd.s32 $0x4E5700, s2;
	s9 =	ssub.s32 $0x2, s0;
	s5 =	smul.u32 $0x1388, s3  }
0x8: {  	s1 =	simm.s32 $0x0;
	s11 =	sshrl.u32 s9, $0x1;
	s3 =	smul.u32 $0x4E200, s3  }
0x9: {  	[smem:$0x7FF] =	sst s1;
	s9 =	ssub.s32 s9, s11;
	s13 =	sadd.s32 s7, s10  }
0xa: {  	s10 =	sshrl.u32 s10, $0x3;
	s12 =	sadd.s32 $0x1380, s5;
	s14 =	sadd.s32 s6, s3  }
0xb: {  	s13 =	sshrl.u32 s13, $0x3;
	s16 =	sadd.s32 s3, s23;
	s11 =	sshll.u32 s12, $0x6  }
0xc: {  	[dreg:$0x5] =	wrdreg s14;
	s21 =	sadd.s32 s8, s13;
	s8 =	sadd.s32 s8, s10  }
0xd: {  	s10 =	sadd.s32 $0x4E5680, s2;
	[dreg:$0xa] =	wrdreg s16;
	s17 =	sadd.s32 s6, s11  }
0xe: {  	s24 =	sadd.s32 $0x4E5780, s2;
	s15 =	sadd.s32 s3, s10;
	[dreg:$0x6] =	wrdreg s17  }
0xf: {  	s26 =	sshrl.u32 s18, $0x3;
	s22 =	sadd.s32 s11, s10;
	[dreg:$0x8] =	wrdreg s15  }
0x10: {  	s14 =	sadd.s32 s19, s18;
	s3 =	sadd.s32 s3, s24;
	[dreg:$0x9] =	wrdreg s22  }
0x11: {  	s25 =	sshrl.u32 s14, $0x3;
	s17 =	sadd.s32 s11, s23;
	[dreg:$0xc] =	wrdreg s3  }
0x12: {  	s13 =	sadd.s32 $0x12C0, s5;
	s3 =	sadd.s32 s4, s25;
	[dreg:$0xb] =	wrdreg s17  }
0x13: {  	s31 =	sshll.u32 s13, $0x6;
	s11 =	sadd.s32 s11, s24;
	[dreg:$0xd] =	wrdreg s3  }
0x14: {  	s18 =	smul.u32 $0x4E200, s0;
	s10 =	sadd.s32 s31, s10;
	[dreg:$0xe] =	wrdreg s11  }
0x15: {  	s0 =	smul.u32 $0x1388, s0;
	s14 =	sadd.s32 s31, s23;
	[dreg:$0xf] =	wrdreg s10  }
0x16: {  	p0 =	seq.s32 s20, $0xF;
	s19 =	smul.u32 $0x2710, s20;
	[dreg:$0x10] =	wrdreg s14  }
0x17: {  	s15 =	smul.u32 $0x9C400, s20;
	s14 =	rddreg [dreg:$0x1];
	s17 =	sadd.s32 s31, s24  }
0x18: {  	s0 =	sadd.s32 s0, s19;
	s19 =	sadd.s32 $0x4200, s2;
	[dreg:$0x11] =	wrdreg s17  }
0x19: {  	s3 =	sadd.s32 s4, s26;
	s4 =	sadd.s32 s6, s31;
	s17 =	rddreg [dreg:$0x3]  }
0x1a: {  	s2 =	sadd.s32 $0x3600, s2;
	s25 =	sshrl.u32 s12, $0x3;
	[dreg:$0x12] =	wrdreg s4  }
0x1b: {  	s26 =	sadd.s32 s14, s25;
	_ =	strace $0x8000004A;
	[dreg:$0x13] =	wrdreg s2  }
0x1c: {  	s23 =	sshrl.u32 s7, $0x2;
	s31 =	sadd.s32 $0x94200, s8;
	[dreg:$0x16] =	wrdreg s26  }
0x1d: {  	s24 =	sshrl.u32 s5, $0x3;
	s5 =	sadd.s32 $0x94280, s8;
	[dreg:$0x17] =	wrdreg s31  }
0x1e: {  	s22 =	sadd.s32 s15, s6;
	s6 =	sadd.s32 $0x94300, s8;
	[dreg:$0x18] =	wrdreg s5  }
0x1f: {  	s7 =	sadd.s32 $0x94380, s8;
	s12 =	smax.u32 s9, $0x1;
	[dreg:$0x19] =	wrdreg s6  }
0x20: {  	s11 =	sadd.s32 $0xC0, s0;
	s8 =	sadd.s32 $0x25080, s3;
	[dreg:$0x1a] =	wrdreg s7  }
0x21: {  	s10 =	sshrl.u32 s13, $0x3;
	s13 =	sshrl.u32 s11, $0x3;
	[dreg:$0x1b] =	wrdreg s8  }
0x22: {  	s15 =	sadd.s32 $0x180, s0;
	s25 =	sadd.s32 $0x80, s21;
	[dreg:$0x1c] =	wrdreg s12  }
0x23: {  	s11 =	simm.s32 $0xC400;
	s4 =	sadd.s32 s18, s22;
	[smem:$0x7FB] =	sst s25  }
0x24: {  	s2 =	sadd.s32 s23, s17;
	s0 =	sadd.s32 s13, s14;
	[dreg:$0x7] =	wrdreg s21  }
0x25: {  	s26 =	sadd.s32 $0x100, s21;
	s31 =	sadd.s32 $0x180, s21;
	[dreg:$0x14] =	wrdreg s2  }
0x26: {  	s12 =	simm.s32 $0x400;
	s13 =	simm.s32 $0x1000;
	[smem:$0x7FC] =	sst s26  }
0x27: {  	s21 =	simm.s32 $0x1;
	s2 =	sadd.s32 s14, s24;
	[smem:$0x7FD] =	sst s31  }
0x28: {  	s25 =	simm.s32 $0xC0;
	s16 =	sadd.s32 $0x6000, s4;
	[dreg:$0x15] =	wrdreg s2  }
0x29: {  	s7 =	simm.s32 $0x5;
	s18 =	sadd.s32 $0x6080, s4;
	[dreg:$0x1e] =	wrdreg s16  }
0x2a: {  	s8 =	simm.s32 $0xC000;
	s22 =	sadd.s32 $0x6100, s4;
	[dreg:$0x1f] =	wrdreg s18  }
0x2b: {  	s23 =	sadd.s32 $0x6180, s4;
	s24 =	sadd.s32 $0x128400, s17;
	[smem:$0x7F8] =	sst s22  }
0x2c: {  	s26 =	simm.s32 $0x6;
	s2 =	sadd.s32 s14, s10;
	[smem:$0x7F9] =	sst s23  }
0x2d: {  	[smem:$0x7FA] =	sst s24;
	s16 =	simm.s32 $0xC500;
	s18 =	simm.s32 $0x6000  }
0x2e: {  	s24 =	simm.s32 $0x3;
	s10 =	simm.s32 $0x0;
	[dreg:$0x1d] =	wrdreg s2  }
.LBB2_1:
0x2f: {  	s2 =	sld [smem:$0x7FA];
	_ =	sdelay $0x2  }
0x30: {  	s4 =	sshrl.u32 @p0 s2, $0x3;
	s2 =	simm.s32 @p0 $0x1FC6  }
0x31: {  	[spmem:s4], [sflag:s2] =	dma.local @p0 [hbm:s19], $0x2080  }
0x32: {  	s2 =	simm.s32 @p0 $0x6  }
0x33: {  	_ =	swait.ge @p0 [sflag:s2], $0x2080  }
0x34: {  	s3 =	stileid.u32;
	[sflag:s2] =	ssyncset.done @p0 $0x0  }
0x35: {  	s3 =	sshll.u32 @!p0 s3, $0x6;
	[sflag:s2] =	ssyncadd.s32 @p0 $0xFFFFDF80;
	s2 =	rddreg [dreg:$0x14]  }
0x36: {  	s20 =	sor.u32 @!p0 $0x1C06, s3;
	s9 =	sshrl.u32 @!p0 s2, $0x3;
	s2 =	simm.s32 @!p0 $0x6  }
0x37: {  	[spmem:s9], [sflag:s20] =	dma.local @!p0 [hbm:s19], $0x2780  }
0x38: {  	_ =	swait.ge @!p0 [sflag:s2], $0x2780  }
0x39: {  	[sflag:s2] =	ssyncset.done @!p0 $0x0  }
0x3a: {  	[sflag:s2] =	ssyncadd.s32 @!p0 $0xFFFFD880  }
0x3b: {  	[bflag:$0x0] =	sbarrier.arrive $0xFFFF  }
0x3c: {  	s23 =	rddreg [dreg:$0x15]  }
0x3d: {  	[tilespmem:s11], [sflag:$0x1] =	stream.linear.gather [hbm4b:s23+s1], $0xC0, $0x38;
	[tilespmem:$0x1FF00] =	vst v63  }
0x3e: {  	s31 =	rddreg [dreg:$0x5]  }
0x3f: {  	[tilespmem:s1], [sflag:$0x3] =	stream.strided.gather [hbm4b:s31+s12], $0x6000, s13, s12, $0x38;
	[tilespmem:$0x1FF00] =	vst v63  }
0x40: {  	s3 =	sadd.s32 $0x0, s0;
	s5 =	rddreg [dreg:$0x1e]  }
0x41: {  	[tilespmem:s16], [sflag:$0x2] =	stream.linear.gather [hbm4b:s3+s1], $0xC0, $0x38;
	[tilespmem:$0x1FF00] =	vst v63  }
0x42: {  	s23 =	sadd.s32 $0xFFFFD000, s5  }
0x43: {  	[tilespmem:s18], [sflag:$0x4] =	stream.strided.gather [hbm4b:s23+s12], $0x6000, s13, s12, $0x38;
	[tilespmem:$0x1FF00] =	vst v63  }
0x44: {  	_ =	swait.ge [sflag:s21], $0xC0  }
0x45: {  	[sflag:s21] =	ssyncset.done $0x0  }
0x46: {  	[sflag:s21] =	ssyncadd.s32 $0xFFFFFF40  }
0x47: {  	_ =	swait.ge [sflag:s24], $0x6000  }
0x48: {  	[sflag:s24] =	ssyncset.done $0x0  }
0x49: {  	[sflag:s24] =	ssyncadd.s32 $0xFFFFA000  }
0x4a: {  	[spmem:s17] =	stream.indirect.scatter.add.f32 [tilespmem:s1], [sflag:$0x6], $0x80, s11, s25, $0xb8;
	[tilespmem:$0x1FF00] =	vst v63  }
0x4b: {  	_ =	swait.ge [sflag:s26], $0x6000  }
0x4c: {  	s31 =	sshrl.u32 s15, $0x3;
	[sflag:s26] =	ssyncset.done $0x0  }
0x4d: {  	s2 =	sadd.s32 s14, s31;
	[sflag:s26] =	ssyncadd.s32 $0xFFFFA000  }
0x4e: {  	[tilespmem:s11], [sflag:$0x1] =	stream.linear.gather [hbm4b:s2+s1], $0xC0, $0x38;
	[tilespmem:$0x1FF00] =	vst v63  }
0x4f: {  	_ = 	snop  }
0x50: {  	[tilespmem:s1], [sflag:$0x3] =	stream.strided.gather [hbm4b:s5+s12], $0x6000, s13, s12, $0x38;
	[tilespmem:$0x1FF00] =	vst v63  }
0x51: {  	_ =	swait.ge [sflag:s28], $0xC0  }
0x52: {  	[sflag:s28] =	ssyncset.done $0x0  }
0x53: {  	[sflag:s28] =	ssyncadd.s32 $0xFFFFFF40  }
0x54: {  	_ =	swait.ge [sflag:s29], $0x6000  }
0x55: {  	[sflag:s29] =	ssyncset.done $0x0  }
0x56: {  	[sflag:s29] =	ssyncadd.s32 $0xFFFFA000  }
0x57: {  	[spmem:s17] =	stream.indirect.scatter.add.f32 [tilespmem:s18], [sflag:$0x6], $0x80, s16, s25, $0xb8;
	[tilespmem:$0x1FF00] =	vst v63  }
0x58: {  	s6 =	simm.s32 $0x30;
	s22 =	simm.s32 $0x60;
	_ =	swait.ge [sflag:s26], $0x6000  }
0x59: {  	s3 =	sadd.s32 $0x6000, s5;
	s5 =	sadd.s32 $0x180, s15;
	[sflag:s26] =	ssyncset.done $0x0  }
.LBB2_2:
0x5a: {  	s23 =	sadd.s32 s6, s0  }
0x5b: {  	[sflag:s26] =	ssyncadd.s32 $0xFFFFA000;
	s6 =	smov.u32 s22;
	s31 =	sadd.s32 $0x30, s22  }
0x5c: {  	[tilespmem:s16], [sflag:$0x2] =	stream.linear.gather [hbm4b:s23+s1], $0xC0, $0x38;
	[tilespmem:$0x1FF00] =	vst v63  }
0x5d: {  	p1 =	sne.s32 s22, $0x210;
	s22 =	sadd.s32 $0xFFFFD000, s3  }
0x5e: {  	[tilespmem:s18], [sflag:$0x4] =	stream.strided.gather [hbm4b:s22+s12], $0x6000, s13, s12, $0x38;
	[tilespmem:$0x1FF00] =	vst v63  }
0x5f: {  	_ =	swait.ge [sflag:s21], $0xC0  }
0x60: {  	[sflag:s21] =	ssyncset.done $0x0  }
0x61: {  	[sflag:s21] =	ssyncadd.s32 $0xFFFFFF40  }
0x62: {  	_ =	swait.ge [sflag:s24], $0x6000  }
0x63: {  	[sflag:s24] =	ssyncset.done $0x0  }
0x64: {  	[sflag:s24] =	ssyncadd.s32 $0xFFFFA000  }
0x65: {  	[spmem:s17] =	stream.indirect.scatter.add.f32 [tilespmem:s1], [sflag:$0x6], $0x80, s11, s25, $0xb8;
	[tilespmem:$0x1FF00] =	vst v63  }
0x66: {  	_ =	swait.ge [sflag:s26], $0x6000  }
0x67: {  	s22 =	sshrl.u32 s5, $0x3;
	[sflag:s26] =	ssyncset.done $0x0  }
0x68: {  	s22 =	sadd.s32 s14, s22;
	[sflag:s26] =	ssyncadd.s32 $0xFFFFA000  }
0x69: {  	[tilespmem:s11], [sflag:$0x1] =	stream.linear.gather [hbm4b:s22+s1], $0xC0, $0x38;
	[tilespmem:$0x1FF00] =	vst v63  }
0x6a: {  	_ = 	snop  }
0x6b: {  	[tilespmem:s1], [sflag:$0x3] =	stream.strided.gather [hbm4b:s3+s12], $0x6000, s13, s12, $0x38;
	[tilespmem:$0x1FF00] =	vst v63  }
0x6c: {  	_ =	swait.ge [sflag:s28], $0xC0  }
0x6d: {  	[sflag:s28] =	ssyncset.done $0x0  }
0x6e: {  	[sflag:s28] =	ssyncadd.s32 $0xFFFFFF40  }
0x6f: {  	_ =	swait.ge [sflag:s29], $0x6000  }
.Ltmp0:
0x70: {  	[sflag:s29] =	ssyncset.done $0x0;
	(pc) =	sbr.rel @p1 .LBB2_2-.Ltmp0, $4  }
0x71: {  	[sflag:s29] =	ssyncadd.s32 $0xFFFFA000  }
0x72: {  	[spmem:s17] =	stream.indirect.scatter.add.f32 [tilespmem:s18], [sflag:$0x6], $0x80, s16, s25, $0xb8;
	[tilespmem:$0x1FF00] =	vst v63  }
0x73: {  	s5 =	sadd.s32 $0x180, s5;
	_ =	swait.ge [sflag:s26], $0x6000  }
0x74: {  	s22 =	smov.u32 s31;
	s3 =	sadd.s32 $0x6000, s3;
	[sflag:s26] =	ssyncset.done $0x0  }
0x75: {  	s6 =	sadd.s32 s6, s0;
	[sflag:s26] =	ssyncadd.s32 $0xFFFFA000  }
0x76: {  	[tilespmem:s16], [sflag:$0x2] =	stream.linear.gather [hbm4b:s6+s1], $0xC0, $0x38;
	[tilespmem:$0x1FF00] =	vst v63  }
0x77: {  	s22 =	sadd.s32 $0xFFFFD000, s3  }
0x78: {  	[tilespmem:s18], [sflag:$0x4] =	stream.strided.gather [hbm4b:s22+s12], $0x6000, s13, s12, $0x38;
	[tilespmem:$0x1FF00] =	vst v63  }
0x79: {  	_ =	swait.ge [sflag:s21], $0xC0  }
0x7a: {  	[sflag:s21] =	ssyncset.done $0x0  }
0x7b: {  	[sflag:s21] =	ssyncadd.s32 $0xFFFFFF40  }
0x7c: {  	_ =	swait.ge [sflag:s24], $0x6000  }
0x7d: {  	[sflag:s24] =	ssyncset.done $0x0  }
0x7e: {  	[sflag:s24] =	ssyncadd.s32 $0xFFFFA000  }
0x7f: {  	[spmem:s17] =	stream.indirect.scatter.add.f32 [tilespmem:s1], [sflag:$0x6], $0x80, s11, s25, $0xb8;
	[tilespmem:$0x1FF00] =	vst v63  }
0x80: {  	_ =	swait.ge [sflag:s26], $0x6000  }
0x81: {  	s5 =	sshrl.u32 s5, $0x3;
	[sflag:s26] =	ssyncset.done $0x0  }
0x82: {  	s5 =	sadd.s32 s14, s5;
	[sflag:s26] =	ssyncadd.s32 $0xFFFFA000  }
0x83: {  	[tilespmem:s11], [sflag:$0x1] =	stream.linear.gather [hbm4b:s5+s1], $0xC0, $0x38;
	[tilespmem:$0x1FF00] =	vst v63  }
0x84: {  	_ = 	snop  }
0x85: {  	[tilespmem:s1], [sflag:$0x3] =	stream.strided.gather [hbm4b:s3+s12], $0x6000, s13, s12, $0x38;
	[tilespmem:$0x1FF00] =	vst v63  }
0x86: {  	_ =	swait.ge [sflag:s28], $0xC0  }
0x87: {  	[sflag:s28] =	ssyncset.done $0x0  }
0x88: {  	[sflag:s28] =	ssyncadd.s32 $0xFFFFFF40  }
0x89: {  	_ =	swait.ge [sflag:s29], $0x6000  }
0x8a: {  	[sflag:s29] =	ssyncset.done $0x0  }
0x8b: {  	[sflag:s29] =	ssyncadd.s32 $0xFFFFA000  }
0x8c: {  	[spmem:s17] =	stream.indirect.scatter.add.f32 [tilespmem:s18], [sflag:$0x6], $0x80, s16, s25, $0xb8;
	[tilespmem:$0x1FF00] =	vst v63  }
0x8d: {  	_ =	swait.ge [sflag:s26], $0x6000  }
0x8e: {  	[sflag:s26] =	ssyncset.done $0x0  }
0x8f: {  	s23 =	rddreg [dreg:$0x1d];
	[sflag:s26] =	ssyncadd.s32 $0xFFFFA000  }
0x90: {  	[tilespmem:s16], [sflag:$0x2] =	stream.linear.gather [hbm4b:s23+s1], $0xC0, $0x38;
	[tilespmem:$0x1FF00] =	vst v63  }
0x91: {  	s31 =	rddreg [dreg:$0x12]  }
0x92: {  	[tilespmem:s18], [sflag:$0x4] =	stream.strided.gather [hbm4b:s31+s12], $0x6000, s13, s12, $0x38;
	[tilespmem:$0x1FF00] =	vst v63  }
0x93: {  	_ =	swait.ge [sflag:s21], $0xC0  }
0x94: {  	[sflag:s21] =	ssyncset.done $0x0  }
0x95: {  	[sflag:s21] =	ssyncadd.s32 $0xFFFFFF40  }
0x96: {  	_ =	swait.ge [sflag:s24], $0x6000  }
0x97: {  	[sflag:s24] =	ssyncset.done $0x0  }
0x98: {  	[sflag:s24] =	ssyncadd.s32 $0xFFFFA000  }
0x99: {  	[spmem:s17] =	stream.indirect.scatter.add.f32 [tilespmem:s1], [sflag:$0x6], $0x80, s11, s25, $0xb8;
	[tilespmem:$0x1FF00] =	vst v63  }
0x9a: {  	_ =	swait.ge [sflag:s26], $0x6000  }
0x9b: {  	[sflag:s26] =	ssyncset.done $0x0  }
0x9c: {  	[sflag:s26] =	ssyncadd.s32 $0xFFFFA000  }
0x9d: {  	_ =	swait.ge [sflag:s28], $0xC0  }
0x9e: {  	[sflag:s28] =	ssyncset.done $0x0  }
0x9f: {  	[sflag:s28] =	ssyncadd.s32 $0xFFFFFF40  }
0xa0: {  	_ =	swait.ge [sflag:s29], $0x6000  }
0xa1: {  	[sflag:s29] =	ssyncset.done $0x0  }
0xa2: {  	[sflag:s29] =	ssyncadd.s32 $0xFFFFA000  }
0xa3: {  	[spmem:s17] =	stream.indirect.scatter.add.f32 [tilespmem:s18], [sflag:$0x6], $0x80, s16, s25, $0xb8;
	[tilespmem:$0x1FF00] =	vst v63  }
0xa4: {  	_ =	swait.ge [sflag:s26], $0x6000  }
0xa5: {  	[sflag:s26] =	ssyncset.done $0x0  }
0xa6: {  	s5 =	rddreg [dreg:$0x16];
	[sflag:s26] =	ssyncadd.s32 $0xFFFFA000  }
0xa7: {  	[tilespmem:s30], [sflag:$0x5] =	stream.linear.gather [hbm4b:s5+s1], $0x8, $0x38;
	[tilespmem:$0x1FF00] =	vst v63  }
0xa8: {  	_ =	swait.ge [sflag:s7], $0x8  }
0xa9: {  	[sflag:s7] =	ssyncset.done $0x0  }
0xaa: {  	s6 =	rddreg [dreg:$0x6];
	[sflag:s7] =	ssyncadd.s32 $0xFFFFFFF8  }
0xab: {  	[tilespmem:s8], [sflag:$0x5] =	stream.linear.gather [hbm4b:s6+s1], $0x400, $0x38;
	[tilespmem:$0x1FF00] =	vst v63  }
0xac: {  	_ =	swait.ge [sflag:s7], $0x400  }
0xad: {  	[sflag:s7] =	ssyncset.done $0x0  }
0xae: {  	s22 =	simm.s32 $0x8;
	[sflag:s7] =	ssyncadd.s32 $0xFFFFFC00  }
0xaf: {  	[spmem:s17] =	stream.indirect.scatter.add.f32 [tilespmem:s8], [sflag:$0x6], $0x80, s30, s22, $0xb8;
	[tilespmem:$0x1FF00] =	vst v63  }
0xb0: {  	_ =	swait.ge [sflag:s26], $0x400  }
0xb1: {  	[sflag:s26] =	ssyncset.done $0x0  }
0xb2: {  	[sflag:s26] =	ssyncadd.s32 $0xFFFFFC00  }
0xb3: {  	s3 =	simm.s32 @p0 $0x8;
	s5 =	simm.s32 @p0 $0x200;
	[bflag:$0x0] =	sbarrier.arrive $0xFFFF  }
0xb4: {  	s6 =	simm.s32 @p0 $0x80;
	s22 =	simm.s32 @p0 $0x1FC6;
	s23 =	rddreg [dreg:$0x17]  }
0xb5: {  	[hbm:s23@s5], [sflag:s22] =	dma.strided @p0 [spmem:s4@s6], $0x2080, s3, $0x10   }
0xb6: {  	s3 =	simm.s32 @p0 $0x6  }
0xb7: {  	_ =	swait.ge @p0 [sflag:s3], $0x2080  }
0xb8: {  	[sflag:s3] =	ssyncset.done @p0 $0x0  }
0xb9: {  	[sflag:s3] =	ssyncadd.s32 @p0 $0xFFFFDF80  }
0xba: {  	[bflag:$0x0] =	sbarrier.arrive @p0 $0xFFFF  }
0xbb: {  	[spmem:s4], [sflag:s22] =	dma.local @p0 [hbm:s19], $0x2080  }
0xbc: {  	_ =	swait.ge @p0 [sflag:s3], $0x2080  }
0xbd: {  	s5 =	simm.s32 @!p0 $0x200;
	s6 =	simm.s32 @!p0 $0x80;
	[sflag:s3] =	ssyncset.done @p0 $0x0  }
0xbe: {  	s22 =	rddreg [dreg:$0x7];
	[sflag:s3] =	ssyncadd.s32 @p0 $0xFFFFDF80;
	s3 =	simm.s32 @!p0 $0x8  }
0xbf: {  	[hbm:s22@s5], [sflag:s20] =	dma.strided @!p0 [spmem:s9@s6], $0x2780, s3, $0x10   }
0xc0: {  	s3 =	simm.s32 @!p0 $0x6  }
0xc1: {  	_ =	swait.ge @!p0 [sflag:s3], $0x2780  }
0xc2: {  	[sflag:s3] =	ssyncset.done @!p0 $0x0  }
0xc3: {  	[sflag:s3] =	ssyncadd.s32 @!p0 $0xFFFFD880  }
0xc4: {  	[bflag:$0x0] =	sbarrier.arrive @!p0 $0xFFFF  }
0xc5: {  	[spmem:s9], [sflag:s20] =	dma.local @!p0 [hbm:s19], $0x2780  }
0xc6: {  	_ =	swait.ge @!p0 [sflag:s3], $0x2780  }
0xc7: {  	[sflag:s3] =	ssyncset.done @!p0 $0x0  }
0xc8: {  	[sflag:s3] =	ssyncadd.s32 @!p0 $0xFFFFD880  }
0xc9: {  	[bflag:$0x0] =	sbarrier.arrive $0xFFFF  }
0xca: {  	s23 =	simm.s32 $0x0;
	s31 =	rddreg [dreg:$0x15]  }
0xcb: {  	[tilespmem:s11], [sflag:$0x1] =	stream.linear.gather [hbm4b:s31+s23], $0xC0, $0x38;
	[tilespmem:$0x1FF00] =	vst v63  }
0xcc: {  	s6 =	rddreg [dreg:$0x8]  }
0xcd: {  	[tilespmem:s23], [sflag:$0x3] =	stream.strided.gather [hbm4b:s6+s12], $0x6000, s13, s12, $0x38;
	[tilespmem:$0x1FF00] =	vst v63  }
0xce: {  	s22 =	sadd.s32 $0x0, s0;
	s23 =	rddreg [dreg:$0x1f]  }
0xcf: {  	[tilespmem:s16], [sflag:$0x2] =	stream.linear.gather [hbm4b:s22+s1], $0xC0, $0x38;
	[tilespmem:$0x1FF00] =	vst v63  }
0xd0: {  	s31 =	sadd.s32 $0xFFFFD000, s23  }
0xd1: {  	[tilespmem:s18], [sflag:$0x4] =	stream.strided.gather [hbm4b:s31+s12], $0x6000, s13, s12, $0x38;
	[tilespmem:$0x1FF00] =	vst v63  }
0xd2: {  	_ =	swait.ge [sflag:s21], $0xC0  }
0xd3: {  	[sflag:s21] =	ssyncset.done $0x0  }
0xd4: {  	[sflag:s21] =	ssyncadd.s32 $0xFFFFFF40  }
0xd5: {  	_ =	swait.ge [sflag:s24], $0x6000  }
0xd6: {  	[sflag:s24] =	ssyncset.done $0x0  }
0xd7: {  	[sflag:s24] =	ssyncadd.s32 $0xFFFFA000  }
0xd8: {  	[spmem:s17] =	stream.indirect.scatter.add.f32 [tilespmem:s1], [sflag:$0x6], $0x80, s11, s25, $0xb8;
	[tilespmem:$0x1FF00] =	vst v63  }
0xd9: {  	_ =	swait.ge [sflag:s26], $0x6000  }
0xda: {  	[sflag:s26] =	ssyncset.done $0x0  }
0xdb: {  	[sflag:s26] =	ssyncadd.s32 $0xFFFFA000  }
0xdc: {  	[tilespmem:s11], [sflag:$0x1] =	stream.linear.gather [hbm4b:s2+s1], $0xC0, $0x38;
	[tilespmem:$0x1FF00] =	vst v63  }
0xdd: {  	_ = 	snop  }
0xde: {  	[tilespmem:s1], [sflag:$0x3] =	stream.strided.gather [hbm4b:s23+s12], $0x6000, s13, s12, $0x38;
	[tilespmem:$0x1FF00] =	vst v63  }
0xdf: {  	_ =	swait.ge [sflag:s28], $0xC0  }
0xe0: {  	[sflag:s28] =	ssyncset.done $0x0  }
0xe1: {  	[sflag:s28] =	ssyncadd.s32 $0xFFFFFF40  }
0xe2: {  	_ =	swait.ge [sflag:s29], $0x6000  }
0xe3: {  	[sflag:s29] =	ssyncset.done $0x0  }
0xe4: {  	[sflag:s29] =	ssyncadd.s32 $0xFFFFA000  }
0xe5: {  	[spmem:s17] =	stream.indirect.scatter.add.f32 [tilespmem:s18], [sflag:$0x6], $0x80, s16, s25, $0xb8;
	[tilespmem:$0x1FF00] =	vst v63  }
0xe6: {  	s5 =	sadd.s32 $0x180, s15;
	s6 =	simm.s32 $0x30;
	_ =	swait.ge [sflag:s26], $0x6000  }
0xe7: {  	s3 =	sadd.s32 $0x6000, s23;
	s22 =	simm.s32 $0x60;
	[sflag:s26] =	ssyncset.done $0x0  }
.LBB2_4:
0xe8: {  	s23 =	sadd.s32 s6, s0  }
0xe9: {  	[sflag:s26] =	ssyncadd.s32 $0xFFFFA000;
	s6 =	smov.u32 s22;
	s31 =	sadd.s32 $0x30, s22  }
0xea: {  	[tilespmem:s16], [sflag:$0x2] =	stream.linear.gather [hbm4b:s23+s1], $0xC0, $0x38;
	[tilespmem:$0x1FF00] =	vst v63  }
0xeb: {  	p1 =	sne.s32 s22, $0x210;
	s22 =	sadd.s32 $0xFFFFD000, s3  }
0xec: {  	[tilespmem:s18], [sflag:$0x4] =	stream.strided.gather [hbm4b:s22+s12], $0x6000, s13, s12, $0x38;
	[tilespmem:$0x1FF00] =	vst v63  }
0xed: {  	_ =	swait.ge [sflag:s21], $0xC0  }
0xee: {  	[sflag:s21] =	ssyncset.done $0x0  }
0xef: {  	[sflag:s21] =	ssyncadd.s32 $0xFFFFFF40  }
0xf0: {  	_ =	swait.ge [sflag:s24], $0x6000  }
0xf1: {  	[sflag:s24] =	ssyncset.done $0x0  }
0xf2: {  	[sflag:s24] =	ssyncadd.s32 $0xFFFFA000  }
0xf3: {  	[spmem:s17] =	stream.indirect.scatter.add.f32 [tilespmem:s1], [sflag:$0x6], $0x80, s11, s25, $0xb8;
	[tilespmem:$0x1FF00] =	vst v63  }
0xf4: {  	_ =	swait.ge [sflag:s26], $0x6000  }
0xf5: {  	s22 =	sshrl.u32 s5, $0x3;
	[sflag:s26] =	ssyncset.done $0x0  }
0xf6: {  	s22 =	sadd.s32 s14, s22;
	[sflag:s26] =	ssyncadd.s32 $0xFFFFA000  }
0xf7: {  	[tilespmem:s11], [sflag:$0x1] =	stream.linear.gather [hbm4b:s22+s1], $0xC0, $0x38;
	[tilespmem:$0x1FF00] =	vst v63  }
0xf8: {  	_ = 	snop  }
0xf9: {  	[tilespmem:s1], [sflag:$0x3] =	stream.strided.gather [hbm4b:s3+s12], $0x6000, s13, s12, $0x38;
	[tilespmem:$0x1FF00] =	vst v63  }
0xfa: {  	_ =	swait.ge [sflag:s28], $0xC0  }
0xfb: {  	[sflag:s28] =	ssyncset.done $0x0  }
0xfc: {  	[sflag:s28] =	ssyncadd.s32 $0xFFFFFF40  }
0xfd: {  	_ =	swait.ge [sflag:s29], $0x6000  }
.Ltmp1:
0xfe: {  	[sflag:s29] =	ssyncset.done $0x0;
	(pc) =	sbr.rel @p1 .LBB2_4-.Ltmp1, $4  }
0xff: {  	[sflag:s29] =	ssyncadd.s32 $0xFFFFA000  }
0x100: {  	[spmem:s17] =	stream.indirect.scatter.add.f32 [tilespmem:s18], [sflag:$0x6], $0x80, s16, s25, $0xb8;
	[tilespmem:$0x1FF00] =	vst v63  }
0x101: {  	s5 =	sadd.s32 $0x180, s5;
	_ =	swait.ge [sflag:s26], $0x6000  }
0x102: {  	s22 =	smov.u32 s31;
	s3 =	sadd.s32 $0x6000, s3;
	[sflag:s26] =	ssyncset.done $0x0  }
0x103: {  	s6 =	sadd.s32 s6, s0;
	[sflag:s26] =	ssyncadd.s32 $0xFFFFA000  }
0x104: {  	[tilespmem:s16], [sflag:$0x2] =	stream.linear.gather [hbm4b:s6+s1], $0xC0, $0x38;
	[tilespmem:$0x1FF00] =	vst v63  }
0x105: {  	s22 =	sadd.s32 $0xFFFFD000, s3  }
0x106: {  	[tilespmem:s18], [sflag:$0x4] =	stream.strided.gather [hbm4b:s22+s12], $0x6000, s13, s12, $0x38;
	[tilespmem:$0x1FF00] =	vst v63  }
0x107: {  	_ =	swait.ge [sflag:s21], $0xC0  }
0x108: {  	[sflag:s21] =	ssyncset.done $0x0  }
0x109: {  	[sflag:s21] =	ssyncadd.s32 $0xFFFFFF40  }
0x10a: {  	_ =	swait.ge [sflag:s24], $0x6000  }
0x10b: {  	[sflag:s24] =	ssyncset.done $0x0  }
0x10c: {  	[sflag:s24] =	ssyncadd.s32 $0xFFFFA000  }
0x10d: {  	[spmem:s17] =	stream.indirect.scatter.add.f32 [tilespmem:s1], [sflag:$0x6], $0x80, s11, s25, $0xb8;
	[tilespmem:$0x1FF00] =	vst v63  }
0x10e: {  	_ =	swait.ge [sflag:s26], $0x6000  }
0x10f: {  	s5 =	sshrl.u32 s5, $0x3;
	[sflag:s26] =	ssyncset.done $0x0  }
0x110: {  	s5 =	sadd.s32 s14, s5;
	[sflag:s26] =	ssyncadd.s32 $0xFFFFA000  }
0x111: {  	[tilespmem:s11], [sflag:$0x1] =	stream.linear.gather [hbm4b:s5+s1], $0xC0, $0x38;
	[tilespmem:$0x1FF00] =	vst v63  }
0x112: {  	_ = 	snop  }
0x113: {  	[tilespmem:s1], [sflag:$0x3] =	stream.strided.gather [hbm4b:s3+s12], $0x6000, s13, s12, $0x38;
	[tilespmem:$0x1FF00] =	vst v63  }
0x114: {  	_ =	swait.ge [sflag:s28], $0xC0  }
0x115: {  	[sflag:s28] =	ssyncset.done $0x0  }
0x116: {  	[sflag:s28] =	ssyncadd.s32 $0xFFFFFF40  }
0x117: {  	_ =	swait.ge [sflag:s29], $0x6000  }
0x118: {  	[sflag:s29] =	ssyncset.done $0x0  }
0x119: {  	[sflag:s29] =	ssyncadd.s32 $0xFFFFA000  }
0x11a: {  	[spmem:s17] =	stream.indirect.scatter.add.f32 [tilespmem:s18], [sflag:$0x6], $0x80, s16, s25, $0xb8;
	[tilespmem:$0x1FF00] =	vst v63  }
0x11b: {  	_ =	swait.ge [sflag:s26], $0x6000  }
0x11c: {  	[sflag:s26] =	ssyncset.done $0x0  }
0x11d: {  	s23 =	rddreg [dreg:$0x1d];
	[sflag:s26] =	ssyncadd.s32 $0xFFFFA000  }
0x11e: {  	[tilespmem:s16], [sflag:$0x2] =	stream.linear.gather [hbm4b:s23+s1], $0xC0, $0x38;
	[tilespmem:$0x1FF00] =	vst v63  }
0x11f: {  	s31 =	rddreg [dreg:$0xf]  }
0x120: {  	[tilespmem:s18], [sflag:$0x4] =	stream.strided.gather [hbm4b:s31+s12], $0x6000, s13, s12, $0x38;
	[tilespmem:$0x1FF00] =	vst v63  }
0x121: {  	_ =	swait.ge [sflag:s21], $0xC0  }
0x122: {  	[sflag:s21] =	ssyncset.done $0x0  }
0x123: {  	[sflag:s21] =	ssyncadd.s32 $0xFFFFFF40  }
0x124: {  	_ =	swait.ge [sflag:s24], $0x6000  }
0x125: {  	[sflag:s24] =	ssyncset.done $0x0  }
0x126: {  	[sflag:s24] =	ssyncadd.s32 $0xFFFFA000  }
0x127: {  	[spmem:s17] =	stream.indirect.scatter.add.f32 [tilespmem:s1], [sflag:$0x6], $0x80, s11, s25, $0xb8;
	[tilespmem:$0x1FF00] =	vst v63  }
0x128: {  	_ =	swait.ge [sflag:s26], $0x6000  }
0x129: {  	[sflag:s26] =	ssyncset.done $0x0  }
0x12a: {  	[sflag:s26] =	ssyncadd.s32 $0xFFFFA000  }
0x12b: {  	_ =	swait.ge [sflag:s28], $0xC0  }
0x12c: {  	[sflag:s28] =	ssyncset.done $0x0  }
0x12d: {  	[sflag:s28] =	ssyncadd.s32 $0xFFFFFF40  }
0x12e: {  	_ =	swait.ge [sflag:s29], $0x6000  }
0x12f: {  	[sflag:s29] =	ssyncset.done $0x0  }
0x130: {  	[sflag:s29] =	ssyncadd.s32 $0xFFFFA000  }
0x131: {  	[spmem:s17] =	stream.indirect.scatter.add.f32 [tilespmem:s18], [sflag:$0x6], $0x80, s16, s25, $0xb8;
	[tilespmem:$0x1FF00] =	vst v63  }
0x132: {  	_ =	swait.ge [sflag:s26], $0x6000  }
0x133: {  	[sflag:s26] =	ssyncset.done $0x0  }
0x134: {  	s5 =	rddreg [dreg:$0x16];
	[sflag:s26] =	ssyncadd.s32 $0xFFFFA000  }
0x135: {  	[tilespmem:s30], [sflag:$0x5] =	stream.linear.gather [hbm4b:s5+s1], $0x8, $0x38;
	[tilespmem:$0x1FF00] =	vst v63  }
0x136: {  	_ =	swait.ge [sflag:s7], $0x8  }
0x137: {  	[sflag:s7] =	ssyncset.done $0x0  }
0x138: {  	s6 =	rddreg [dreg:$0x9];
	[sflag:s7] =	ssyncadd.s32 $0xFFFFFFF8  }
0x139: {  	[tilespmem:s8], [sflag:$0x5] =	stream.linear.gather [hbm4b:s6+s1], $0x400, $0x38;
	[tilespmem:$0x1FF00] =	vst v63  }
0x13a: {  	_ =	swait.ge [sflag:s7], $0x400  }
0x13b: {  	[sflag:s7] =	ssyncset.done $0x0  }
0x13c: {  	s22 =	simm.s32 $0x8;
	[sflag:s7] =	ssyncadd.s32 $0xFFFFFC00  }
0x13d: {  	[spmem:s17] =	stream.indirect.scatter.add.f32 [tilespmem:s8], [sflag:$0x6], $0x80, s30, s22, $0xb8;
	[tilespmem:$0x1FF00] =	vst v63  }
0x13e: {  	_ =	swait.ge [sflag:s26], $0x400  }
0x13f: {  	[sflag:s26] =	ssyncset.done $0x0  }
0x140: {  	[sflag:s26] =	ssyncadd.s32 $0xFFFFFC00  }
0x141: {  	s3 =	simm.s32 @p0 $0x8;
	s5 =	simm.s32 @p0 $0x200;
	[bflag:$0x0] =	sbarrier.arrive $0xFFFF  }
0x142: {  	s6 =	simm.s32 @p0 $0x80;
	s22 =	simm.s32 @p0 $0x1FC6;
	s23 =	rddreg [dreg:$0x18]  }
0x143: {  	[hbm:s23@s5], [sflag:s22] =	dma.strided @p0 [spmem:s4@s6], $0x2080, s3, $0x10   }
0x144: {  	s3 =	simm.s32 @p0 $0x6  }
0x145: {  	_ =	swait.ge @p0 [sflag:s3], $0x2080  }
0x146: {  	[sflag:s3] =	ssyncset.done @p0 $0x0  }
0x147: {  	[sflag:s3] =	ssyncadd.s32 @p0 $0xFFFFDF80  }
0x148: {  	[bflag:$0x0] =	sbarrier.arrive @p0 $0xFFFF  }
0x149: {  	[spmem:s4], [sflag:s22] =	dma.local @p0 [hbm:s19], $0x2080  }
0x14a: {  	_ =	swait.ge @p0 [sflag:s3], $0x2080  }
0x14b: {  	s22 =	sld [smem:$0x7FB]  }
0x14c: {  	s5 =	simm.s32 @!p0 $0x200;
	[sflag:s3] =	ssyncset.done @p0 $0x0  }
0x14d: {  	s6 =	simm.s32 @!p0 $0x80;
	[sflag:s3] =	ssyncadd.s32 @p0 $0xFFFFDF80;
	s3 =	simm.s32 @!p0 $0x8  }
0x14e: {  	[hbm:s22@s5], [sflag:s20] =	dma.strided @!p0 [spmem:s9@s6], $0x2780, s3, $0x10   }
0x14f: {  	s3 =	simm.s32 @!p0 $0x6  }
0x150: {  	_ =	swait.ge @!p0 [sflag:s3], $0x2780  }
0x151: {  	[sflag:s3] =	ssyncset.done @!p0 $0x0  }
0x152: {  	[sflag:s3] =	ssyncadd.s32 @!p0 $0xFFFFD880  }
0x153: {  	[bflag:$0x0] =	sbarrier.arrive @!p0 $0xFFFF  }
0x154: {  	[spmem:s9], [sflag:s20] =	dma.local @!p0 [hbm:s19], $0x2780  }
0x155: {  	_ =	swait.ge @!p0 [sflag:s3], $0x2780  }
0x156: {  	[sflag:s3] =	ssyncset.done @!p0 $0x0  }
0x157: {  	[sflag:s3] =	ssyncadd.s32 @!p0 $0xFFFFD880  }
0x158: {  	[bflag:$0x0] =	sbarrier.arrive $0xFFFF  }
0x159: {  	s23 =	simm.s32 $0x0;
	s31 =	rddreg [dreg:$0x15]  }
0x15a: {  	[tilespmem:s11], [sflag:$0x1] =	stream.linear.gather [hbm4b:s31+s23], $0xC0, $0x38;
	[tilespmem:$0x1FF00] =	vst v63  }
0x15b: {  	s6 =	rddreg [dreg:$0xa]  }
0x15c: {  	[tilespmem:s23], [sflag:$0x3] =	stream.strided.gather [hbm4b:s6+s12], $0x6000, s13, s12, $0x38;
	[tilespmem:$0x1FF00] =	vst v63  }
0x15d: {  	s23 =	sld [smem:$0x7F8]  }
0x15e: {  	s22 =	sadd.s32 $0x0, s0  }
0x15f: {  	[tilespmem:s16], [sflag:$0x2] =	stream.linear.gather [hbm4b:s22+s1], $0xC0, $0x38;
	[tilespmem:$0x1FF00] =	vst v63  }
0x160: {  	s31 =	sadd.s32 $0xFFFFD000, s23  }
0x161: {  	[tilespmem:s18], [sflag:$0x4] =	stream.strided.gather [hbm4b:s31+s12], $0x6000, s13, s12, $0x38;
	[tilespmem:$0x1FF00] =	vst v63  }
0x162: {  	_ =	swait.ge [sflag:s21], $0xC0  }
0x163: {  	[sflag:s21] =	ssyncset.done $0x0  }
0x164: {  	[sflag:s21] =	ssyncadd.s32 $0xFFFFFF40  }
0x165: {  	_ =	swait.ge [sflag:s24], $0x6000  }
0x166: {  	[sflag:s24] =	ssyncset.done $0x0  }
0x167: {  	[sflag:s24] =	ssyncadd.s32 $0xFFFFA000  }
0x168: {  	[spmem:s17] =	stream.indirect.scatter.add.f32 [tilespmem:s1], [sflag:$0x6], $0x80, s11, s25, $0xb8;
	[tilespmem:$0x1FF00] =	vst v63  }
0x169: {  	_ =	swait.ge [sflag:s26], $0x6000  }
0x16a: {  	[sflag:s26] =	ssyncset.done $0x0  }
0x16b: {  	[sflag:s26] =	ssyncadd.s32 $0xFFFFA000  }
0x16c: {  	[tilespmem:s11], [sflag:$0x1] =	stream.linear.gather [hbm4b:s2+s1], $0xC0, $0x38;
	[tilespmem:$0x1FF00] =	vst v63  }
0x16d: {  	_ = 	snop  }
0x16e: {  	[tilespmem:s1], [sflag:$0x3] =	stream.strided.gather [hbm4b:s23+s12], $0x6000, s13, s12, $0x38;
	[tilespmem:$0x1FF00] =	vst v63  }
0x16f: {  	_ =	swait.ge [sflag:s28], $0xC0  }
0x170: {  	[sflag:s28] =	ssyncset.done $0x0  }
0x171: {  	[sflag:s28] =	ssyncadd.s32 $0xFFFFFF40  }
0x172: {  	_ =	swait.ge [sflag:s29], $0x6000  }
0x173: {  	[sflag:s29] =	ssyncset.done $0x0  }
0x174: {  	[sflag:s29] =	ssyncadd.s32 $0xFFFFA000  }
0x175: {  	[spmem:s17] =	stream.indirect.scatter.add.f32 [tilespmem:s18], [sflag:$0x6], $0x80, s16, s25, $0xb8;
	[tilespmem:$0x1FF00] =	vst v63  }
0x176: {  	s5 =	sadd.s32 $0x180, s15;
	s6 =	simm.s32 $0x30;
	_ =	swait.ge [sflag:s26], $0x6000  }
0x177: {  	s22 =	simm.s32 $0x60;
	s3 =	sadd.s32 $0x6000, s23;
	[sflag:s26] =	ssyncset.done $0x0  }
.LBB2_6:
0x178: {  	s23 =	sadd.s32 s6, s0  }
0x179: {  	[sflag:s26] =	ssyncadd.s32 $0xFFFFA000;
	s6 =	smov.u32 s22;
	s31 =	sadd.s32 $0x30, s22  }
0x17a: {  	[tilespmem:s16], [sflag:$0x2] =	stream.linear.gather [hbm4b:s23+s1], $0xC0, $0x38;
	[tilespmem:$0x1FF00] =	vst v63  }
0x17b: {  	p1 =	sne.s32 s22, $0x210;
	s22 =	sadd.s32 $0xFFFFD000, s3  }
0x17c: {  	[tilespmem:s18], [sflag:$0x4] =	stream.strided.gather [hbm4b:s22+s12], $0x6000, s13, s12, $0x38;
	[tilespmem:$0x1FF00] =	vst v63  }
0x17d: {  	_ =	swait.ge [sflag:s21], $0xC0  }
0x17e: {  	[sflag:s21] =	ssyncset.done $0x0  }
0x17f: {  	[sflag:s21] =	ssyncadd.s32 $0xFFFFFF40  }
0x180: {  	_ =	swait.ge [sflag:s24], $0x6000  }
0x181: {  	[sflag:s24] =	ssyncset.done $0x0  }
0x182: {  	[sflag:s24] =	ssyncadd.s32 $0xFFFFA000  }
0x183: {  	[spmem:s17] =	stream.indirect.scatter.add.f32 [tilespmem:s1], [sflag:$0x6], $0x80, s11, s25, $0xb8;
	[tilespmem:$0x1FF00] =	vst v63  }
0x184: {  	_ =	swait.ge [sflag:s26], $0x6000  }
0x185: {  	s22 =	sshrl.u32 s5, $0x3;
	[sflag:s26] =	ssyncset.done $0x0  }
0x186: {  	s22 =	sadd.s32 s14, s22;
	[sflag:s26] =	ssyncadd.s32 $0xFFFFA000  }
0x187: {  	[tilespmem:s11], [sflag:$0x1] =	stream.linear.gather [hbm4b:s22+s1], $0xC0, $0x38;
	[tilespmem:$0x1FF00] =	vst v63  }
0x188: {  	_ = 	snop  }
0x189: {  	[tilespmem:s1], [sflag:$0x3] =	stream.strided.gather [hbm4b:s3+s12], $0x6000, s13, s12, $0x38;
	[tilespmem:$0x1FF00] =	vst v63  }
0x18a: {  	_ =	swait.ge [sflag:s28], $0xC0  }
0x18b: {  	[sflag:s28] =	ssyncset.done $0x0  }
0x18c: {  	[sflag:s28] =	ssyncadd.s32 $0xFFFFFF40  }
0x18d: {  	_ =	swait.ge [sflag:s29], $0x6000  }
.Ltmp2:
0x18e: {  	[sflag:s29] =	ssyncset.done $0x0;
	(pc) =	sbr.rel @p1 .LBB2_6-.Ltmp2, $4  }
0x18f: {  	[sflag:s29] =	ssyncadd.s32 $0xFFFFA000  }
0x190: {  	[spmem:s17] =	stream.indirect.scatter.add.f32 [tilespmem:s18], [sflag:$0x6], $0x80, s16, s25, $0xb8;
	[tilespmem:$0x1FF00] =	vst v63  }
0x191: {  	s5 =	sadd.s32 $0x180, s5;
	_ =	swait.ge [sflag:s26], $0x6000  }
0x192: {  	s22 =	smov.u32 s31;
	s3 =	sadd.s32 $0x6000, s3;
	[sflag:s26] =	ssyncset.done $0x0  }
0x193: {  	s6 =	sadd.s32 s6, s0;
	[sflag:s26] =	ssyncadd.s32 $0xFFFFA000  }
0x194: {  	[tilespmem:s16], [sflag:$0x2] =	stream.linear.gather [hbm4b:s6+s1], $0xC0, $0x38;
	[tilespmem:$0x1FF00] =	vst v63  }
0x195: {  	s22 =	sadd.s32 $0xFFFFD000, s3  }
0x196: {  	[tilespmem:s18], [sflag:$0x4] =	stream.strided.gather [hbm4b:s22+s12], $0x6000, s13, s12, $0x38;
	[tilespmem:$0x1FF00] =	vst v63  }
0x197: {  	_ =	swait.ge [sflag:s21], $0xC0  }
0x198: {  	[sflag:s21] =	ssyncset.done $0x0  }
0x199: {  	[sflag:s21] =	ssyncadd.s32 $0xFFFFFF40  }
0x19a: {  	_ =	swait.ge [sflag:s24], $0x6000  }
0x19b: {  	[sflag:s24] =	ssyncset.done $0x0  }
0x19c: {  	[sflag:s24] =	ssyncadd.s32 $0xFFFFA000  }
0x19d: {  	[spmem:s17] =	stream.indirect.scatter.add.f32 [tilespmem:s1], [sflag:$0x6], $0x80, s11, s25, $0xb8;
	[tilespmem:$0x1FF00] =	vst v63  }
0x19e: {  	_ =	swait.ge [sflag:s26], $0x6000  }
0x19f: {  	s5 =	sshrl.u32 s5, $0x3;
	[sflag:s26] =	ssyncset.done $0x0  }
0x1a0: {  	s5 =	sadd.s32 s14, s5;
	[sflag:s26] =	ssyncadd.s32 $0xFFFFA000  }
0x1a1: {  	[tilespmem:s11], [sflag:$0x1] =	stream.linear.gather [hbm4b:s5+s1], $0xC0, $0x38;
	[tilespmem:$0x1FF00] =	vst v63  }
0x1a2: {  	_ = 	snop  }
0x1a3: {  	[tilespmem:s1], [sflag:$0x3] =	stream.strided.gather [hbm4b:s3+s12], $0x6000, s13, s12, $0x38;
	[tilespmem:$0x1FF00] =	vst v63  }
0x1a4: {  	_ =	swait.ge [sflag:s28], $0xC0  }
0x1a5: {  	[sflag:s28] =	ssyncset.done $0x0  }
0x1a6: {  	[sflag:s28] =	ssyncadd.s32 $0xFFFFFF40  }
0x1a7: {  	_ =	swait.ge [sflag:s29], $0x6000  }
0x1a8: {  	[sflag:s29] =	ssyncset.done $0x0  }
0x1a9: {  	[sflag:s29] =	ssyncadd.s32 $0xFFFFA000  }
0x1aa: {  	[spmem:s17] =	stream.indirect.scatter.add.f32 [tilespmem:s18], [sflag:$0x6], $0x80, s16, s25, $0xb8;
	[tilespmem:$0x1FF00] =	vst v63  }
0x1ab: {  	_ =	swait.ge [sflag:s26], $0x6000  }
0x1ac: {  	[sflag:s26] =	ssyncset.done $0x0  }
0x1ad: {  	s23 =	rddreg [dreg:$0x1d];
	[sflag:s26] =	ssyncadd.s32 $0xFFFFA000  }
0x1ae: {  	[tilespmem:s16], [sflag:$0x2] =	stream.linear.gather [hbm4b:s23+s1], $0xC0, $0x38;
	[tilespmem:$0x1FF00] =	vst v63  }
0x1af: {  	s31 =	rddreg [dreg:$0x10]  }
0x1b0: {  	[tilespmem:s18], [sflag:$0x4] =	stream.strided.gather [hbm4b:s31+s12], $0x6000, s13, s12, $0x38;
	[tilespmem:$0x1FF00] =	vst v63  }
0x1b1: {  	_ =	swait.ge [sflag:s21], $0xC0  }
0x1b2: {  	[sflag:s21] =	ssyncset.done $0x0  }
0x1b3: {  	[sflag:s21] =	ssyncadd.s32 $0xFFFFFF40  }
0x1b4: {  	_ =	swait.ge [sflag:s24], $0x6000  }
0x1b5: {  	[sflag:s24] =	ssyncset.done $0x0  }
0x1b6: {  	[sflag:s24] =	ssyncadd.s32 $0xFFFFA000  }
0x1b7: {  	[spmem:s17] =	stream.indirect.scatter.add.f32 [tilespmem:s1], [sflag:$0x6], $0x80, s11, s25, $0xb8;
	[tilespmem:$0x1FF00] =	vst v63  }
0x1b8: {  	_ =	swait.ge [sflag:s26], $0x6000  }
0x1b9: {  	[sflag:s26] =	ssyncset.done $0x0  }
0x1ba: {  	[sflag:s26] =	ssyncadd.s32 $0xFFFFA000  }
0x1bb: {  	_ =	swait.ge [sflag:s28], $0xC0  }
0x1bc: {  	[sflag:s28] =	ssyncset.done $0x0  }
0x1bd: {  	[sflag:s28] =	ssyncadd.s32 $0xFFFFFF40  }
0x1be: {  	_ =	swait.ge [sflag:s29], $0x6000  }
0x1bf: {  	[sflag:s29] =	ssyncset.done $0x0  }
0x1c0: {  	[sflag:s29] =	ssyncadd.s32 $0xFFFFA000  }
0x1c1: {  	[spmem:s17] =	stream.indirect.scatter.add.f32 [tilespmem:s18], [sflag:$0x6], $0x80, s16, s25, $0xb8;
	[tilespmem:$0x1FF00] =	vst v63  }
0x1c2: {  	_ =	swait.ge [sflag:s26], $0x6000  }
0x1c3: {  	[sflag:s26] =	ssyncset.done $0x0  }
0x1c4: {  	s5 =	rddreg [dreg:$0x16];
	[sflag:s26] =	ssyncadd.s32 $0xFFFFA000  }
0x1c5: {  	[tilespmem:s30], [sflag:$0x5] =	stream.linear.gather [hbm4b:s5+s1], $0x8, $0x38;
	[tilespmem:$0x1FF00] =	vst v63  }
0x1c6: {  	_ =	swait.ge [sflag:s7], $0x8  }
0x1c7: {  	[sflag:s7] =	ssyncset.done $0x0  }
0x1c8: {  	s6 =	rddreg [dreg:$0xb];
	[sflag:s7] =	ssyncadd.s32 $0xFFFFFFF8  }
0x1c9: {  	[tilespmem:s8], [sflag:$0x5] =	stream.linear.gather [hbm4b:s6+s1], $0x400, $0x38;
	[tilespmem:$0x1FF00] =	vst v63  }
0x1ca: {  	_ =	swait.ge [sflag:s7], $0x400  }
0x1cb: {  	[sflag:s7] =	ssyncset.done $0x0  }
0x1cc: {  	s22 =	simm.s32 $0x8;
	[sflag:s7] =	ssyncadd.s32 $0xFFFFFC00  }
0x1cd: {  	[spmem:s17] =	stream.indirect.scatter.add.f32 [tilespmem:s8], [sflag:$0x6], $0x80, s30, s22, $0xb8;
	[tilespmem:$0x1FF00] =	vst v63  }
0x1ce: {  	_ =	swait.ge [sflag:s26], $0x400  }
0x1cf: {  	[sflag:s26] =	ssyncset.done $0x0  }
0x1d0: {  	[sflag:s26] =	ssyncadd.s32 $0xFFFFFC00  }
0x1d1: {  	s3 =	simm.s32 @p0 $0x8;
	s5 =	simm.s32 @p0 $0x200;
	[bflag:$0x0] =	sbarrier.arrive $0xFFFF  }
0x1d2: {  	s6 =	simm.s32 @p0 $0x80;
	s22 =	simm.s32 @p0 $0x1FC6;
	s23 =	rddreg [dreg:$0x19]  }
0x1d3: {  	[hbm:s23@s5], [sflag:s22] =	dma.strided @p0 [spmem:s4@s6], $0x2080, s3, $0x10   }
0x1d4: {  	s3 =	simm.s32 @p0 $0x6  }
0x1d5: {  	_ =	swait.ge @p0 [sflag:s3], $0x2080  }
0x1d6: {  	[sflag:s3] =	ssyncset.done @p0 $0x0  }
0x1d7: {  	[sflag:s3] =	ssyncadd.s32 @p0 $0xFFFFDF80  }
0x1d8: {  	[bflag:$0x0] =	sbarrier.arrive @p0 $0xFFFF  }
0x1d9: {  	[spmem:s4], [sflag:s22] =	dma.local @p0 [hbm:s19], $0x2080  }
0x1da: {  	_ =	swait.ge @p0 [sflag:s3], $0x2080  }
0x1db: {  	s22 =	sld [smem:$0x7FC]  }
0x1dc: {  	s5 =	simm.s32 @!p0 $0x200;
	[sflag:s3] =	ssyncset.done @p0 $0x0  }
0x1dd: {  	s6 =	simm.s32 @!p0 $0x80;
	[sflag:s3] =	ssyncadd.s32 @p0 $0xFFFFDF80;
	s3 =	simm.s32 @!p0 $0x8  }
0x1de: {  	[hbm:s22@s5], [sflag:s20] =	dma.strided @!p0 [spmem:s9@s6], $0x2780, s3, $0x10   }
0x1df: {  	s3 =	simm.s32 @!p0 $0x6  }
0x1e0: {  	_ =	swait.ge @!p0 [sflag:s3], $0x2780  }
0x1e1: {  	[sflag:s3] =	ssyncset.done @!p0 $0x0  }
0x1e2: {  	[sflag:s3] =	ssyncadd.s32 @!p0 $0xFFFFD880  }
0x1e3: {  	[bflag:$0x0] =	sbarrier.arrive @!p0 $0xFFFF  }
0x1e4: {  	[spmem:s9], [sflag:s20] =	dma.local @!p0 [hbm:s19], $0x2780  }
0x1e5: {  	_ =	swait.ge @!p0 [sflag:s3], $0x2780  }
0x1e6: {  	[sflag:s3] =	ssyncset.done @!p0 $0x0  }
0x1e7: {  	[sflag:s3] =	ssyncadd.s32 @!p0 $0xFFFFD880  }
0x1e8: {  	[bflag:$0x0] =	sbarrier.arrive $0xFFFF  }
0x1e9: {  	s23 =	simm.s32 $0x0;
	s31 =	rddreg [dreg:$0x15]  }
0x1ea: {  	[tilespmem:s11], [sflag:$0x1] =	stream.linear.gather [hbm4b:s31+s23], $0xC0, $0x38;
	[tilespmem:$0x1FF00] =	vst v63  }
0x1eb: {  	s6 =	rddreg [dreg:$0xc]  }
0x1ec: {  	[tilespmem:s23], [sflag:$0x3] =	stream.strided.gather [hbm4b:s6+s12], $0x6000, s13, s12, $0x38;
	[tilespmem:$0x1FF00] =	vst v63  }
0x1ed: {  	s23 =	sld [smem:$0x7F9]  }
0x1ee: {  	s22 =	sadd.s32 $0x0, s0  }
0x1ef: {  	[tilespmem:s16], [sflag:$0x2] =	stream.linear.gather [hbm4b:s22+s1], $0xC0, $0x38;
	[tilespmem:$0x1FF00] =	vst v63  }
0x1f0: {  	s31 =	sadd.s32 $0xFFFFD000, s23  }
0x1f1: {  	[tilespmem:s18], [sflag:$0x4] =	stream.strided.gather [hbm4b:s31+s12], $0x6000, s13, s12, $0x38;
	[tilespmem:$0x1FF00] =	vst v63  }
0x1f2: {  	_ =	swait.ge [sflag:s21], $0xC0  }
0x1f3: {  	[sflag:s21] =	ssyncset.done $0x0  }
0x1f4: {  	[sflag:s21] =	ssyncadd.s32 $0xFFFFFF40  }
0x1f5: {  	_ =	swait.ge [sflag:s24], $0x6000  }
0x1f6: {  	[sflag:s24] =	ssyncset.done $0x0  }
0x1f7: {  	[sflag:s24] =	ssyncadd.s32 $0xFFFFA000  }
0x1f8: {  	[spmem:s17] =	stream.indirect.scatter.add.f32 [tilespmem:s1], [sflag:$0x6], $0x80, s11, s25, $0xb8;
	[tilespmem:$0x1FF00] =	vst v63  }
0x1f9: {  	_ =	swait.ge [sflag:s26], $0x6000  }
0x1fa: {  	[sflag:s26] =	ssyncset.done $0x0  }
0x1fb: {  	[sflag:s26] =	ssyncadd.s32 $0xFFFFA000  }
0x1fc: {  	[tilespmem:s11], [sflag:$0x1] =	stream.linear.gather [hbm4b:s2+s1], $0xC0, $0x38;
	[tilespmem:$0x1FF00] =	vst v63  }
0x1fd: {  	_ = 	snop  }
0x1fe: {  	[tilespmem:s1], [sflag:$0x3] =	stream.strided.gather [hbm4b:s23+s12], $0x6000, s13, s12, $0x38;
	[tilespmem:$0x1FF00] =	vst v63  }
0x1ff: {  	_ =	swait.ge [sflag:s28], $0xC0  }
0x200: {  	[sflag:s28] =	ssyncset.done $0x0  }
0x201: {  	[sflag:s28] =	ssyncadd.s32 $0xFFFFFF40  }
0x202: {  	_ =	swait.ge [sflag:s29], $0x6000  }
0x203: {  	[sflag:s29] =	ssyncset.done $0x0  }
0x204: {  	[sflag:s29] =	ssyncadd.s32 $0xFFFFA000  }
0x205: {  	[spmem:s17] =	stream.indirect.scatter.add.f32 [tilespmem:s18], [sflag:$0x6], $0x80, s16, s25, $0xb8;
	[tilespmem:$0x1FF00] =	vst v63  }
0x206: {  	s5 =	sadd.s32 $0x180, s15;
	s6 =	simm.s32 $0x30;
	_ =	swait.ge [sflag:s26], $0x6000  }
0x207: {  	s22 =	simm.s32 $0x60;
	s3 =	sadd.s32 $0x6000, s23;
	[sflag:s26] =	ssyncset.done $0x0  }
.LBB2_8:
0x208: {  	s23 =	sadd.s32 s6, s0  }
0x209: {  	[sflag:s26] =	ssyncadd.s32 $0xFFFFA000;
	s6 =	smov.u32 s22;
	s31 =	sadd.s32 $0x30, s22  }
0x20a: {  	[tilespmem:s16], [sflag:$0x2] =	stream.linear.gather [hbm4b:s23+s1], $0xC0, $0x38;
	[tilespmem:$0x1FF00] =	vst v63  }
0x20b: {  	p1 =	sne.s32 s22, $0x210;
	s22 =	sadd.s32 $0xFFFFD000, s3  }
0x20c: {  	[tilespmem:s18], [sflag:$0x4] =	stream.strided.gather [hbm4b:s22+s12], $0x6000, s13, s12, $0x38;
	[tilespmem:$0x1FF00] =	vst v63  }
0x20d: {  	_ =	swait.ge [sflag:s21], $0xC0  }
0x20e: {  	[sflag:s21] =	ssyncset.done $0x0  }
0x20f: {  	[sflag:s21] =	ssyncadd.s32 $0xFFFFFF40  }
0x210: {  	_ =	swait.ge [sflag:s24], $0x6000  }
0x211: {  	[sflag:s24] =	ssyncset.done $0x0  }
0x212: {  	[sflag:s24] =	ssyncadd.s32 $0xFFFFA000  }
0x213: {  	[spmem:s17] =	stream.indirect.scatter.add.f32 [tilespmem:s1], [sflag:$0x6], $0x80, s11, s25, $0xb8;
	[tilespmem:$0x1FF00] =	vst v63  }
0x214: {  	_ =	swait.ge [sflag:s26], $0x6000  }
0x215: {  	s22 =	sshrl.u32 s5, $0x3;
	[sflag:s26] =	ssyncset.done $0x0  }
0x216: {  	s22 =	sadd.s32 s14, s22;
	[sflag:s26] =	ssyncadd.s32 $0xFFFFA000  }
0x217: {  	[tilespmem:s11], [sflag:$0x1] =	stream.linear.gather [hbm4b:s22+s1], $0xC0, $0x38;
	[tilespmem:$0x1FF00] =	vst v63  }
0x218: {  	_ = 	snop  }
0x219: {  	[tilespmem:s1], [sflag:$0x3] =	stream.strided.gather [hbm4b:s3+s12], $0x6000, s13, s12, $0x38;
	[tilespmem:$0x1FF00] =	vst v63  }
0x21a: {  	_ =	swait.ge [sflag:s28], $0xC0  }
0x21b: {  	[sflag:s28] =	ssyncset.done $0x0  }
0x21c: {  	[sflag:s28] =	ssyncadd.s32 $0xFFFFFF40  }
0x21d: {  	_ =	swait.ge [sflag:s29], $0x6000  }
.Ltmp3:
0x21e: {  	[sflag:s29] =	ssyncset.done $0x0;
	(pc) =	sbr.rel @p1 .LBB2_8-.Ltmp3, $4  }
0x21f: {  	[sflag:s29] =	ssyncadd.s32 $0xFFFFA000  }
0x220: {  	[spmem:s17] =	stream.indirect.scatter.add.f32 [tilespmem:s18], [sflag:$0x6], $0x80, s16, s25, $0xb8;
	[tilespmem:$0x1FF00] =	vst v63  }
0x221: {  	s5 =	sadd.s32 $0x180, s5;
	_ =	swait.ge [sflag:s26], $0x6000  }
0x222: {  	s22 =	smov.u32 s31;
	s3 =	sadd.s32 $0x6000, s3;
	[sflag:s26] =	ssyncset.done $0x0  }
0x223: {  	s6 =	sadd.s32 s6, s0;
	[sflag:s26] =	ssyncadd.s32 $0xFFFFA000  }
0x224: {  	[tilespmem:s16], [sflag:$0x2] =	stream.linear.gather [hbm4b:s6+s1], $0xC0, $0x38;
	[tilespmem:$0x1FF00] =	vst v63  }
0x225: {  	s31 =	sadd.s32 $0xFFFFD000, s3  }
0x226: {  	[tilespmem:s18], [sflag:$0x4] =	stream.strided.gather [hbm4b:s31+s12], $0x6000, s13, s12, $0x38;
	[tilespmem:$0x1FF00] =	vst v63  }
0x227: {  	_ =	swait.ge [sflag:s21], $0xC0  }
0x228: {  	[sflag:s21] =	ssyncset.done $0x0  }
0x229: {  	[sflag:s21] =	ssyncadd.s32 $0xFFFFFF40  }
0x22a: {  	_ =	swait.ge [sflag:s24], $0x6000  }
0x22b: {  	[sflag:s24] =	ssyncset.done $0x0  }
0x22c: {  	[sflag:s24] =	ssyncadd.s32 $0xFFFFA000  }
0x22d: {  	[spmem:s17] =	stream.indirect.scatter.add.f32 [tilespmem:s1], [sflag:$0x6], $0x80, s11, s25, $0xb8;
	[tilespmem:$0x1FF00] =	vst v63  }
0x22e: {  	_ =	swait.ge [sflag:s26], $0x6000  }
0x22f: {  	s5 =	sshrl.u32 s5, $0x3;
	[sflag:s26] =	ssyncset.done $0x0  }
0x230: {  	s5 =	sadd.s32 s14, s5;
	[sflag:s26] =	ssyncadd.s32 $0xFFFFA000  }
0x231: {  	[tilespmem:s11], [sflag:$0x1] =	stream.linear.gather [hbm4b:s5+s1], $0xC0, $0x38;
	[tilespmem:$0x1FF00] =	vst v63  }
0x232: {  	_ = 	snop  }
0x233: {  	[tilespmem:s1], [sflag:$0x3] =	stream.strided.gather [hbm4b:s3+s12], $0x6000, s13, s12, $0x38;
	[tilespmem:$0x1FF00] =	vst v63  }
0x234: {  	_ =	swait.ge [sflag:s28], $0xC0  }
0x235: {  	[sflag:s28] =	ssyncset.done $0x0  }
0x236: {  	[sflag:s28] =	ssyncadd.s32 $0xFFFFFF40  }
0x237: {  	_ =	swait.ge [sflag:s29], $0x6000  }
0x238: {  	[sflag:s29] =	ssyncset.done $0x0  }
0x239: {  	[sflag:s29] =	ssyncadd.s32 $0xFFFFA000  }
0x23a: {  	[spmem:s17] =	stream.indirect.scatter.add.f32 [tilespmem:s18], [sflag:$0x6], $0x80, s16, s25, $0xb8;
	[tilespmem:$0x1FF00] =	vst v63  }
0x23b: {  	_ =	swait.ge [sflag:s26], $0x6000  }
0x23c: {  	[sflag:s26] =	ssyncset.done $0x0  }
0x23d: {  	s6 =	rddreg [dreg:$0x1d];
	[sflag:s26] =	ssyncadd.s32 $0xFFFFA000  }
0x23e: {  	[tilespmem:s16], [sflag:$0x2] =	stream.linear.gather [hbm4b:s6+s1], $0xC0, $0x38;
	[tilespmem:$0x1FF00] =	vst v63  }
0x23f: {  	s22 =	rddreg [dreg:$0x11]  }
0x240: {  	[tilespmem:s18], [sflag:$0x4] =	stream.strided.gather [hbm4b:s22+s12], $0x6000, s13, s12, $0x38;
	[tilespmem:$0x1FF00] =	vst v63  }
0x241: {  	_ =	swait.ge [sflag:s21], $0xC0  }
0x242: {  	[sflag:s21] =	ssyncset.done $0x0  }
0x243: {  	[sflag:s21] =	ssyncadd.s32 $0xFFFFFF40  }
0x244: {  	_ =	swait.ge [sflag:s24], $0x6000  }
0x245: {  	[sflag:s24] =	ssyncset.done $0x0  }
0x246: {  	[sflag:s24] =	ssyncadd.s32 $0xFFFFA000  }
0x247: {  	[spmem:s17] =	stream.indirect.scatter.add.f32 [tilespmem:s1], [sflag:$0x6], $0x80, s11, s25, $0xb8;
	[tilespmem:$0x1FF00] =	vst v63  }
0x248: {  	_ =	swait.ge [sflag:s26], $0x6000  }
0x249: {  	[sflag:s26] =	ssyncset.done $0x0  }
0x24a: {  	[sflag:s26] =	ssyncadd.s32 $0xFFFFA000  }
0x24b: {  	_ =	swait.ge [sflag:s28], $0xC0  }
0x24c: {  	[sflag:s28] =	ssyncset.done $0x0  }
0x24d: {  	[sflag:s28] =	ssyncadd.s32 $0xFFFFFF40  }
0x24e: {  	_ =	swait.ge [sflag:s29], $0x6000  }
0x24f: {  	[sflag:s29] =	ssyncset.done $0x0  }
0x250: {  	[sflag:s29] =	ssyncadd.s32 $0xFFFFA000  }
0x251: {  	[spmem:s17] =	stream.indirect.scatter.add.f32 [tilespmem:s18], [sflag:$0x6], $0x80, s16, s25, $0xb8;
	[tilespmem:$0x1FF00] =	vst v63  }
0x252: {  	_ =	swait.ge [sflag:s26], $0x6000  }
0x253: {  	[sflag:s26] =	ssyncset.done $0x0  }
0x254: {  	s23 =	rddreg [dreg:$0x16];
	[sflag:s26] =	ssyncadd.s32 $0xFFFFA000  }
0x255: {  	[tilespmem:s30], [sflag:$0x5] =	stream.linear.gather [hbm4b:s23+s1], $0x8, $0x38;
	[tilespmem:$0x1FF00] =	vst v63  }
0x256: {  	_ =	swait.ge [sflag:s7], $0x8  }
0x257: {  	[sflag:s7] =	ssyncset.done $0x0  }
0x258: {  	s31 =	rddreg [dreg:$0xe];
	[sflag:s7] =	ssyncadd.s32 $0xFFFFFFF8  }
0x259: {  	[tilespmem:s8], [sflag:$0x5] =	stream.linear.gather [hbm4b:s31+s1], $0x400, $0x38;
	[tilespmem:$0x1FF00] =	vst v63  }
0x25a: {  	_ =	swait.ge [sflag:s7], $0x400  }
0x25b: {  	[sflag:s7] =	ssyncset.done $0x0  }
0x25c: {  	s5 =	simm.s32 $0x8;
	[sflag:s7] =	ssyncadd.s32 $0xFFFFFC00  }
0x25d: {  	[spmem:s17] =	stream.indirect.scatter.add.f32 [tilespmem:s8], [sflag:$0x6], $0x80, s30, s5, $0xb8;
	[tilespmem:$0x1FF00] =	vst v63  }
0x25e: {  	_ =	swait.ge [sflag:s26], $0x400  }
0x25f: {  	[sflag:s26] =	ssyncset.done $0x0  }
0x260: {  	[sflag:s26] =	ssyncadd.s32 $0xFFFFFC00  }
0x261: {  	s3 =	simm.s32 @p0 $0x8;
	s6 =	simm.s32 @p0 $0x80;
	[bflag:$0x0] =	sbarrier.arrive $0xFFFF  }
0x262: {  	s22 =	simm.s32 @p0 $0x1FC6;
	s5 =	simm.s32 @p0 $0x200;
	s23 =	rddreg [dreg:$0x1a]  }
0x263: {  	[hbm:s23@s5], [sflag:s22] =	dma.strided @p0 [spmem:s4@s6], $0x2080, s3, $0x10   }
0x264: {  	s3 =	simm.s32 @p0 $0x6  }
0x265: {  	_ =	swait.ge @p0 [sflag:s3], $0x2080  }
0x266: {  	[sflag:s3] =	ssyncset.done @p0 $0x0  }
0x267: {  	[sflag:s3] =	ssyncadd.s32 @p0 $0xFFFFDF80  }
0x268: {  	[bflag:$0x0] =	sbarrier.arrive @p0 $0xFFFF  }
0x269: {  	[spmem:s4], [sflag:s22] =	dma.local @p0 [hbm:s19], $0x2080  }
0x26a: {  	_ =	swait.ge @p0 [sflag:s3], $0x2080  }
0x26b: {  	s22 =	sld [smem:$0x7FD]  }
0x26c: {  	s5 =	simm.s32 @!p0 $0x200;
	[sflag:s3] =	ssyncset.done @p0 $0x0  }
0x26d: {  	s6 =	simm.s32 @!p0 $0x80;
	[sflag:s3] =	ssyncadd.s32 @p0 $0xFFFFDF80;
	s3 =	simm.s32 @!p0 $0x8  }
0x26e: {  	[hbm:s22@s5], [sflag:s20] =	dma.strided @!p0 [spmem:s9@s6], $0x2780, s3, $0x10   }
0x26f: {  	s3 =	simm.s32 @!p0 $0x6  }
0x270: {  	_ =	swait.ge @!p0 [sflag:s3], $0x2780  }
0x271: {  	[sflag:s3] =	ssyncset.done @!p0 $0x0  }
0x272: {  	[sflag:s3] =	ssyncadd.s32 @!p0 $0xFFFFD880  }
0x273: {  	[bflag:$0x0] =	sbarrier.arrive @!p0 $0xFFFF  }
0x274: {  	[spmem:s9], [sflag:s20] =	dma.local @!p0 [hbm:s19], $0x2780  }
0x275: {  	_ =	swait.ge @!p0 [sflag:s3], $0x2780  }
0x276: {  	[sflag:s3] =	ssyncset.done @!p0 $0x0  }
0x277: {  	[sflag:s3] =	ssyncadd.s32 @!p0 $0xFFFFD880  }
0x278: {  	[bflag:$0x0] =	sbarrier.arrive $0xFFFF  }
0x279: {  	s6 =	simm.s32 $0x0;
	s22 =	rddreg [dreg:$0x13]  }
0x27a: {  	[tilespmem:s6], [sflag:$0x6] =	stream.linear.gather [hbm4b:s22+s6], $0x6000, $0x38;
	[tilespmem:$0x1FF00] =	vst v63  }
0x27b: {  	_ =	swait.ge [sflag:s26], $0x6000  }
0x27c: {  	[sflag:s26] =	ssyncset.done $0x0  }
0x27d: {  	[sflag:s26] =	ssyncadd.s32 $0xFFFFA000  }
0x27e: {  	[tilespmem:s8], [sflag:$0x6] =	stream.linear.gather [hbm4b:s22+s6], $0x400, $0x38;
	[tilespmem:$0x1FF00] =	vst v63  }
0x27f: {  	_ =	swait.ge [sflag:s26], $0x400  }
0x280: {  	[sflag:s26] =	ssyncset.done $0x0  }
0x281: {  	s23 =	rddreg [dreg:$0x15];
	[sflag:s26] =	ssyncadd.s32 $0xFFFFFC00  }
0x282: {  	[tilespmem:s11], [sflag:$0x1] =	stream.linear.gather [hbm4b:s23+s6], $0xC0, $0x38;
	[tilespmem:$0x1FF00] =	vst v63  }
0x283: {  	s31 =	sadd.s32 $0x0, s0  }
0x284: {  	[tilespmem:s16], [sflag:$0x2] =	stream.linear.gather [hbm4b:s31+s1], $0xC0, $0x38;
	[tilespmem:$0x1FF00] =	vst v63  }
0x285: {  	_ =	swait.ge [sflag:s21], $0xC0  }
0x286: {  	[sflag:s21] =	ssyncset.done $0x0  }
0x287: {  	[sflag:s21] =	ssyncadd.s32 $0xFFFFFF40  }
0x288: {  	[spmem:s17] =	stream.indirect.scatter.add.f32 [tilespmem:s1], [sflag:$0x6], $0x80, s11, s25, $0xb8;
	[tilespmem:$0x1FF00] =	vst v63  }
0x289: {  	_ =	swait.ge [sflag:s26], $0x6000  }
0x28a: {  	[sflag:s26] =	ssyncset.done $0x0  }
0x28b: {  	[sflag:s26] =	ssyncadd.s32 $0xFFFFA000  }
0x28c: {  	[tilespmem:s11], [sflag:$0x1] =	stream.linear.gather [hbm4b:s2+s1], $0xC0, $0x38;
	[tilespmem:$0x1FF00] =	vst v63  }
0x28d: {  	_ =	swait.ge [sflag:s28], $0xC0  }
0x28e: {  	[sflag:s28] =	ssyncset.done $0x0  }
0x28f: {  	[sflag:s28] =	ssyncadd.s32 $0xFFFFFF40  }
0x290: {  	[spmem:s17] =	stream.indirect.scatter.add.f32 [tilespmem:s1], [sflag:$0x6], $0x80, s16, s25, $0xb8;
	[tilespmem:$0x1FF00] =	vst v63  }
0x291: {  	s5 =	simm.s32 $0x60;
	_ =	swait.ge [sflag:s26], $0x6000  }
0x292: {  	s3 =	simm.s32 $0x30;
	s2 =	sadd.s32 $0x180, s15;
	[sflag:s26] =	ssyncset.done $0x0  }
.LBB2_10:
0x293: {  	s6 =	sadd.s32 s3, s0  }
0x294: {  	[sflag:s26] =	ssyncadd.s32 $0xFFFFA000;
	s3 =	smov.u32 s5;
	s22 =	sadd.s32 $0x30, s5  }
0x295: {  	[tilespmem:s16], [sflag:$0x2] =	stream.linear.gather [hbm4b:s6+s1], $0xC0, $0x38;
	[tilespmem:$0x1FF00] =	vst v63  }
0x296: {  	p1 =	sne.s32 s5, $0x210;
	_ =	swait.ge [sflag:s21], $0xC0  }
0x297: {  	[sflag:s21] =	ssyncset.done $0x0  }
0x298: {  	[sflag:s21] =	ssyncadd.s32 $0xFFFFFF40  }
0x299: {  	[spmem:s17] =	stream.indirect.scatter.add.f32 [tilespmem:s1], [sflag:$0x6], $0x80, s11, s25, $0xb8;
	[tilespmem:$0x1FF00] =	vst v63  }
0x29a: {  	_ =	swait.ge [sflag:s26], $0x6000  }
0x29b: {  	s5 =	sshrl.u32 s2, $0x3;
	[sflag:s26] =	ssyncset.done $0x0  }
0x29c: {  	s5 =	sadd.s32 s14, s5;
	[sflag:s26] =	ssyncadd.s32 $0xFFFFA000  }
0x29d: {  	[tilespmem:s11], [sflag:$0x1] =	stream.linear.gather [hbm4b:s5+s1], $0xC0, $0x38;
	[tilespmem:$0x1FF00] =	vst v63  }
0x29e: {  	_ =	swait.ge [sflag:s28], $0xC0  }
.Ltmp4:
0x29f: {  	[sflag:s28] =	ssyncset.done $0x0;
	(pc) =	sbr.rel @p1 .LBB2_10-.Ltmp4, $4  }
0x2a0: {  	[sflag:s28] =	ssyncadd.s32 $0xFFFFFF40  }
0x2a1: {  	[spmem:s17] =	stream.indirect.scatter.add.f32 [tilespmem:s1], [sflag:$0x6], $0x80, s16, s25, $0xb8;
	[tilespmem:$0x1FF00] =	vst v63  }
0x2a2: {  	_ =	swait.ge [sflag:s26], $0x6000  }
0x2a3: {  	s2 =	sadd.s32 $0x180, s2;
	s5 =	smov.u32 s22;
	[sflag:s26] =	ssyncset.done $0x0  }
0x2a4: {  	s3 =	sadd.s32 s3, s0;
	[sflag:s26] =	ssyncadd.s32 $0xFFFFA000  }
0x2a5: {  	[tilespmem:s16], [sflag:$0x2] =	stream.linear.gather [hbm4b:s3+s1], $0xC0, $0x38;
	[tilespmem:$0x1FF00] =	vst v63  }
0x2a6: {  	_ =	swait.ge [sflag:s21], $0xC0  }
0x2a7: {  	[sflag:s21] =	ssyncset.done $0x0  }
0x2a8: {  	[sflag:s21] =	ssyncadd.s32 $0xFFFFFF40  }
0x2a9: {  	[spmem:s17] =	stream.indirect.scatter.add.f32 [tilespmem:s1], [sflag:$0x6], $0x80, s11, s25, $0xb8;
	[tilespmem:$0x1FF00] =	vst v63  }
0x2aa: {  	_ =	swait.ge [sflag:s26], $0x6000  }
0x2ab: {  	s2 =	sshrl.u32 s2, $0x3;
	[sflag:s26] =	ssyncset.done $0x0  }
0x2ac: {  	s2 =	sadd.s32 s14, s2;
	[sflag:s26] =	ssyncadd.s32 $0xFFFFA000  }
0x2ad: {  	[tilespmem:s11], [sflag:$0x1] =	stream.linear.gather [hbm4b:s2+s1], $0xC0, $0x38;
	[tilespmem:$0x1FF00] =	vst v63  }
0x2ae: {  	_ =	swait.ge [sflag:s28], $0xC0  }
0x2af: {  	[sflag:s28] =	ssyncset.done $0x0  }
0x2b0: {  	[sflag:s28] =	ssyncadd.s32 $0xFFFFFF40  }
0x2b1: {  	[spmem:s17] =	stream.indirect.scatter.add.f32 [tilespmem:s1], [sflag:$0x6], $0x80, s16, s25, $0xb8;
	[tilespmem:$0x1FF00] =	vst v63  }
0x2b2: {  	_ =	swait.ge [sflag:s26], $0x6000  }
0x2b3: {  	[sflag:s26] =	ssyncset.done $0x0  }
0x2b4: {  	s6 =	rddreg [dreg:$0x1d];
	[sflag:s26] =	ssyncadd.s32 $0xFFFFA000  }
0x2b5: {  	[tilespmem:s16], [sflag:$0x2] =	stream.linear.gather [hbm4b:s6+s1], $0xC0, $0x38;
	[tilespmem:$0x1FF00] =	vst v63  }
0x2b6: {  	_ =	swait.ge [sflag:s21], $0xC0  }
0x2b7: {  	[sflag:s21] =	ssyncset.done $0x0  }
0x2b8: {  	[sflag:s21] =	ssyncadd.s32 $0xFFFFFF40  }
0x2b9: {  	[spmem:s17] =	stream.indirect.scatter.add.f32 [tilespmem:s1], [sflag:$0x6], $0x80, s11, s25, $0xb8;
	[tilespmem:$0x1FF00] =	vst v63  }
0x2ba: {  	_ =	swait.ge [sflag:s26], $0x6000  }
0x2bb: {  	[sflag:s26] =	ssyncset.done $0x0  }
0x2bc: {  	[sflag:s26] =	ssyncadd.s32 $0xFFFFA000  }
0x2bd: {  	_ =	swait.ge [sflag:s28], $0xC0  }
0x2be: {  	[sflag:s28] =	ssyncset.done $0x0  }
0x2bf: {  	[sflag:s28] =	ssyncadd.s32 $0xFFFFFF40  }
0x2c0: {  	[spmem:s17] =	stream.indirect.scatter.add.f32 [tilespmem:s1], [sflag:$0x6], $0x80, s16, s25, $0xb8;
	[tilespmem:$0x1FF00] =	vst v63  }
0x2c1: {  	_ =	swait.ge [sflag:s26], $0x6000  }
0x2c2: {  	[sflag:s26] =	ssyncset.done $0x0  }
0x2c3: {  	s22 =	rddreg [dreg:$0x16];
	[sflag:s26] =	ssyncadd.s32 $0xFFFFA000  }
0x2c4: {  	[tilespmem:s30], [sflag:$0x5] =	stream.linear.gather [hbm4b:s22+s1], $0x8, $0x38;
	[tilespmem:$0x1FF00] =	vst v63  }
0x2c5: {  	_ =	swait.ge [sflag:s7], $0x8  }
0x2c6: {  	[sflag:s7] =	ssyncset.done $0x0  }
0x2c7: {  	s23 =	simm.s32 $0x8;
	[sflag:s7] =	ssyncadd.s32 $0xFFFFFFF8  }
0x2c8: {  	[spmem:s17] =	stream.indirect.scatter.add.f32 [tilespmem:s8], [sflag:$0x6], $0x80, s30, s23, $0xb8;
	[tilespmem:$0x1FF00] =	vst v63  }
0x2c9: {  	_ =	swait.ge [sflag:s26], $0x400  }
0x2ca: {  	[sflag:s26] =	ssyncset.done $0x0  }
0x2cb: {  	[sflag:s26] =	ssyncadd.s32 $0xFFFFFC00  }
0x2cc: {  	[bflag:$0x0] =	sbarrier.arrive $0xFFFF  }
0x2cd: {  	s2 =	simm.s32 @p0 $0x1FC6;
	s3 =	rddreg [dreg:$0x1b]  }
0x2ce: {  	[hbm:s3], [sflag:s2] =	dma.local @p0 [spmem:s4], $0x2080  }
0x2cf: {  	s2 =	simm.s32 @p0 $0x6  }
0x2d0: {  	_ =	swait.ge @p0 [sflag:s2], $0x2080  }
0x2d1: {  	[sflag:s2] =	ssyncset.done @p0 $0x0  }
0x2d2: {  	[sflag:s2] =	ssyncadd.s32 @p0 $0xFFFFDF80;
	s2 =	rddreg [dreg:$0xd]  }
0x2d3: {  	[hbm:s2], [sflag:s20] =	dma.local @!p0 [spmem:s9], $0x2780  }
0x2d4: {  	s2 =	simm.s32 @!p0 $0x6  }
0x2d5: {  	_ =	swait.ge @!p0 [sflag:s2], $0x2780  }
0x2d6: {  	s10 =	sadd.s32 $0x1, s10;
	s31 =	rddreg [dreg:$0x1c]  }
0x2d7: {  	p1 =	sne.s32 s10, s31  }
.Ltmp5:
0x2d8: {  	_ = 	snop;
	(pc) =	sbr.rel @p1 .LBB2_1-.Ltmp5, $3  }
0x2d9: {  	[sflag:s2] =	ssyncset.done @!p0 $0x0  }
0x2da: {  	[sflag:s2] =	ssyncadd.s32 @!p0 $0xFFFFD880  }
0x2db: {  	[bflag:$0x0] =	sbarrier.arrive $0xFFFF;
	_ =	sdelay $0x1  }
0x2dc: {  	_ =	sfence.sel $0x180000  }
0x2dd: {  	[bflag:$0x0] =	sbarrier.arrive $0xFFFF  }
0x2de: {  	_ =	strace $0x9000004A  }
0x2df: {  	s0 =	stileid.u32;
	[bflag:$0x2] =	sbarrier.arrive $0xFFFF  }
0x2e0: {  	p0 =	sne.s32 s0, $0x0;
	s0 =	rddreg [dreg:$0x4]  }
0x2e1: {  	s0 =	sadd.s32 @!p0 $0x100000, s0  }
0x2e2: {  	[sflag:s0] =	ssyncadd.tile.s32 @!p0 $0x1;
	_ =	shalt  }
.Lfunc_end2:
_tile_overlayer_lowered:
.L_overlay_start_2:
0x2e3: {  	(tag) =	ssettag $0x2  }
0x2e4: {  	s0 =	rddreg [dreg:$0x0];
	s2 =	stileid.u32  }
0x2e5: {  	s1 =	rddreg [dreg:$0x1];
	p0 =	sne.s32 s2, $0x0  }
0x2e6: {  	s3 =	rddreg [dreg:$0x2];
	[bflag:$0x3] =	sbarrier.arrive $0xFFFF;
	s2 =	simm.s32 @!p0 $0x1C06  }
0x2e7: {  	[timem:s3], [sflag:s2] =	dma.local @!p0 [hbm:s0], s1  }
0x2e8: {  	s0 =	simm.s32 @!p0 $0x6  }
0x2e9: {  	_ =	swait.ge @!p0 [sflag:s0], s1  }
0x2ea: {  	s1 =	ssub.s32 @!p0 $0x0, s1;
	[sflag:s0] =	ssyncset.done @!p0 $0x0  }
0x2eb: {  	[sflag:s0] =	ssyncadd.s32 @!p0 s1  }
0x2ec: {  	[bflag:$0x3] =	sbarrier.arrive $0xFFFF  }
0x2ed: {  	_ =	shalt  }

// kernel: kernel.7.cloned.1.call-start
scs
__scs_entry_jumppad:
0x0: {  	(pc) =	sbr.rel $0x88, $3  }
0x1: {  	(tag) =	ssettag $0x0;
	lr =	simm.s32 $0x1  }
0x2: {  	[smem:$0x3F91] =	sst lr;
	_ =	strace $0xD0000000  }
0x3: {  	_ = 	snop  }
0x4: {  	_ = 	snop  }
0x5: {  	_ = 	snop  }
0x6: {  	_ = 	snop  }
0x7: {  	_ = 	snop  }
__scs_overlays_trampoline_lowered:
0x8: {  	[smem:$0x3FA0] =	sst s0  }
0x9: {  	[smem:$0x3FA1] =	sst s1  }
0xa: {  	[smem:$0x3FA2] =	sst s2  }
0xb: {  	[smem:$0x3FA3] =	sst s3  }
0xc: {  	[smem:$0x3FA4] =	sst s4  }
0xd: {  	[smem:$0x3FA5] =	sst s5  }
0xe: {  	[smem:$0x3FA6] =	sst s6  }
0xf: {  	[smem:$0x3FA7] =	sst s7  }
0x10: {  	[smem:$0x3FA8] =	sst s8  }
0x11: {  	[smem:$0x3FA9] =	sst s9;
	s0 =	simm.s32 @!p0 $0x0  }
0x12: {  	s1 =	sld [smem:$0x3F8F];
	s0 =	simm.s32 @p0 $0x1  }
0x13: {  	[smem:$0x3FAA] =	sst s0;
	s0 =	simm.s32 @!p1 $0x0  }
0x14: {  	s2 =	sld [smem:$0x3F8E];
	s0 =	simm.s32 @p1 $0x1  }
0x15: {  	[smem:$0x3FAB] =	sst s0;
	s0 =	simm.s32 @!p2 $0x0  }
0x16: {  	s3 =	sld [smem:$0x3FDB];
	s0 =	simm.s32 @p2 $0x1  }
0x17: {  	s4 =	simm.s32 $0x1BF5;
	[smem:$0x3FAD] =	sst s0  }
0x18: {  	s0 =	sld [smem:$0x3F90];
	_ =	swait.ge [sflag:s4], $0x0  }
0x19: {  	s7 =	sld [smem:$0x3F91]  }
0x1a: {  	s8 =	sadd.s32 $0xFFFFE003, lr  }
0x1b: {  	s9 =	sadd.s32 $0xFFFFFEF7, lr;
	s5 =	simm.s32 $0xFFFFFFFF;
	p2 =	slt.u32 s8, $0xFFFFF086  }
0x1c: {  	p1 =	slt.u32 s9, $0xF7A;
	s5 =	simm.s32 @!p2 $0x0  }
0x1d: {  	s5 =	simm.s32 @p1 $0x1;
	p0 =	seq.s32 s7, s2  }
0x1e: {  	s7 =	smul.u32 @!p0 $0xF7A, s2;
	p2 =	seq.s32 @!p0 s5, $0x0  }
0x1f: {  	s9 =	smul.u32 $0xF7A, s1;
	s8 =	simm.s32 @!p0 $0x1BF5;
	p2 =	por !p2, p0  }
0x20: {  	[sflag:s8] =	ssyncset.s32 @!p0 $0xFFFFF086;
	s6 =	sadd.s32 @!p0 s3, s7;
	s7 =	simm.s32 @!p0 $0x108  }
0x21: {  	s3 =	sadd.s32 s3, s9;
	s6 =	sadd.s32 @!p0 $0x88, s6;
	s7 =	simm.s32 @p2 $0x1082  }
0x22: {  	[simem:s7], [sflag:s8] =	dma.local @!p0 [hbm:s6], $0xF7A  }
0x23: {  	s9 =	sor.u32 $0xD0000000, s2;
	s6 =	simm.s32 $0x108;
	_ =	swait.ge @!p0 [sflag:s8], $0x0  }
0x24: {  	s3 =	sadd.s32 $0x88, s3;
	s6 =	simm.s32 @!p1 $0x1082;
	[sflag:s4] =	ssyncset.s32 $0xFFFFF086  }
0x25: {  	[simem:s6], [sflag:s4] =	dma.local [hbm:s3], $0xF7A  }
0x26: {  	[smem:$0x3F91] =	sst s1;
	(tag) =	ssettag s2;
	_ =	strace s9  }
0x27: {  	s1 =	sld [smem:$0x3FA1]  }
0x28: {  	s2 =	sld [smem:$0x3FA2]  }
0x29: {  	s4 =	sld [smem:$0x3FA4]  }
0x2a: {  	p0 =	seq.s32 s5, $0x0;
	s5 =	sld [smem:$0x3FA5]  }
0x2b: {  	s6 =	sld [smem:$0x3FA6]  }
0x2c: {  	s7 =	sld [smem:$0x3FA7]  }
0x2d: {  	s3 =	simm.s32 $0x108;
	s8 =	sld [smem:$0x3FA8]  }
0x2e: {  	s3 =	simm.s32 @!p0 $0x1082;
	s9 =	sld [smem:$0x3FA9]  }
0x2f: {  	lr =	sadd.s32 s0, s3;
	s0 =	sld [smem:$0x3FA0]  }
0x30: {  	s3 =	sld [smem:$0x3FA3]  }
0x31: {  	[smem:$0x3FAC] =	sst s10  }
0x32: {  	s10 =	sld [smem:$0x3FAA];
	_ =	sdelay $0x3  }
0x33: {  	p0 =	seq.s32 s10, $0x1;
	s10 =	sld [smem:$0x3FAC];
	_ =	sdelay $0x3  }
0x34: {  	[smem:$0x3FAC] =	sst s10  }
0x35: {  	s10 =	sld [smem:$0x3FAB];
	_ =	sdelay $0x3  }
0x36: {  	p1 =	seq.s32 s10, $0x1;
	s10 =	sld [smem:$0x3FAC];
	_ =	sdelay $0x3  }
0x37: {  	[smem:$0x3FAC] =	sst s10  }
0x38: {  	s10 =	sld [smem:$0x3FAD]  }
0x39: {  	_ = 	snop;
	(pc) =	sbr.ind lr, $3  }
0x3a: {  	_ = 	snop  }
0x3b: {  	_ = 	snop  }
0x3c: {  	p2 =	seq.s32 s10, $0x1;
	s10 =	sld [smem:$0x3FAC]  }
0x3d: {  	_ =	shalt  }
0x3e: {  	_ =	shalt  }
0x3f: {  	_ =	shalt  }
0x40: {  	_ =	shalt  }
0x41: {  	_ =	shalt  }
0x42: {  	_ =	shalt  }
0x43: {  	_ =	shalt  }
0x44: {  	_ =	shalt  }
0x45: {  	_ =	shalt  }
0x46: {  	_ =	shalt  }
0x47: {  	_ =	shalt  }
0x48: {  	_ =	shalt  }
0x49: {  	_ =	shalt  }
0x4a: {  	_ =	shalt  }
0x4b: {  	_ =	shalt  }
0x4c: {  	_ =	shalt  }
0x4d: {  	_ =	shalt  }
0x4e: {  	_ =	shalt  }
0x4f: {  	_ =	shalt  }
0x50: {  	_ =	shalt  }
0x51: {  	_ =	shalt  }
0x52: {  	_ =	shalt  }
0x53: {  	_ =	shalt  }
0x54: {  	_ =	shalt  }
0x55: {  	_ =	shalt  }
0x56: {  	_ =	shalt  }
0x57: {  	_ =	shalt  }
0x58: {  	_ =	shalt  }
0x59: {  	_ =	shalt  }
0x5a: {  	_ =	shalt  }
0x5b: {  	_ =	shalt  }
0x5c: {  	_ =	shalt  }
0x5d: {  	_ =	shalt  }
0x5e: {  	_ =	shalt  }
0x5f: {  	_ =	shalt  }
0x60: {  	_ =	shalt  }
0x61: {  	_ =	shalt  }
0x62: {  	_ =	shalt  }
0x63: {  	_ =	shalt  }
0x64: {  	_ =	shalt  }
0x65: {  	_ =	shalt  }
0x66: {  	_ =	shalt  }
0x67: {  	_ =	shalt  }
0x68: {  	_ =	shalt  }
0x69: {  	_ =	shalt  }
0x6a: {  	_ =	shalt  }
0x6b: {  	_ =	shalt  }
0x6c: {  	_ =	shalt  }
0x6d: {  	_ =	shalt  }
0x6e: {  	_ =	shalt  }
0x6f: {  	_ =	shalt  }
0x70: {  	_ =	shalt  }
0x71: {  	_ =	shalt  }
0x72: {  	_ =	shalt  }
0x73: {  	_ =	shalt  }
0x74: {  	_ =	shalt  }
0x75: {  	_ =	shalt  }
0x76: {  	_ =	shalt  }
0x77: {  	_ =	shalt  }
0x78: {  	_ =	shalt  }
0x79: {  	_ =	shalt  }
0x7a: {  	_ =	shalt  }
0x7b: {  	_ =	shalt  }
0x7c: {  	_ =	shalt  }
0x7d: {  	_ =	shalt  }
0x7e: {  	_ =	shalt  }
0x7f: {  	_ =	shalt  }
0x80: {  	_ =	shalt  }
0x81: {  	_ =	shalt  }
0x82: {  	_ =	shalt  }
0x83: {  	_ =	shalt  }
0x84: {  	_ =	shalt  }
0x85: {  	_ =	shalt  }
0x86: {  	_ =	shalt  }
0x87: {  	_ =	shalt  }
.Lfunc_end0:
.L_simem_size_0:
called_computation_lowered:
.L_overlay_start_0:
0x88: {  	s2 =	sld [smem:$0x3FD9]  }
0x89: {  	s3 =	sld [smem:$0x3FFE];
	_ =	sdelay $0x1  }
0x8a: {  	s1 =	srdreg.scid  }
0x8b: {  	s0 =	sand.u32 $0x1, s1  }
0x8c: {  	s17 =	sshll.u32 s0, $0xA;
	s2 =	sadd.s32 s3, s2  }
0x8d: {  	s2 =	sadd.s32 s2, s17  }
0x8e: {  	[smem:$0x3FB8] =	sst s2  }
0x8f: {  	_ = 	snop  }
0x90: {  	s2 =	sld [smem:$0x3FC7]  }
0x91: {  	s18 =	sld [smem:$0x3FD0];
	(tm) =	ssettm $0x1  }
0x92: {  	s4 =	sld [smem:$0x3FFB];
	_ =	sdelay $0x3  }
0x93: {  	_ =	strace s4  }
0x94: {  	s4 =	sld [smem:$0x3FFC];
	_ =	sdelay $0x3  }
0x95: {  	_ =	strace s4  }
0x96: {  	s4 =	sld [smem:$0x3FFD];
	_ =	sdelay $0x3  }
0x97: {  	_ =	strace s4  }
0x98: {  	_ =	strace $0x8FFFFFFF  }
0x99: {  	s19 =	sld [smem:$0x3FDB];
	_ =	sdelay $0x1  }
0x9a: {  	s5 =	simm.s32 $_scs_section_size  }
0x9b: {  	s6 =	simm.s32 $_size__tile_overlayer_lowered;
	s7 =	simm.s32 $_tile_overlayer_lowered  }
0x9c: {  	s22 =	simm.s32 $0x1BFF;
	s21 =	sshll.u32 s7, $0x1;
	s4 =	sadd.s32 s5, s19  }
0x9d: {  	s8 =	simm.s32 $0x0;
	s20 =	sshll.u32 s6, $0x1;
	s6 =	sadd.s32 s21, s4  }
0x9e: {  	[timem:s8], [sflag:s22] =	dma.local [hbm:s6], s20  }
0x9f: {  	_ =	swait.ge [sflag:s22], s20  }
0xa0: {  	s5 =	ssub.s32 $0x0, s20;
	[sflag:s22] =	ssyncset.done $0x0  }
0xa1: {  	[sflag:s22] =	ssyncadd.s32 s5;
	_ =	sdelay $0x1  }
0xa2: {  	s23 =	simm.s32 $0x1B8B  }
0xa3: {  	_ =	swait.ge [sflag:s23], $0x1  }
0xa4: {  	[sflag:s23] =	ssyncset.done $0x0  }
0xa5: {  	s25 =	simm.s32 $0x1B8E;
	s24 =	sld [smem:$0x3FFE];
	[sflag:s23] =	ssyncadd.s32 $0xFFFFFFFF  }
0xa6: {  	s26 =	simm.s32 $execute0_lowered;
	[smem:$0x3FD2] =	sst s25  }
0xa7: {  	s6 =	sshll.u32 s26, $0x1;
	_ =	strace $0x80000046;
	[dreg:$0x1] =	wrdreg $0xFFFFFFFF  }
0xa8: {  	s28 =	simm.s32 $_size_execute0_lowered;
	s4 =	sadd.s32 s4, s6;
	[dreg:$0x0] =	wrdreg $0x0  }
0xa9: {  	s6 =	sshll.u32 s28, $0x1;
	[dreg:$0x2] =	wrdreg s4  }
0xaa: {  	[dreg:$0x3] =	wrdreg s6  }
0xab: {  	[dreg:$0x4] =	wrdreg $0xC0  }
0xac: {  	_ =	task [dreg:s8], $0x5FFFF  }
0xad: {  	[dreg:$0x1] =	wrdreg $0xFFFFFFFF  }
0xae: {  	[dreg:$0x0] =	wrdreg $0x60  }
0xaf: {  	[dreg:$0x2] =	wrdreg s18  }
0xb0: {  	[dreg:$0x3] =	wrdreg s2  }
0xb1: {  	[dreg:$0x4] =	wrdreg s24  }
0xb2: {  	[dreg:$0x5] =	wrdreg $0x9  }
0xb3: {  	_ =	task.clear_ibuf [dreg:s8], $0x6FFFF;
	_ =	strace $0x90000046  }
0xb4: {  	s29 =	simm.s32 $0x9;
	_ =	strace $0x80000048  }
0xb5: {  	_ =	swait.ge [sflag:s29], $0x1  }
0xb6: {  	[sflag:s29] =	ssyncadd.s32 $0xFFFFFFFF  }
0xb7: {  	_ =	strace $0x90000048  }
0xb8: {  	_ =	sfence  }
0xb9: {  	s30 =	sld [smem:$0x0];
	_ =	sdelay $0x2  }
0xba: {  	s31 =	sshll.u32 s1, $0xD;
	s1 =	sshrl.u32 s1, $0x2  }
0xbb: {  	s3 =	sand.u32 $0x4000, s31;
	s1 =	sadd.s32 s1, s30  }
0xbc: {  	s0 =	sor.u32 s3, s0;
	s1 =	sshll.u32 s1, $0x11  }
0xbd: {  	s0 =	sor.u32 s1, s0  }
0xbe: {  	s0 =	sadd.s32 $0x8F2B, s0  }
0xbf: {  	[sflag:s0] =	ssyncadd.remote.s32 $0x1  }
0xc0: {  	_ =	sfence.sel $0xFFFF  }
0xc1: {  	[dreg:$0x0] =	wrdreg $0xFFFFFFFF;
	(pc) =	sbr.abs _section_cstart, $3  }
0xc2: {  	[dreg:$0x1] =	wrdreg $0xFFFFFFFF  }
0xc3: {  	_ =	task.clear_ibuf [dreg:s8], $0x2FFFF;
	_ =	strace $0x9FFFFFFF  }
0xc4: {  	(tm) =	ssettm $0x7FFFFFFF  }
0xc5: {  	_ =	shalt  }
tec
execute0_lowered:
.L_overlay_start_1:
0x0: {  	(tag) =	ssettag $0x1  }
0x1: {  	s2 =	rddreg [dreg:$0x0]  }
0x2: {  	s0 =	srdreg.scid;
	s3 =	stileid.u32  }
0x3: {  	s1 =	rddreg [dreg:$0x1];
	s6 =	sand.u32 $0x1, s0;
	s8 =	sshll.u32 s3, $0x1  }
0x4: {  	s4 =	rddreg [dreg:$0x2];
	p0 =	por $0x0, $0x0;
	s0 =	sor.u32 s6, s8  }
0x5: {  	s3 =	simm.s32 $0x0;
	s4 =	sadd.s32 $0x3600, s4;
	s5 =	smul.u32 $0x1388, s0  }
0x6: {  	[smem:$0x7FF] =	sst s3;
	s6 =	ssub.s32 $0x2, s6;
	s0 =	smul.u32 $0x13880, s0  }
0x7: {  	_ =	strace $0x80000047;
	s7 =	sshrl.u32 s5, $0x3;
	s8 =	sadd.s32 $0xC8, s5  }
0x8: {  	s10 =	sadd.s32 $0x190, s5;
	s0 =	sadd.s32 s4, s0;
	s15 =	sadd.s32 $0x258, s5  }
0x9: {  	s18 =	sadd.s32 $0x320, s5;
	s23 =	sadd.s32 $0x3E8, s5;
	s26 =	sadd.s32 $0x4B0, s5  }
0xa: {  	s7 =	sadd.s32 s1, s7;
	s9 =	sshrl.u32 s8, $0x3;
	s11 =	sshrl.u32 s10, $0x3  }
0xb: {  	[dreg:$0x6] =	wrdreg s0;
	s13 =	sshll.u32 s8, $0x4;
	s16 =	sshrl.u32 s15, $0x3  }
0xc: {  	s17 =	sshll.u32 s10, $0x4;
	s20 =	sshrl.u32 s18, $0x3;
	s24 =	sshrl.u32 s23, $0x3  }
0xd: {  	s25 =	sshll.u32 s18, $0x4;
	[dreg:$0x4] =	wrdreg s7;
	s9 =	sadd.s32 s1, s9  }
0xe: {  	s10 =	sshrl.u32 s26, $0x3;
	s12 =	sadd.s32 s1, s11;
	[dreg:$0x5] =	wrdreg s9  }
0xf: {  	s14 =	sadd.s32 s4, s13;
	s0 =	sadd.s32 s1, s16;
	[dreg:$0x7] =	wrdreg s12  }
0x10: {  	s19 =	sadd.s32 s4, s17;
	s21 =	sadd.s32 s1, s20;
	[dreg:$0x8] =	wrdreg s14  }
0x11: {  	s7 =	sshll.u32 s15, $0x4;
	s8 =	sadd.s32 s4, s25;
	[dreg:$0x9] =	wrdreg s0  }
0x12: {  	s11 =	sadd.s32 s1, s10;
	s13 =	sadd.s32 $0x578, s5;
	[dreg:$0xa] =	wrdreg s19  }
0x13: {  	s15 =	sshll.u32 s26, $0x4;
	s16 =	sadd.s32 $0x640, s5;
	[dreg:$0xb] =	wrdreg s21  }
0x14: {  	s22 =	sadd.s32 s4, s7;
	s0 =	sadd.s32 s1, s24;
	[dreg:$0xe] =	wrdreg s8  }
0x15: {  	s7 =	sshll.u32 s23, $0x4;
	[dreg:$0xf] =	wrdreg s11;
	s14 =	sshrl.u32 s13, $0x3  }
0x16: {  	s17 =	sadd.s32 s4, s15;
	s18 =	sshrl.u32 s16, $0x3;
	s21 =	sadd.s32 $0x708, s5  }
0x17: {  	s23 =	sshll.u32 s16, $0x4;
	s24 =	sadd.s32 $0x7D0, s5;
	[dreg:$0xc] =	wrdreg s22  }
0x18: {  	s11 =	sadd.s32 $0x898, s5;
	[dreg:$0xd] =	wrdreg s0;
	s12 =	sadd.s32 s4, s7  }
0x19: {  	s0 =	sadd.s32 s1, s14;
	[dreg:$0x12] =	wrdreg s17;
	s19 =	sadd.s32 s1, s18  }
0x1a: {  	s7 =	sshll.u32 s13, $0x4;
	s22 =	sshrl.u32 s21, $0x3;
	[dreg:$0x10] =	wrdreg s12  }
0x1b: {  	s25 =	sadd.s32 s4, s23;
	s26 =	sshrl.u32 s24, $0x3;
	[dreg:$0x11] =	wrdreg s0  }
0x1c: {  	s13 =	sshll.u32 s24, $0x4;
	s14 =	sadd.s32 $0x960, s5;
	[dreg:$0x13] =	wrdreg s19  }
0x1d: {  	s20 =	sadd.s32 s4, s7;
	s0 =	sadd.s32 s1, s22;
	[dreg:$0x16] =	wrdreg s25  }
0x1e: {  	s8 =	sadd.s32 s1, s26;
	s7 =	sshll.u32 s21, $0x4;
	s12 =	sshrl.u32 s11, $0x3  }
0x1f: {  	s15 =	sadd.s32 s4, s13;
	s16 =	sshrl.u32 s14, $0x3;
	[dreg:$0x14] =	wrdreg s20  }
0x20: {  	s19 =	sadd.s32 $0xA28, s5;
	s9 =	sshll.u32 s14, $0x4;
	[dreg:$0x15] =	wrdreg s0  }
0x21: {  	s26 =	sadd.s32 $0xBB8, s5;
	[dreg:$0x17] =	wrdreg s8;
	s10 =	sadd.s32 s4, s7  }
0x22: {  	s0 =	sadd.s32 s1, s12;
	[dreg:$0x1a] =	wrdreg s15;
	s17 =	sadd.s32 s1, s16  }
0x23: {  	s7 =	sshll.u32 s11, $0x4;
	s20 =	sshrl.u32 s6, $0x1;
	s21 =	sshrl.u32 s19, $0x3  }
0x24: {  	s22 =	sadd.s32 s4, s9;
	s9 =	sshrl.u32 s26, $0x3;
	[dreg:$0x18] =	wrdreg s10  }
0x25: {  	s11 =	sadd.s32 $0xC80, s5;
	s16 =	sadd.s32 $0xD48, s5;
	[dreg:$0x19] =	wrdreg s0  }
0x26: {  	[dreg:$0x1b] =	wrdreg s17;
	s18 =	sadd.s32 s4, s7;
	s0 =	sadd.s32 s1, s21  }
0x27: {  	s10 =	sadd.s32 $0xAF0, s5;
	[dreg:$0x1e] =	wrdreg s22;
	s7 =	sshll.u32 s19, $0x4  }
0x28: {  	s6 =	ssub.s32 s6, s20;
	s13 =	sshrl.u32 s11, $0x3;
	s17 =	sshrl.u32 s16, $0x3  }
0x29: {  	s19 =	sadd.s32 $0xE10, s5;
	s21 =	sadd.s32 $0xED8, s5;
	[dreg:$0x1c] =	wrdreg s18  }
0x2a: {  	[dreg:$0x1d] =	wrdreg s0;
	s23 =	sshrl.u32 s10, $0x3;
	s25 =	sadd.s32 s4, s7  }
0x2b: {  	s0 =	sadd.s32 s1, s9;
	s10 =	sshll.u32 s10, $0x4;
	s14 =	sadd.s32 s1, s13  }
0x2c: {  	s7 =	sshll.u32 s26, $0x4;
	s18 =	sshll.u32 s11, $0x4;
	s31 =	sadd.s32 s1, s17  }
0x2d: {  	s20 =	sshrl.u32 s19, $0x3;
	s22 =	sshrl.u32 s21, $0x3;
	[smem:$0x7F9] =	sst s25  }
0x2e: {  	s9 =	sshll.u32 s21, $0x4;
	s24 =	sadd.s32 s1, s23;
	[smem:$0x7FA] =	sst s0  }
0x2f: {  	s12 =	sadd.s32 s4, s10;
	[smem:$0x7FC] =	sst s14;
	s15 =	sadd.s32 s4, s7  }
0x30: {  	s29 =	sadd.s32 s4, s18;
	s7 =	sshll.u32 s16, $0x4;
	s30 =	sadd.s32 s1, s20  }
0x31: {  	s28 =	sadd.s32 s1, s22;
	s0 =	sshll.u32 s19, $0x4;
	s23 =	sadd.s32 $0xFA0, s5  }
0x32: {  	s21 =	sadd.s32 s4, s9;
	s10 =	sadd.s32 $0x1068, s5;
	s14 =	sadd.s32 $0x11F8, s5  }
0x33: {  	s19 =	sadd.s32 $0x12C0, s5;
	s22 =	smax.u32 s6, $0x1;
	[dreg:$0x1f] =	wrdreg s24  }
0x34: {  	s9 =	simm.s32 $0xC8;
	s6 =	simm.s32 $0x200;
	[smem:$0x7FB] =	sst s12  }
0x35: {  	[smem:$0x7FD] =	sst s15;
	s26 =	sadd.s32 s4, s7;
	s24 =	sadd.s32 s4, s0  }
0x36: {  	s8 =	sshrl.u32 s23, $0x3;
	s11 =	sshrl.u32 s10, $0x3;
	s7 =	sshll.u32 s23, $0x4  }
0x37: {  	s12 =	sadd.s32 $0x1130, s5;
	s0 =	sshll.u32 s10, $0x4;
	s16 =	sshrl.u32 s14, $0x3  }
0x38: {  	s5 =	sshrl.u32 s19, $0x3;
	p1 =	sne.s32 s22, $0x1;
	s10 =	simm.s32 $0x3  }
0x39: {  	s25 =	sadd.s32 s1, s8;
	s23 =	sadd.s32 s1, s11;
	s18 =	sadd.s32 s4, s7  }
0x3a: {  	s13 =	sshrl.u32 s12, $0x3;
	s15 =	sadd.s32 s4, s0;
	s17 =	sshll.u32 s12, $0x4  }
0x3b: {  	s16 =	sadd.s32 s1, s16;
	s7 =	sshll.u32 s14, $0x4;
	s0 =	sshll.u32 s19, $0x4  }
.Ltmp0:
0x3c: {  	s12 =	simm.s32 $0x1;
	s14 =	simm.s32 $0x6600;
	(pc) =	sbr.rel @!p1 .LBB2_3-.Ltmp0, $4  }
0x3d: {  	s19 =	simm.s32 $0x4;
	s11 =	simm.s32 $0x6;
	s20 =	sadd.s32 s1, s13  }
0x3e: {  	s8 =	sadd.s32 s4, s17;
	s13 =	sadd.s32 s1, s5;
	s5 =	sadd.s32 s4, s7  }
0x3f: {  	s4 =	sadd.s32 s4, s0;
	s17 =	simm.s32 $0x100;
	s1 =	sadd.s32 $0xFFFFFFFF, s22  }
0x40: {  	s22 =	simm.s32 $0x2;
	s7 =	simm.s32 $0x5;
	s0 =	rddreg [dreg:$0x4]  }
0x41: {  	[smem:$0x7F7] =	sst s1  }
0x42: {  	[tilespmem:s3], [sflag:$0x1] =	stream.linear.gather [hbm4b:s0+s3], $0xC8, $0x38;
	[tilespmem:$0xCA00] =	vst v63  }
0x43: {  	s1 =	rddreg [dreg:$0x5]  }
0x44: {  	[tilespmem:s17], [sflag:$0x2] =	stream.linear.gather [hbm4b:s1+s3], $0xC8, $0x38;
	[tilespmem:$0xCA00] =	vst v63  }
0x45: {  	_ =	swait.ge [sflag:s12], $0xC8  }
0x46: {  	[sflag:s12] =	ssyncset.done $0x0  }
0x47: {  	[sflag:s12] =	ssyncadd.s32 $0xFFFFFF38  }
0x48: {  	[tilespmem:s6], [sflag:$0x3] =	stream.indirect.gather [hbm4b:s2+s9], $0x80, s3, s9, $0xb8;
	[tilespmem:$0xCA00] =	vst v63  }
0x49: {  	_ =	swait.ge [sflag:s10], $0x6400  }
0x4a: {  	[sflag:s10] =	ssyncset.done $0x0  }
0x4b: {  	[sflag:s10] =	ssyncadd.s32 $0xFFFF9C00  }
0x4c: {  	_ =	swait.ge [sflag:s22], $0xC8  }
0x4d: {  	[sflag:s22] =	ssyncset.done $0x0  }
0x4e: {  	[sflag:s22] =	ssyncadd.s32 $0xFFFFFF38  }
0x4f: {  	[tilespmem:s14], [sflag:$0x4] =	stream.indirect.gather [hbm4b:s2+s9], $0x80, s17, s9, $0xb8;
	[tilespmem:$0xCA00] =	vst v63  }
0x50: {  	s0 =	rddreg [dreg:$0x6]  }
0x51: {  	[hbm4b:s0+s3] =	stream.linear.scatter [tilespmem:s6], [sflag:$0x5], $0x6400, $0x38;
	[tilespmem:$0xCA00] =	vst v63  }
0x52: {  	s1 =	rddreg [dreg:$0x7]  }
0x53: {  	[tilespmem:s3], [sflag:$0x1] =	stream.linear.gather [hbm4b:s1+s3], $0xC8, $0x38;
	[tilespmem:$0xCA00] =	vst v63  }
0x54: {  	_ =	swait.ge [sflag:s19], $0x6400  }
0x55: {  	[sflag:s19] =	ssyncset.done $0x0  }
0x56: {  	[sflag:s19] =	ssyncadd.s32 $0xFFFF9C00  }
0x57: {  	_ =	swait.ge [sflag:s12], $0xC8  }
0x58: {  	[sflag:s12] =	ssyncset.done $0x0  }
0x59: {  	[sflag:s12] =	ssyncadd.s32 $0xFFFFFF38  }
0x5a: {  	_ =	swait.ge [sflag:s7], $0x6400  }
0x5b: {  	[sflag:s7] =	ssyncset.done $0x0  }
0x5c: {  	[sflag:s7] =	ssyncadd.s32 $0xFFFF9C00  }
0x5d: {  	[tilespmem:s6], [sflag:$0x3] =	stream.indirect.gather [hbm4b:s2+s9], $0x80, s3, s9, $0xb8;
	[tilespmem:$0xCA00] =	vst v63  }
0x5e: {  	s0 =	rddreg [dreg:$0x8]  }
0x5f: {  	[hbm4b:s0+s3] =	stream.linear.scatter [tilespmem:s14], [sflag:$0x6], $0x6400, $0x38;
	[tilespmem:$0xCA00] =	vst v63  }
0x60: {  	s1 =	rddreg [dreg:$0x9]  }
0x61: {  	[tilespmem:s17], [sflag:$0x2] =	stream.linear.gather [hbm4b:s1+s3], $0xC8, $0x38;
	[tilespmem:$0xCA00] =	vst v63  }
0x62: {  	_ =	swait.ge [sflag:s10], $0x6400  }
0x63: {  	[sflag:s10] =	ssyncset.done $0x0  }
0x64: {  	[sflag:s10] =	ssyncadd.s32 $0xFFFF9C00  }
0x65: {  	_ =	swait.ge [sflag:s22], $0xC8  }
0x66: {  	[sflag:s22] =	ssyncset.done $0x0  }
0x67: {  	[sflag:s22] =	ssyncadd.s32 $0xFFFFFF38  }
0x68: {  	_ =	swait.ge [sflag:s11], $0x6400  }
0x69: {  	[sflag:s11] =	ssyncset.done $0x0  }
0x6a: {  	[sflag:s11] =	ssyncadd.s32 $0xFFFF9C00  }
0x6b: {  	[tilespmem:s14], [sflag:$0x4] =	stream.indirect.gather [hbm4b:s2+s9], $0x80, s17, s9, $0xb8;
	[tilespmem:$0xCA00] =	vst v63  }
0x6c: {  	s0 =	rddreg [dreg:$0xa]  }
0x6d: {  	[hbm4b:s0+s3] =	stream.linear.scatter [tilespmem:s6], [sflag:$0x5], $0x6400, $0x38;
	[tilespmem:$0xCA00] =	vst v63  }
0x6e: {  	s1 =	rddreg [dreg:$0xb]  }
0x6f: {  	[tilespmem:s3], [sflag:$0x1] =	stream.linear.gather [hbm4b:s1+s3], $0xC8, $0x38;
	[tilespmem:$0xCA00] =	vst v63  }
0x70: {  	_ =	swait.ge [sflag:s19], $0x6400  }
0x71: {  	[sflag:s19] =	ssyncset.done $0x0  }
0x72: {  	[sflag:s19] =	ssyncadd.s32 $0xFFFF9C00  }
0x73: {  	_ =	swait.ge [sflag:s12], $0xC8  }
0x74: {  	[sflag:s12] =	ssyncset.done $0x0  }
0x75: {  	[sflag:s12] =	ssyncadd.s32 $0xFFFFFF38  }
0x76: {  	_ =	swait.ge [sflag:s7], $0x6400  }
0x77: {  	[sflag:s7] =	ssyncset.done $0x0  }
0x78: {  	[sflag:s7] =	ssyncadd.s32 $0xFFFF9C00  }
0x79: {  	[tilespmem:s6], [sflag:$0x3] =	stream.indirect.gather [hbm4b:s2+s9], $0x80, s3, s9, $0xb8;
	[tilespmem:$0xCA00] =	vst v63  }
0x7a: {  	s0 =	rddreg [dreg:$0xc]  }
0x7b: {  	[hbm4b:s0+s3] =	stream.linear.scatter [tilespmem:s14], [sflag:$0x6], $0x6400, $0x38;
	[tilespmem:$0xCA00] =	vst v63  }
0x7c: {  	s1 =	rddreg [dreg:$0xd]  }
0x7d: {  	[tilespmem:s17], [sflag:$0x2] =	stream.linear.gather [hbm4b:s1+s3], $0xC8, $0x38;
	[tilespmem:$0xCA00] =	vst v63  }
0x7e: {  	_ =	swait.ge [sflag:s10], $0x6400  }
0x7f: {  	[sflag:s10] =	ssyncset.done $0x0  }
0x80: {  	[sflag:s10] =	ssyncadd.s32 $0xFFFF9C00  }
0x81: {  	_ =	swait.ge [sflag:s22], $0xC8  }
0x82: {  	[sflag:s22] =	ssyncset.done $0x0  }
0x83: {  	[sflag:s22] =	ssyncadd.s32 $0xFFFFFF38  }
0x84: {  	_ =	swait.ge [sflag:s11], $0x6400  }
0x85: {  	[sflag:s11] =	ssyncset.done $0x0  }
0x86: {  	[sflag:s11] =	ssyncadd.s32 $0xFFFF9C00  }
0x87: {  	[tilespmem:s14], [sflag:$0x4] =	stream.indirect.gather [hbm4b:s2+s9], $0x80, s17, s9, $0xb8;
	[tilespmem:$0xCA00] =	vst v63  }
0x88: {  	s0 =	rddreg [dreg:$0xe]  }
0x89: {  	[hbm4b:s0+s3] =	stream.linear.scatter [tilespmem:s6], [sflag:$0x5], $0x6400, $0x38;
	[tilespmem:$0xCA00] =	vst v63  }
0x8a: {  	s1 =	rddreg [dreg:$0xf]  }
0x8b: {  	[tilespmem:s3], [sflag:$0x1] =	stream.linear.gather [hbm4b:s1+s3], $0xC8, $0x38;
	[tilespmem:$0xCA00] =	vst v63  }
0x8c: {  	_ =	swait.ge [sflag:s19], $0x6400  }
0x8d: {  	[sflag:s19] =	ssyncset.done $0x0  }
0x8e: {  	[sflag:s19] =	ssyncadd.s32 $0xFFFF9C00  }
0x8f: {  	_ =	swait.ge [sflag:s12], $0xC8  }
0x90: {  	[sflag:s12] =	ssyncset.done $0x0  }
0x91: {  	[sflag:s12] =	ssyncadd.s32 $0xFFFFFF38  }
0x92: {  	_ =	swait.ge [sflag:s7], $0x6400  }
0x93: {  	[sflag:s7] =	ssyncset.done $0x0  }
0x94: {  	[sflag:s7] =	ssyncadd.s32 $0xFFFF9C00  }
0x95: {  	[tilespmem:s6], [sflag:$0x3] =	stream.indirect.gather [hbm4b:s2+s9], $0x80, s3, s9, $0xb8;
	[tilespmem:$0xCA00] =	vst v63  }
0x96: {  	s0 =	rddreg [dreg:$0x10]  }
0x97: {  	[hbm4b:s0+s3] =	stream.linear.scatter [tilespmem:s14], [sflag:$0x6], $0x6400, $0x38;
	[tilespmem:$0xCA00] =	vst v63  }
0x98: {  	s1 =	rddreg [dreg:$0x11]  }
0x99: {  	[tilespmem:s17], [sflag:$0x2] =	stream.linear.gather [hbm4b:s1+s3], $0xC8, $0x38;
	[tilespmem:$0xCA00] =	vst v63  }
0x9a: {  	_ =	swait.ge [sflag:s10], $0x6400  }
0x9b: {  	[sflag:s10] =	ssyncset.done $0x0  }
0x9c: {  	[sflag:s10] =	ssyncadd.s32 $0xFFFF9C00  }
0x9d: {  	_ =	swait.ge [sflag:s22], $0xC8  }
0x9e: {  	[sflag:s22] =	ssyncset.done $0x0  }
0x9f: {  	[sflag:s22] =	ssyncadd.s32 $0xFFFFFF38  }
0xa0: {  	_ =	swait.ge [sflag:s11], $0x6400  }
0xa1: {  	[sflag:s11] =	ssyncset.done $0x0  }
0xa2: {  	[sflag:s11] =	ssyncadd.s32 $0xFFFF9C00  }
0xa3: {  	[tilespmem:s14], [sflag:$0x4] =	stream.indirect.gather [hbm4b:s2+s9], $0x80, s17, s9, $0xb8;
	[tilespmem:$0xCA00] =	vst v63  }
0xa4: {  	s0 =	rddreg [dreg:$0x12]  }
0xa5: {  	[hbm4b:s0+s3] =	stream.linear.scatter [tilespmem:s6], [sflag:$0x5], $0x6400, $0x38;
	[tilespmem:$0xCA00] =	vst v63  }
0xa6: {  	s1 =	rddreg [dreg:$0x13]  }
0xa7: {  	[tilespmem:s3], [sflag:$0x1] =	stream.linear.gather [hbm4b:s1+s3], $0xC8, $0x38;
	[tilespmem:$0xCA00] =	vst v63  }
0xa8: {  	_ =	swait.ge [sflag:s19], $0x6400  }
0xa9: {  	[sflag:s19] =	ssyncset.done $0x0  }
0xaa: {  	[sflag:s19] =	ssyncadd.s32 $0xFFFF9C00  }
0xab: {  	_ =	swait.ge [sflag:s12], $0xC8  }
0xac: {  	[sflag:s12] =	ssyncset.done $0x0  }
0xad: {  	[sflag:s12] =	ssyncadd.s32 $0xFFFFFF38  }
0xae: {  	_ =	swait.ge [sflag:s7], $0x6400  }
0xaf: {  	[sflag:s7] =	ssyncset.done $0x0  }
0xb0: {  	[sflag:s7] =	ssyncadd.s32 $0xFFFF9C00  }
0xb1: {  	[tilespmem:s6], [sflag:$0x3] =	stream.indirect.gather [hbm4b:s2+s9], $0x80, s3, s9, $0xb8;
	[tilespmem:$0xCA00] =	vst v63  }
0xb2: {  	s0 =	rddreg [dreg:$0x14]  }
0xb3: {  	[hbm4b:s0+s3] =	stream.linear.scatter [tilespmem:s14], [sflag:$0x6], $0x6400, $0x38;
	[tilespmem:$0xCA00] =	vst v63  }
0xb4: {  	s1 =	rddreg [dreg:$0x15]  }
0xb5: {  	[tilespmem:s17], [sflag:$0x2] =	stream.linear.gather [hbm4b:s1+s3], $0xC8, $0x38;
	[tilespmem:$0xCA00] =	vst v63  }
0xb6: {  	_ =	swait.ge [sflag:s10], $0x6400  }
0xb7: {  	[sflag:s10] =	ssyncset.done $0x0  }
0xb8: {  	[sflag:s10] =	ssyncadd.s32 $0xFFFF9C00  }
0xb9: {  	_ =	swait.ge [sflag:s22], $0xC8  }
0xba: {  	[sflag:s22] =	ssyncset.done $0x0  }
0xbb: {  	[sflag:s22] =	ssyncadd.s32 $0xFFFFFF38  }
0xbc: {  	_ =	swait.ge [sflag:s11], $0x6400  }
0xbd: {  	[sflag:s11] =	ssyncset.done $0x0  }
0xbe: {  	[sflag:s11] =	ssyncadd.s32 $0xFFFF9C00  }
0xbf: {  	[tilespmem:s14], [sflag:$0x4] =	stream.indirect.gather [hbm4b:s2+s9], $0x80, s17, s9, $0xb8;
	[tilespmem:$0xCA00] =	vst v63  }
0xc0: {  	s0 =	rddreg [dreg:$0x16]  }
0xc1: {  	[hbm4b:s0+s3] =	stream.linear.scatter [tilespmem:s6], [sflag:$0x5], $0x6400, $0x38;
	[tilespmem:$0xCA00] =	vst v63  }
0xc2: {  	s1 =	rddreg [dreg:$0x17]  }
0xc3: {  	[tilespmem:s3], [sflag:$0x1] =	stream.linear.gather [hbm4b:s1+s3], $0xC8, $0x38;
	[tilespmem:$0xCA00] =	vst v63  }
0xc4: {  	_ =	swait.ge [sflag:s19], $0x6400  }
0xc5: {  	[sflag:s19] =	ssyncset.done $0x0  }
0xc6: {  	[sflag:s19] =	ssyncadd.s32 $0xFFFF9C00  }
0xc7: {  	_ =	swait.ge [sflag:s12], $0xC8  }
0xc8: {  	[sflag:s12] =	ssyncset.done $0x0  }
0xc9: {  	[sflag:s12] =	ssyncadd.s32 $0xFFFFFF38  }
0xca: {  	_ =	swait.ge [sflag:s7], $0x6400  }
0xcb: {  	[sflag:s7] =	ssyncset.done $0x0  }
0xcc: {  	[sflag:s7] =	ssyncadd.s32 $0xFFFF9C00  }
0xcd: {  	[tilespmem:s6], [sflag:$0x3] =	stream.indirect.gather [hbm4b:s2+s9], $0x80, s3, s9, $0xb8;
	[tilespmem:$0xCA00] =	vst v63  }
0xce: {  	s0 =	rddreg [dreg:$0x18]  }
0xcf: {  	[hbm4b:s0+s3] =	stream.linear.scatter [tilespmem:s14], [sflag:$0x6], $0x6400, $0x38;
	[tilespmem:$0xCA00] =	vst v63  }
0xd0: {  	s1 =	rddreg [dreg:$0x19]  }
0xd1: {  	[tilespmem:s17], [sflag:$0x2] =	stream.linear.gather [hbm4b:s1+s3], $0xC8, $0x38;
	[tilespmem:$0xCA00] =	vst v63  }
0xd2: {  	_ =	swait.ge [sflag:s10], $0x6400  }
0xd3: {  	[sflag:s10] =	ssyncset.done $0x0  }
0xd4: {  	[sflag:s10] =	ssyncadd.s32 $0xFFFF9C00  }
0xd5: {  	_ =	swait.ge [sflag:s22], $0xC8  }
0xd6: {  	[sflag:s22] =	ssyncset.done $0x0  }
0xd7: {  	[sflag:s22] =	ssyncadd.s32 $0xFFFFFF38  }
0xd8: {  	_ =	swait.ge [sflag:s11], $0x6400  }
0xd9: {  	[sflag:s11] =	ssyncset.done $0x0  }
0xda: {  	[sflag:s11] =	ssyncadd.s32 $0xFFFF9C00  }
0xdb: {  	[tilespmem:s14], [sflag:$0x4] =	stream.indirect.gather [hbm4b:s2+s9], $0x80, s17, s9, $0xb8;
	[tilespmem:$0xCA00] =	vst v63  }
0xdc: {  	s0 =	rddreg [dreg:$0x1a]  }
0xdd: {  	[hbm4b:s0+s3] =	stream.linear.scatter [tilespmem:s6], [sflag:$0x5], $0x6400, $0x38;
	[tilespmem:$0xCA00] =	vst v63  }
0xde: {  	s1 =	rddreg [dreg:$0x1b]  }
0xdf: {  	[tilespmem:s3], [sflag:$0x1] =	stream.linear.gather [hbm4b:s1+s3], $0xC8, $0x38;
	[tilespmem:$0xCA00] =	vst v63  }
0xe0: {  	_ =	swait.ge [sflag:s19], $0x6400  }
0xe1: {  	[sflag:s19] =	ssyncset.done $0x0  }
0xe2: {  	[sflag:s19] =	ssyncadd.s32 $0xFFFF9C00  }
0xe3: {  	_ =	swait.ge [sflag:s12], $0xC8  }
0xe4: {  	[sflag:s12] =	ssyncset.done $0x0  }
0xe5: {  	[sflag:s12] =	ssyncadd.s32 $0xFFFFFF38  }
0xe6: {  	_ =	swait.ge [sflag:s7], $0x6400  }
0xe7: {  	[sflag:s7] =	ssyncset.done $0x0  }
0xe8: {  	[sflag:s7] =	ssyncadd.s32 $0xFFFF9C00  }
0xe9: {  	[tilespmem:s6], [sflag:$0x3] =	stream.indirect.gather [hbm4b:s2+s9], $0x80, s3, s9, $0xb8;
	[tilespmem:$0xCA00] =	vst v63  }
0xea: {  	s0 =	rddreg [dreg:$0x1c]  }
0xeb: {  	[hbm4b:s0+s3] =	stream.linear.scatter [tilespmem:s14], [sflag:$0x6], $0x6400, $0x38;
	[tilespmem:$0xCA00] =	vst v63  }
0xec: {  	s1 =	rddreg [dreg:$0x1d]  }
0xed: {  	[tilespmem:s17], [sflag:$0x2] =	stream.linear.gather [hbm4b:s1+s3], $0xC8, $0x38;
	[tilespmem:$0xCA00] =	vst v63  }
0xee: {  	_ =	swait.ge [sflag:s10], $0x6400  }
0xef: {  	[sflag:s10] =	ssyncset.done $0x0  }
0xf0: {  	[sflag:s10] =	ssyncadd.s32 $0xFFFF9C00  }
0xf1: {  	_ =	swait.ge [sflag:s22], $0xC8  }
0xf2: {  	[sflag:s22] =	ssyncset.done $0x0  }
0xf3: {  	[sflag:s22] =	ssyncadd.s32 $0xFFFFFF38  }
0xf4: {  	_ =	swait.ge [sflag:s11], $0x6400  }
0xf5: {  	[sflag:s11] =	ssyncset.done $0x0  }
0xf6: {  	[sflag:s11] =	ssyncadd.s32 $0xFFFF9C00  }
0xf7: {  	[tilespmem:s14], [sflag:$0x4] =	stream.indirect.gather [hbm4b:s2+s9], $0x80, s17, s9, $0xb8;
	[tilespmem:$0xCA00] =	vst v63  }
0xf8: {  	s0 =	rddreg [dreg:$0x1e]  }
0xf9: {  	[hbm4b:s0+s3] =	stream.linear.scatter [tilespmem:s6], [sflag:$0x5], $0x6400, $0x38;
	[tilespmem:$0xCA00] =	vst v63  }
0xfa: {  	s1 =	rddreg [dreg:$0x1f]  }
0xfb: {  	[tilespmem:s3], [sflag:$0x1] =	stream.linear.gather [hbm4b:s1+s3], $0xC8, $0x38;
	[tilespmem:$0xCA00] =	vst v63  }
0xfc: {  	_ =	swait.ge [sflag:s19], $0x6400  }
0xfd: {  	[sflag:s19] =	ssyncset.done $0x0  }
0xfe: {  	[sflag:s19] =	ssyncadd.s32 $0xFFFF9C00  }
0xff: {  	_ =	swait.ge [sflag:s12], $0xC8  }
0x100: {  	[sflag:s12] =	ssyncset.done $0x0  }
0x101: {  	[sflag:s12] =	ssyncadd.s32 $0xFFFFFF38  }
0x102: {  	_ =	swait.ge [sflag:s7], $0x6400  }
0x103: {  	[sflag:s7] =	ssyncset.done $0x0  }
0x104: {  	s0 =	sld [smem:$0x7F9];
	[sflag:s7] =	ssyncadd.s32 $0xFFFF9C00  }
0x105: {  	[tilespmem:s6], [sflag:$0x3] =	stream.indirect.gather [hbm4b:s2+s9], $0x80, s3, s9, $0xb8;
	[tilespmem:$0xCA00] =	vst v63  }
0x106: {  	s1 =	sld [smem:$0x7FA]  }
0x107: {  	[hbm4b:s0+s3] =	stream.linear.scatter [tilespmem:s14], [sflag:$0x6], $0x6400, $0x38;
	[tilespmem:$0xCA00] =	vst v63  }
0x108: {  	_ = 	snop  }
0x109: {  	[tilespmem:s17], [sflag:$0x2] =	stream.linear.gather [hbm4b:s1+s3], $0xC8, $0x38;
	[tilespmem:$0xCA00] =	vst v63  }
0x10a: {  	_ =	swait.ge [sflag:s10], $0x6400  }
0x10b: {  	[sflag:s10] =	ssyncset.done $0x0  }
0x10c: {  	[sflag:s10] =	ssyncadd.s32 $0xFFFF9C00  }
0x10d: {  	_ =	swait.ge [sflag:s22], $0xC8  }
0x10e: {  	[sflag:s22] =	ssyncset.done $0x0  }
0x10f: {  	[sflag:s22] =	ssyncadd.s32 $0xFFFFFF38  }
0x110: {  	_ =	swait.ge [sflag:s11], $0x6400  }
0x111: {  	[sflag:s11] =	ssyncset.done $0x0  }
0x112: {  	s0 =	sld [smem:$0x7FB];
	[sflag:s11] =	ssyncadd.s32 $0xFFFF9C00  }
0x113: {  	[tilespmem:s14], [sflag:$0x4] =	stream.indirect.gather [hbm4b:s2+s9], $0x80, s17, s9, $0xb8;
	[tilespmem:$0xCA00] =	vst v63  }
0x114: {  	s1 =	sld [smem:$0x7FC]  }
0x115: {  	[hbm4b:s0+s3] =	stream.linear.scatter [tilespmem:s6], [sflag:$0x5], $0x6400, $0x38;
	[tilespmem:$0xCA00] =	vst v63  }
0x116: {  	_ = 	snop  }
0x117: {  	[tilespmem:s3], [sflag:$0x1] =	stream.linear.gather [hbm4b:s1+s3], $0xC8, $0x38;
	[tilespmem:$0xCA00] =	vst v63  }
0x118: {  	_ =	swait.ge [sflag:s19], $0x6400  }
0x119: {  	[sflag:s19] =	ssyncset.done $0x0  }
0x11a: {  	[sflag:s19] =	ssyncadd.s32 $0xFFFF9C00  }
0x11b: {  	_ =	swait.ge [sflag:s12], $0xC8  }
0x11c: {  	[sflag:s12] =	ssyncset.done $0x0  }
0x11d: {  	[sflag:s12] =	ssyncadd.s32 $0xFFFFFF38  }
0x11e: {  	_ =	swait.ge [sflag:s7], $0x6400  }
0x11f: {  	[sflag:s7] =	ssyncset.done $0x0  }
0x120: {  	s1 =	sld [smem:$0x7FD];
	[sflag:s7] =	ssyncadd.s32 $0xFFFF9C00  }
0x121: {  	[tilespmem:s6], [sflag:$0x3] =	stream.indirect.gather [hbm4b:s2+s9], $0x80, s3, s9, $0xb8;
	[tilespmem:$0xCA00] =	vst v63  }
0x122: {  	_ = 	snop  }
0x123: {  	[hbm4b:s1+s3] =	stream.linear.scatter [tilespmem:s14], [sflag:$0x6], $0x6400, $0x38;
	[tilespmem:$0xCA00] =	vst v63  }
0x124: {  	_ = 	snop  }
0x125: {  	[tilespmem:s17], [sflag:$0x2] =	stream.linear.gather [hbm4b:s31+s3], $0xC8, $0x38;
	[tilespmem:$0xCA00] =	vst v63  }
0x126: {  	_ =	swait.ge [sflag:s10], $0x6400  }
0x127: {  	[sflag:s10] =	ssyncset.done $0x0  }
0x128: {  	[sflag:s10] =	ssyncadd.s32 $0xFFFF9C00  }
0x129: {  	_ =	swait.ge [sflag:s22], $0xC8  }
0x12a: {  	[sflag:s22] =	ssyncset.done $0x0  }
0x12b: {  	[sflag:s22] =	ssyncadd.s32 $0xFFFFFF38  }
0x12c: {  	_ =	swait.ge [sflag:s11], $0x6400  }
0x12d: {  	[sflag:s11] =	ssyncset.done $0x0  }
0x12e: {  	[sflag:s11] =	ssyncadd.s32 $0xFFFF9C00  }
0x12f: {  	[tilespmem:s14], [sflag:$0x4] =	stream.indirect.gather [hbm4b:s2+s9], $0x80, s17, s9, $0xb8;
	[tilespmem:$0xCA00] =	vst v63  }
0x130: {  	_ = 	snop  }
0x131: {  	[hbm4b:s29+s3] =	stream.linear.scatter [tilespmem:s6], [sflag:$0x5], $0x6400, $0x38;
	[tilespmem:$0xCA00] =	vst v63  }
0x132: {  	_ = 	snop  }
0x133: {  	[tilespmem:s3], [sflag:$0x1] =	stream.linear.gather [hbm4b:s30+s3], $0xC8, $0x38;
	[tilespmem:$0xCA00] =	vst v63  }
0x134: {  	_ =	swait.ge [sflag:s19], $0x6400  }
0x135: {  	[sflag:s19] =	ssyncset.done $0x0  }
0x136: {  	[sflag:s19] =	ssyncadd.s32 $0xFFFF9C00  }
0x137: {  	_ =	swait.ge [sflag:s12], $0xC8  }
0x138: {  	[sflag:s12] =	ssyncset.done $0x0  }
0x139: {  	[sflag:s12] =	ssyncadd.s32 $0xFFFFFF38  }
0x13a: {  	_ =	swait.ge [sflag:s7], $0x6400  }
0x13b: {  	[sflag:s7] =	ssyncset.done $0x0  }
0x13c: {  	[sflag:s7] =	ssyncadd.s32 $0xFFFF9C00  }
0x13d: {  	[tilespmem:s6], [sflag:$0x3] =	stream.indirect.gather [hbm4b:s2+s9], $0x80, s3, s9, $0xb8;
	[tilespmem:$0xCA00] =	vst v63  }
0x13e: {  	_ = 	snop  }
0x13f: {  	[hbm4b:s26+s3] =	stream.linear.scatter [tilespmem:s14], [sflag:$0x6], $0x6400, $0x38;
	[tilespmem:$0xCA00] =	vst v63  }
0x140: {  	_ = 	snop  }
0x141: {  	[tilespmem:s17], [sflag:$0x2] =	stream.linear.gather [hbm4b:s28+s3], $0xC8, $0x38;
	[tilespmem:$0xCA00] =	vst v63  }
0x142: {  	_ =	swait.ge [sflag:s10], $0x6400  }
0x143: {  	[sflag:s10] =	ssyncset.done $0x0  }
0x144: {  	[sflag:s10] =	ssyncadd.s32 $0xFFFF9C00  }
0x145: {  	_ =	swait.ge [sflag:s22], $0xC8  }
0x146: {  	[sflag:s22] =	ssyncset.done $0x0  }
0x147: {  	[sflag:s22] =	ssyncadd.s32 $0xFFFFFF38  }
0x148: {  	_ =	swait.ge [sflag:s11], $0x6400  }
0x149: {  	[sflag:s11] =	ssyncset.done $0x0  }
0x14a: {  	[sflag:s11] =	ssyncadd.s32 $0xFFFF9C00  }
0x14b: {  	[tilespmem:s14], [sflag:$0x4] =	stream.indirect.gather [hbm4b:s2+s9], $0x80, s17, s9, $0xb8;
	[tilespmem:$0xCA00] =	vst v63  }
0x14c: {  	_ = 	snop  }
0x14d: {  	[hbm4b:s24+s3] =	stream.linear.scatter [tilespmem:s6], [sflag:$0x5], $0x6400, $0x38;
	[tilespmem:$0xCA00] =	vst v63  }
0x14e: {  	_ = 	snop  }
0x14f: {  	[tilespmem:s3], [sflag:$0x1] =	stream.linear.gather [hbm4b:s25+s3], $0xC8, $0x38;
	[tilespmem:$0xCA00] =	vst v63  }
0x150: {  	_ =	swait.ge [sflag:s19], $0x6400  }
0x151: {  	[sflag:s19] =	ssyncset.done $0x0  }
0x152: {  	[sflag:s19] =	ssyncadd.s32 $0xFFFF9C00  }
0x153: {  	_ =	swait.ge [sflag:s12], $0xC8  }
0x154: {  	[sflag:s12] =	ssyncset.done $0x0  }
0x155: {  	[sflag:s12] =	ssyncadd.s32 $0xFFFFFF38  }
0x156: {  	_ =	swait.ge [sflag:s7], $0x6400  }
0x157: {  	[sflag:s7] =	ssyncset.done $0x0  }
0x158: {  	[sflag:s7] =	ssyncadd.s32 $0xFFFF9C00  }
0x159: {  	[tilespmem:s6], [sflag:$0x3] =	stream.indirect.gather [hbm4b:s2+s9], $0x80, s3, s9, $0xb8;
	[tilespmem:$0xCA00] =	vst v63  }
0x15a: {  	_ = 	snop  }
0x15b: {  	[hbm4b:s21+s3] =	stream.linear.scatter [tilespmem:s14], [sflag:$0x6], $0x6400, $0x38;
	[tilespmem:$0xCA00] =	vst v63  }
0x15c: {  	_ = 	snop  }
0x15d: {  	[tilespmem:s17], [sflag:$0x2] =	stream.linear.gather [hbm4b:s23+s3], $0xC8, $0x38;
	[tilespmem:$0xCA00] =	vst v63  }
0x15e: {  	_ =	swait.ge [sflag:s10], $0x6400  }
0x15f: {  	[sflag:s10] =	ssyncset.done $0x0  }
0x160: {  	[sflag:s10] =	ssyncadd.s32 $0xFFFF9C00  }
0x161: {  	_ =	swait.ge [sflag:s22], $0xC8  }
0x162: {  	[sflag:s22] =	ssyncset.done $0x0  }
0x163: {  	[sflag:s22] =	ssyncadd.s32 $0xFFFFFF38  }
0x164: {  	_ =	swait.ge [sflag:s11], $0x6400  }
0x165: {  	[sflag:s11] =	ssyncset.done $0x0  }
0x166: {  	[sflag:s11] =	ssyncadd.s32 $0xFFFF9C00  }
0x167: {  	[tilespmem:s14], [sflag:$0x4] =	stream.indirect.gather [hbm4b:s2+s9], $0x80, s17, s9, $0xb8;
	[tilespmem:$0xCA00] =	vst v63  }
0x168: {  	_ = 	snop  }
0x169: {  	[hbm4b:s18+s3] =	stream.linear.scatter [tilespmem:s6], [sflag:$0x5], $0x6400, $0x38;
	[tilespmem:$0xCA00] =	vst v63  }
0x16a: {  	_ = 	snop  }
0x16b: {  	[tilespmem:s3], [sflag:$0x1] =	stream.linear.gather [hbm4b:s20+s3], $0xC8, $0x38;
	[tilespmem:$0xCA00] =	vst v63  }
0x16c: {  	_ =	swait.ge [sflag:s19], $0x6400  }
0x16d: {  	[sflag:s19] =	ssyncset.done $0x0  }
0x16e: {  	[sflag:s19] =	ssyncadd.s32 $0xFFFF9C00  }
0x16f: {  	_ =	swait.ge [sflag:s12], $0xC8  }
0x170: {  	[sflag:s12] =	ssyncset.done $0x0  }
0x171: {  	[sflag:s12] =	ssyncadd.s32 $0xFFFFFF38  }
0x172: {  	_ =	swait.ge [sflag:s7], $0x6400  }
0x173: {  	[sflag:s7] =	ssyncset.done $0x0  }
0x174: {  	[sflag:s7] =	ssyncadd.s32 $0xFFFF9C00  }
0x175: {  	[tilespmem:s6], [sflag:$0x3] =	stream.indirect.gather [hbm4b:s2+s9], $0x80, s3, s9, $0xb8;
	[tilespmem:$0xCA00] =	vst v63  }
0x176: {  	_ = 	snop  }
0x177: {  	[hbm4b:s15+s3] =	stream.linear.scatter [tilespmem:s14], [sflag:$0x6], $0x6400, $0x38;
	[tilespmem:$0xCA00] =	vst v63  }
0x178: {  	_ = 	snop  }
0x179: {  	[tilespmem:s17], [sflag:$0x2] =	stream.linear.gather [hbm4b:s16+s3], $0xC8, $0x38;
	[tilespmem:$0xCA00] =	vst v63  }
0x17a: {  	_ =	swait.ge [sflag:s10], $0x6400  }
0x17b: {  	[sflag:s10] =	ssyncset.done $0x0  }
0x17c: {  	[sflag:s10] =	ssyncadd.s32 $0xFFFF9C00  }
0x17d: {  	_ =	swait.ge [sflag:s22], $0xC8  }
0x17e: {  	[sflag:s22] =	ssyncset.done $0x0  }
0x17f: {  	[sflag:s22] =	ssyncadd.s32 $0xFFFFFF38  }
0x180: {  	_ =	swait.ge [sflag:s11], $0x6400  }
0x181: {  	[sflag:s11] =	ssyncset.done $0x0  }
0x182: {  	[sflag:s11] =	ssyncadd.s32 $0xFFFF9C00  }
0x183: {  	[tilespmem:s14], [sflag:$0x4] =	stream.indirect.gather [hbm4b:s2+s9], $0x80, s17, s9, $0xb8;
	[tilespmem:$0xCA00] =	vst v63  }
0x184: {  	_ = 	snop  }
0x185: {  	[hbm4b:s8+s3] =	stream.linear.scatter [tilespmem:s6], [sflag:$0x5], $0x6400, $0x38;
	[tilespmem:$0xCA00] =	vst v63  }
0x186: {  	_ = 	snop  }
0x187: {  	[tilespmem:s3], [sflag:$0x1] =	stream.linear.gather [hbm4b:s13+s3], $0xC8, $0x38;
	[tilespmem:$0xCA00] =	vst v63  }
0x188: {  	_ =	swait.ge [sflag:s19], $0x6400  }
0x189: {  	[sflag:s19] =	ssyncset.done $0x0  }
0x18a: {  	[sflag:s19] =	ssyncadd.s32 $0xFFFF9C00  }
0x18b: {  	_ =	swait.ge [sflag:s12], $0xC8  }
0x18c: {  	[sflag:s12] =	ssyncset.done $0x0  }
0x18d: {  	[sflag:s12] =	ssyncadd.s32 $0xFFFFFF38  }
0x18e: {  	_ =	swait.ge [sflag:s7], $0x6400  }
0x18f: {  	[sflag:s7] =	ssyncset.done $0x0  }
0x190: {  	[sflag:s7] =	ssyncadd.s32 $0xFFFF9C00  }
0x191: {  	[tilespmem:s6], [sflag:$0x3] =	stream.indirect.gather [hbm4b:s2+s9], $0x80, s3, s9, $0xb8;
	[tilespmem:$0xCA00] =	vst v63  }
0x192: {  	_ = 	snop  }
0x193: {  	[hbm4b:s5+s3] =	stream.linear.scatter [tilespmem:s14], [sflag:$0x6], $0x6400, $0x38;
	[tilespmem:$0xCA00] =	vst v63  }
0x194: {  	_ =	swait.ge [sflag:s10], $0x6400  }
0x195: {  	[sflag:s10] =	ssyncset.done $0x0  }
0x196: {  	[sflag:s10] =	ssyncadd.s32 $0xFFFF9C00  }
0x197: {  	[hbm4b:s4+s3] =	stream.linear.scatter [tilespmem:s6], [sflag:$0x5], $0x6400, $0x38;
	[tilespmem:$0xCA00] =	vst v63  }
0x198: {  	_ =	swait.ge [sflag:s11], $0x6400  }
0x199: {  	s1 =	sld [smem:$0x7F7];
	_ =	sdelay $0x2  }
0x19a: {  	p1 =	sne.s32 s1, $0x1  }
.Ltmp1:
0x19b: {  	[sflag:s11] =	ssyncset.done $0x0;
	(pc) =	sbr.rel @!p1 .LBB2_3-.Ltmp1, $4  }
0x19c: {  	[sflag:s11] =	ssyncadd.s32 $0xFFFF9C00  }
0x19d: {  	_ =	swait.ge [sflag:s7], $0x6400  }
0x19e: {  	p0 =	por $0x1, $0x1;
	s0 =	rddreg [dreg:$0x4]  }
0x19f: {  	s1 =	sadd.s32 $0xFFFFFFFF, s1;
	[sflag:s7] =	ssyncset.done $0x0;
	[smem:$0x7F8] =	sst s31  }
.LBB2_2:
0x1a0: {  	[sflag:s7] =	ssyncadd.s32 $0xFFFF9C00;
	s31 =	smov.u32 s30;
	s30 =	smov.u32 s29  }
0x1a1: {  	s29 =	smov.u32 s28;
	s28 =	smov.u32 s26;
	s26 =	smov.u32 s25  }
0x1a2: {  	s25 =	smov.u32 s24;
	s24 =	smov.u32 s23;
	s23 =	smov.u32 s21  }
0x1a3: {  	s21 =	smov.u32 s20;
	s20 =	smov.u32 s18;
	s18 =	smov.u32 s16  }
0x1a4: {  	s16 =	smov.u32 s15;
	s15 =	smov.u32 s13;
	s13 =	smov.u32 s8  }
0x1a5: {  	[tilespmem:s3], [sflag:$0x1] =	stream.linear.gather [hbm4b:s0+s3], $0xC8, $0x38;
	[tilespmem:$0xCA00] =	vst v63  }
0x1a6: {  	s8 =	smov.u32 s5;
	s5 =	smov.u32 s4;
	s4 =	rddreg [dreg:$0x5]  }
0x1a7: {  	[tilespmem:s17], [sflag:$0x2] =	stream.linear.gather [hbm4b:s4+s3], $0xC8, $0x38;
	[tilespmem:$0xCA00] =	vst v63  }
0x1a8: {  	_ =	swait.ge [sflag:s12], $0xC8  }
0x1a9: {  	[sflag:s12] =	ssyncset.done $0x0  }
0x1aa: {  	[sflag:s12] =	ssyncadd.s32 $0xFFFFFF38  }
0x1ab: {  	[tilespmem:s6], [sflag:$0x3] =	stream.indirect.gather [hbm4b:s2+s9], $0x80, s3, s9, $0xb8;
	[tilespmem:$0xCA00] =	vst v63  }
0x1ac: {  	_ =	swait.ge [sflag:s10], $0x6400  }
0x1ad: {  	[sflag:s10] =	ssyncset.done $0x0  }
0x1ae: {  	[sflag:s10] =	ssyncadd.s32 $0xFFFF9C00  }
0x1af: {  	_ =	swait.ge [sflag:s22], $0xC8  }
0x1b0: {  	[sflag:s22] =	ssyncset.done $0x0  }
0x1b1: {  	[sflag:s22] =	ssyncadd.s32 $0xFFFFFF38  }
0x1b2: {  	[tilespmem:s14], [sflag:$0x4] =	stream.indirect.gather [hbm4b:s2+s9], $0x80, s17, s9, $0xb8;
	[tilespmem:$0xCA00] =	vst v63  }
0x1b3: {  	s0 =	rddreg [dreg:$0x6]  }
0x1b4: {  	[hbm4b:s0+s3] =	stream.linear.scatter [tilespmem:s6], [sflag:$0x5], $0x6400, $0x38;
	[tilespmem:$0xCA00] =	vst v63  }
0x1b5: {  	s4 =	rddreg [dreg:$0x7]  }
0x1b6: {  	[tilespmem:s3], [sflag:$0x1] =	stream.linear.gather [hbm4b:s4+s3], $0xC8, $0x38;
	[tilespmem:$0xCA00] =	vst v63  }
0x1b7: {  	_ =	swait.ge [sflag:s19], $0x6400  }
0x1b8: {  	[sflag:s19] =	ssyncset.done $0x0  }
0x1b9: {  	[sflag:s19] =	ssyncadd.s32 $0xFFFF9C00  }
0x1ba: {  	_ =	swait.ge [sflag:s12], $0xC8  }
0x1bb: {  	[sflag:s12] =	ssyncset.done $0x0  }
0x1bc: {  	[sflag:s12] =	ssyncadd.s32 $0xFFFFFF38  }
0x1bd: {  	_ =	swait.ge [sflag:s7], $0x6400  }
0x1be: {  	[sflag:s7] =	ssyncset.done $0x0  }
0x1bf: {  	[sflag:s7] =	ssyncadd.s32 $0xFFFF9C00  }
0x1c0: {  	[tilespmem:s6], [sflag:$0x3] =	stream.indirect.gather [hbm4b:s2+s9], $0x80, s3, s9, $0xb8;
	[tilespmem:$0xCA00] =	vst v63  }
0x1c1: {  	s0 =	rddreg [dreg:$0x8]  }
0x1c2: {  	[hbm4b:s0+s3] =	stream.linear.scatter [tilespmem:s14], [sflag:$0x6], $0x6400, $0x38;
	[tilespmem:$0xCA00] =	vst v63  }
0x1c3: {  	s4 =	rddreg [dreg:$0x9]  }
0x1c4: {  	[tilespmem:s17], [sflag:$0x2] =	stream.linear.gather [hbm4b:s4+s3], $0xC8, $0x38;
	[tilespmem:$0xCA00] =	vst v63  }
0x1c5: {  	_ =	swait.ge [sflag:s10], $0x6400  }
0x1c6: {  	[sflag:s10] =	ssyncset.done $0x0  }
0x1c7: {  	[sflag:s10] =	ssyncadd.s32 $0xFFFF9C00  }
0x1c8: {  	_ =	swait.ge [sflag:s22], $0xC8  }
0x1c9: {  	[sflag:s22] =	ssyncset.done $0x0  }
0x1ca: {  	[sflag:s22] =	ssyncadd.s32 $0xFFFFFF38  }
0x1cb: {  	_ =	swait.ge [sflag:s11], $0x6400  }
0x1cc: {  	[sflag:s11] =	ssyncset.done $0x0  }
0x1cd: {  	[sflag:s11] =	ssyncadd.s32 $0xFFFF9C00  }
0x1ce: {  	[tilespmem:s14], [sflag:$0x4] =	stream.indirect.gather [hbm4b:s2+s9], $0x80, s17, s9, $0xb8;
	[tilespmem:$0xCA00] =	vst v63  }
0x1cf: {  	s0 =	rddreg [dreg:$0xa]  }
0x1d0: {  	[hbm4b:s0+s3] =	stream.linear.scatter [tilespmem:s6], [sflag:$0x5], $0x6400, $0x38;
	[tilespmem:$0xCA00] =	vst v63  }
0x1d1: {  	s4 =	rddreg [dreg:$0xb]  }
0x1d2: {  	[tilespmem:s3], [sflag:$0x1] =	stream.linear.gather [hbm4b:s4+s3], $0xC8, $0x38;
	[tilespmem:$0xCA00] =	vst v63  }
0x1d3: {  	_ =	swait.ge [sflag:s19], $0x6400  }
0x1d4: {  	[sflag:s19] =	ssyncset.done $0x0  }
0x1d5: {  	[sflag:s19] =	ssyncadd.s32 $0xFFFF9C00  }
0x1d6: {  	_ =	swait.ge [sflag:s12], $0xC8  }
0x1d7: {  	[sflag:s12] =	ssyncset.done $0x0  }
0x1d8: {  	[sflag:s12] =	ssyncadd.s32 $0xFFFFFF38  }
0x1d9: {  	_ =	swait.ge [sflag:s7], $0x6400  }
0x1da: {  	[sflag:s7] =	ssyncset.done $0x0  }
0x1db: {  	[sflag:s7] =	ssyncadd.s32 $0xFFFF9C00  }
0x1dc: {  	[tilespmem:s6], [sflag:$0x3] =	stream.indirect.gather [hbm4b:s2+s9], $0x80, s3, s9, $0xb8;
	[tilespmem:$0xCA00] =	vst v63  }
0x1dd: {  	s0 =	rddreg [dreg:$0xc]  }
0x1de: {  	[hbm4b:s0+s3] =	stream.linear.scatter [tilespmem:s14], [sflag:$0x6], $0x6400, $0x38;
	[tilespmem:$0xCA00] =	vst v63  }
0x1df: {  	s4 =	rddreg [dreg:$0xd]  }
0x1e0: {  	[tilespmem:s17], [sflag:$0x2] =	stream.linear.gather [hbm4b:s4+s3], $0xC8, $0x38;
	[tilespmem:$0xCA00] =	vst v63  }
0x1e1: {  	_ =	swait.ge [sflag:s10], $0x6400  }
0x1e2: {  	[sflag:s10] =	ssyncset.done $0x0  }
0x1e3: {  	[sflag:s10] =	ssyncadd.s32 $0xFFFF9C00  }
0x1e4: {  	_ =	swait.ge [sflag:s22], $0xC8  }
0x1e5: {  	[sflag:s22] =	ssyncset.done $0x0  }
0x1e6: {  	[sflag:s22] =	ssyncadd.s32 $0xFFFFFF38  }
0x1e7: {  	_ =	swait.ge [sflag:s11], $0x6400  }
0x1e8: {  	[sflag:s11] =	ssyncset.done $0x0  }
0x1e9: {  	[sflag:s11] =	ssyncadd.s32 $0xFFFF9C00  }
0x1ea: {  	[tilespmem:s14], [sflag:$0x4] =	stream.indirect.gather [hbm4b:s2+s9], $0x80, s17, s9, $0xb8;
	[tilespmem:$0xCA00] =	vst v63  }
0x1eb: {  	s0 =	rddreg [dreg:$0xe]  }
0x1ec: {  	[hbm4b:s0+s3] =	stream.linear.scatter [tilespmem:s6], [sflag:$0x5], $0x6400, $0x38;
	[tilespmem:$0xCA00] =	vst v63  }
0x1ed: {  	s4 =	rddreg [dreg:$0xf]  }
0x1ee: {  	[tilespmem:s3], [sflag:$0x1] =	stream.linear.gather [hbm4b:s4+s3], $0xC8, $0x38;
	[tilespmem:$0xCA00] =	vst v63  }
0x1ef: {  	_ =	swait.ge [sflag:s19], $0x6400  }
0x1f0: {  	[sflag:s19] =	ssyncset.done $0x0  }
0x1f1: {  	[sflag:s19] =	ssyncadd.s32 $0xFFFF9C00  }
0x1f2: {  	_ =	swait.ge [sflag:s12], $0xC8  }
0x1f3: {  	[sflag:s12] =	ssyncset.done $0x0  }
0x1f4: {  	[sflag:s12] =	ssyncadd.s32 $0xFFFFFF38  }
0x1f5: {  	_ =	swait.ge [sflag:s7], $0x6400  }
0x1f6: {  	[sflag:s7] =	ssyncset.done $0x0  }
0x1f7: {  	[sflag:s7] =	ssyncadd.s32 $0xFFFF9C00  }
0x1f8: {  	[tilespmem:s6], [sflag:$0x3] =	stream.indirect.gather [hbm4b:s2+s9], $0x80, s3, s9, $0xb8;
	[tilespmem:$0xCA00] =	vst v63  }
0x1f9: {  	s0 =	rddreg [dreg:$0x10]  }
0x1fa: {  	[hbm4b:s0+s3] =	stream.linear.scatter [tilespmem:s14], [sflag:$0x6], $0x6400, $0x38;
	[tilespmem:$0xCA00] =	vst v63  }
0x1fb: {  	s4 =	rddreg [dreg:$0x11]  }
0x1fc: {  	[tilespmem:s17], [sflag:$0x2] =	stream.linear.gather [hbm4b:s4+s3], $0xC8, $0x38;
	[tilespmem:$0xCA00] =	vst v63  }
0x1fd: {  	_ =	swait.ge [sflag:s10], $0x6400  }
0x1fe: {  	[sflag:s10] =	ssyncset.done $0x0  }
0x1ff: {  	[sflag:s10] =	ssyncadd.s32 $0xFFFF9C00  }
0x200: {  	_ =	swait.ge [sflag:s22], $0xC8  }
0x201: {  	[sflag:s22] =	ssyncset.done $0x0  }
0x202: {  	[sflag:s22] =	ssyncadd.s32 $0xFFFFFF38  }
0x203: {  	_ =	swait.ge [sflag:s11], $0x6400  }
0x204: {  	[sflag:s11] =	ssyncset.done $0x0  }
0x205: {  	[sflag:s11] =	ssyncadd.s32 $0xFFFF9C00  }
0x206: {  	[tilespmem:s14], [sflag:$0x4] =	stream.indirect.gather [hbm4b:s2+s9], $0x80, s17, s9, $0xb8;
	[tilespmem:$0xCA00] =	vst v63  }
0x207: {  	s0 =	rddreg [dreg:$0x12]  }
0x208: {  	[hbm4b:s0+s3] =	stream.linear.scatter [tilespmem:s6], [sflag:$0x5], $0x6400, $0x38;
	[tilespmem:$0xCA00] =	vst v63  }
0x209: {  	s4 =	rddreg [dreg:$0x13]  }
0x20a: {  	[tilespmem:s3], [sflag:$0x1] =	stream.linear.gather [hbm4b:s4+s3], $0xC8, $0x38;
	[tilespmem:$0xCA00] =	vst v63  }
0x20b: {  	_ =	swait.ge [sflag:s19], $0x6400  }
0x20c: {  	[sflag:s19] =	ssyncset.done $0x0  }
0x20d: {  	[sflag:s19] =	ssyncadd.s32 $0xFFFF9C00  }
0x20e: {  	_ =	swait.ge [sflag:s12], $0xC8  }
0x20f: {  	[sflag:s12] =	ssyncset.done $0x0  }
0x210: {  	[sflag:s12] =	ssyncadd.s32 $0xFFFFFF38  }
0x211: {  	_ =	swait.ge [sflag:s7], $0x6400  }
0x212: {  	[sflag:s7] =	ssyncset.done $0x0  }
0x213: {  	[sflag:s7] =	ssyncadd.s32 $0xFFFF9C00  }
0x214: {  	[tilespmem:s6], [sflag:$0x3] =	stream.indirect.gather [hbm4b:s2+s9], $0x80, s3, s9, $0xb8;
	[tilespmem:$0xCA00] =	vst v63  }
0x215: {  	s0 =	rddreg [dreg:$0x14]  }
0x216: {  	[hbm4b:s0+s3] =	stream.linear.scatter [tilespmem:s14], [sflag:$0x6], $0x6400, $0x38;
	[tilespmem:$0xCA00] =	vst v63  }
0x217: {  	s4 =	rddreg [dreg:$0x15]  }
0x218: {  	[tilespmem:s17], [sflag:$0x2] =	stream.linear.gather [hbm4b:s4+s3], $0xC8, $0x38;
	[tilespmem:$0xCA00] =	vst v63  }
0x219: {  	_ =	swait.ge [sflag:s10], $0x6400  }
0x21a: {  	[sflag:s10] =	ssyncset.done $0x0  }
0x21b: {  	[sflag:s10] =	ssyncadd.s32 $0xFFFF9C00  }
0x21c: {  	_ =	swait.ge [sflag:s22], $0xC8  }
0x21d: {  	[sflag:s22] =	ssyncset.done $0x0  }
0x21e: {  	[sflag:s22] =	ssyncadd.s32 $0xFFFFFF38  }
0x21f: {  	_ =	swait.ge [sflag:s11], $0x6400  }
0x220: {  	[sflag:s11] =	ssyncset.done $0x0  }
0x221: {  	[sflag:s11] =	ssyncadd.s32 $0xFFFF9C00  }
0x222: {  	[tilespmem:s14], [sflag:$0x4] =	stream.indirect.gather [hbm4b:s2+s9], $0x80, s17, s9, $0xb8;
	[tilespmem:$0xCA00] =	vst v63  }
0x223: {  	s0 =	rddreg [dreg:$0x16]  }
0x224: {  	[hbm4b:s0+s3] =	stream.linear.scatter [tilespmem:s6], [sflag:$0x5], $0x6400, $0x38;
	[tilespmem:$0xCA00] =	vst v63  }
0x225: {  	s4 =	rddreg [dreg:$0x17]  }
0x226: {  	[tilespmem:s3], [sflag:$0x1] =	stream.linear.gather [hbm4b:s4+s3], $0xC8, $0x38;
	[tilespmem:$0xCA00] =	vst v63  }
0x227: {  	_ =	swait.ge [sflag:s19], $0x6400  }
0x228: {  	[sflag:s19] =	ssyncset.done $0x0  }
0x229: {  	[sflag:s19] =	ssyncadd.s32 $0xFFFF9C00  }
0x22a: {  	_ =	swait.ge [sflag:s12], $0xC8  }
0x22b: {  	[sflag:s12] =	ssyncset.done $0x0  }
0x22c: {  	[sflag:s12] =	ssyncadd.s32 $0xFFFFFF38  }
0x22d: {  	_ =	swait.ge [sflag:s7], $0x6400  }
0x22e: {  	[sflag:s7] =	ssyncset.done $0x0  }
0x22f: {  	[sflag:s7] =	ssyncadd.s32 $0xFFFF9C00  }
0x230: {  	[tilespmem:s6], [sflag:$0x3] =	stream.indirect.gather [hbm4b:s2+s9], $0x80, s3, s9, $0xb8;
	[tilespmem:$0xCA00] =	vst v63  }
0x231: {  	s0 =	rddreg [dreg:$0x18]  }
0x232: {  	[hbm4b:s0+s3] =	stream.linear.scatter [tilespmem:s14], [sflag:$0x6], $0x6400, $0x38;
	[tilespmem:$0xCA00] =	vst v63  }
0x233: {  	s4 =	rddreg [dreg:$0x19]  }
0x234: {  	[tilespmem:s17], [sflag:$0x2] =	stream.linear.gather [hbm4b:s4+s3], $0xC8, $0x38;
	[tilespmem:$0xCA00] =	vst v63  }
0x235: {  	_ =	swait.ge [sflag:s10], $0x6400  }
0x236: {  	[sflag:s10] =	ssyncset.done $0x0  }
0x237: {  	[sflag:s10] =	ssyncadd.s32 $0xFFFF9C00  }
0x238: {  	_ =	swait.ge [sflag:s22], $0xC8  }
0x239: {  	[sflag:s22] =	ssyncset.done $0x0  }
0x23a: {  	[sflag:s22] =	ssyncadd.s32 $0xFFFFFF38  }
0x23b: {  	_ =	swait.ge [sflag:s11], $0x6400  }
0x23c: {  	[sflag:s11] =	ssyncset.done $0x0  }
0x23d: {  	[sflag:s11] =	ssyncadd.s32 $0xFFFF9C00  }
0x23e: {  	[tilespmem:s14], [sflag:$0x4] =	stream.indirect.gather [hbm4b:s2+s9], $0x80, s17, s9, $0xb8;
	[tilespmem:$0xCA00] =	vst v63  }
0x23f: {  	s0 =	rddreg [dreg:$0x1a]  }
0x240: {  	[hbm4b:s0+s3] =	stream.linear.scatter [tilespmem:s6], [sflag:$0x5], $0x6400, $0x38;
	[tilespmem:$0xCA00] =	vst v63  }
0x241: {  	s4 =	rddreg [dreg:$0x1b]  }
0x242: {  	[tilespmem:s3], [sflag:$0x1] =	stream.linear.gather [hbm4b:s4+s3], $0xC8, $0x38;
	[tilespmem:$0xCA00] =	vst v63  }
0x243: {  	_ =	swait.ge [sflag:s19], $0x6400  }
0x244: {  	[sflag:s19] =	ssyncset.done $0x0  }
0x245: {  	[sflag:s19] =	ssyncadd.s32 $0xFFFF9C00  }
0x246: {  	_ =	swait.ge [sflag:s12], $0xC8  }
0x247: {  	[sflag:s12] =	ssyncset.done $0x0  }
0x248: {  	[sflag:s12] =	ssyncadd.s32 $0xFFFFFF38  }
0x249: {  	_ =	swait.ge [sflag:s7], $0x6400  }
0x24a: {  	[sflag:s7] =	ssyncset.done $0x0  }
0x24b: {  	[sflag:s7] =	ssyncadd.s32 $0xFFFF9C00  }
0x24c: {  	[tilespmem:s6], [sflag:$0x3] =	stream.indirect.gather [hbm4b:s2+s9], $0x80, s3, s9, $0xb8;
	[tilespmem:$0xCA00] =	vst v63  }
0x24d: {  	s0 =	rddreg [dreg:$0x1c]  }
0x24e: {  	[hbm4b:s0+s3] =	stream.linear.scatter [tilespmem:s14], [sflag:$0x6], $0x6400, $0x38;
	[tilespmem:$0xCA00] =	vst v63  }
0x24f: {  	s4 =	rddreg [dreg:$0x1d]  }
0x250: {  	[tilespmem:s17], [sflag:$0x2] =	stream.linear.gather [hbm4b:s4+s3], $0xC8, $0x38;
	[tilespmem:$0xCA00] =	vst v63  }
0x251: {  	_ =	swait.ge [sflag:s10], $0x6400  }
0x252: {  	[sflag:s10] =	ssyncset.done $0x0  }
0x253: {  	[sflag:s10] =	ssyncadd.s32 $0xFFFF9C00  }
0x254: {  	_ =	swait.ge [sflag:s22], $0xC8  }
0x255: {  	[sflag:s22] =	ssyncset.done $0x0  }
0x256: {  	[sflag:s22] =	ssyncadd.s32 $0xFFFFFF38  }
0x257: {  	_ =	swait.ge [sflag:s11], $0x6400  }
0x258: {  	[sflag:s11] =	ssyncset.done $0x0  }
0x259: {  	[sflag:s11] =	ssyncadd.s32 $0xFFFF9C00  }
0x25a: {  	[tilespmem:s14], [sflag:$0x4] =	stream.indirect.gather [hbm4b:s2+s9], $0x80, s17, s9, $0xb8;
	[tilespmem:$0xCA00] =	vst v63  }
0x25b: {  	s0 =	rddreg [dreg:$0x1e]  }
0x25c: {  	[hbm4b:s0+s3] =	stream.linear.scatter [tilespmem:s6], [sflag:$0x5], $0x6400, $0x38;
	[tilespmem:$0xCA00] =	vst v63  }
0x25d: {  	s4 =	rddreg [dreg:$0x1f]  }
0x25e: {  	[tilespmem:s3], [sflag:$0x1] =	stream.linear.gather [hbm4b:s4+s3], $0xC8, $0x38;
	[tilespmem:$0xCA00] =	vst v63  }
0x25f: {  	_ =	swait.ge [sflag:s19], $0x6400  }
0x260: {  	[sflag:s19] =	ssyncset.done $0x0  }
0x261: {  	[sflag:s19] =	ssyncadd.s32 $0xFFFF9C00  }
0x262: {  	_ =	swait.ge [sflag:s12], $0xC8  }
0x263: {  	[sflag:s12] =	ssyncset.done $0x0  }
0x264: {  	[sflag:s12] =	ssyncadd.s32 $0xFFFFFF38  }
0x265: {  	_ =	swait.ge [sflag:s7], $0x6400  }
0x266: {  	[sflag:s7] =	ssyncset.done $0x0  }
0x267: {  	s0 =	sld [smem:$0x7F9];
	[sflag:s7] =	ssyncadd.s32 $0xFFFF9C00  }
0x268: {  	[tilespmem:s6], [sflag:$0x3] =	stream.indirect.gather [hbm4b:s2+s9], $0x80, s3, s9, $0xb8;
	[tilespmem:$0xCA00] =	vst v63  }
0x269: {  	s4 =	sld [smem:$0x7FA]  }
0x26a: {  	[hbm4b:s0+s3] =	stream.linear.scatter [tilespmem:s14], [sflag:$0x6], $0x6400, $0x38;
	[tilespmem:$0xCA00] =	vst v63  }
0x26b: {  	_ = 	snop  }
0x26c: {  	[tilespmem:s17], [sflag:$0x2] =	stream.linear.gather [hbm4b:s4+s3], $0xC8, $0x38;
	[tilespmem:$0xCA00] =	vst v63  }
0x26d: {  	_ =	swait.ge [sflag:s10], $0x6400  }
0x26e: {  	[sflag:s10] =	ssyncset.done $0x0  }
0x26f: {  	[sflag:s10] =	ssyncadd.s32 $0xFFFF9C00  }
0x270: {  	_ =	swait.ge [sflag:s22], $0xC8  }
0x271: {  	[sflag:s22] =	ssyncset.done $0x0  }
0x272: {  	[sflag:s22] =	ssyncadd.s32 $0xFFFFFF38  }
0x273: {  	_ =	swait.ge [sflag:s11], $0x6400  }
0x274: {  	[sflag:s11] =	ssyncset.done $0x0  }
0x275: {  	s0 =	sld [smem:$0x7FB];
	[sflag:s11] =	ssyncadd.s32 $0xFFFF9C00  }
0x276: {  	[tilespmem:s14], [sflag:$0x4] =	stream.indirect.gather [hbm4b:s2+s9], $0x80, s17, s9, $0xb8;
	[tilespmem:$0xCA00] =	vst v63  }
0x277: {  	s4 =	sld [smem:$0x7FC]  }
0x278: {  	[hbm4b:s0+s3] =	stream.linear.scatter [tilespmem:s6], [sflag:$0x5], $0x6400, $0x38;
	[tilespmem:$0xCA00] =	vst v63  }
0x279: {  	_ = 	snop  }
0x27a: {  	[tilespmem:s3], [sflag:$0x1] =	stream.linear.gather [hbm4b:s4+s3], $0xC8, $0x38;
	[tilespmem:$0xCA00] =	vst v63  }
0x27b: {  	s4 =	smov.u32 s5;
	s5 =	smov.u32 s8;
	s8 =	smov.u32 s13  }
0x27c: {  	s13 =	smov.u32 s15;
	s15 =	smov.u32 s16;
	s16 =	smov.u32 s18  }
0x27d: {  	s18 =	smov.u32 s20;
	s20 =	smov.u32 s21;
	s21 =	smov.u32 s23  }
0x27e: {  	s23 =	smov.u32 s24;
	s24 =	smov.u32 s25;
	s25 =	smov.u32 s26  }
0x27f: {  	s26 =	smov.u32 s28;
	s28 =	smov.u32 s29;
	s29 =	smov.u32 s30  }
0x280: {  	s30 =	smov.u32 s31;
	s31 =	sld [smem:$0x7F8];
	_ =	swait.ge [sflag:s19], $0x6400  }
0x281: {  	[sflag:s19] =	ssyncset.done $0x0  }
0x282: {  	[sflag:s19] =	ssyncadd.s32 $0xFFFF9C00  }
0x283: {  	_ =	swait.ge [sflag:s12], $0xC8  }
0x284: {  	[sflag:s12] =	ssyncset.done $0x0  }
0x285: {  	[sflag:s12] =	ssyncadd.s32 $0xFFFFFF38  }
0x286: {  	_ =	swait.ge [sflag:s7], $0x6400  }
0x287: {  	[sflag:s7] =	ssyncset.done $0x0  }
0x288: {  	s0 =	sld [smem:$0x7FD];
	[sflag:s7] =	ssyncadd.s32 $0xFFFF9C00  }
0x289: {  	[tilespmem:s6], [sflag:$0x3] =	stream.indirect.gather [hbm4b:s2+s9], $0x80, s3, s9, $0xb8;
	[tilespmem:$0xCA00] =	vst v63  }
0x28a: {  	_ = 	snop  }
0x28b: {  	[hbm4b:s0+s3] =	stream.linear.scatter [tilespmem:s14], [sflag:$0x6], $0x6400, $0x38;
	[tilespmem:$0xCA00] =	vst v63  }
0x28c: {  	_ = 	snop  }
0x28d: {  	[tilespmem:s17], [sflag:$0x2] =	stream.linear.gather [hbm4b:s31+s3], $0xC8, $0x38;
	[tilespmem:$0xCA00] =	vst v63  }
0x28e: {  	_ =	swait.ge [sflag:s10], $0x6400  }
0x28f: {  	[sflag:s10] =	ssyncset.done $0x0  }
0x290: {  	[sflag:s10] =	ssyncadd.s32 $0xFFFF9C00  }
0x291: {  	_ =	swait.ge [sflag:s22], $0xC8  }
0x292: {  	[sflag:s22] =	ssyncset.done $0x0  }
0x293: {  	[sflag:s22] =	ssyncadd.s32 $0xFFFFFF38  }
0x294: {  	_ =	swait.ge [sflag:s11], $0x6400  }
0x295: {  	[sflag:s11] =	ssyncset.done $0x0  }
0x296: {  	[sflag:s11] =	ssyncadd.s32 $0xFFFF9C00  }
0x297: {  	[tilespmem:s14], [sflag:$0x4] =	stream.indirect.gather [hbm4b:s2+s9], $0x80, s17, s9, $0xb8;
	[tilespmem:$0xCA00] =	vst v63  }
0x298: {  	_ = 	snop  }
0x299: {  	[hbm4b:s29+s3] =	stream.linear.scatter [tilespmem:s6], [sflag:$0x5], $0x6400, $0x38;
	[tilespmem:$0xCA00] =	vst v63  }
0x29a: {  	_ = 	snop  }
0x29b: {  	[tilespmem:s3], [sflag:$0x1] =	stream.linear.gather [hbm4b:s30+s3], $0xC8, $0x38;
	[tilespmem:$0xCA00] =	vst v63  }
0x29c: {  	_ =	swait.ge [sflag:s19], $0x6400  }
0x29d: {  	[sflag:s19] =	ssyncset.done $0x0  }
0x29e: {  	[sflag:s19] =	ssyncadd.s32 $0xFFFF9C00  }
0x29f: {  	_ =	swait.ge [sflag:s12], $0xC8  }
0x2a0: {  	[sflag:s12] =	ssyncset.done $0x0  }
0x2a1: {  	[sflag:s12] =	ssyncadd.s32 $0xFFFFFF38  }
0x2a2: {  	_ =	swait.ge [sflag:s7], $0x6400  }
0x2a3: {  	[sflag:s7] =	ssyncset.done $0x0  }
0x2a4: {  	[sflag:s7] =	ssyncadd.s32 $0xFFFF9C00  }
0x2a5: {  	[tilespmem:s6], [sflag:$0x3] =	stream.indirect.gather [hbm4b:s2+s9], $0x80, s3, s9, $0xb8;
	[tilespmem:$0xCA00] =	vst v63  }
0x2a6: {  	_ = 	snop  }
0x2a7: {  	[hbm4b:s26+s3] =	stream.linear.scatter [tilespmem:s14], [sflag:$0x6], $0x6400, $0x38;
	[tilespmem:$0xCA00] =	vst v63  }
0x2a8: {  	_ = 	snop  }
0x2a9: {  	[tilespmem:s17], [sflag:$0x2] =	stream.linear.gather [hbm4b:s28+s3], $0xC8, $0x38;
	[tilespmem:$0xCA00] =	vst v63  }
0x2aa: {  	_ =	swait.ge [sflag:s10], $0x6400  }
0x2ab: {  	[sflag:s10] =	ssyncset.done $0x0  }
0x2ac: {  	[sflag:s10] =	ssyncadd.s32 $0xFFFF9C00  }
0x2ad: {  	_ =	swait.ge [sflag:s22], $0xC8  }
0x2ae: {  	[sflag:s22] =	ssyncset.done $0x0  }
0x2af: {  	[sflag:s22] =	ssyncadd.s32 $0xFFFFFF38  }
0x2b0: {  	_ =	swait.ge [sflag:s11], $0x6400  }
0x2b1: {  	[sflag:s11] =	ssyncset.done $0x0  }
0x2b2: {  	[sflag:s11] =	ssyncadd.s32 $0xFFFF9C00  }
0x2b3: {  	[tilespmem:s14], [sflag:$0x4] =	stream.indirect.gather [hbm4b:s2+s9], $0x80, s17, s9, $0xb8;
	[tilespmem:$0xCA00] =	vst v63  }
0x2b4: {  	_ = 	snop  }
0x2b5: {  	[hbm4b:s24+s3] =	stream.linear.scatter [tilespmem:s6], [sflag:$0x5], $0x6400, $0x38;
	[tilespmem:$0xCA00] =	vst v63  }
0x2b6: {  	_ = 	snop  }
0x2b7: {  	[tilespmem:s3], [sflag:$0x1] =	stream.linear.gather [hbm4b:s25+s3], $0xC8, $0x38;
	[tilespmem:$0xCA00] =	vst v63  }
0x2b8: {  	_ =	swait.ge [sflag:s19], $0x6400  }
0x2b9: {  	[sflag:s19] =	ssyncset.done $0x0  }
0x2ba: {  	[sflag:s19] =	ssyncadd.s32 $0xFFFF9C00  }
0x2bb: {  	_ =	swait.ge [sflag:s12], $0xC8  }
0x2bc: {  	[sflag:s12] =	ssyncset.done $0x0  }
0x2bd: {  	[sflag:s12] =	ssyncadd.s32 $0xFFFFFF38  }
0x2be: {  	_ =	swait.ge [sflag:s7], $0x6400  }
0x2bf: {  	[sflag:s7] =	ssyncset.done $0x0  }
0x2c0: {  	[sflag:s7] =	ssyncadd.s32 $0xFFFF9C00  }
0x2c1: {  	[tilespmem:s6], [sflag:$0x3] =	stream.indirect.gather [hbm4b:s2+s9], $0x80, s3, s9, $0xb8;
	[tilespmem:$0xCA00] =	vst v63  }
0x2c2: {  	_ = 	snop  }
0x2c3: {  	[hbm4b:s21+s3] =	stream.linear.scatter [tilespmem:s14], [sflag:$0x6], $0x6400, $0x38;
	[tilespmem:$0xCA00] =	vst v63  }
0x2c4: {  	_ = 	snop  }
0x2c5: {  	[tilespmem:s17], [sflag:$0x2] =	stream.linear.gather [hbm4b:s23+s3], $0xC8, $0x38;
	[tilespmem:$0xCA00] =	vst v63  }
0x2c6: {  	_ =	swait.ge [sflag:s10], $0x6400  }
0x2c7: {  	[sflag:s10] =	ssyncset.done $0x0  }
0x2c8: {  	[sflag:s10] =	ssyncadd.s32 $0xFFFF9C00  }
0x2c9: {  	_ =	swait.ge [sflag:s22], $0xC8  }
0x2ca: {  	[sflag:s22] =	ssyncset.done $0x0  }
0x2cb: {  	[sflag:s22] =	ssyncadd.s32 $0xFFFFFF38  }
0x2cc: {  	_ =	swait.ge [sflag:s11], $0x6400  }
0x2cd: {  	[sflag:s11] =	ssyncset.done $0x0  }
0x2ce: {  	[sflag:s11] =	ssyncadd.s32 $0xFFFF9C00  }
0x2cf: {  	[tilespmem:s14], [sflag:$0x4] =	stream.indirect.gather [hbm4b:s2+s9], $0x80, s17, s9, $0xb8;
	[tilespmem:$0xCA00] =	vst v63  }
0x2d0: {  	_ = 	snop  }
0x2d1: {  	[hbm4b:s18+s3] =	stream.linear.scatter [tilespmem:s6], [sflag:$0x5], $0x6400, $0x38;
	[tilespmem:$0xCA00] =	vst v63  }
0x2d2: {  	_ = 	snop  }
0x2d3: {  	[tilespmem:s3], [sflag:$0x1] =	stream.linear.gather [hbm4b:s20+s3], $0xC8, $0x38;
	[tilespmem:$0xCA00] =	vst v63  }
0x2d4: {  	_ =	swait.ge [sflag:s19], $0x6400  }
0x2d5: {  	[sflag:s19] =	ssyncset.done $0x0  }
0x2d6: {  	[sflag:s19] =	ssyncadd.s32 $0xFFFF9C00  }
0x2d7: {  	_ =	swait.ge [sflag:s12], $0xC8  }
0x2d8: {  	[sflag:s12] =	ssyncset.done $0x0  }
0x2d9: {  	[sflag:s12] =	ssyncadd.s32 $0xFFFFFF38  }
0x2da: {  	_ =	swait.ge [sflag:s7], $0x6400  }
0x2db: {  	[sflag:s7] =	ssyncset.done $0x0  }
0x2dc: {  	[sflag:s7] =	ssyncadd.s32 $0xFFFF9C00  }
0x2dd: {  	[tilespmem:s6], [sflag:$0x3] =	stream.indirect.gather [hbm4b:s2+s9], $0x80, s3, s9, $0xb8;
	[tilespmem:$0xCA00] =	vst v63  }
0x2de: {  	_ = 	snop  }
0x2df: {  	[hbm4b:s15+s3] =	stream.linear.scatter [tilespmem:s14], [sflag:$0x6], $0x6400, $0x38;
	[tilespmem:$0xCA00] =	vst v63  }
0x2e0: {  	_ = 	snop  }
0x2e1: {  	[tilespmem:s17], [sflag:$0x2] =	stream.linear.gather [hbm4b:s16+s3], $0xC8, $0x38;
	[tilespmem:$0xCA00] =	vst v63  }
0x2e2: {  	_ =	swait.ge [sflag:s10], $0x6400  }
0x2e3: {  	[sflag:s10] =	ssyncset.done $0x0  }
0x2e4: {  	[sflag:s10] =	ssyncadd.s32 $0xFFFF9C00  }
0x2e5: {  	_ =	swait.ge [sflag:s22], $0xC8  }
0x2e6: {  	[sflag:s22] =	ssyncset.done $0x0  }
0x2e7: {  	[sflag:s22] =	ssyncadd.s32 $0xFFFFFF38  }
0x2e8: {  	_ =	swait.ge [sflag:s11], $0x6400  }
0x2e9: {  	[sflag:s11] =	ssyncset.done $0x0  }
0x2ea: {  	[sflag:s11] =	ssyncadd.s32 $0xFFFF9C00  }
0x2eb: {  	[tilespmem:s14], [sflag:$0x4] =	stream.indirect.gather [hbm4b:s2+s9], $0x80, s17, s9, $0xb8;
	[tilespmem:$0xCA00] =	vst v63  }
0x2ec: {  	_ = 	snop  }
0x2ed: {  	[hbm4b:s8+s3] =	stream.linear.scatter [tilespmem:s6], [sflag:$0x5], $0x6400, $0x38;
	[tilespmem:$0xCA00] =	vst v63  }
0x2ee: {  	_ = 	snop  }
0x2ef: {  	[tilespmem:s3], [sflag:$0x1] =	stream.linear.gather [hbm4b:s13+s3], $0xC8, $0x38;
	[tilespmem:$0xCA00] =	vst v63  }
0x2f0: {  	_ =	swait.ge [sflag:s19], $0x6400  }
0x2f1: {  	[sflag:s19] =	ssyncset.done $0x0  }
0x2f2: {  	[sflag:s19] =	ssyncadd.s32 $0xFFFF9C00  }
0x2f3: {  	_ =	swait.ge [sflag:s12], $0xC8  }
0x2f4: {  	[sflag:s12] =	ssyncset.done $0x0  }
0x2f5: {  	[sflag:s12] =	ssyncadd.s32 $0xFFFFFF38  }
0x2f6: {  	_ =	swait.ge [sflag:s7], $0x6400  }
0x2f7: {  	[sflag:s7] =	ssyncset.done $0x0  }
0x2f8: {  	[sflag:s7] =	ssyncadd.s32 $0xFFFF9C00  }
0x2f9: {  	[tilespmem:s6], [sflag:$0x3] =	stream.indirect.gather [hbm4b:s2+s9], $0x80, s3, s9, $0xb8;
	[tilespmem:$0xCA00] =	vst v63  }
0x2fa: {  	_ = 	snop  }
0x2fb: {  	[hbm4b:s5+s3] =	stream.linear.scatter [tilespmem:s14], [sflag:$0x6], $0x6400, $0x38;
	[tilespmem:$0xCA00] =	vst v63  }
0x2fc: {  	_ =	swait.ge [sflag:s10], $0x6400  }
0x2fd: {  	[sflag:s10] =	ssyncset.done $0x0  }
0x2fe: {  	p1 =	sne.s32 s1, $0x1;
	[sflag:s10] =	ssyncadd.s32 $0xFFFF9C00  }
0x2ff: {  	[hbm4b:s4+s3] =	stream.linear.scatter [tilespmem:s6], [sflag:$0x5], $0x6400, $0x38;
	[tilespmem:$0xCA00] =	vst v63  }
.Ltmp2:
0x300: {  	_ =	swait.ge [sflag:s11], $0x6400;
	(pc) =	sbr.rel @p1 .LBB2_2-.Ltmp2, $4  }
0x301: {  	[sflag:s11] =	ssyncset.done $0x0  }
0x302: {  	[sflag:s11] =	ssyncadd.s32 $0xFFFF9C00  }
0x303: {  	_ =	swait.ge [sflag:s7], $0x6400  }
0x304: {  	s1 =	sadd.s32 $0xFFFFFFFF, s1;
	s0 =	rddreg [dreg:$0x4];
	[sflag:s7] =	ssyncset.done $0x0  }
.LBB2_3:
0x305: {  	[sflag:s7] =	ssyncadd.s32 @p0 $0xFFFF9C00  }
0x306: {  	[tilespmem:s3], [sflag:$0x1] =	stream.linear.gather [hbm4b:s0+s3], $0xC8, $0x38;
	[tilespmem:$0xCA00] =	vst v63  }
0x307: {  	s1 =	rddreg [dreg:$0x5]  }
0x308: {  	[tilespmem:s17], [sflag:$0x2] =	stream.linear.gather [hbm4b:s1+s3], $0xC8, $0x38;
	[tilespmem:$0xCA00] =	vst v63  }
0x309: {  	_ =	swait.ge [sflag:s12], $0xC8  }
0x30a: {  	[sflag:s12] =	ssyncset.done $0x0  }
0x30b: {  	[sflag:s12] =	ssyncadd.s32 $0xFFFFFF38  }
0x30c: {  	[tilespmem:s6], [sflag:$0x3] =	stream.indirect.gather [hbm4b:s2+s9], $0x80, s3, s9, $0xb8;
	[tilespmem:$0xCA00] =	vst v63  }
0x30d: {  	_ =	swait.ge [sflag:s10], $0x6400  }
0x30e: {  	[sflag:s10] =	ssyncset.done $0x0  }
0x30f: {  	[sflag:s10] =	ssyncadd.s32 $0xFFFF9C00  }
0x310: {  	_ =	swait.ge [sflag:s22], $0xC8  }
0x311: {  	[sflag:s22] =	ssyncset.done $0x0  }
0x312: {  	[sflag:s22] =	ssyncadd.s32 $0xFFFFFF38  }
0x313: {  	[tilespmem:s14], [sflag:$0x4] =	stream.indirect.gather [hbm4b:s2+s9], $0x80, s17, s9, $0xb8;
	[tilespmem:$0xCA00] =	vst v63  }
0x314: {  	s0 =	rddreg [dreg:$0x6]  }
0x315: {  	[hbm4b:s0+s3] =	stream.linear.scatter [tilespmem:s6], [sflag:$0x5], $0x6400, $0x38;
	[tilespmem:$0xCA00] =	vst v63  }
0x316: {  	s1 =	rddreg [dreg:$0x7]  }
0x317: {  	[tilespmem:s3], [sflag:$0x1] =	stream.linear.gather [hbm4b:s1+s3], $0xC8, $0x38;
	[tilespmem:$0xCA00] =	vst v63  }
0x318: {  	_ =	swait.ge [sflag:s19], $0x6400  }
0x319: {  	[sflag:s19] =	ssyncset.done $0x0  }
0x31a: {  	[sflag:s19] =	ssyncadd.s32 $0xFFFF9C00  }
0x31b: {  	_ =	swait.ge [sflag:s12], $0xC8  }
0x31c: {  	[sflag:s12] =	ssyncset.done $0x0  }
0x31d: {  	[sflag:s12] =	ssyncadd.s32 $0xFFFFFF38  }
0x31e: {  	_ =	swait.ge [sflag:s7], $0x6400  }
0x31f: {  	[sflag:s7] =	ssyncset.done $0x0  }
0x320: {  	[sflag:s7] =	ssyncadd.s32 $0xFFFF9C00  }
0x321: {  	[tilespmem:s6], [sflag:$0x3] =	stream.indirect.gather [hbm4b:s2+s9], $0x80, s3, s9, $0xb8;
	[tilespmem:$0xCA00] =	vst v63  }
0x322: {  	s0 =	rddreg [dreg:$0x8]  }
0x323: {  	[hbm4b:s0+s3] =	stream.linear.scatter [tilespmem:s14], [sflag:$0x6], $0x6400, $0x38;
	[tilespmem:$0xCA00] =	vst v63  }
0x324: {  	s1 =	rddreg [dreg:$0x9]  }
0x325: {  	[tilespmem:s17], [sflag:$0x2] =	stream.linear.gather [hbm4b:s1+s3], $0xC8, $0x38;
	[tilespmem:$0xCA00] =	vst v63  }
0x326: {  	_ =	swait.ge [sflag:s10], $0x6400  }
0x327: {  	[sflag:s10] =	ssyncset.done $0x0  }
0x328: {  	[sflag:s10] =	ssyncadd.s32 $0xFFFF9C00  }
0x329: {  	_ =	swait.ge [sflag:s22], $0xC8  }
0x32a: {  	[sflag:s22] =	ssyncset.done $0x0  }
0x32b: {  	[sflag:s22] =	ssyncadd.s32 $0xFFFFFF38  }
0x32c: {  	_ =	swait.ge [sflag:s11], $0x6400  }
0x32d: {  	[sflag:s11] =	ssyncset.done $0x0  }
0x32e: {  	[sflag:s11] =	ssyncadd.s32 $0xFFFF9C00  }
0x32f: {  	[tilespmem:s14], [sflag:$0x4] =	stream.indirect.gather [hbm4b:s2+s9], $0x80, s17, s9, $0xb8;
	[tilespmem:$0xCA00] =	vst v63  }
0x330: {  	s0 =	rddreg [dreg:$0xa]  }
0x331: {  	[hbm4b:s0+s3] =	stream.linear.scatter [tilespmem:s6], [sflag:$0x5], $0x6400, $0x38;
	[tilespmem:$0xCA00] =	vst v63  }
0x332: {  	s1 =	rddreg [dreg:$0xb]  }
0x333: {  	[tilespmem:s3], [sflag:$0x1] =	stream.linear.gather [hbm4b:s1+s3], $0xC8, $0x38;
	[tilespmem:$0xCA00] =	vst v63  }
0x334: {  	_ =	swait.ge [sflag:s19], $0x6400  }
0x335: {  	[sflag:s19] =	ssyncset.done $0x0  }
0x336: {  	[sflag:s19] =	ssyncadd.s32 $0xFFFF9C00  }
0x337: {  	_ =	swait.ge [sflag:s12], $0xC8  }
0x338: {  	[sflag:s12] =	ssyncset.done $0x0  }
0x339: {  	[sflag:s12] =	ssyncadd.s32 $0xFFFFFF38  }
0x33a: {  	_ =	swait.ge [sflag:s7], $0x6400  }
0x33b: {  	[sflag:s7] =	ssyncset.done $0x0  }
0x33c: {  	[sflag:s7] =	ssyncadd.s32 $0xFFFF9C00  }
0x33d: {  	[tilespmem:s6], [sflag:$0x3] =	stream.indirect.gather [hbm4b:s2+s9], $0x80, s3, s9, $0xb8;
	[tilespmem:$0xCA00] =	vst v63  }
0x33e: {  	s0 =	rddreg [dreg:$0xc]  }
0x33f: {  	[hbm4b:s0+s3] =	stream.linear.scatter [tilespmem:s14], [sflag:$0x6], $0x6400, $0x38;
	[tilespmem:$0xCA00] =	vst v63  }
0x340: {  	s1 =	rddreg [dreg:$0xd]  }
0x341: {  	[tilespmem:s17], [sflag:$0x2] =	stream.linear.gather [hbm4b:s1+s3], $0xC8, $0x38;
	[tilespmem:$0xCA00] =	vst v63  }
0x342: {  	_ =	swait.ge [sflag:s10], $0x6400  }
0x343: {  	[sflag:s10] =	ssyncset.done $0x0  }
0x344: {  	[sflag:s10] =	ssyncadd.s32 $0xFFFF9C00  }
0x345: {  	_ =	swait.ge [sflag:s22], $0xC8  }
0x346: {  	[sflag:s22] =	ssyncset.done $0x0  }
0x347: {  	[sflag:s22] =	ssyncadd.s32 $0xFFFFFF38  }
0x348: {  	_ =	swait.ge [sflag:s11], $0x6400  }
0x349: {  	[sflag:s11] =	ssyncset.done $0x0  }
0x34a: {  	[sflag:s11] =	ssyncadd.s32 $0xFFFF9C00  }
0x34b: {  	[tilespmem:s14], [sflag:$0x4] =	stream.indirect.gather [hbm4b:s2+s9], $0x80, s17, s9, $0xb8;
	[tilespmem:$0xCA00] =	vst v63  }
0x34c: {  	s0 =	rddreg [dreg:$0xe]  }
0x34d: {  	[hbm4b:s0+s3] =	stream.linear.scatter [tilespmem:s6], [sflag:$0x5], $0x6400, $0x38;
	[tilespmem:$0xCA00] =	vst v63  }
0x34e: {  	s1 =	rddreg [dreg:$0xf]  }
0x34f: {  	[tilespmem:s3], [sflag:$0x1] =	stream.linear.gather [hbm4b:s1+s3], $0xC8, $0x38;
	[tilespmem:$0xCA00] =	vst v63  }
0x350: {  	_ =	swait.ge [sflag:s19], $0x6400  }
0x351: {  	[sflag:s19] =	ssyncset.done $0x0  }
0x352: {  	[sflag:s19] =	ssyncadd.s32 $0xFFFF9C00  }
0x353: {  	_ =	swait.ge [sflag:s12], $0xC8  }
0x354: {  	[sflag:s12] =	ssyncset.done $0x0  }
0x355: {  	[sflag:s12] =	ssyncadd.s32 $0xFFFFFF38  }
0x356: {  	_ =	swait.ge [sflag:s7], $0x6400  }
0x357: {  	[sflag:s7] =	ssyncset.done $0x0  }
0x358: {  	[sflag:s7] =	ssyncadd.s32 $0xFFFF9C00  }
0x359: {  	[tilespmem:s6], [sflag:$0x3] =	stream.indirect.gather [hbm4b:s2+s9], $0x80, s3, s9, $0xb8;
	[tilespmem:$0xCA00] =	vst v63  }
0x35a: {  	s0 =	rddreg [dreg:$0x10]  }
0x35b: {  	[hbm4b:s0+s3] =	stream.linear.scatter [tilespmem:s14], [sflag:$0x6], $0x6400, $0x38;
	[tilespmem:$0xCA00] =	vst v63  }
0x35c: {  	s1 =	rddreg [dreg:$0x11]  }
0x35d: {  	[tilespmem:s17], [sflag:$0x2] =	stream.linear.gather [hbm4b:s1+s3], $0xC8, $0x38;
	[tilespmem:$0xCA00] =	vst v63  }
0x35e: {  	_ =	swait.ge [sflag:s10], $0x6400  }
0x35f: {  	[sflag:s10] =	ssyncset.done $0x0  }
0x360: {  	[sflag:s10] =	ssyncadd.s32 $0xFFFF9C00  }
0x361: {  	_ =	swait.ge [sflag:s22], $0xC8  }
0x362: {  	[sflag:s22] =	ssyncset.done $0x0  }
0x363: {  	[sflag:s22] =	ssyncadd.s32 $0xFFFFFF38  }
0x364: {  	_ =	swait.ge [sflag:s11], $0x6400  }
0x365: {  	[sflag:s11] =	ssyncset.done $0x0  }
0x366: {  	[sflag:s11] =	ssyncadd.s32 $0xFFFF9C00  }
0x367: {  	[tilespmem:s14], [sflag:$0x4] =	stream.indirect.gather [hbm4b:s2+s9], $0x80, s17, s9, $0xb8;
	[tilespmem:$0xCA00] =	vst v63  }
0x368: {  	s0 =	rddreg [dreg:$0x12]  }
0x369: {  	[hbm4b:s0+s3] =	stream.linear.scatter [tilespmem:s6], [sflag:$0x5], $0x6400, $0x38;
	[tilespmem:$0xCA00] =	vst v63  }
0x36a: {  	s1 =	rddreg [dreg:$0x13]  }
0x36b: {  	[tilespmem:s3], [sflag:$0x1] =	stream.linear.gather [hbm4b:s1+s3], $0xC8, $0x38;
	[tilespmem:$0xCA00] =	vst v63  }
0x36c: {  	_ =	swait.ge [sflag:s19], $0x6400  }
0x36d: {  	[sflag:s19] =	ssyncset.done $0x0  }
0x36e: {  	[sflag:s19] =	ssyncadd.s32 $0xFFFF9C00  }
0x36f: {  	_ =	swait.ge [sflag:s12], $0xC8  }
0x370: {  	[sflag:s12] =	ssyncset.done $0x0  }
0x371: {  	[sflag:s12] =	ssyncadd.s32 $0xFFFFFF38  }
0x372: {  	_ =	swait.ge [sflag:s7], $0x6400  }
0x373: {  	[sflag:s7] =	ssyncset.done $0x0  }
0x374: {  	[sflag:s7] =	ssyncadd.s32 $0xFFFF9C00  }
0x375: {  	[tilespmem:s6], [sflag:$0x3] =	stream.indirect.gather [hbm4b:s2+s9], $0x80, s3, s9, $0xb8;
	[tilespmem:$0xCA00] =	vst v63  }
0x376: {  	s0 =	rddreg [dreg:$0x14]  }
0x377: {  	[hbm4b:s0+s3] =	stream.linear.scatter [tilespmem:s14], [sflag:$0x6], $0x6400, $0x38;
	[tilespmem:$0xCA00] =	vst v63  }
0x378: {  	s1 =	rddreg [dreg:$0x15]  }
0x379: {  	[tilespmem:s17], [sflag:$0x2] =	stream.linear.gather [hbm4b:s1+s3], $0xC8, $0x38;
	[tilespmem:$0xCA00] =	vst v63  }
0x37a: {  	_ =	swait.ge [sflag:s10], $0x6400  }
0x37b: {  	[sflag:s10] =	ssyncset.done $0x0  }
0x37c: {  	[sflag:s10] =	ssyncadd.s32 $0xFFFF9C00  }
0x37d: {  	_ =	swait.ge [sflag:s22], $0xC8  }
0x37e: {  	[sflag:s22] =	ssyncset.done $0x0  }
0x37f: {  	[sflag:s22] =	ssyncadd.s32 $0xFFFFFF38  }
0x380: {  	_ =	swait.ge [sflag:s11], $0x6400  }
0x381: {  	[sflag:s11] =	ssyncset.done $0x0  }
0x382: {  	[sflag:s11] =	ssyncadd.s32 $0xFFFF9C00  }
0x383: {  	[tilespmem:s14], [sflag:$0x4] =	stream.indirect.gather [hbm4b:s2+s9], $0x80, s17, s9, $0xb8;
	[tilespmem:$0xCA00] =	vst v63  }
0x384: {  	s0 =	rddreg [dreg:$0x16]  }
0x385: {  	[hbm4b:s0+s3] =	stream.linear.scatter [tilespmem:s6], [sflag:$0x5], $0x6400, $0x38;
	[tilespmem:$0xCA00] =	vst v63  }
0x386: {  	s1 =	rddreg [dreg:$0x17]  }
0x387: {  	[tilespmem:s3], [sflag:$0x1] =	stream.linear.gather [hbm4b:s1+s3], $0xC8, $0x38;
	[tilespmem:$0xCA00] =	vst v63  }
0x388: {  	_ =	swait.ge [sflag:s19], $0x6400  }
0x389: {  	[sflag:s19] =	ssyncset.done $0x0  }
0x38a: {  	[sflag:s19] =	ssyncadd.s32 $0xFFFF9C00  }
0x38b: {  	_ =	swait.ge [sflag:s12], $0xC8  }
0x38c: {  	[sflag:s12] =	ssyncset.done $0x0  }
0x38d: {  	[sflag:s12] =	ssyncadd.s32 $0xFFFFFF38  }
0x38e: {  	_ =	swait.ge [sflag:s7], $0x6400  }
0x38f: {  	[sflag:s7] =	ssyncset.done $0x0  }
0x390: {  	[sflag:s7] =	ssyncadd.s32 $0xFFFF9C00  }
0x391: {  	[tilespmem:s6], [sflag:$0x3] =	stream.indirect.gather [hbm4b:s2+s9], $0x80, s3, s9, $0xb8;
	[tilespmem:$0xCA00] =	vst v63  }
0x392: {  	s0 =	rddreg [dreg:$0x18]  }
0x393: {  	[hbm4b:s0+s3] =	stream.linear.scatter [tilespmem:s14], [sflag:$0x6], $0x6400, $0x38;
	[tilespmem:$0xCA00] =	vst v63  }
0x394: {  	s1 =	rddreg [dreg:$0x19]  }
0x395: {  	[tilespmem:s17], [sflag:$0x2] =	stream.linear.gather [hbm4b:s1+s3], $0xC8, $0x38;
	[tilespmem:$0xCA00] =	vst v63  }
0x396: {  	_ =	swait.ge [sflag:s10], $0x6400  }
0x397: {  	[sflag:s10] =	ssyncset.done $0x0  }
0x398: {  	[sflag:s10] =	ssyncadd.s32 $0xFFFF9C00  }
0x399: {  	_ =	swait.ge [sflag:s22], $0xC8  }
0x39a: {  	[sflag:s22] =	ssyncset.done $0x0  }
0x39b: {  	[sflag:s22] =	ssyncadd.s32 $0xFFFFFF38  }
0x39c: {  	_ =	swait.ge [sflag:s11], $0x6400  }
0x39d: {  	[sflag:s11] =	ssyncset.done $0x0  }
0x39e: {  	[sflag:s11] =	ssyncadd.s32 $0xFFFF9C00  }
0x39f: {  	[tilespmem:s14], [sflag:$0x4] =	stream.indirect.gather [hbm4b:s2+s9], $0x80, s17, s9, $0xb8;
	[tilespmem:$0xCA00] =	vst v63  }
0x3a0: {  	s0 =	rddreg [dreg:$0x1a]  }
0x3a1: {  	[hbm4b:s0+s3] =	stream.linear.scatter [tilespmem:s6], [sflag:$0x5], $0x6400, $0x38;
	[tilespmem:$0xCA00] =	vst v63  }
0x3a2: {  	s1 =	rddreg [dreg:$0x1b]  }
0x3a3: {  	[tilespmem:s3], [sflag:$0x1] =	stream.linear.gather [hbm4b:s1+s3], $0xC8, $0x38;
	[tilespmem:$0xCA00] =	vst v63  }
0x3a4: {  	_ =	swait.ge [sflag:s19], $0x6400  }
0x3a5: {  	[sflag:s19] =	ssyncset.done $0x0  }
0x3a6: {  	[sflag:s19] =	ssyncadd.s32 $0xFFFF9C00  }
0x3a7: {  	_ =	swait.ge [sflag:s12], $0xC8  }
0x3a8: {  	[sflag:s12] =	ssyncset.done $0x0  }
0x3a9: {  	[sflag:s12] =	ssyncadd.s32 $0xFFFFFF38  }
0x3aa: {  	_ =	swait.ge [sflag:s7], $0x6400  }
0x3ab: {  	[sflag:s7] =	ssyncset.done $0x0  }
0x3ac: {  	[sflag:s7] =	ssyncadd.s32 $0xFFFF9C00  }
0x3ad: {  	[tilespmem:s6], [sflag:$0x3] =	stream.indirect.gather [hbm4b:s2+s9], $0x80, s3, s9, $0xb8;
	[tilespmem:$0xCA00] =	vst v63  }
0x3ae: {  	s0 =	rddreg [dreg:$0x1c]  }
0x3af: {  	[hbm4b:s0+s3] =	stream.linear.scatter [tilespmem:s14], [sflag:$0x6], $0x6400, $0x38;
	[tilespmem:$0xCA00] =	vst v63  }
0x3b0: {  	s1 =	rddreg [dreg:$0x1d]  }
0x3b1: {  	[tilespmem:s17], [sflag:$0x2] =	stream.linear.gather [hbm4b:s1+s3], $0xC8, $0x38;
	[tilespmem:$0xCA00] =	vst v63  }
0x3b2: {  	_ =	swait.ge [sflag:s10], $0x6400  }
0x3b3: {  	[sflag:s10] =	ssyncset.done $0x0  }
0x3b4: {  	[sflag:s10] =	ssyncadd.s32 $0xFFFF9C00  }
0x3b5: {  	_ =	swait.ge [sflag:s22], $0xC8  }
0x3b6: {  	[sflag:s22] =	ssyncset.done $0x0  }
0x3b7: {  	[sflag:s22] =	ssyncadd.s32 $0xFFFFFF38  }
0x3b8: {  	_ =	swait.ge [sflag:s11], $0x6400  }
0x3b9: {  	[sflag:s11] =	ssyncset.done $0x0  }
0x3ba: {  	[sflag:s11] =	ssyncadd.s32 $0xFFFF9C00  }
0x3bb: {  	[tilespmem:s14], [sflag:$0x4] =	stream.indirect.gather [hbm4b:s2+s9], $0x80, s17, s9, $0xb8;
	[tilespmem:$0xCA00] =	vst v63  }
0x3bc: {  	s0 =	rddreg [dreg:$0x1e]  }
0x3bd: {  	[hbm4b:s0+s3] =	stream.linear.scatter [tilespmem:s6], [sflag:$0x5], $0x6400, $0x38;
	[tilespmem:$0xCA00] =	vst v63  }
0x3be: {  	s1 =	rddreg [dreg:$0x1f]  }
0x3bf: {  	[tilespmem:s3], [sflag:$0x1] =	stream.linear.gather [hbm4b:s1+s3], $0xC8, $0x38;
	[tilespmem:$0xCA00] =	vst v63  }
0x3c0: {  	_ =	swait.ge [sflag:s19], $0x6400  }
0x3c1: {  	[sflag:s19] =	ssyncset.done $0x0  }
0x3c2: {  	[sflag:s19] =	ssyncadd.s32 $0xFFFF9C00  }
0x3c3: {  	_ =	swait.ge [sflag:s12], $0xC8  }
0x3c4: {  	[sflag:s12] =	ssyncset.done $0x0  }
0x3c5: {  	[sflag:s12] =	ssyncadd.s32 $0xFFFFFF38  }
0x3c6: {  	_ =	swait.ge [sflag:s7], $0x6400  }
0x3c7: {  	[sflag:s7] =	ssyncset.done $0x0  }
0x3c8: {  	s0 =	sld [smem:$0x7F9];
	[sflag:s7] =	ssyncadd.s32 $0xFFFF9C00  }
0x3c9: {  	[tilespmem:s6], [sflag:$0x3] =	stream.indirect.gather [hbm4b:s2+s9], $0x80, s3, s9, $0xb8;
	[tilespmem:$0xCA00] =	vst v63  }
0x3ca: {  	s1 =	sld [smem:$0x7FA]  }
0x3cb: {  	[hbm4b:s0+s3] =	stream.linear.scatter [tilespmem:s14], [sflag:$0x6], $0x6400, $0x38;
	[tilespmem:$0xCA00] =	vst v63  }
0x3cc: {  	_ = 	snop  }
0x3cd: {  	[tilespmem:s17], [sflag:$0x2] =	stream.linear.gather [hbm4b:s1+s3], $0xC8, $0x38;
	[tilespmem:$0xCA00] =	vst v63  }
0x3ce: {  	_ =	swait.ge [sflag:s10], $0x6400  }
0x3cf: {  	[sflag:s10] =	ssyncset.done $0x0  }
0x3d0: {  	[sflag:s10] =	ssyncadd.s32 $0xFFFF9C00  }
0x3d1: {  	_ =	swait.ge [sflag:s22], $0xC8  }
0x3d2: {  	[sflag:s22] =	ssyncset.done $0x0  }
0x3d3: {  	[sflag:s22] =	ssyncadd.s32 $0xFFFFFF38  }
0x3d4: {  	_ =	swait.ge [sflag:s11], $0x6400  }
0x3d5: {  	[sflag:s11] =	ssyncset.done $0x0  }
0x3d6: {  	s0 =	sld [smem:$0x7FB];
	[sflag:s11] =	ssyncadd.s32 $0xFFFF9C00  }
0x3d7: {  	[tilespmem:s14], [sflag:$0x4] =	stream.indirect.gather [hbm4b:s2+s9], $0x80, s17, s9, $0xb8;
	[tilespmem:$0xCA00] =	vst v63  }
0x3d8: {  	s1 =	sld [smem:$0x7FC]  }
0x3d9: {  	[hbm4b:s0+s3] =	stream.linear.scatter [tilespmem:s6], [sflag:$0x5], $0x6400, $0x38;
	[tilespmem:$0xCA00] =	vst v63  }
0x3da: {  	_ = 	snop  }
0x3db: {  	[tilespmem:s3], [sflag:$0x1] =	stream.linear.gather [hbm4b:s1+s3], $0xC8, $0x38;
	[tilespmem:$0xCA00] =	vst v63  }
0x3dc: {  	_ =	swait.ge [sflag:s19], $0x6400  }
0x3dd: {  	[sflag:s19] =	ssyncset.done $0x0  }
0x3de: {  	[sflag:s19] =	ssyncadd.s32 $0xFFFF9C00  }
0x3df: {  	_ =	swait.ge [sflag:s12], $0xC8  }
0x3e0: {  	[sflag:s12] =	ssyncset.done $0x0  }
0x3e1: {  	[sflag:s12] =	ssyncadd.s32 $0xFFFFFF38  }
0x3e2: {  	_ =	swait.ge [sflag:s7], $0x6400  }
0x3e3: {  	[sflag:s7] =	ssyncset.done $0x0  }
0x3e4: {  	s1 =	sld [smem:$0x7FD];
	[sflag:s7] =	ssyncadd.s32 $0xFFFF9C00  }
0x3e5: {  	[tilespmem:s6], [sflag:$0x3] =	stream.indirect.gather [hbm4b:s2+s9], $0x80, s3, s9, $0xb8;
	[tilespmem:$0xCA00] =	vst v63  }
0x3e6: {  	_ = 	snop  }
0x3e7: {  	[hbm4b:s1+s3] =	stream.linear.scatter [tilespmem:s14], [sflag:$0x6], $0x6400, $0x38;
	[tilespmem:$0xCA00] =	vst v63  }
0x3e8: {  	_ = 	snop  }
0x3e9: {  	[tilespmem:s17], [sflag:$0x2] =	stream.linear.gather [hbm4b:s31+s3], $0xC8, $0x38;
	[tilespmem:$0xCA00] =	vst v63  }
0x3ea: {  	_ =	swait.ge [sflag:s10], $0x6400  }
0x3eb: {  	[sflag:s10] =	ssyncset.done $0x0  }
0x3ec: {  	[sflag:s10] =	ssyncadd.s32 $0xFFFF9C00  }
0x3ed: {  	_ =	swait.ge [sflag:s22], $0xC8  }
0x3ee: {  	[sflag:s22] =	ssyncset.done $0x0  }
0x3ef: {  	[sflag:s22] =	ssyncadd.s32 $0xFFFFFF38  }
0x3f0: {  	_ =	swait.ge [sflag:s11], $0x6400  }
0x3f1: {  	[sflag:s11] =	ssyncset.done $0x0  }
0x3f2: {  	[sflag:s11] =	ssyncadd.s32 $0xFFFF9C00  }
0x3f3: {  	[tilespmem:s14], [sflag:$0x4] =	stream.indirect.gather [hbm4b:s2+s9], $0x80, s17, s9, $0xb8;
	[tilespmem:$0xCA00] =	vst v63  }
0x3f4: {  	_ = 	snop  }
0x3f5: {  	[hbm4b:s29+s3] =	stream.linear.scatter [tilespmem:s6], [sflag:$0x5], $0x6400, $0x38;
	[tilespmem:$0xCA00] =	vst v63  }
0x3f6: {  	_ = 	snop  }
0x3f7: {  	[tilespmem:s3], [sflag:$0x1] =	stream.linear.gather [hbm4b:s30+s3], $0xC8, $0x38;
	[tilespmem:$0xCA00] =	vst v63  }
0x3f8: {  	_ =	swait.ge [sflag:s19], $0x6400  }
0x3f9: {  	[sflag:s19] =	ssyncset.done $0x0  }
0x3fa: {  	[sflag:s19] =	ssyncadd.s32 $0xFFFF9C00  }
0x3fb: {  	_ =	swait.ge [sflag:s12], $0xC8  }
0x3fc: {  	[sflag:s12] =	ssyncset.done $0x0  }
0x3fd: {  	[sflag:s12] =	ssyncadd.s32 $0xFFFFFF38  }
0x3fe: {  	_ =	swait.ge [sflag:s7], $0x6400  }
0x3ff: {  	[sflag:s7] =	ssyncset.done $0x0  }
0x400: {  	[sflag:s7] =	ssyncadd.s32 $0xFFFF9C00  }
0x401: {  	[tilespmem:s6], [sflag:$0x3] =	stream.indirect.gather [hbm4b:s2+s9], $0x80, s3, s9, $0xb8;
	[tilespmem:$0xCA00] =	vst v63  }
0x402: {  	_ = 	snop  }
0x403: {  	[hbm4b:s26+s3] =	stream.linear.scatter [tilespmem:s14], [sflag:$0x6], $0x6400, $0x38;
	[tilespmem:$0xCA00] =	vst v63  }
0x404: {  	_ = 	snop  }
0x405: {  	[tilespmem:s17], [sflag:$0x2] =	stream.linear.gather [hbm4b:s28+s3], $0xC8, $0x38;
	[tilespmem:$0xCA00] =	vst v63  }
0x406: {  	_ =	swait.ge [sflag:s10], $0x6400  }
0x407: {  	[sflag:s10] =	ssyncset.done $0x0  }
0x408: {  	[sflag:s10] =	ssyncadd.s32 $0xFFFF9C00  }
0x409: {  	_ =	swait.ge [sflag:s22], $0xC8  }
0x40a: {  	[sflag:s22] =	ssyncset.done $0x0  }
0x40b: {  	[sflag:s22] =	ssyncadd.s32 $0xFFFFFF38  }
0x40c: {  	_ =	swait.ge [sflag:s11], $0x6400  }
0x40d: {  	[sflag:s11] =	ssyncset.done $0x0  }
0x40e: {  	[sflag:s11] =	ssyncadd.s32 $0xFFFF9C00  }
0x40f: {  	[tilespmem:s14], [sflag:$0x4] =	stream.indirect.gather [hbm4b:s2+s9], $0x80, s17, s9, $0xb8;
	[tilespmem:$0xCA00] =	vst v63  }
0x410: {  	_ = 	snop  }
0x411: {  	[hbm4b:s24+s3] =	stream.linear.scatter [tilespmem:s6], [sflag:$0x5], $0x6400, $0x38;
	[tilespmem:$0xCA00] =	vst v63  }
0x412: {  	_ = 	snop  }
0x413: {  	[tilespmem:s3], [sflag:$0x1] =	stream.linear.gather [hbm4b:s25+s3], $0xC8, $0x38;
	[tilespmem:$0xCA00] =	vst v63  }
0x414: {  	_ =	swait.ge [sflag:s19], $0x6400  }
0x415: {  	[sflag:s19] =	ssyncset.done $0x0  }
0x416: {  	[sflag:s19] =	ssyncadd.s32 $0xFFFF9C00  }
0x417: {  	_ =	swait.ge [sflag:s12], $0xC8  }
0x418: {  	[sflag:s12] =	ssyncset.done $0x0  }
0x419: {  	[sflag:s12] =	ssyncadd.s32 $0xFFFFFF38  }
0x41a: {  	_ =	swait.ge [sflag:s7], $0x6400  }
0x41b: {  	[sflag:s7] =	ssyncset.done $0x0  }
0x41c: {  	[sflag:s7] =	ssyncadd.s32 $0xFFFF9C00  }
0x41d: {  	[tilespmem:s6], [sflag:$0x3] =	stream.indirect.gather [hbm4b:s2+s9], $0x80, s3, s9, $0xb8;
	[tilespmem:$0xCA00] =	vst v63  }
0x41e: {  	_ = 	snop  }
0x41f: {  	[hbm4b:s21+s3] =	stream.linear.scatter [tilespmem:s14], [sflag:$0x6], $0x6400, $0x38;
	[tilespmem:$0xCA00] =	vst v63  }
0x420: {  	_ = 	snop  }
0x421: {  	[tilespmem:s17], [sflag:$0x2] =	stream.linear.gather [hbm4b:s23+s3], $0xC8, $0x38;
	[tilespmem:$0xCA00] =	vst v63  }
0x422: {  	_ =	swait.ge [sflag:s10], $0x6400  }
0x423: {  	[sflag:s10] =	ssyncset.done $0x0  }
0x424: {  	[sflag:s10] =	ssyncadd.s32 $0xFFFF9C00  }
0x425: {  	_ =	swait.ge [sflag:s22], $0xC8  }
0x426: {  	[sflag:s22] =	ssyncset.done $0x0  }
0x427: {  	[sflag:s22] =	ssyncadd.s32 $0xFFFFFF38  }
0x428: {  	_ =	swait.ge [sflag:s11], $0x6400  }
0x429: {  	[sflag:s11] =	ssyncset.done $0x0  }
0x42a: {  	[sflag:s11] =	ssyncadd.s32 $0xFFFF9C00  }
0x42b: {  	[tilespmem:s14], [sflag:$0x4] =	stream.indirect.gather [hbm4b:s2+s9], $0x80, s17, s9, $0xb8;
	[tilespmem:$0xCA00] =	vst v63  }
0x42c: {  	_ = 	snop  }
0x42d: {  	[hbm4b:s18+s3] =	stream.linear.scatter [tilespmem:s6], [sflag:$0x5], $0x6400, $0x38;
	[tilespmem:$0xCA00] =	vst v63  }
0x42e: {  	_ = 	snop  }
0x42f: {  	[tilespmem:s3], [sflag:$0x1] =	stream.linear.gather [hbm4b:s20+s3], $0xC8, $0x38;
	[tilespmem:$0xCA00] =	vst v63  }
0x430: {  	_ =	swait.ge [sflag:s19], $0x6400  }
0x431: {  	[sflag:s19] =	ssyncset.done $0x0  }
0x432: {  	[sflag:s19] =	ssyncadd.s32 $0xFFFF9C00  }
0x433: {  	_ =	swait.ge [sflag:s12], $0xC8  }
0x434: {  	[sflag:s12] =	ssyncset.done $0x0  }
0x435: {  	[sflag:s12] =	ssyncadd.s32 $0xFFFFFF38  }
0x436: {  	_ =	swait.ge [sflag:s7], $0x6400  }
0x437: {  	[sflag:s7] =	ssyncset.done $0x0  }
0x438: {  	[sflag:s7] =	ssyncadd.s32 $0xFFFF9C00  }
0x439: {  	[tilespmem:s6], [sflag:$0x3] =	stream.indirect.gather [hbm4b:s2+s9], $0x80, s3, s9, $0xb8;
	[tilespmem:$0xCA00] =	vst v63  }
0x43a: {  	_ = 	snop  }
0x43b: {  	[hbm4b:s15+s3] =	stream.linear.scatter [tilespmem:s14], [sflag:$0x6], $0x6400, $0x38;
	[tilespmem:$0xCA00] =	vst v63  }
0x43c: {  	_ = 	snop  }
0x43d: {  	[tilespmem:s17], [sflag:$0x2] =	stream.linear.gather [hbm4b:s16+s3], $0xC8, $0x38;
	[tilespmem:$0xCA00] =	vst v63  }
0x43e: {  	_ =	swait.ge [sflag:s10], $0x6400  }
0x43f: {  	[sflag:s10] =	ssyncset.done $0x0  }
0x440: {  	[sflag:s10] =	ssyncadd.s32 $0xFFFF9C00  }
0x441: {  	_ =	swait.ge [sflag:s22], $0xC8  }
0x442: {  	[sflag:s22] =	ssyncset.done $0x0  }
0x443: {  	[sflag:s22] =	ssyncadd.s32 $0xFFFFFF38  }
0x444: {  	_ =	swait.ge [sflag:s11], $0x6400  }
0x445: {  	[sflag:s11] =	ssyncset.done $0x0  }
0x446: {  	[sflag:s11] =	ssyncadd.s32 $0xFFFF9C00  }
0x447: {  	[tilespmem:s14], [sflag:$0x4] =	stream.indirect.gather [hbm4b:s2+s9], $0x80, s17, s9, $0xb8;
	[tilespmem:$0xCA00] =	vst v63  }
0x448: {  	_ = 	snop  }
0x449: {  	[hbm4b:s8+s3] =	stream.linear.scatter [tilespmem:s6], [sflag:$0x5], $0x6400, $0x38;
	[tilespmem:$0xCA00] =	vst v63  }
0x44a: {  	_ = 	snop  }
0x44b: {  	[tilespmem:s3], [sflag:$0x1] =	stream.linear.gather [hbm4b:s13+s3], $0xC8, $0x38;
	[tilespmem:$0xCA00] =	vst v63  }
0x44c: {  	_ =	swait.ge [sflag:s19], $0x6400  }
0x44d: {  	[sflag:s19] =	ssyncset.done $0x0  }
0x44e: {  	[sflag:s19] =	ssyncadd.s32 $0xFFFF9C00  }
0x44f: {  	_ =	swait.ge [sflag:s12], $0xC8  }
0x450: {  	[sflag:s12] =	ssyncset.done $0x0  }
0x451: {  	[sflag:s12] =	ssyncadd.s32 $0xFFFFFF38  }
0x452: {  	_ =	swait.ge [sflag:s7], $0x6400  }
0x453: {  	[sflag:s7] =	ssyncset.done $0x0  }
0x454: {  	[sflag:s7] =	ssyncadd.s32 $0xFFFF9C00  }
0x455: {  	[tilespmem:s6], [sflag:$0x3] =	stream.indirect.gather [hbm4b:s2+s9], $0x80, s3, s9, $0xb8;
	[tilespmem:$0xCA00] =	vst v63  }
0x456: {  	_ = 	snop  }
0x457: {  	[hbm4b:s5+s3] =	stream.linear.scatter [tilespmem:s14], [sflag:$0x6], $0x6400, $0x38;
	[tilespmem:$0xCA00] =	vst v63  }
0x458: {  	_ =	swait.ge [sflag:s10], $0x6400  }
0x459: {  	[sflag:s10] =	ssyncset.done $0x0  }
0x45a: {  	[sflag:s10] =	ssyncadd.s32 $0xFFFF9C00  }
0x45b: {  	[hbm4b:s4+s3] =	stream.linear.scatter [tilespmem:s6], [sflag:$0x5], $0x6400, $0x38;
	[tilespmem:$0xCA00] =	vst v63  }
0x45c: {  	_ =	swait.ge [sflag:s11], $0x6400  }
0x45d: {  	[sflag:s11] =	ssyncset.done $0x0  }
0x45e: {  	[sflag:s11] =	ssyncadd.s32 $0xFFFF9C00  }
0x45f: {  	_ =	swait.ge [sflag:s7], $0x6400  }
0x460: {  	[sflag:s7] =	ssyncset.done $0x0  }
0x461: {  	[sflag:s7] =	ssyncadd.s32 $0xFFFF9C00  }
0x462: {  	_ =	sfence.sel $0x180000  }
0x463: {  	[bflag:$0x0] =	sbarrier.arrive $0xFFFF  }
0x464: {  	_ =	strace $0x90000047  }
0x465: {  	s31 =	stileid.u32;
	[bflag:$0x2] =	sbarrier.arrive $0xFFFF  }
0x466: {  	p0 =	sne.s32 s31, $0x0;
	s0 =	rddreg [dreg:$0x3]  }
0x467: {  	s0 =	sadd.s32 @!p0 $0x100000, s0  }
0x468: {  	[sflag:s0] =	ssyncadd.tile.s32 @!p0 $0x1;
	_ =	shalt  }
.Lfunc_end2:
_tile_overlayer_lowered:
.L_overlay_start_2:
0x469: {  	(tag) =	ssettag $0x2  }
0x46a: {  	s0 =	rddreg [dreg:$0x0];
	s2 =	stileid.u32  }
0x46b: {  	s1 =	rddreg [dreg:$0x1];
	p0 =	sne.s32 s2, $0x0  }
0x46c: {  	s3 =	rddreg [dreg:$0x2];
	[bflag:$0x3] =	sbarrier.arrive $0xFFFF;
	s2 =	simm.s32 @!p0 $0x1C07  }
0x46d: {  	[timem:s3], [sflag:s2] =	dma.local @!p0 [hbm:s0], s1  }
0x46e: {  	s0 =	simm.s32 @!p0 $0x7  }
0x46f: {  	_ =	swait.ge @!p0 [sflag:s0], s1  }
0x470: {  	s1 =	ssub.s32 @!p0 $0x0, s1;
	[sflag:s0] =	ssyncset.done @!p0 $0x0  }
0x471: {  	[sflag:s0] =	ssyncadd.s32 @!p0 s1  }
0x472: {  	[bflag:$0x3] =	sbarrier.arrive $0xFFFF  }
0x473: {  	_ =	shalt  }

</sc_bundles>
